<compile_context>
chip_gen: v7x
topology: tpu7x:2x2x1
jax: 0.10.2.dev20260603
libtpu: 0.0.44.dev20260713+nightly
codegen_flags: <defaults>
</compile_context>

<pallas_src>
import jax
import jax.numpy as jnp
from jax import lax
from jax.experimental import pallas as pl
from jax.experimental.pallas import tpu as pltpu
from jax.experimental.pallas import tpu_sc as plsc

B, N, HW, D = 32, 1000, 16384, 64
NC, NS = 2, 16
NW = NC * NS
NPAD = 1024
NCH = 32

GB = 16


def _gather_body(table, ind, out, idx_v, buf_a, buf_b, stage, sem_a, sem_b):
    wid = lax.axis_index("s") * NC + lax.axis_index("c")

    for nb in range(8):
        pltpu.sync_copy(ind.at[wid, nb], idx_v.at[pl.ds(nb * 128, 128)])

    bufs = (buf_a, buf_b)
    sems = (sem_a, sem_b)

    def start(c):
        db, rr = c // 4, c % 4
        pltpu.make_async_copy(
            table.at[wid, db, :, pl.ds(rr * 2, 2), :],
            bufs[c % 2], sems[c % 2]).start()

    start(0)
    for c in range(NCH):
        if c + 1 < NCH:
            start(c + 1)
        db, rr = c // 4, c % 4
        pltpu.make_async_copy(
            table.at[wid, db, :, pl.ds(rr * 2, 2), :],
            bufs[c % 2], sems[c % 2]).wait()
        rb = bufs[c % 2]

        def grp(g, _, rb=rb):
            h = idx_v[pl.ds(g * 16, 16)]
            hb = jnp.right_shift(h, 7)
            hl = jnp.bitwise_and(h, 127)
            nb = g // 8
            lo = (g % 8) * 16
            for r in range(2):
                val = plsc.load_gather(
                    rb, [hb, jnp.full((16,), r, jnp.int32), hl])
                stage[nb, r, pl.ds(lo, 16)] = val
            return 0

        lax.fori_loop(0, 64, grp, 0)
        pltpu.sync_copy(stage, out.at[wid, db, :, pl.ds(rr * 2, 2), :])


def _loss_body(pred_ref, targ_ref, mask_ref, out_ref):
    @pl.when(pl.program_id(0) == 0)
    def _init():
        out_ref[...] = jnp.zeros_like(out_ref)

    p = pred_ref[:, :, :N]
    t = targ_ref[...]
    m = jnp.broadcast_to(mask_ref[...], (GB, D, N))
    pos = t == 1.0
    arg = jnp.where(pos, p, 1.0 - p)
    w = jnp.where(pos, jnp.float32(1.5), jnp.float32(1.0))
    v = w * jnp.log(arg) * m
    lane0 = lax.broadcasted_iota(jnp.int32, (1, 128), 1) == 0
    out_ref[0:1, :] += jnp.where(lane0, jnp.sum(v), 0.0)
    out_ref[1:2, :] += jnp.where(lane0, jnp.sum(m), 0.0)


@jax.jit
def _mask_loss(table5, ind5, mask3, targ_t):
    mesh = plsc.VectorSubcoreMesh(core_axis_name="c", subcore_axis_name="s")
    pred5 = pl.kernel(
        _gather_body,
        out_type=jax.ShapeDtypeStruct((B, 8, 8, 8, 128), jnp.float32),
        mesh=mesh,
        compiler_params=pltpu.CompilerParams(
            needs_layout_passes=False, use_tc_tiling_on_sc=True),
        scratch_types=[
            pltpu.VMEM((NPAD,), jnp.int32),
            pltpu.VMEM((128, 2, 128), jnp.float32),
            pltpu.VMEM((128, 2, 128), jnp.float32),
            pltpu.VMEM((8, 2, 128), jnp.float32),
            pltpu.SemaphoreType.DMA,
            pltpu.SemaphoreType.DMA,
        ],
    )(table5, ind5)

    pred3 = pred5.transpose(0, 1, 3, 2, 4).reshape(B, D, NPAD)

    parts = pl.pallas_call(
        _loss_body,
        grid=(B // GB,),
        in_specs=[
            pl.BlockSpec((GB, D, NPAD), lambda i: (i, 0, 0)),
            pl.BlockSpec((GB, D, N), lambda i: (i, 0, 0)),
            pl.BlockSpec((GB, 1, N), lambda i: (i, 0, 0)),
        ],
        out_specs=pl.BlockSpec((2, 128), lambda i: (0, 0)),
        out_shape=jax.ShapeDtypeStruct((2, 128), jnp.float32),
    )(pred3, targ_t, mask3)

    loss = 0.0 - jnp.sum(parts[0, :])
    num = jnp.sum(parts[1, :])
    return jnp.where(num > 0, loss / num, loss)


def kernel(output, mask, ind, target):
    table5 = output.reshape(B, 128, 128, 8, 8).transpose(0, 3, 1, 4, 2)
    ind5 = jnp.pad(ind.astype(jnp.int32), ((0, 0), (0, NPAD - N))
                   ).reshape(B, 8, 128)
    targ_t = target.transpose(0, 2, 3, 1).reshape(B, D, N)
    mask3 = mask.astype(jnp.float32).reshape(B, 1, N)
    return _mask_loss(table5, ind5, mask3, targ_t)

# --- scband reference (transcript-rebuilt; emitter-appended) ---
"""Pipeline reference for scband-mask-loss-28896539967876 (READ-ONLY COPY).

The authoritative reference and input builder live on the scoring server;
editing this copy changes nothing except your own understanding.
"""

import jax, jax.numpy as jnp
import numpy as np

B, N, WINDOW, HW = 32, 1000, 8, 16384

def setup_inputs(seed: int = 0):
    key = jax.random.key(seed)
    k1, k2, k3, k4 = jax.random.split(key, 4)
    output = jax.random.uniform(k1, (B, HW, WINDOW * WINDOW), dtype=jnp.float32)
    mask = jnp.ones((B, N), dtype=jnp.float32)
    ind = jax.random.randint(k3, (B, N), 0, HW, dtype=jnp.int32)
    target = jax.random.randint(k4, (B, N, WINDOW, WINDOW), 0, 2, dtype=jnp.int32).astype(jnp.float32)
    return {"output": output, "mask": mask, "ind": ind, "target": target}

def reference(output, mask, ind, target):
    Bs, Ns = target.shape[0], target.shape[1]
    window = target.shape[-1]
    out = output.reshape(Bs, -1, window * window)
    # _gather_feat: feat.gather(1, ind expanded over channel dim)
    pred = jnp.take_along_axis(out, ind[:, :, None].astype(jnp.int32), axis=1)
    pred = pred.reshape(Bs, Ns, window, window)
    mask_e = jnp.broadcast_to(mask[:, :, None, None], pred.shape).astype(jnp.float32)
    pos_ind = (target == 1).astype(jnp.float32)
    neg_ind = 1.0 - pos_ind
    pos_loss = jnp.sum(jnp.log(pred) * mask_e * pos_ind)
    neg_loss = jnp.sum(jnp.log(1.0 - pred) * mask_e * neg_ind)
    num_sample = jnp.sum(mask_e)
    loss = 0.0 - (1.5 * pos_loss + neg_loss)
    loss = jnp.where(num_sample > 0, loss / num_sample, loss)
    return loss

if __name__ == "__main__":
    import jax
    _d = setup_inputs()
    print(jax.jit(kernel)(*tuple(_d.values())))

</pallas_src>

<mosaic_0001>
#map = affine_map<(d0, d1) -> (0, 0, 0, 0, 0)>
#map1 = affine_map<(d0, d1) -> (0, 0, 0)>
module attributes {stable_mosaic.version = 14 : i64} {
  func.func @_gather_body(%arg0: i32, %arg1: i32, %arg2: memref<32x8x128x8x128xf32, #tpu.memory_space<hbm>>, %arg3: memref<32x8x128xi32, #tpu.memory_space<hbm>>, %arg4: memref<32x8x8x8x128xf32, #tpu.memory_space<hbm>>, %arg5: memref<1024xi32, #tpu.memory_space<vmem>>, %arg6: memref<128x2x128xf32, #tpu.memory_space<vmem>>, %arg7: memref<128x2x128xf32, #tpu.memory_space<vmem>>, %arg8: memref<8x2x128xf32, #tpu.memory_space<vmem>>, %arg9: memref<!tpu.dma_semaphore, #tpu.memory_space<semaphore_mem>>, %arg10: memref<!tpu.dma_semaphore, #tpu.memory_space<semaphore_mem>>) attributes {dimension_semantics = [#tpu.dimension_semantics<core_parallel>, #tpu.dimension_semantics<subcore_parallel>], iteration_bounds = array<i64: 2, 16>, scalar_prefetch = 0 : i64, scratch_operands = 6 : i64, tpu.core_type = #tpu.core_type<sc_vector_subcore>, window_params = [{transform_indices = #map}, {transform_indices = #map1}, {transform_indices = #map}]} {
    %mul3A = arith.constant 2 : i32
    %mul3A_0 = arith.muli %arg1, %mul3A : i32
    %add3A = arith.addi %mul3A_0, %arg0 : i32
    %run_scoped3A = arith.constant 0 : i32
    "tpu.region"() ({
      %run_scoped3A_965 = tpu.sem_alloc : memref<!tpu.dma_semaphore, #tpu.memory_space<semaphore_mem>>
      %dma_start3A_966 = arith.constant 0 : i32
      %dma_start3A_967 = tpu.memref_slice %arg5[%dma_start3A_966] : memref<1024xi32, #tpu.memory_space<vmem>> -> memref<128xi32, #tpu.memory_space<vmem>>
      %dma_start3A_968 = arith.constant 0 : i32
      %dma_start3A_969 = tpu.memref_slice %arg3[%add3A, %run_scoped3A, %dma_start3A_968] : memref<32x8x128xi32, #tpu.memory_space<hbm>> -> memref<1x1x128xi32, #tpu.memory_space<hbm>>
      %dma_start3A_970 = tpu.memref_squeeze %dma_start3A_969 : memref<1x1x128xi32, #tpu.memory_space<hbm>> -> memref<128xi32, #tpu.memory_space<hbm>>
      %dma_start3A_971 = arith.constant 0 : i32
      %dma_start3A_972 = tpu.memref_slice %arg5[%dma_start3A_971] : memref<1024xi32, #tpu.memory_space<vmem>> -> memref<128xi32, #tpu.memory_space<vmem>>
      %dma_start3A_973 = arith.constant 0 : i32
      %dma_start3A_974 = tpu.memref_slice %arg3[%add3A, %run_scoped3A, %dma_start3A_973] : memref<32x8x128xi32, #tpu.memory_space<hbm>> -> memref<1x1x128xi32, #tpu.memory_space<hbm>>
      %dma_start3A_975 = tpu.memref_squeeze %dma_start3A_974 : memref<1x1x128xi32, #tpu.memory_space<hbm>> -> memref<128xi32, #tpu.memory_space<hbm>>
      tpu.enqueue_dma source(%dma_start3A_975 : memref<128xi32, #tpu.memory_space<hbm>>) target(%dma_start3A_972 : memref<128xi32, #tpu.memory_space<vmem>>) target_semaphore(%run_scoped3A_965 : memref<!tpu.dma_semaphore, #tpu.memory_space<semaphore_mem>>)
      %dma_wait3A_976 = arith.constant 0 : i32
      %dma_wait3A_977 = tpu.memref_slice %arg5[%dma_wait3A_976] : memref<1024xi32, #tpu.memory_space<vmem>> -> memref<128xi32, #tpu.memory_space<vmem>>
      %dma_wait3A_978 = arith.constant 0 : i32
      %dma_wait3A_979 = tpu.memref_slice %arg3[%add3A, %run_scoped3A, %dma_wait3A_978] : memref<32x8x128xi32, #tpu.memory_space<hbm>> -> memref<1x1x128xi32, #tpu.memory_space<hbm>>
      %dma_wait3A_980 = tpu.memref_squeeze %dma_wait3A_979 : memref<1x1x128xi32, #tpu.memory_space<hbm>> -> memref<128xi32, #tpu.memory_space<hbm>>
      %dma_wait3A_981 = arith.constant 0 : i32
      %dma_wait3A_982 = tpu.memref_slice %arg5[%dma_wait3A_981] : memref<1024xi32, #tpu.memory_space<vmem>> -> memref<128xi32, #tpu.memory_space<vmem>>
      %dma_wait3A_983 = arith.constant 0 : i32
      %dma_wait3A_984 = tpu.memref_slice %arg3[%add3A, %run_scoped3A, %dma_wait3A_983] : memref<32x8x128xi32, #tpu.memory_space<hbm>> -> memref<1x1x128xi32, #tpu.memory_space<hbm>>
      %dma_wait3A_985 = tpu.memref_squeeze %dma_wait3A_984 : memref<1x1x128xi32, #tpu.memory_space<hbm>> -> memref<128xi32, #tpu.memory_space<hbm>>
      tpu.wait_dma2 semaphore(%run_scoped3A_965 : memref<!tpu.dma_semaphore, #tpu.memory_space<semaphore_mem>>) src(%dma_wait3A_985 : memref<128xi32, #tpu.memory_space<hbm>>) dst(%dma_wait3A_982 : memref<128xi32, #tpu.memory_space<vmem>>)
      tpu.yield
    }) : () -> ()
    %run_scoped3A_1 = arith.constant 1 : i32
    "tpu.region"() ({
      %run_scoped3A_965 = tpu.sem_alloc : memref<!tpu.dma_semaphore, #tpu.memory_space<semaphore_mem>>
      %dma_start3A_966 = arith.constant 128 : i32
      %dma_start3A_967 = tpu.memref_slice %arg5[%dma_start3A_966] : memref<1024xi32, #tpu.memory_space<vmem>> -> memref<128xi32, #tpu.memory_space<vmem>>
      %dma_start3A_968 = arith.constant 0 : i32
      %dma_start3A_969 = tpu.memref_slice %arg3[%add3A, %run_scoped3A_1, %dma_start3A_968] : memref<32x8x128xi32, #tpu.memory_space<hbm>> -> memref<1x1x128xi32, #tpu.memory_space<hbm>>
      %dma_start3A_970 = tpu.memref_squeeze %dma_start3A_969 : memref<1x1x128xi32, #tpu.memory_space<hbm>> -> memref<128xi32, #tpu.memory_space<hbm>>
      %dma_start3A_971 = arith.constant 128 : i32
      %dma_start3A_972 = tpu.memref_slice %arg5[%dma_start3A_971] : memref<1024xi32, #tpu.memory_space<vmem>> -> memref<128xi32, #tpu.memory_space<vmem>>
      %dma_start3A_973 = arith.constant 0 : i32
      %dma_start3A_974 = tpu.memref_slice %arg3[%add3A, %run_scoped3A_1, %dma_start3A_973] : memref<32x8x128xi32, #tpu.memory_space<hbm>> -> memref<1x1x128xi32, #tpu.memory_space<hbm>>
      %dma_start3A_975 = tpu.memref_squeeze %dma_start3A_974 : memref<1x1x128xi32, #tpu.memory_space<hbm>> -> memref<128xi32, #tpu.memory_space<hbm>>
      tpu.enqueue_dma source(%dma_start3A_975 : memref<128xi32, #tpu.memory_space<hbm>>) target(%dma_start3A_972 : memref<128xi32, #tpu.memory_space<vmem>>) target_semaphore(%run_scoped3A_965 : memref<!tpu.dma_semaphore, #tpu.memory_space<semaphore_mem>>)
      %dma_wait3A_976 = arith.constant 128 : i32
      %dma_wait3A_977 = tpu.memref_slice %arg5[%dma_wait3A_976] : memref<1024xi32, #tpu.memory_space<vmem>> -> memref<128xi32, #tpu.memory_space<vmem>>
      %dma_wait3A_978 = arith.constant 0 : i32
      %dma_wait3A_979 = tpu.memref_slice %arg3[%add3A, %run_scoped3A_1, %dma_wait3A_978] : memref<32x8x128xi32, #tpu.memory_space<hbm>> -> memref<1x1x128xi32, #tpu.memory_space<hbm>>
      %dma_wait3A_980 = tpu.memref_squeeze %dma_wait3A_979 : memref<1x1x128xi32, #tpu.memory_space<hbm>> -> memref<128xi32, #tpu.memory_space<hbm>>
      %dma_wait3A_981 = arith.constant 128 : i32
      %dma_wait3A_982 = tpu.memref_slice %arg5[%dma_wait3A_981] : memref<1024xi32, #tpu.memory_space<vmem>> -> memref<128xi32, #tpu.memory_space<vmem>>
      %dma_wait3A_983 = arith.constant 0 : i32
      %dma_wait3A_984 = tpu.memref_slice %arg3[%add3A, %run_scoped3A_1, %dma_wait3A_983] : memref<32x8x128xi32, #tpu.memory_space<hbm>> -> memref<1x1x128xi32, #tpu.memory_space<hbm>>
      %dma_wait3A_985 = tpu.memref_squeeze %dma_wait3A_984 : memref<1x1x128xi32, #tpu.memory_space<hbm>> -> memref<128xi32, #tpu.memory_space<hbm>>
      tpu.wait_dma2 semaphore(%run_scoped3A_965 : memref<!tpu.dma_semaphore, #tpu.memory_space<semaphore_mem>>) src(%dma_wait3A_985 : memref<128xi32, #tpu.memory_space<hbm>>) dst(%dma_wait3A_982 : memref<128xi32, #tpu.memory_space<vmem>>)
      tpu.yield
    }) : () -> ()
    %run_scoped3A_2 = arith.constant 2 : i32
    "tpu.region"() ({
      %run_scoped3A_965 = tpu.sem_alloc : memref<!tpu.dma_semaphore, #tpu.memory_space<semaphore_mem>>
      %dma_start3A_966 = arith.constant 256 : i32
      %dma_start3A_967 = tpu.memref_slice %arg5[%dma_start3A_966] : memref<1024xi32, #tpu.memory_space<vmem>> -> memref<128xi32, #tpu.memory_space<vmem>>
      %dma_start3A_968 = arith.constant 0 : i32
      %dma_start3A_969 = tpu.memref_slice %arg3[%add3A, %run_scoped3A_2, %dma_start3A_968] : memref<32x8x128xi32, #tpu.memory_space<hbm>> -> memref<1x1x128xi32, #tpu.memory_space<hbm>>
      %dma_start3A_970 = tpu.memref_squeeze %dma_start3A_969 : memref<1x1x128xi32, #tpu.memory_space<hbm>> -> memref<128xi32, #tpu.memory_space<hbm>>
      %dma_start3A_971 = arith.constant 256 : i32
      %dma_start3A_972 = tpu.memref_slice %arg5[%dma_start3A_971] : memref<1024xi32, #tpu.memory_space<vmem>> -> memref<128xi32, #tpu.memory_space<vmem>>
      %dma_start3A_973 = arith.constant 0 : i32
      %dma_start3A_974 = tpu.memref_slice %arg3[%add3A, %run_scoped3A_2, %dma_start3A_973] : memref<32x8x128xi32, #tpu.memory_space<hbm>> -> memref<1x1x128xi32, #tpu.memory_space<hbm>>
      %dma_start3A_975 = tpu.memref_squeeze %dma_start3A_974 : memref<1x1x128xi32, #tpu.memory_space<hbm>> -> memref<128xi32, #tpu.memory_space<hbm>>
      tpu.enqueue_dma source(%dma_start3A_975 : memref<128xi32, #tpu.memory_space<hbm>>) target(%dma_start3A_972 : memref<128xi32, #tpu.memory_space<vmem>>) target_semaphore(%run_scoped3A_965 : memref<!tpu.dma_semaphore, #tpu.memory_space<semaphore_mem>>)
      %dma_wait3A_976 = arith.constant 256 : i32
      %dma_wait3A_977 = tpu.memref_slice %arg5[%dma_wait3A_976] : memref<1024xi32, #tpu.memory_space<vmem>> -> memref<128xi32, #tpu.memory_space<vmem>>
      %dma_wait3A_978 = arith.constant 0 : i32
      %dma_wait3A_979 = tpu.memref_slice %arg3[%add3A, %run_scoped3A_2, %dma_wait3A_978] : memref<32x8x128xi32, #tpu.memory_space<hbm>> -> memref<1x1x128xi32, #tpu.memory_space<hbm>>
      %dma_wait3A_980 = tpu.memref_squeeze %dma_wait3A_979 : memref<1x1x128xi32, #tpu.memory_space<hbm>> -> memref<128xi32, #tpu.memory_space<hbm>>
      %dma_wait3A_981 = arith.constant 256 : i32
      %dma_wait3A_982 = tpu.memref_slice %arg5[%dma_wait3A_981] : memref<1024xi32, #tpu.memory_space<vmem>> -> memref<128xi32, #tpu.memory_space<vmem>>
      %dma_wait3A_983 = arith.constant 0 : i32
      %dma_wait3A_984 = tpu.memref_slice %arg3[%add3A, %run_scoped3A_2, %dma_wait3A_983] : memref<32x8x128xi32, #tpu.memory_space<hbm>> -> memref<1x1x128xi32, #tpu.memory_space<hbm>>
      %dma_wait3A_985 = tpu.memref_squeeze %dma_wait3A_984 : memref<1x1x128xi32, #tpu.memory_space<hbm>> -> memref<128xi32, #tpu.memory_space<hbm>>
      tpu.wait_dma2 semaphore(%run_scoped3A_965 : memref<!tpu.dma_semaphore, #tpu.memory_space<semaphore_mem>>) src(%dma_wait3A_985 : memref<128xi32, #tpu.memory_space<hbm>>) dst(%dma_wait3A_982 : memref<128xi32, #tpu.memory_space<vmem>>)
      tpu.yield
    }) : () -> ()
    %run_scoped3A_3 = arith.constant 3 : i32
    "tpu.region"() ({
      %run_scoped3A_965 = tpu.sem_alloc : memref<!tpu.dma_semaphore, #tpu.memory_space<semaphore_mem>>
      %dma_start3A_966 = arith.constant 384 : i32
      %dma_start3A_967 = tpu.memref_slice %arg5[%dma_start3A_966] : memref<1024xi32, #tpu.memory_space<vmem>> -> memref<128xi32, #tpu.memory_space<vmem>>
      %dma_start3A_968 = arith.constant 0 : i32
      %dma_start3A_969 = tpu.memref_slice %arg3[%add3A, %run_scoped3A_3, %dma_start3A_968] : memref<32x8x128xi32, #tpu.memory_space<hbm>> -> memref<1x1x128xi32, #tpu.memory_space<hbm>>
      %dma_start3A_970 = tpu.memref_squeeze %dma_start3A_969 : memref<1x1x128xi32, #tpu.memory_space<hbm>> -> memref<128xi32, #tpu.memory_space<hbm>>
      %dma_start3A_971 = arith.constant 384 : i32
      %dma_start3A_972 = tpu.memref_slice %arg5[%dma_start3A_971] : memref<1024xi32, #tpu.memory_space<vmem>> -> memref<128xi32, #tpu.memory_space<vmem>>
      %dma_start3A_973 = arith.constant 0 : i32
      %dma_start3A_974 = tpu.memref_slice %arg3[%add3A, %run_scoped3A_3, %dma_start3A_973] : memref<32x8x128xi32, #tpu.memory_space<hbm>> -> memref<1x1x128xi32, #tpu.memory_space<hbm>>
      %dma_start3A_975 = tpu.memref_squeeze %dma_start3A_974 : memref<1x1x128xi32, #tpu.memory_space<hbm>> -> memref<128xi32, #tpu.memory_space<hbm>>
      tpu.enqueue_dma source(%dma_start3A_975 : memref<128xi32, #tpu.memory_space<hbm>>) target(%dma_start3A_972 : memref<128xi32, #tpu.memory_space<vmem>>) target_semaphore(%run_scoped3A_965 : memref<!tpu.dma_semaphore, #tpu.memory_space<semaphore_mem>>)
      %dma_wait3A_976 = arith.constant 384 : i32
      %dma_wait3A_977 = tpu.memref_slice %arg5[%dma_wait3A_976] : memref<1024xi32, #tpu.memory_space<vmem>> -> memref<128xi32, #tpu.memory_space<vmem>>
      %dma_wait3A_978 = arith.constant 0 : i32
      %dma_wait3A_979 = tpu.memref_slice %arg3[%add3A, %run_scoped3A_3, %dma_wait3A_978] : memref<32x8x128xi32, #tpu.memory_space<hbm>> -> memref<1x1x128xi32, #tpu.memory_space<hbm>>
      %dma_wait3A_980 = tpu.memref_squeeze %dma_wait3A_979 : memref<1x1x128xi32, #tpu.memory_space<hbm>> -> memref<128xi32, #tpu.memory_space<hbm>>
      %dma_wait3A_981 = arith.constant 384 : i32
      %dma_wait3A_982 = tpu.memref_slice %arg5[%dma_wait3A_981] : memref<1024xi32, #tpu.memory_space<vmem>> -> memref<128xi32, #tpu.memory_space<vmem>>
      %dma_wait3A_983 = arith.constant 0 : i32
      %dma_wait3A_984 = tpu.memref_slice %arg3[%add3A, %run_scoped3A_3, %dma_wait3A_983] : memref<32x8x128xi32, #tpu.memory_space<hbm>> -> memref<1x1x128xi32, #tpu.memory_space<hbm>>
      %dma_wait3A_985 = tpu.memref_squeeze %dma_wait3A_984 : memref<1x1x128xi32, #tpu.memory_space<hbm>> -> memref<128xi32, #tpu.memory_space<hbm>>
      tpu.wait_dma2 semaphore(%run_scoped3A_965 : memref<!tpu.dma_semaphore, #tpu.memory_space<semaphore_mem>>) src(%dma_wait3A_985 : memref<128xi32, #tpu.memory_space<hbm>>) dst(%dma_wait3A_982 : memref<128xi32, #tpu.memory_space<vmem>>)
      tpu.yield
    }) : () -> ()
    %run_scoped3A_4 = arith.constant 4 : i32
    "tpu.region"() ({
      %run_scoped3A_965 = tpu.sem_alloc : memref<!tpu.dma_semaphore, #tpu.memory_space<semaphore_mem>>
      %dma_start3A_966 = arith.constant 512 : i32
      %dma_start3A_967 = tpu.memref_slice %arg5[%dma_start3A_966] : memref<1024xi32, #tpu.memory_space<vmem>> -> memref<128xi32, #tpu.memory_space<vmem>>
      %dma_start3A_968 = arith.constant 0 : i32
      %dma_start3A_969 = tpu.memref_slice %arg3[%add3A, %run_scoped3A_4, %dma_start3A_968] : memref<32x8x128xi32, #tpu.memory_space<hbm>> -> memref<1x1x128xi32, #tpu.memory_space<hbm>>
      %dma_start3A_970 = tpu.memref_squeeze %dma_start3A_969 : memref<1x1x128xi32, #tpu.memory_space<hbm>> -> memref<128xi32, #tpu.memory_space<hbm>>
      %dma_start3A_971 = arith.constant 512 : i32
      %dma_start3A_972 = tpu.memref_slice %arg5[%dma_start3A_971] : memref<1024xi32, #tpu.memory_space<vmem>> -> memref<128xi32, #tpu.memory_space<vmem>>
      %dma_start3A_973 = arith.constant 0 : i32
      %dma_start3A_974 = tpu.memref_slice %arg3[%add3A, %run_scoped3A_4, %dma_start3A_973] : memref<32x8x128xi32, #tpu.memory_space<hbm>> -> memref<1x1x128xi32, #tpu.memory_space<hbm>>
      %dma_start3A_975 = tpu.memref_squeeze %dma_start3A_974 : memref<1x1x128xi32, #tpu.memory_space<hbm>> -> memref<128xi32, #tpu.memory_space<hbm>>
      tpu.enqueue_dma source(%dma_start3A_975 : memref<128xi32, #tpu.memory_space<hbm>>) target(%dma_start3A_972 : memref<128xi32, #tpu.memory_space<vmem>>) target_semaphore(%run_scoped3A_965 : memref<!tpu.dma_semaphore, #tpu.memory_space<semaphore_mem>>)
      %dma_wait3A_976 = arith.constant 512 : i32
      %dma_wait3A_977 = tpu.memref_slice %arg5[%dma_wait3A_976] : memref<1024xi32, #tpu.memory_space<vmem>> -> memref<128xi32, #tpu.memory_space<vmem>>
      %dma_wait3A_978 = arith.constant 0 : i32
      %dma_wait3A_979 = tpu.memref_slice %arg3[%add3A, %run_scoped3A_4, %dma_wait3A_978] : memref<32x8x128xi32, #tpu.memory_space<hbm>> -> memref<1x1x128xi32, #tpu.memory_space<hbm>>
      %dma_wait3A_980 = tpu.memref_squeeze %dma_wait3A_979 : memref<1x1x128xi32, #tpu.memory_space<hbm>> -> memref<128xi32, #tpu.memory_space<hbm>>
      %dma_wait3A_981 = arith.constant 512 : i32
      %dma_wait3A_982 = tpu.memref_slice %arg5[%dma_wait3A_981] : memref<1024xi32, #tpu.memory_space<vmem>> -> memref<128xi32, #tpu.memory_space<vmem>>
      %dma_wait3A_983 = arith.constant 0 : i32
      %dma_wait3A_984 = tpu.memref_slice %arg3[%add3A, %run_scoped3A_4, %dma_wait3A_983] : memref<32x8x128xi32, #tpu.memory_space<hbm>> -> memref<1x1x128xi32, #tpu.memory_space<hbm>>
      %dma_wait3A_985 = tpu.memref_squeeze %dma_wait3A_984 : memref<1x1x128xi32, #tpu.memory_space<hbm>> -> memref<128xi32, #tpu.memory_space<hbm>>
      tpu.wait_dma2 semaphore(%run_scoped3A_965 : memref<!tpu.dma_semaphore, #tpu.memory_space<semaphore_mem>>) src(%dma_wait3A_985 : memref<128xi32, #tpu.memory_space<hbm>>) dst(%dma_wait3A_982 : memref<128xi32, #tpu.memory_space<vmem>>)
      tpu.yield
    }) : () -> ()
    %run_scoped3A_5 = arith.constant 5 : i32
    "tpu.region"() ({
      %run_scoped3A_965 = tpu.sem_alloc : memref<!tpu.dma_semaphore, #tpu.memory_space<semaphore_mem>>
      %dma_start3A_966 = arith.constant 640 : i32
      %dma_start3A_967 = tpu.memref_slice %arg5[%dma_start3A_966] : memref<1024xi32, #tpu.memory_space<vmem>> -> memref<128xi32, #tpu.memory_space<vmem>>
      %dma_start3A_968 = arith.constant 0 : i32
      %dma_start3A_969 = tpu.memref_slice %arg3[%add3A, %run_scoped3A_5, %dma_start3A_968] : memref<32x8x128xi32, #tpu.memory_space<hbm>> -> memref<1x1x128xi32, #tpu.memory_space<hbm>>
      %dma_start3A_970 = tpu.memref_squeeze %dma_start3A_969 : memref<1x1x128xi32, #tpu.memory_space<hbm>> -> memref<128xi32, #tpu.memory_space<hbm>>
      %dma_start3A_971 = arith.constant 640 : i32
      %dma_start3A_972 = tpu.memref_slice %arg5[%dma_start3A_971] : memref<1024xi32, #tpu.memory_space<vmem>> -> memref<128xi32, #tpu.memory_space<vmem>>
      %dma_start3A_973 = arith.constant 0 : i32
      %dma_start3A_974 = tpu.memref_slice %arg3[%add3A, %run_scoped3A_5, %dma_start3A_973] : memref<32x8x128xi32, #tpu.memory_space<hbm>> -> memref<1x1x128xi32, #tpu.memory_space<hbm>>
      %dma_start3A_975 = tpu.memref_squeeze %dma_start3A_974 : memref<1x1x128xi32, #tpu.memory_space<hbm>> -> memref<128xi32, #tpu.memory_space<hbm>>
      tpu.enqueue_dma source(%dma_start3A_975 : memref<128xi32, #tpu.memory_space<hbm>>) target(%dma_start3A_972 : memref<128xi32, #tpu.memory_space<vmem>>) target_semaphore(%run_scoped3A_965 : memref<!tpu.dma_semaphore, #tpu.memory_space<semaphore_mem>>)
      %dma_wait3A_976 = arith.constant 640 : i32
      %dma_wait3A_977 = tpu.memref_slice %arg5[%dma_wait3A_976] : memref<1024xi32, #tpu.memory_space<vmem>> -> memref<128xi32, #tpu.memory_space<vmem>>
      %dma_wait3A_978 = arith.constant 0 : i32
      %dma_wait3A_979 = tpu.memref_slice %arg3[%add3A, %run_scoped3A_5, %dma_wait3A_978] : memref<32x8x128xi32, #tpu.memory_space<hbm>> -> memref<1x1x128xi32, #tpu.memory_space<hbm>>
      %dma_wait3A_980 = tpu.memref_squeeze %dma_wait3A_979 : memref<1x1x128xi32, #tpu.memory_space<hbm>> -> memref<128xi32, #tpu.memory_space<hbm>>
      %dma_wait3A_981 = arith.constant 640 : i32
      %dma_wait3A_982 = tpu.memref_slice %arg5[%dma_wait3A_981] : memref<1024xi32, #tpu.memory_space<vmem>> -> memref<128xi32, #tpu.memory_space<vmem>>
      %dma_wait3A_983 = arith.constant 0 : i32
      %dma_wait3A_984 = tpu.memref_slice %arg3[%add3A, %run_scoped3A_5, %dma_wait3A_983] : memref<32x8x128xi32, #tpu.memory_space<hbm>> -> memref<1x1x128xi32, #tpu.memory_space<hbm>>
      %dma_wait3A_985 = tpu.memref_squeeze %dma_wait3A_984 : memref<1x1x128xi32, #tpu.memory_space<hbm>> -> memref<128xi32, #tpu.memory_space<hbm>>
      tpu.wait_dma2 semaphore(%run_scoped3A_965 : memref<!tpu.dma_semaphore, #tpu.memory_space<semaphore_mem>>) src(%dma_wait3A_985 : memref<128xi32, #tpu.memory_space<hbm>>) dst(%dma_wait3A_982 : memref<128xi32, #tpu.memory_space<vmem>>)
      tpu.yield
    }) : () -> ()
    %run_scoped3A_6 = arith.constant 6 : i32
    "tpu.region"() ({
      %run_scoped3A_965 = tpu.sem_alloc : memref<!tpu.dma_semaphore, #tpu.memory_space<semaphore_mem>>
      %dma_start3A_966 = arith.constant 768 : i32
      %dma_start3A_967 = tpu.memref_slice %arg5[%dma_start3A_966] : memref<1024xi32, #tpu.memory_space<vmem>> -> memref<128xi32, #tpu.memory_space<vmem>>
      %dma_start3A_968 = arith.constant 0 : i32
      %dma_start3A_969 = tpu.memref_slice %arg3[%add3A, %run_scoped3A_6, %dma_start3A_968] : memref<32x8x128xi32, #tpu.memory_space<hbm>> -> memref<1x1x128xi32, #tpu.memory_space<hbm>>
      %dma_start3A_970 = tpu.memref_squeeze %dma_start3A_969 : memref<1x1x128xi32, #tpu.memory_space<hbm>> -> memref<128xi32, #tpu.memory_space<hbm>>
      %dma_start3A_971 = arith.constant 768 : i32
      %dma_start3A_972 = tpu.memref_slice %arg5[%dma_start3A_971] : memref<1024xi32, #tpu.memory_space<vmem>> -> memref<128xi32, #tpu.memory_space<vmem>>
      %dma_start3A_973 = arith.constant 0 : i32
      %dma_start3A_974 = tpu.memref_slice %arg3[%add3A, %run_scoped3A_6, %dma_start3A_973] : memref<32x8x128xi32, #tpu.memory_space<hbm>> -> memref<1x1x128xi32, #tpu.memory_space<hbm>>
      %dma_start3A_975 = tpu.memref_squeeze %dma_start3A_974 : memref<1x1x128xi32, #tpu.memory_space<hbm>> -> memref<128xi32, #tpu.memory_space<hbm>>
      tpu.enqueue_dma source(%dma_start3A_975 : memref<128xi32, #tpu.memory_space<hbm>>) target(%dma_start3A_972 : memref<128xi32, #tpu.memory_space<vmem>>) target_semaphore(%run_scoped3A_965 : memref<!tpu.dma_semaphore, #tpu.memory_space<semaphore_mem>>)
      %dma_wait3A_976 = arith.constant 768 : i32
      %dma_wait3A_977 = tpu.memref_slice %arg5[%dma_wait3A_976] : memref<1024xi32, #tpu.memory_space<vmem>> -> memref<128xi32, #tpu.memory_space<vmem>>
      %dma_wait3A_978 = arith.constant 0 : i32
      %dma_wait3A_979 = tpu.memref_slice %arg3[%add3A, %run_scoped3A_6, %dma_wait3A_978] : memref<32x8x128xi32, #tpu.memory_space<hbm>> -> memref<1x1x128xi32, #tpu.memory_space<hbm>>
      %dma_wait3A_980 = tpu.memref_squeeze %dma_wait3A_979 : memref<1x1x128xi32, #tpu.memory_space<hbm>> -> memref<128xi32, #tpu.memory_space<hbm>>
      %dma_wait3A_981 = arith.constant 768 : i32
      %dma_wait3A_982 = tpu.memref_slice %arg5[%dma_wait3A_981] : memref<1024xi32, #tpu.memory_space<vmem>> -> memref<128xi32, #tpu.memory_space<vmem>>
      %dma_wait3A_983 = arith.constant 0 : i32
      %dma_wait3A_984 = tpu.memref_slice %arg3[%add3A, %run_scoped3A_6, %dma_wait3A_983] : memref<32x8x128xi32, #tpu.memory_space<hbm>> -> memref<1x1x128xi32, #tpu.memory_space<hbm>>
      %dma_wait3A_985 = tpu.memref_squeeze %dma_wait3A_984 : memref<1x1x128xi32, #tpu.memory_space<hbm>> -> memref<128xi32, #tpu.memory_space<hbm>>
      tpu.wait_dma2 semaphore(%run_scoped3A_965 : memref<!tpu.dma_semaphore, #tpu.memory_space<semaphore_mem>>) src(%dma_wait3A_985 : memref<128xi32, #tpu.memory_space<hbm>>) dst(%dma_wait3A_982 : memref<128xi32, #tpu.memory_space<vmem>>)
      tpu.yield
    }) : () -> ()
    %run_scoped3A_7 = arith.constant 7 : i32
    "tpu.region"() ({
      %run_scoped3A_965 = tpu.sem_alloc : memref<!tpu.dma_semaphore, #tpu.memory_space<semaphore_mem>>
      %dma_start3A_966 = arith.constant 896 : i32
      %dma_start3A_967 = tpu.memref_slice %arg5[%dma_start3A_966] : memref<1024xi32, #tpu.memory_space<vmem>> -> memref<128xi32, #tpu.memory_space<vmem>>
      %dma_start3A_968 = arith.constant 0 : i32
      %dma_start3A_969 = tpu.memref_slice %arg3[%add3A, %run_scoped3A_7, %dma_start3A_968] : memref<32x8x128xi32, #tpu.memory_space<hbm>> -> memref<1x1x128xi32, #tpu.memory_space<hbm>>
      %dma_start3A_970 = tpu.memref_squeeze %dma_start3A_969 : memref<1x1x128xi32, #tpu.memory_space<hbm>> -> memref<128xi32, #tpu.memory_space<hbm>>
      %dma_start3A_971 = arith.constant 896 : i32
      %dma_start3A_972 = tpu.memref_slice %arg5[%dma_start3A_971] : memref<1024xi32, #tpu.memory_space<vmem>> -> memref<128xi32, #tpu.memory_space<vmem>>
      %dma_start3A_973 = arith.constant 0 : i32
      %dma_start3A_974 = tpu.memref_slice %arg3[%add3A, %run_scoped3A_7, %dma_start3A_973] : memref<32x8x128xi32, #tpu.memory_space<hbm>> -> memref<1x1x128xi32, #tpu.memory_space<hbm>>
      %dma_start3A_975 = tpu.memref_squeeze %dma_start3A_974 : memref<1x1x128xi32, #tpu.memory_space<hbm>> -> memref<128xi32, #tpu.memory_space<hbm>>
      tpu.enqueue_dma source(%dma_start3A_975 : memref<128xi32, #tpu.memory_space<hbm>>) target(%dma_start3A_972 : memref<128xi32, #tpu.memory_space<vmem>>) target_semaphore(%run_scoped3A_965 : memref<!tpu.dma_semaphore, #tpu.memory_space<semaphore_mem>>)
      %dma_wait3A_976 = arith.constant 896 : i32
      %dma_wait3A_977 = tpu.memref_slice %arg5[%dma_wait3A_976] : memref<1024xi32, #tpu.memory_space<vmem>> -> memref<128xi32, #tpu.memory_space<vmem>>
      %dma_wait3A_978 = arith.constant 0 : i32
      %dma_wait3A_979 = tpu.memref_slice %arg3[%add3A, %run_scoped3A_7, %dma_wait3A_978] : memref<32x8x128xi32, #tpu.memory_space<hbm>> -> memref<1x1x128xi32, #tpu.memory_space<hbm>>
      %dma_wait3A_980 = tpu.memref_squeeze %dma_wait3A_979 : memref<1x1x128xi32, #tpu.memory_space<hbm>> -> memref<128xi32, #tpu.memory_space<hbm>>
      %dma_wait3A_981 = arith.constant 896 : i32
      %dma_wait3A_982 = tpu.memref_slice %arg5[%dma_wait3A_981] : memref<1024xi32, #tpu.memory_space<vmem>> -> memref<128xi32, #tpu.memory_space<vmem>>
      %dma_wait3A_983 = arith.constant 0 : i32
      %dma_wait3A_984 = tpu.memref_slice %arg3[%add3A, %run_scoped3A_7, %dma_wait3A_983] : memref<32x8x128xi32, #tpu.memory_space<hbm>> -> memref<1x1x128xi32, #tpu.memory_space<hbm>>
      %dma_wait3A_985 = tpu.memref_squeeze %dma_wait3A_984 : memref<1x1x128xi32, #tpu.memory_space<hbm>> -> memref<128xi32, #tpu.memory_space<hbm>>
      tpu.wait_dma2 semaphore(%run_scoped3A_965 : memref<!tpu.dma_semaphore, #tpu.memory_space<semaphore_mem>>) src(%dma_wait3A_985 : memref<128xi32, #tpu.memory_space<hbm>>) dst(%dma_wait3A_982 : memref<128xi32, #tpu.memory_space<vmem>>)
      tpu.yield
    }) : () -> ()
    %dma_start3A = arith.constant 0 : i32
    %dma_start3A_8 = arith.constant 0 : i32
    %dma_start3A_9 = arith.constant 0 : i32
    %dma_start3A_10 = arith.constant 0 : i32
    %dma_start3A_11 = tpu.memref_slice %arg2[%add3A, %dma_start3A, %dma_start3A_8, %dma_start3A_9, %dma_start3A_10] : memref<32x8x128x8x128xf32, #tpu.memory_space<hbm>> -> memref<1x1x128x2x128xf32, #tpu.memory_space<hbm>>
    %dma_start3A_12 = tpu.memref_squeeze %dma_start3A_11 : memref<1x1x128x2x128xf32, #tpu.memory_space<hbm>> -> memref<128x2x128xf32, #tpu.memory_space<hbm>>
    %dma_start3A_13 = arith.constant 0 : i32
    %dma_start3A_14 = arith.constant 0 : i32
    %dma_start3A_15 = arith.constant 0 : i32
    %dma_start3A_16 = tpu.memref_slice %arg2[%add3A, %dma_start3A, %dma_start3A_13, %dma_start3A_14, %dma_start3A_15] : memref<32x8x128x8x128xf32, #tpu.memory_space<hbm>> -> memref<1x1x128x2x128xf32, #tpu.memory_space<hbm>>
    %dma_start3A_17 = tpu.memref_squeeze %dma_start3A_16 : memref<1x1x128x2x128xf32, #tpu.memory_space<hbm>> -> memref<128x2x128xf32, #tpu.memory_space<hbm>>
    tpu.enqueue_dma source(%dma_start3A_17 : memref<128x2x128xf32, #tpu.memory_space<hbm>>) target(%arg6 : memref<128x2x128xf32, #tpu.memory_space<vmem>>) target_semaphore(%arg9 : memref<!tpu.dma_semaphore, #tpu.memory_space<semaphore_mem>>)
    %dma_start3A_18 = arith.constant 0 : i32
    %dma_start3A_19 = arith.constant 0 : i32
    %dma_start3A_20 = arith.constant 2 : i32
    %dma_start3A_21 = arith.constant 0 : i32
    %dma_start3A_22 = tpu.memref_slice %arg2[%add3A, %dma_start3A_18, %dma_start3A_19, %dma_start3A_20, %dma_start3A_21] : memref<32x8x128x8x128xf32, #tpu.memory_space<hbm>> -> memref<1x1x128x2x128xf32, #tpu.memory_space<hbm>>
    %dma_start3A_23 = tpu.memref_squeeze %dma_start3A_22 : memref<1x1x128x2x128xf32, #tpu.memory_space<hbm>> -> memref<128x2x128xf32, #tpu.memory_space<hbm>>
    %dma_start3A_24 = arith.constant 0 : i32
    %dma_start3A_25 = arith.constant 2 : i32
    %dma_start3A_26 = arith.constant 0 : i32
    %dma_start3A_27 = tpu.memref_slice %arg2[%add3A, %dma_start3A_18, %dma_start3A_24, %dma_start3A_25, %dma_start3A_26] : memref<32x8x128x8x128xf32, #tpu.memory_space<hbm>> -> memref<1x1x128x2x128xf32, #tpu.memory_space<hbm>>
    %dma_start3A_28 = tpu.memref_squeeze %dma_start3A_27 : memref<1x1x128x2x128xf32, #tpu.memory_space<hbm>> -> memref<128x2x128xf32, #tpu.memory_space<hbm>>
    tpu.enqueue_dma source(%dma_start3A_28 : memref<128x2x128xf32, #tpu.memory_space<hbm>>) target(%arg7 : memref<128x2x128xf32, #tpu.memory_space<vmem>>) target_semaphore(%arg10 : memref<!tpu.dma_semaphore, #tpu.memory_space<semaphore_mem>>)
    %dma_wait3A = arith.constant 0 : i32
    %dma_wait3A_29 = arith.constant 0 : i32
    %dma_wait3A_30 = arith.constant 0 : i32
    %dma_wait3A_31 = arith.constant 0 : i32
    %dma_wait3A_32 = tpu.memref_slice %arg2[%add3A, %dma_wait3A, %dma_wait3A_29, %dma_wait3A_30, %dma_wait3A_31] : memref<32x8x128x8x128xf32, #tpu.memory_space<hbm>> -> memref<1x1x128x2x128xf32, #tpu.memory_space<hbm>>
    %dma_wait3A_33 = tpu.memref_squeeze %dma_wait3A_32 : memref<1x1x128x2x128xf32, #tpu.memory_space<hbm>> -> memref<128x2x128xf32, #tpu.memory_space<hbm>>
    %dma_wait3A_34 = arith.constant 0 : i32
    %dma_wait3A_35 = arith.constant 0 : i32
    %dma_wait3A_36 = arith.constant 0 : i32
    %dma_wait3A_37 = tpu.memref_slice %arg2[%add3A, %dma_wait3A, %dma_wait3A_34, %dma_wait3A_35, %dma_wait3A_36] : memref<32x8x128x8x128xf32, #tpu.memory_space<hbm>> -> memref<1x1x128x2x128xf32, #tpu.memory_space<hbm>>
    %dma_wait3A_38 = tpu.memref_squeeze %dma_wait3A_37 : memref<1x1x128x2x128xf32, #tpu.memory_space<hbm>> -> memref<128x2x128xf32, #tpu.memory_space<hbm>>
    tpu.wait_dma2 semaphore(%arg9 : memref<!tpu.dma_semaphore, #tpu.memory_space<semaphore_mem>>) src(%dma_wait3A_38 : memref<128x2x128xf32, #tpu.memory_space<hbm>>) dst(%arg6 : memref<128x2x128xf32, #tpu.memory_space<vmem>>)
    %scan3A = arith.constant 0 : i32
    %scan3A_39 = arith.constant 0 : i32
    %scan3A_40 = arith.constant 64 : i32
    %scan3A_41 = arith.addi %scan3A_39, %scan3A_40 : i32
    %scan3A_42 = arith.constant 1 : i32
    %scan3A_43 = scf.for %scan3A_965 = %scan3A_39 to %scan3A_41 step %scan3A_42 iter_args(%scan3A_966 = %scan3A) -> (i32)  : i32 {
      %mul3A_967 = arith.constant 16 : i32
      %mul3A_968 = arith.muli %scan3A_965, %mul3A_967 : i32
      %get3A = arith.index_cast %mul3A_968 : i32 to index
      %get3A_969 = tpu.vector_load %arg5[%get3A] {strides = array<i32>} : memref<1024xi32, #tpu.memory_space<vmem>>, vector<16xi32>,
      %shift_right_arithmetic3A = arith.constant 7 : i32
      %shift_right_arithmetic3A_970 = vector.broadcast %shift_right_arithmetic3A : i32 to vector<16xi32>
      %shift_right_arithmetic3A_971 = arith.shrsi %get3A_969, %shift_right_arithmetic3A_970 : vector<16xi32>
      %and3A = arith.constant 127 : i32
      %and3A_972 = vector.broadcast %and3A : i32 to vector<16xi32>
      %and3A_973 = arith.andi %get3A_969, %and3A_972 : vector<16xi32>
      %jit3A = arith.constant 8 : i32
      %div3A = arith.divsi %scan3A_965, %jit3A : i32
      %sign3A = arith.constant 0 : i32
      %sign3A_974 = arith.cmpi sgt, %scan3A_965, %sign3A : i32
      %sign3A_975 = arith.extui %sign3A_974 : i1 to i32
      %sign3A_976 = arith.constant 0 : i32
      %sign3A_977 = arith.cmpi slt, %scan3A_965, %sign3A_976 : i32
      %sign3A_978 = arith.extui %sign3A_977 : i1 to i32
      %sign3A_979 = arith.subi %sign3A_975, %sign3A_978 : i32
      %sign3A_980 = arith.constant 0 : i32
      %sign3A_981 = arith.cmpi sgt, %jit3A, %sign3A_980 : i32
      %sign3A_982 = arith.extui %sign3A_981 : i1 to i32
      %sign3A_983 = arith.constant 0 : i32
      %sign3A_984 = arith.cmpi slt, %jit3A, %sign3A_983 : i32
      %sign3A_985 = arith.extui %sign3A_984 : i1 to i32
      %sign3A_986 = arith.subi %sign3A_982, %sign3A_985 : i32
      %ne3A = arith.cmpi ne, %sign3A_979, %sign3A_986 : i32
      %rem3A = arith.remsi %scan3A_965, %jit3A : i32
      %ne3A_987 = arith.constant 0 : i32
      %ne3A_988 = arith.cmpi ne, %rem3A, %ne3A_987 : i32
      %and3A_989 = arith.andi %ne3A, %ne3A_988 : i1
      %sub3A = arith.constant 1 : i32
      %sub3A_990 = arith.subi %div3A, %sub3A : i32
      %select_n3A = arith.select %and3A_989, %sub3A_990, %div3A : i32
      %jit3A_991 = arith.constant 8 : i32
      %eq3A = arith.constant 0 : i32
      %eq3A_992 = arith.cmpi eq, %jit3A_991, %eq3A : i32
      %jit3A_993 = arith.constant 1 : i32
      %select_n3A_994 = arith.select %eq3A_992, %jit3A_993, %jit3A_991 : i32
      %rem3A_995 = arith.remsi %scan3A_965, %select_n3A_994 : i32
      %ne3A_996 = arith.constant 0 : i32
      %ne3A_997 = arith.cmpi ne, %rem3A_995, %ne3A_996 : i32
      %lt3A = arith.constant 0 : i32
      %lt3A_998 = arith.cmpi slt, %rem3A_995, %lt3A : i32
      %lt3A_999 = arith.constant 0 : i32
      %lt3A_1000 = arith.cmpi slt, %select_n3A_994, %lt3A_999 : i32
      %ne3A_1001 = arith.xori %lt3A_998, %lt3A_1000 : i1
      %and3A_1002 = arith.andi %ne3A_1001, %ne3A_997 : i1
      %add3A_1003 = arith.addi %rem3A_995, %select_n3A_994 : i32
      %select_n3A_1004 = arith.select %and3A_1002, %add3A_1003, %rem3A_995 : i32
      %mul3A_1005 = arith.constant 16 : i32
      %mul3A_1006 = arith.muli %select_n3A_1004, %mul3A_1005 : i32
      %broadcast_in_dim3A = arith.constant 0 : i32
      %broadcast_in_dim3A_1007 = vector.broadcast %broadcast_in_dim3A : i32 to vector<16xi32>
      %gather3A = tpu.vector_load_idx %arg6[%shift_right_arithmetic3A_971, %broadcast_in_dim3A_1007, %and3A_973] : memref<128x2x128xf32, #tpu.memory_space<vmem>>[vector<16xi32>, vector<16xi32>, vector<16xi32>], vector<16xf32>,
      %swap3A = arith.constant 0 : i32
      %swap3A_1008 = arith.index_cast %select_n3A : i32 to index
      %swap3A_1009 = arith.index_cast %swap3A : i32 to index
      %swap3A_1010 = arith.index_cast %mul3A_1006 : i32 to index
      %swap3A_1011 = tpu.vector_load %arg8[%swap3A_1008, %swap3A_1009, %swap3A_1010] {strides = array<i32>} : memref<8x2x128xf32, #tpu.memory_space<vmem>>, vector<16xf32>,
      tpu.vector_store %arg8[%swap3A_1008, %swap3A_1009, %swap3A_1010], %gather3A {strides = array<i32>} : memref<8x2x128xf32, #tpu.memory_space<vmem>>, vector<16xf32>,
      %broadcast_in_dim3A_1012 = arith.constant 1 : i32
      %broadcast_in_dim3A_1013 = vector.broadcast %broadcast_in_dim3A_1012 : i32 to vector<16xi32>
      %gather3A_1014 = tpu.vector_load_idx %arg6[%shift_right_arithmetic3A_971, %broadcast_in_dim3A_1013, %and3A_973] : memref<128x2x128xf32, #tpu.memory_space<vmem>>[vector<16xi32>, vector<16xi32>, vector<16xi32>], vector<16xf32>,
      %swap3A_1015 = arith.constant 1 : i32
      %swap3A_1016 = arith.index_cast %select_n3A : i32 to index
      %swap3A_1017 = arith.index_cast %swap3A_1015 : i32 to index
      %swap3A_1018 = arith.index_cast %mul3A_1006 : i32 to index
      %swap3A_1019 = tpu.vector_load %arg8[%swap3A_1016, %swap3A_1017, %swap3A_1018] {strides = array<i32>} : memref<8x2x128xf32, #tpu.memory_space<vmem>>, vector<16xf32>,
      tpu.vector_store %arg8[%swap3A_1016, %swap3A_1017, %swap3A_1018], %gather3A_1014 {strides = array<i32>} : memref<8x2x128xf32, #tpu.memory_space<vmem>>, vector<16xf32>,
      %scan3A_1020 = arith.constant 0 : i32
      scf.yield %scan3A_1020 : i32
    }
    %scan3A_44 = arith.constant 64 : i32
    %run_scoped3A_45 = arith.constant 0 : i32
    "tpu.region"() ({
      %run_scoped3A_965 = tpu.sem_alloc : memref<!tpu.dma_semaphore, #tpu.memory_space<semaphore_mem>>
      %dma_start3A_966 = arith.constant 0 : i32
      %dma_start3A_967 = arith.constant 0 : i32
      %dma_start3A_968 = arith.constant 0 : i32
      %dma_start3A_969 = tpu.memref_slice %arg4[%add3A, %run_scoped3A_45, %dma_start3A_966, %dma_start3A_967, %dma_start3A_968] : memref<32x8x8x8x128xf32, #tpu.memory_space<hbm>> -> memref<1x1x8x2x128xf32, #tpu.memory_space<hbm>>
      %dma_start3A_970 = tpu.memref_squeeze %dma_start3A_969 : memref<1x1x8x2x128xf32, #tpu.memory_space<hbm>> -> memref<8x2x128xf32, #tpu.memory_space<hbm>>
      %dma_start3A_971 = arith.constant 0 : i32
      %dma_start3A_972 = arith.constant 0 : i32
      %dma_start3A_973 = arith.constant 0 : i32
      %dma_start3A_974 = tpu.memref_slice %arg4[%add3A, %run_scoped3A_45, %dma_start3A_971, %dma_start3A_972, %dma_start3A_973] : memref<32x8x8x8x128xf32, #tpu.memory_space<hbm>> -> memref<1x1x8x2x128xf32, #tpu.memory_space<hbm>>
      %dma_start3A_975 = tpu.memref_squeeze %dma_start3A_974 : memref<1x1x8x2x128xf32, #tpu.memory_space<hbm>> -> memref<8x2x128xf32, #tpu.memory_space<hbm>>
      tpu.enqueue_dma source(%arg8 : memref<8x2x128xf32, #tpu.memory_space<vmem>>) target(%dma_start3A_975 : memref<8x2x128xf32, #tpu.memory_space<hbm>>) target_semaphore(%run_scoped3A_965 : memref<!tpu.dma_semaphore, #tpu.memory_space<semaphore_mem>>)
      %dma_wait3A_976 = arith.constant 0 : i32
      %dma_wait3A_977 = arith.constant 0 : i32
      %dma_wait3A_978 = arith.constant 0 : i32
      %dma_wait3A_979 = tpu.memref_slice %arg4[%add3A, %run_scoped3A_45, %dma_wait3A_976, %dma_wait3A_977, %dma_wait3A_978] : memref<32x8x8x8x128xf32, #tpu.memory_space<hbm>> -> memref<1x1x8x2x128xf32, #tpu.memory_space<hbm>>
      %dma_wait3A_980 = tpu.memref_squeeze %dma_wait3A_979 : memref<1x1x8x2x128xf32, #tpu.memory_space<hbm>> -> memref<8x2x128xf32, #tpu.memory_space<hbm>>
      %dma_wait3A_981 = arith.constant 0 : i32
      %dma_wait3A_982 = arith.constant 0 : i32
      %dma_wait3A_983 = arith.constant 0 : i32
      %dma_wait3A_984 = tpu.memref_slice %arg4[%add3A, %run_scoped3A_45, %dma_wait3A_981, %dma_wait3A_982, %dma_wait3A_983] : memref<32x8x8x8x128xf32, #tpu.memory_space<hbm>> -> memref<1x1x8x2x128xf32, #tpu.memory_space<hbm>>
      %dma_wait3A_985 = tpu.memref_squeeze %dma_wait3A_984 : memref<1x1x8x2x128xf32, #tpu.memory_space<hbm>> -> memref<8x2x128xf32, #tpu.memory_space<hbm>>
      tpu.wait_dma2 semaphore(%run_scoped3A_965 : memref<!tpu.dma_semaphore, #tpu.memory_space<semaphore_mem>>) src(%arg8 : memref<8x2x128xf32, #tpu.memory_space<vmem>>) dst(%dma_wait3A_985 : memref<8x2x128xf32, #tpu.memory_space<hbm>>)
      tpu.yield
    }) : () -> ()
    %dma_start3A_46 = arith.constant 0 : i32
    %dma_start3A_47 = arith.constant 0 : i32
    %dma_start3A_48 = arith.constant 4 : i32
    %dma_start3A_49 = arith.constant 0 : i32
    %dma_start3A_50 = tpu.memref_slice %arg2[%add3A, %dma_start3A_46, %dma_start3A_47, %dma_start3A_48, %dma_start3A_49] : memref<32x8x128x8x128xf32, #tpu.memory_space<hbm>> -> memref<1x1x128x2x128xf32, #tpu.memory_space<hbm>>
    %dma_start3A_51 = tpu.memref_squeeze %dma_start3A_50 : memref<1x1x128x2x128xf32, #tpu.memory_space<hbm>> -> memref<128x2x128xf32, #tpu.memory_space<hbm>>
    %dma_start3A_52 = arith.constant 0 : i32
    %dma_start3A_53 = arith.constant 4 : i32
    %dma_start3A_54 = arith.constant 0 : i32
    %dma_start3A_55 = tpu.memref_slice %arg2[%add3A, %dma_start3A_46, %dma_start3A_52, %dma_start3A_53, %dma_start3A_54] : memref<32x8x128x8x128xf32, #tpu.memory_space<hbm>> -> memref<1x1x128x2x128xf32, #tpu.memory_space<hbm>>
    %dma_start3A_56 = tpu.memref_squeeze %dma_start3A_55 : memref<1x1x128x2x128xf32, #tpu.memory_space<hbm>> -> memref<128x2x128xf32, #tpu.memory_space<hbm>>
    tpu.enqueue_dma source(%dma_start3A_56 : memref<128x2x128xf32, #tpu.memory_space<hbm>>) target(%arg6 : memref<128x2x128xf32, #tpu.memory_space<vmem>>) target_semaphore(%arg9 : memref<!tpu.dma_semaphore, #tpu.memory_space<semaphore_mem>>)
    %dma_wait3A_57 = arith.constant 0 : i32
    %dma_wait3A_58 = arith.constant 0 : i32
    %dma_wait3A_59 = arith.constant 2 : i32
    %dma_wait3A_60 = arith.constant 0 : i32
    %dma_wait3A_61 = tpu.memref_slice %arg2[%add3A, %dma_wait3A_57, %dma_wait3A_58, %dma_wait3A_59, %dma_wait3A_60] : memref<32x8x128x8x128xf32, #tpu.memory_space<hbm>> -> memref<1x1x128x2x128xf32, #tpu.memory_space<hbm>>
    %dma_wait3A_62 = tpu.memref_squeeze %dma_wait3A_61 : memref<1x1x128x2x128xf32, #tpu.memory_space<hbm>> -> memref<128x2x128xf32, #tpu.memory_space<hbm>>
    %dma_wait3A_63 = arith.constant 0 : i32
    %dma_wait3A_64 = arith.constant 2 : i32
    %dma_wait3A_65 = arith.constant 0 : i32
    %dma_wait3A_66 = tpu.memref_slice %arg2[%add3A, %dma_wait3A_57, %dma_wait3A_63, %dma_wait3A_64, %dma_wait3A_65] : memref<32x8x128x8x128xf32, #tpu.memory_space<hbm>> -> memref<1x1x128x2x128xf32, #tpu.memory_space<hbm>>
    %dma_wait3A_67 = tpu.memref_squeeze %dma_wait3A_66 : memref<1x1x128x2x128xf32, #tpu.memory_space<hbm>> -> memref<128x2x128xf32, #tpu.memory_space<hbm>>
    tpu.wait_dma2 semaphore(%arg10 : memref<!tpu.dma_semaphore, #tpu.memory_space<semaphore_mem>>) src(%dma_wait3A_67 : memref<128x2x128xf32, #tpu.memory_space<hbm>>) dst(%arg7 : memref<128x2x128xf32, #tpu.memory_space<vmem>>)
    %scan3A_68 = arith.constant 0 : i32
    %scan3A_69 = arith.constant 0 : i32
    %scan3A_70 = arith.constant 64 : i32
    %scan3A_71 = arith.addi %scan3A_69, %scan3A_70 : i32
    %scan3A_72 = arith.constant 1 : i32
    %scan3A_73 = scf.for %scan3A_965 = %scan3A_69 to %scan3A_71 step %scan3A_72 iter_args(%scan3A_966 = %scan3A_68) -> (i32)  : i32 {
      %mul3A_967 = arith.constant 16 : i32
      %mul3A_968 = arith.muli %scan3A_965, %mul3A_967 : i32
      %get3A = arith.index_cast %mul3A_968 : i32 to index
      %get3A_969 = tpu.vector_load %arg5[%get3A] {strides = array<i32>} : memref<1024xi32, #tpu.memory_space<vmem>>, vector<16xi32>,
      %shift_right_arithmetic3A = arith.constant 7 : i32
      %shift_right_arithmetic3A_970 = vector.broadcast %shift_right_arithmetic3A : i32 to vector<16xi32>
      %shift_right_arithmetic3A_971 = arith.shrsi %get3A_969, %shift_right_arithmetic3A_970 : vector<16xi32>
      %and3A = arith.constant 127 : i32
      %and3A_972 = vector.broadcast %and3A : i32 to vector<16xi32>
      %and3A_973 = arith.andi %get3A_969, %and3A_972 : vector<16xi32>
      %jit3A = arith.constant 8 : i32
      %div3A = arith.divsi %scan3A_965, %jit3A : i32
      %sign3A = arith.constant 0 : i32
      %sign3A_974 = arith.cmpi sgt, %scan3A_965, %sign3A : i32
      %sign3A_975 = arith.extui %sign3A_974 : i1 to i32
      %sign3A_976 = arith.constant 0 : i32
      %sign3A_977 = arith.cmpi slt, %scan3A_965, %sign3A_976 : i32
      %sign3A_978 = arith.extui %sign3A_977 : i1 to i32
      %sign3A_979 = arith.subi %sign3A_975, %sign3A_978 : i32
      %sign3A_980 = arith.constant 0 : i32
      %sign3A_981 = arith.cmpi sgt, %jit3A, %sign3A_980 : i32
      %sign3A_982 = arith.extui %sign3A_981 : i1 to i32
      %sign3A_983 = arith.constant 0 : i32
      %sign3A_984 = arith.cmpi slt, %jit3A, %sign3A_983 : i32
      %sign3A_985 = arith.extui %sign3A_984 : i1 to i32
      %sign3A_986 = arith.subi %sign3A_982, %sign3A_985 : i32
      %ne3A = arith.cmpi ne, %sign3A_979, %sign3A_986 : i32
      %rem3A = arith.remsi %scan3A_965, %jit3A : i32
      %ne3A_987 = arith.constant 0 : i32
      %ne3A_988 = arith.cmpi ne, %rem3A, %ne3A_987 : i32
      %and3A_989 = arith.andi %ne3A, %ne3A_988 : i1
      %sub3A = arith.constant 1 : i32
      %sub3A_990 = arith.subi %div3A, %sub3A : i32
      %select_n3A = arith.select %and3A_989, %sub3A_990, %div3A : i32
      %jit3A_991 = arith.constant 8 : i32
      %eq3A = arith.constant 0 : i32
      %eq3A_992 = arith.cmpi eq, %jit3A_991, %eq3A : i32
      %jit3A_993 = arith.constant 1 : i32
      %select_n3A_994 = arith.select %eq3A_992, %jit3A_993, %jit3A_991 : i32
      %rem3A_995 = arith.remsi %scan3A_965, %select_n3A_994 : i32
      %ne3A_996 = arith.constant 0 : i32
      %ne3A_997 = arith.cmpi ne, %rem3A_995, %ne3A_996 : i32
      %lt3A = arith.constant 0 : i32
      %lt3A_998 = arith.cmpi slt, %rem3A_995, %lt3A : i32
      %lt3A_999 = arith.constant 0 : i32
      %lt3A_1000 = arith.cmpi slt, %select_n3A_994, %lt3A_999 : i32
      %ne3A_1001 = arith.xori %lt3A_998, %lt3A_1000 : i1
      %and3A_1002 = arith.andi %ne3A_1001, %ne3A_997 : i1
      %add3A_1003 = arith.addi %rem3A_995, %select_n3A_994 : i32
      %select_n3A_1004 = arith.select %and3A_1002, %add3A_1003, %rem3A_995 : i32
      %mul3A_1005 = arith.constant 16 : i32
      %mul3A_1006 = arith.muli %select_n3A_1004, %mul3A_1005 : i32
      %broadcast_in_dim3A = arith.constant 0 : i32
      %broadcast_in_dim3A_1007 = vector.broadcast %broadcast_in_dim3A : i32 to vector<16xi32>
      %gather3A = tpu.vector_load_idx %arg7[%shift_right_arithmetic3A_971, %broadcast_in_dim3A_1007, %and3A_973] : memref<128x2x128xf32, #tpu.memory_space<vmem>>[vector<16xi32>, vector<16xi32>, vector<16xi32>], vector<16xf32>,
      %swap3A = arith.constant 0 : i32
      %swap3A_1008 = arith.index_cast %select_n3A : i32 to index
      %swap3A_1009 = arith.index_cast %swap3A : i32 to index
      %swap3A_1010 = arith.index_cast %mul3A_1006 : i32 to index
      %swap3A_1011 = tpu.vector_load %arg8[%swap3A_1008, %swap3A_1009, %swap3A_1010] {strides = array<i32>} : memref<8x2x128xf32, #tpu.memory_space<vmem>>, vector<16xf32>,
      tpu.vector_store %arg8[%swap3A_1008, %swap3A_1009, %swap3A_1010], %gather3A {strides = array<i32>} : memref<8x2x128xf32, #tpu.memory_space<vmem>>, vector<16xf32>,
      %broadcast_in_dim3A_1012 = arith.constant 1 : i32
      %broadcast_in_dim3A_1013 = vector.broadcast %broadcast_in_dim3A_1012 : i32 to vector<16xi32>
      %gather3A_1014 = tpu.vector_load_idx %arg7[%shift_right_arithmetic3A_971, %broadcast_in_dim3A_1013, %and3A_973] : memref<128x2x128xf32, #tpu.memory_space<vmem>>[vector<16xi32>, vector<16xi32>, vector<16xi32>], vector<16xf32>,
      %swap3A_1015 = arith.constant 1 : i32
      %swap3A_1016 = arith.index_cast %select_n3A : i32 to index
      %swap3A_1017 = arith.index_cast %swap3A_1015 : i32 to index
      %swap3A_1018 = arith.index_cast %mul3A_1006 : i32 to index
      %swap3A_1019 = tpu.vector_load %arg8[%swap3A_1016, %swap3A_1017, %swap3A_1018] {strides = array<i32>} : memref<8x2x128xf32, #tpu.memory_space<vmem>>, vector<16xf32>,
      tpu.vector_store %arg8[%swap3A_1016, %swap3A_1017, %swap3A_1018], %gather3A_1014 {strides = array<i32>} : memref<8x2x128xf32, #tpu.memory_space<vmem>>, vector<16xf32>,
      %scan3A_1020 = arith.constant 0 : i32
      scf.yield %scan3A_1020 : i32
    }
    %scan3A_74 = arith.constant 64 : i32
    %run_scoped3A_75 = arith.constant 0 : i32
    "tpu.region"() ({
      %run_scoped3A_965 = tpu.sem_alloc : memref<!tpu.dma_semaphore, #tpu.memory_space<semaphore_mem>>
      %dma_start3A_966 = arith.constant 0 : i32
      %dma_start3A_967 = arith.constant 2 : i32
      %dma_start3A_968 = arith.constant 0 : i32
      %dma_start3A_969 = tpu.memref_slice %arg4[%add3A, %run_scoped3A_75, %dma_start3A_966, %dma_start3A_967, %dma_start3A_968] : memref<32x8x8x8x128xf32, #tpu.memory_space<hbm>> -> memref<1x1x8x2x128xf32, #tpu.memory_space<hbm>>
      %dma_start3A_970 = tpu.memref_squeeze %dma_start3A_969 : memref<1x1x8x2x128xf32, #tpu.memory_space<hbm>> -> memref<8x2x128xf32, #tpu.memory_space<hbm>>
      %dma_start3A_971 = arith.constant 0 : i32
      %dma_start3A_972 = arith.constant 2 : i32
      %dma_start3A_973 = arith.constant 0 : i32
      %dma_start3A_974 = tpu.memref_slice %arg4[%add3A, %run_scoped3A_75, %dma_start3A_971, %dma_start3A_972, %dma_start3A_973] : memref<32x8x8x8x128xf32, #tpu.memory_space<hbm>> -> memref<1x1x8x2x128xf32, #tpu.memory_space<hbm>>
      %dma_start3A_975 = tpu.memref_squeeze %dma_start3A_974 : memref<1x1x8x2x128xf32, #tpu.memory_space<hbm>> -> memref<8x2x128xf32, #tpu.memory_space<hbm>>
      tpu.enqueue_dma source(%arg8 : memref<8x2x128xf32, #tpu.memory_space<vmem>>) target(%dma_start3A_975 : memref<8x2x128xf32, #tpu.memory_space<hbm>>) target_semaphore(%run_scoped3A_965 : memref<!tpu.dma_semaphore, #tpu.memory_space<semaphore_mem>>)
      %dma_wait3A_976 = arith.constant 0 : i32
      %dma_wait3A_977 = arith.constant 2 : i32
      %dma_wait3A_978 = arith.constant 0 : i32
      %dma_wait3A_979 = tpu.memref_slice %arg4[%add3A, %run_scoped3A_75, %dma_wait3A_976, %dma_wait3A_977, %dma_wait3A_978] : memref<32x8x8x8x128xf32, #tpu.memory_space<hbm>> -> memref<1x1x8x2x128xf32, #tpu.memory_space<hbm>>
      %dma_wait3A_980 = tpu.memref_squeeze %dma_wait3A_979 : memref<1x1x8x2x128xf32, #tpu.memory_space<hbm>> -> memref<8x2x128xf32, #tpu.memory_space<hbm>>
      %dma_wait3A_981 = arith.constant 0 : i32
      %dma_wait3A_982 = arith.constant 2 : i32
      %dma_wait3A_983 = arith.constant 0 : i32
      %dma_wait3A_984 = tpu.memref_slice %arg4[%add3A, %run_scoped3A_75, %dma_wait3A_981, %dma_wait3A_982, %dma_wait3A_983] : memref<32x8x8x8x128xf32, #tpu.memory_space<hbm>> -> memref<1x1x8x2x128xf32, #tpu.memory_space<hbm>>
      %dma_wait3A_985 = tpu.memref_squeeze %dma_wait3A_984 : memref<1x1x8x2x128xf32, #tpu.memory_space<hbm>> -> memref<8x2x128xf32, #tpu.memory_space<hbm>>
      tpu.wait_dma2 semaphore(%run_scoped3A_965 : memref<!tpu.dma_semaphore, #tpu.memory_space<semaphore_mem>>) src(%arg8 : memref<8x2x128xf32, #tpu.memory_space<vmem>>) dst(%dma_wait3A_985 : memref<8x2x128xf32, #tpu.memory_space<hbm>>)
      tpu.yield
    }) : () -> ()
    %dma_start3A_76 = arith.constant 0 : i32
    %dma_start3A_77 = arith.constant 0 : i32
    %dma_start3A_78 = arith.constant 6 : i32
    %dma_start3A_79 = arith.constant 0 : i32
    %dma_start3A_80 = tpu.memref_slice %arg2[%add3A, %dma_start3A_76, %dma_start3A_77, %dma_start3A_78, %dma_start3A_79] : memref<32x8x128x8x128xf32, #tpu.memory_space<hbm>> -> memref<1x1x128x2x128xf32, #tpu.memory_space<hbm>>
    %dma_start3A_81 = tpu.memref_squeeze %dma_start3A_80 : memref<1x1x128x2x128xf32, #tpu.memory_space<hbm>> -> memref<128x2x128xf32, #tpu.memory_space<hbm>>
    %dma_start3A_82 = arith.constant 0 : i32
    %dma_start3A_83 = arith.constant 6 : i32
    %dma_start3A_84 = arith.constant 0 : i32
    %dma_start3A_85 = tpu.memref_slice %arg2[%add3A, %dma_start3A_76, %dma_start3A_82, %dma_start3A_83, %dma_start3A_84] : memref<32x8x128x8x128xf32, #tpu.memory_space<hbm>> -> memref<1x1x128x2x128xf32, #tpu.memory_space<hbm>>
    %dma_start3A_86 = tpu.memref_squeeze %dma_start3A_85 : memref<1x1x128x2x128xf32, #tpu.memory_space<hbm>> -> memref<128x2x128xf32, #tpu.memory_space<hbm>>
    tpu.enqueue_dma source(%dma_start3A_86 : memref<128x2x128xf32, #tpu.memory_space<hbm>>) target(%arg7 : memref<128x2x128xf32, #tpu.memory_space<vmem>>) target_semaphore(%arg10 : memref<!tpu.dma_semaphore, #tpu.memory_space<semaphore_mem>>)
    %dma_wait3A_87 = arith.constant 0 : i32
    %dma_wait3A_88 = arith.constant 0 : i32
    %dma_wait3A_89 = arith.constant 4 : i32
    %dma_wait3A_90 = arith.constant 0 : i32
    %dma_wait3A_91 = tpu.memref_slice %arg2[%add3A, %dma_wait3A_87, %dma_wait3A_88, %dma_wait3A_89, %dma_wait3A_90] : memref<32x8x128x8x128xf32, #tpu.memory_space<hbm>> -> memref<1x1x128x2x128xf32, #tpu.memory_space<hbm>>
    %dma_wait3A_92 = tpu.memref_squeeze %dma_wait3A_91 : memref<1x1x128x2x128xf32, #tpu.memory_space<hbm>> -> memref<128x2x128xf32, #tpu.memory_space<hbm>>
    %dma_wait3A_93 = arith.constant 0 : i32
    %dma_wait3A_94 = arith.constant 4 : i32
    %dma_wait3A_95 = arith.constant 0 : i32
    %dma_wait3A_96 = tpu.memref_slice %arg2[%add3A, %dma_wait3A_87, %dma_wait3A_93, %dma_wait3A_94, %dma_wait3A_95] : memref<32x8x128x8x128xf32, #tpu.memory_space<hbm>> -> memref<1x1x128x2x128xf32, #tpu.memory_space<hbm>>
    %dma_wait3A_97 = tpu.memref_squeeze %dma_wait3A_96 : memref<1x1x128x2x128xf32, #tpu.memory_space<hbm>> -> memref<128x2x128xf32, #tpu.memory_space<hbm>>
    tpu.wait_dma2 semaphore(%arg9 : memref<!tpu.dma_semaphore, #tpu.memory_space<semaphore_mem>>) src(%dma_wait3A_97 : memref<128x2x128xf32, #tpu.memory_space<hbm>>) dst(%arg6 : memref<128x2x128xf32, #tpu.memory_space<vmem>>)
    %scan3A_98 = arith.constant 0 : i32
    %scan3A_99 = arith.constant 0 : i32
    %scan3A_100 = arith.constant 64 : i32
    %scan3A_101 = arith.addi %scan3A_99, %scan3A_100 : i32
    %scan3A_102 = arith.constant 1 : i32
    %scan3A_103 = scf.for %scan3A_965 = %scan3A_99 to %scan3A_101 step %scan3A_102 iter_args(%scan3A_966 = %scan3A_98) -> (i32)  : i32 {
      %mul3A_967 = arith.constant 16 : i32
      %mul3A_968 = arith.muli %scan3A_965, %mul3A_967 : i32
      %get3A = arith.index_cast %mul3A_968 : i32 to index
      %get3A_969 = tpu.vector_load %arg5[%get3A] {strides = array<i32>} : memref<1024xi32, #tpu.memory_space<vmem>>, vector<16xi32>,
      %shift_right_arithmetic3A = arith.constant 7 : i32
      %shift_right_arithmetic3A_970 = vector.broadcast %shift_right_arithmetic3A : i32 to vector<16xi32>
      %shift_right_arithmetic3A_971 = arith.shrsi %get3A_969, %shift_right_arithmetic3A_970 : vector<16xi32>
      %and3A = arith.constant 127 : i32
      %and3A_972 = vector.broadcast %and3A : i32 to vector<16xi32>
      %and3A_973 = arith.andi %get3A_969, %and3A_972 : vector<16xi32>
      %jit3A = arith.constant 8 : i32
      %div3A = arith.divsi %scan3A_965, %jit3A : i32
      %sign3A = arith.constant 0 : i32
      %sign3A_974 = arith.cmpi sgt, %scan3A_965, %sign3A : i32
      %sign3A_975 = arith.extui %sign3A_974 : i1 to i32
      %sign3A_976 = arith.constant 0 : i32
      %sign3A_977 = arith.cmpi slt, %scan3A_965, %sign3A_976 : i32
      %sign3A_978 = arith.extui %sign3A_977 : i1 to i32
      %sign3A_979 = arith.subi %sign3A_975, %sign3A_978 : i32
      %sign3A_980 = arith.constant 0 : i32
      %sign3A_981 = arith.cmpi sgt, %jit3A, %sign3A_980 : i32
      %sign3A_982 = arith.extui %sign3A_981 : i1 to i32
      %sign3A_983 = arith.constant 0 : i32
      %sign3A_984 = arith.cmpi slt, %jit3A, %sign3A_983 : i32
      %sign3A_985 = arith.extui %sign3A_984 : i1 to i32
      %sign3A_986 = arith.subi %sign3A_982, %sign3A_985 : i32
      %ne3A = arith.cmpi ne, %sign3A_979, %sign3A_986 : i32
      %rem3A = arith.remsi %scan3A_965, %jit3A : i32
      %ne3A_987 = arith.constant 0 : i32
      %ne3A_988 = arith.cmpi ne, %rem3A, %ne3A_987 : i32
      %and3A_989 = arith.andi %ne3A, %ne3A_988 : i1
      %sub3A = arith.constant 1 : i32
      %sub3A_990 = arith.subi %div3A, %sub3A : i32
      %select_n3A = arith.select %and3A_989, %sub3A_990, %div3A : i32
      %jit3A_991 = arith.constant 8 : i32
      %eq3A = arith.constant 0 : i32
      %eq3A_992 = arith.cmpi eq, %jit3A_991, %eq3A : i32
      %jit3A_993 = arith.constant 1 : i32
      %select_n3A_994 = arith.select %eq3A_992, %jit3A_993, %jit3A_991 : i32
      %rem3A_995 = arith.remsi %scan3A_965, %select_n3A_994 : i32
      %ne3A_996 = arith.constant 0 : i32
      %ne3A_997 = arith.cmpi ne, %rem3A_995, %ne3A_996 : i32
      %lt3A = arith.constant 0 : i32
      %lt3A_998 = arith.cmpi slt, %rem3A_995, %lt3A : i32
      %lt3A_999 = arith.constant 0 : i32
      %lt3A_1000 = arith.cmpi slt, %select_n3A_994, %lt3A_999 : i32
      %ne3A_1001 = arith.xori %lt3A_998, %lt3A_1000 : i1
      %and3A_1002 = arith.andi %ne3A_1001, %ne3A_997 : i1
      %add3A_1003 = arith.addi %rem3A_995, %select_n3A_994 : i32
      %select_n3A_1004 = arith.select %and3A_1002, %add3A_1003, %rem3A_995 : i32
      %mul3A_1005 = arith.constant 16 : i32
      %mul3A_1006 = arith.muli %select_n3A_1004, %mul3A_1005 : i32
      %broadcast_in_dim3A = arith.constant 0 : i32
      %broadcast_in_dim3A_1007 = vector.broadcast %broadcast_in_dim3A : i32 to vector<16xi32>
      %gather3A = tpu.vector_load_idx %arg6[%shift_right_arithmetic3A_971, %broadcast_in_dim3A_1007, %and3A_973] : memref<128x2x128xf32, #tpu.memory_space<vmem>>[vector<16xi32>, vector<16xi32>, vector<16xi32>], vector<16xf32>,
      %swap3A = arith.constant 0 : i32
      %swap3A_1008 = arith.index_cast %select_n3A : i32 to index
      %swap3A_1009 = arith.index_cast %swap3A : i32 to index
      %swap3A_1010 = arith.index_cast %mul3A_1006 : i32 to index
      %swap3A_1011 = tpu.vector_load %arg8[%swap3A_1008, %swap3A_1009, %swap3A_1010] {strides = array<i32>} : memref<8x2x128xf32, #tpu.memory_space<vmem>>, vector<16xf32>,
      tpu.vector_store %arg8[%swap3A_1008, %swap3A_1009, %swap3A_1010], %gather3A {strides = array<i32>} : memref<8x2x128xf32, #tpu.memory_space<vmem>>, vector<16xf32>,
      %broadcast_in_dim3A_1012 = arith.constant 1 : i32
      %broadcast_in_dim3A_1013 = vector.broadcast %broadcast_in_dim3A_1012 : i32 to vector<16xi32>
      %gather3A_1014 = tpu.vector_load_idx %arg6[%shift_right_arithmetic3A_971, %broadcast_in_dim3A_1013, %and3A_973] : memref<128x2x128xf32, #tpu.memory_space<vmem>>[vector<16xi32>, vector<16xi32>, vector<16xi32>], vector<16xf32>,
      %swap3A_1015 = arith.constant 1 : i32
      %swap3A_1016 = arith.index_cast %select_n3A : i32 to index
      %swap3A_1017 = arith.index_cast %swap3A_1015 : i32 to index
      %swap3A_1018 = arith.index_cast %mul3A_1006 : i32 to index
      %swap3A_1019 = tpu.vector_load %arg8[%swap3A_1016, %swap3A_1017, %swap3A_1018] {strides = array<i32>} : memref<8x2x128xf32, #tpu.memory_space<vmem>>, vector<16xf32>,
      tpu.vector_store %arg8[%swap3A_1016, %swap3A_1017, %swap3A_1018], %gather3A_1014 {strides = array<i32>} : memref<8x2x128xf32, #tpu.memory_space<vmem>>, vector<16xf32>,
      %scan3A_1020 = arith.constant 0 : i32
      scf.yield %scan3A_1020 : i32
    }
    %scan3A_104 = arith.constant 64 : i32
    %run_scoped3A_105 = arith.constant 0 : i32
    "tpu.region"() ({
      %run_scoped3A_965 = tpu.sem_alloc : memref<!tpu.dma_semaphore, #tpu.memory_space<semaphore_mem>>
      %dma_start3A_966 = arith.constant 0 : i32
      %dma_start3A_967 = arith.constant 4 : i32
      %dma_start3A_968 = arith.constant 0 : i32
      %dma_start3A_969 = tpu.memref_slice %arg4[%add3A, %run_scoped3A_105, %dma_start3A_966, %dma_start3A_967, %dma_start3A_968] : memref<32x8x8x8x128xf32, #tpu.memory_space<hbm>> -> memref<1x1x8x2x128xf32, #tpu.memory_space<hbm>>
      %dma_start3A_970 = tpu.memref_squeeze %dma_start3A_969 : memref<1x1x8x2x128xf32, #tpu.memory_space<hbm>> -> memref<8x2x128xf32, #tpu.memory_space<hbm>>
      %dma_start3A_971 = arith.constant 0 : i32
      %dma_start3A_972 = arith.constant 4 : i32
      %dma_start3A_973 = arith.constant 0 : i32
      %dma_start3A_974 = tpu.memref_slice %arg4[%add3A, %run_scoped3A_105, %dma_start3A_971, %dma_start3A_972, %dma_start3A_973] : memref<32x8x8x8x128xf32, #tpu.memory_space<hbm>> -> memref<1x1x8x2x128xf32, #tpu.memory_space<hbm>>
      %dma_start3A_975 = tpu.memref_squeeze %dma_start3A_974 : memref<1x1x8x2x128xf32, #tpu.memory_space<hbm>> -> memref<8x2x128xf32, #tpu.memory_space<hbm>>
      tpu.enqueue_dma source(%arg8 : memref<8x2x128xf32, #tpu.memory_space<vmem>>) target(%dma_start3A_975 : memref<8x2x128xf32, #tpu.memory_space<hbm>>) target_semaphore(%run_scoped3A_965 : memref<!tpu.dma_semaphore, #tpu.memory_space<semaphore_mem>>)
      %dma_wait3A_976 = arith.constant 0 : i32
      %dma_wait3A_977 = arith.constant 4 : i32
      %dma_wait3A_978 = arith.constant 0 : i32
      %dma_wait3A_979 = tpu.memref_slice %arg4[%add3A, %run_scoped3A_105, %dma_wait3A_976, %dma_wait3A_977, %dma_wait3A_978] : memref<32x8x8x8x128xf32, #tpu.memory_space<hbm>> -> memref<1x1x8x2x128xf32, #tpu.memory_space<hbm>>
      %dma_wait3A_980 = tpu.memref_squeeze %dma_wait3A_979 : memref<1x1x8x2x128xf32, #tpu.memory_space<hbm>> -> memref<8x2x128xf32, #tpu.memory_space<hbm>>
      %dma_wait3A_981 = arith.constant 0 : i32
      %dma_wait3A_982 = arith.constant 4 : i32
      %dma_wait3A_983 = arith.constant 0 : i32
      %dma_wait3A_984 = tpu.memref_slice %arg4[%add3A, %run_scoped3A_105, %dma_wait3A_981, %dma_wait3A_982, %dma_wait3A_983] : memref<32x8x8x8x128xf32, #tpu.memory_space<hbm>> -> memref<1x1x8x2x128xf32, #tpu.memory_space<hbm>>
      %dma_wait3A_985 = tpu.memref_squeeze %dma_wait3A_984 : memref<1x1x8x2x128xf32, #tpu.memory_space<hbm>> -> memref<8x2x128xf32, #tpu.memory_space<hbm>>
      tpu.wait_dma2 semaphore(%run_scoped3A_965 : memref<!tpu.dma_semaphore, #tpu.memory_space<semaphore_mem>>) src(%arg8 : memref<8x2x128xf32, #tpu.memory_space<vmem>>) dst(%dma_wait3A_985 : memref<8x2x128xf32, #tpu.memory_space<hbm>>)
      tpu.yield
    }) : () -> ()
    %dma_start3A_106 = arith.constant 1 : i32
    %dma_start3A_107 = arith.constant 0 : i32
    %dma_start3A_108 = arith.constant 0 : i32
    %dma_start3A_109 = arith.constant 0 : i32
    %dma_start3A_110 = tpu.memref_slice %arg2[%add3A, %dma_start3A_106, %dma_start3A_107, %dma_start3A_108, %dma_start3A_109] : memref<32x8x128x8x128xf32, #tpu.memory_space<hbm>> -> memref<1x1x128x2x128xf32, #tpu.memory_space<hbm>>
    %dma_start3A_111 = tpu.memref_squeeze %dma_start3A_110 : memref<1x1x128x2x128xf32, #tpu.memory_space<hbm>> -> memref<128x2x128xf32, #tpu.memory_space<hbm>>
    %dma_start3A_112 = arith.constant 0 : i32
    %dma_start3A_113 = arith.constant 0 : i32
    %dma_start3A_114 = arith.constant 0 : i32
    %dma_start3A_115 = tpu.memref_slice %arg2[%add3A, %dma_start3A_106, %dma_start3A_112, %dma_start3A_113, %dma_start3A_114] : memref<32x8x128x8x128xf32, #tpu.memory_space<hbm>> -> memref<1x1x128x2x128xf32, #tpu.memory_space<hbm>>
    %dma_start3A_116 = tpu.memref_squeeze %dma_start3A_115 : memref<1x1x128x2x128xf32, #tpu.memory_space<hbm>> -> memref<128x2x128xf32, #tpu.memory_space<hbm>>
    tpu.enqueue_dma source(%dma_start3A_116 : memref<128x2x128xf32, #tpu.memory_space<hbm>>) target(%arg6 : memref<128x2x128xf32, #tpu.memory_space<vmem>>) target_semaphore(%arg9 : memref<!tpu.dma_semaphore, #tpu.memory_space<semaphore_mem>>)
    %dma_wait3A_117 = arith.constant 0 : i32
    %dma_wait3A_118 = arith.constant 0 : i32
    %dma_wait3A_119 = arith.constant 6 : i32
    %dma_wait3A_120 = arith.constant 0 : i32
    %dma_wait3A_121 = tpu.memref_slice %arg2[%add3A, %dma_wait3A_117, %dma_wait3A_118, %dma_wait3A_119, %dma_wait3A_120] : memref<32x8x128x8x128xf32, #tpu.memory_space<hbm>> -> memref<1x1x128x2x128xf32, #tpu.memory_space<hbm>>
    %dma_wait3A_122 = tpu.memref_squeeze %dma_wait3A_121 : memref<1x1x128x2x128xf32, #tpu.memory_space<hbm>> -> memref<128x2x128xf32, #tpu.memory_space<hbm>>
    %dma_wait3A_123 = arith.constant 0 : i32
    %dma_wait3A_124 = arith.constant 6 : i32
    %dma_wait3A_125 = arith.constant 0 : i32
    %dma_wait3A_126 = tpu.memref_slice %arg2[%add3A, %dma_wait3A_117, %dma_wait3A_123, %dma_wait3A_124, %dma_wait3A_125] : memref<32x8x128x8x128xf32, #tpu.memory_space<hbm>> -> memref<1x1x128x2x128xf32, #tpu.memory_space<hbm>>
    %dma_wait3A_127 = tpu.memref_squeeze %dma_wait3A_126 : memref<1x1x128x2x128xf32, #tpu.memory_space<hbm>> -> memref<128x2x128xf32, #tpu.memory_space<hbm>>
    tpu.wait_dma2 semaphore(%arg10 : memref<!tpu.dma_semaphore, #tpu.memory_space<semaphore_mem>>) src(%dma_wait3A_127 : memref<128x2x128xf32, #tpu.memory_space<hbm>>) dst(%arg7 : memref<128x2x128xf32, #tpu.memory_space<vmem>>)
    %scan3A_128 = arith.constant 0 : i32
    %scan3A_129 = arith.constant 0 : i32
    %scan3A_130 = arith.constant 64 : i32
    %scan3A_131 = arith.addi %scan3A_129, %scan3A_130 : i32
    %scan3A_132 = arith.constant 1 : i32
    %scan3A_133 = scf.for %scan3A_965 = %scan3A_129 to %scan3A_131 step %scan3A_132 iter_args(%scan3A_966 = %scan3A_128) -> (i32)  : i32 {
      %mul3A_967 = arith.constant 16 : i32
      %mul3A_968 = arith.muli %scan3A_965, %mul3A_967 : i32
      %get3A = arith.index_cast %mul3A_968 : i32 to index
      %get3A_969 = tpu.vector_load %arg5[%get3A] {strides = array<i32>} : memref<1024xi32, #tpu.memory_space<vmem>>, vector<16xi32>,
      %shift_right_arithmetic3A = arith.constant 7 : i32
      %shift_right_arithmetic3A_970 = vector.broadcast %shift_right_arithmetic3A : i32 to vector<16xi32>
      %shift_right_arithmetic3A_971 = arith.shrsi %get3A_969, %shift_right_arithmetic3A_970 : vector<16xi32>
      %and3A = arith.constant 127 : i32
      %and3A_972 = vector.broadcast %and3A : i32 to vector<16xi32>
      %and3A_973 = arith.andi %get3A_969, %and3A_972 : vector<16xi32>
      %jit3A = arith.constant 8 : i32
      %div3A = arith.divsi %scan3A_965, %jit3A : i32
      %sign3A = arith.constant 0 : i32
      %sign3A_974 = arith.cmpi sgt, %scan3A_965, %sign3A : i32
      %sign3A_975 = arith.extui %sign3A_974 : i1 to i32
      %sign3A_976 = arith.constant 0 : i32
      %sign3A_977 = arith.cmpi slt, %scan3A_965, %sign3A_976 : i32
      %sign3A_978 = arith.extui %sign3A_977 : i1 to i32
      %sign3A_979 = arith.subi %sign3A_975, %sign3A_978 : i32
      %sign3A_980 = arith.constant 0 : i32
      %sign3A_981 = arith.cmpi sgt, %jit3A, %sign3A_980 : i32
      %sign3A_982 = arith.extui %sign3A_981 : i1 to i32
      %sign3A_983 = arith.constant 0 : i32
      %sign3A_984 = arith.cmpi slt, %jit3A, %sign3A_983 : i32
      %sign3A_985 = arith.extui %sign3A_984 : i1 to i32
      %sign3A_986 = arith.subi %sign3A_982, %sign3A_985 : i32
      %ne3A = arith.cmpi ne, %sign3A_979, %sign3A_986 : i32
      %rem3A = arith.remsi %scan3A_965, %jit3A : i32
      %ne3A_987 = arith.constant 0 : i32
      %ne3A_988 = arith.cmpi ne, %rem3A, %ne3A_987 : i32
      %and3A_989 = arith.andi %ne3A, %ne3A_988 : i1
      %sub3A = arith.constant 1 : i32
      %sub3A_990 = arith.subi %div3A, %sub3A : i32
      %select_n3A = arith.select %and3A_989, %sub3A_990, %div3A : i32
      %jit3A_991 = arith.constant 8 : i32
      %eq3A = arith.constant 0 : i32
      %eq3A_992 = arith.cmpi eq, %jit3A_991, %eq3A : i32
      %jit3A_993 = arith.constant 1 : i32
      %select_n3A_994 = arith.select %eq3A_992, %jit3A_993, %jit3A_991 : i32
      %rem3A_995 = arith.remsi %scan3A_965, %select_n3A_994 : i32
      %ne3A_996 = arith.constant 0 : i32
      %ne3A_997 = arith.cmpi ne, %rem3A_995, %ne3A_996 : i32
      %lt3A = arith.constant 0 : i32
      %lt3A_998 = arith.cmpi slt, %rem3A_995, %lt3A : i32
      %lt3A_999 = arith.constant 0 : i32
      %lt3A_1000 = arith.cmpi slt, %select_n3A_994, %lt3A_999 : i32
      %ne3A_1001 = arith.xori %lt3A_998, %lt3A_1000 : i1
      %and3A_1002 = arith.andi %ne3A_1001, %ne3A_997 : i1
      %add3A_1003 = arith.addi %rem3A_995, %select_n3A_994 : i32
      %select_n3A_1004 = arith.select %and3A_1002, %add3A_1003, %rem3A_995 : i32
      %mul3A_1005 = arith.constant 16 : i32
      %mul3A_1006 = arith.muli %select_n3A_1004, %mul3A_1005 : i32
      %broadcast_in_dim3A = arith.constant 0 : i32
      %broadcast_in_dim3A_1007 = vector.broadcast %broadcast_in_dim3A : i32 to vector<16xi32>
      %gather3A = tpu.vector_load_idx %arg7[%shift_right_arithmetic3A_971, %broadcast_in_dim3A_1007, %and3A_973] : memref<128x2x128xf32, #tpu.memory_space<vmem>>[vector<16xi32>, vector<16xi32>, vector<16xi32>], vector<16xf32>,
      %swap3A = arith.constant 0 : i32
      %swap3A_1008 = arith.index_cast %select_n3A : i32 to index
      %swap3A_1009 = arith.index_cast %swap3A : i32 to index
      %swap3A_1010 = arith.index_cast %mul3A_1006 : i32 to index
      %swap3A_1011 = tpu.vector_load %arg8[%swap3A_1008, %swap3A_1009, %swap3A_1010] {strides = array<i32>} : memref<8x2x128xf32, #tpu.memory_space<vmem>>, vector<16xf32>,
      tpu.vector_store %arg8[%swap3A_1008, %swap3A_1009, %swap3A_1010], %gather3A {strides = array<i32>} : memref<8x2x128xf32, #tpu.memory_space<vmem>>, vector<16xf32>,
      %broadcast_in_dim3A_1012 = arith.constant 1 : i32
      %broadcast_in_dim3A_1013 = vector.broadcast %broadcast_in_dim3A_1012 : i32 to vector<16xi32>
      %gather3A_1014 = tpu.vector_load_idx %arg7[%shift_right_arithmetic3A_971, %broadcast_in_dim3A_1013, %and3A_973] : memref<128x2x128xf32, #tpu.memory_space<vmem>>[vector<16xi32>, vector<16xi32>, vector<16xi32>], vector<16xf32>,
      %swap3A_1015 = arith.constant 1 : i32
      %swap3A_1016 = arith.index_cast %select_n3A : i32 to index
      %swap3A_1017 = arith.index_cast %swap3A_1015 : i32 to index
      %swap3A_1018 = arith.index_cast %mul3A_1006 : i32 to index
      %swap3A_1019 = tpu.vector_load %arg8[%swap3A_1016, %swap3A_1017, %swap3A_1018] {strides = array<i32>} : memref<8x2x128xf32, #tpu.memory_space<vmem>>, vector<16xf32>,
      tpu.vector_store %arg8[%swap3A_1016, %swap3A_1017, %swap3A_1018], %gather3A_1014 {strides = array<i32>} : memref<8x2x128xf32, #tpu.memory_space<vmem>>, vector<16xf32>,
      %scan3A_1020 = arith.constant 0 : i32
      scf.yield %scan3A_1020 : i32
    }
    %scan3A_134 = arith.constant 64 : i32
    %run_scoped3A_135 = arith.constant 0 : i32
    "tpu.region"() ({
      %run_scoped3A_965 = tpu.sem_alloc : memref<!tpu.dma_semaphore, #tpu.memory_space<semaphore_mem>>
      %dma_start3A_966 = arith.constant 0 : i32
      %dma_start3A_967 = arith.constant 6 : i32
      %dma_start3A_968 = arith.constant 0 : i32
      %dma_start3A_969 = tpu.memref_slice %arg4[%add3A, %run_scoped3A_135, %dma_start3A_966, %dma_start3A_967, %dma_start3A_968] : memref<32x8x8x8x128xf32, #tpu.memory_space<hbm>> -> memref<1x1x8x2x128xf32, #tpu.memory_space<hbm>>
      %dma_start3A_970 = tpu.memref_squeeze %dma_start3A_969 : memref<1x1x8x2x128xf32, #tpu.memory_space<hbm>> -> memref<8x2x128xf32, #tpu.memory_space<hbm>>
      %dma_start3A_971 = arith.constant 0 : i32
      %dma_start3A_972 = arith.constant 6 : i32
      %dma_start3A_973 = arith.constant 0 : i32
      %dma_start3A_974 = tpu.memref_slice %arg4[%add3A, %run_scoped3A_135, %dma_start3A_971, %dma_start3A_972, %dma_start3A_973] : memref<32x8x8x8x128xf32, #tpu.memory_space<hbm>> -> memref<1x1x8x2x128xf32, #tpu.memory_space<hbm>>
      %dma_start3A_975 = tpu.memref_squeeze %dma_start3A_974 : memref<1x1x8x2x128xf32, #tpu.memory_space<hbm>> -> memref<8x2x128xf32, #tpu.memory_space<hbm>>
      tpu.enqueue_dma source(%arg8 : memref<8x2x128xf32, #tpu.memory_space<vmem>>) target(%dma_start3A_975 : memref<8x2x128xf32, #tpu.memory_space<hbm>>) target_semaphore(%run_scoped3A_965 : memref<!tpu.dma_semaphore, #tpu.memory_space<semaphore_mem>>)
      %dma_wait3A_976 = arith.constant 0 : i32
      %dma_wait3A_977 = arith.constant 6 : i32
      %dma_wait3A_978 = arith.constant 0 : i32
      %dma_wait3A_979 = tpu.memref_slice %arg4[%add3A, %run_scoped3A_135, %dma_wait3A_976, %dma_wait3A_977, %dma_wait3A_978] : memref<32x8x8x8x128xf32, #tpu.memory_space<hbm>> -> memref<1x1x8x2x128xf32, #tpu.memory_space<hbm>>
      %dma_wait3A_980 = tpu.memref_squeeze %dma_wait3A_979 : memref<1x1x8x2x128xf32, #tpu.memory_space<hbm>> -> memref<8x2x128xf32, #tpu.memory_space<hbm>>
      %dma_wait3A_981 = arith.constant 0 : i32
      %dma_wait3A_982 = arith.constant 6 : i32
      %dma_wait3A_983 = arith.constant 0 : i32
      %dma_wait3A_984 = tpu.memref_slice %arg4[%add3A, %run_scoped3A_135, %dma_wait3A_981, %dma_wait3A_982, %dma_wait3A_983] : memref<32x8x8x8x128xf32, #tpu.memory_space<hbm>> -> memref<1x1x8x2x128xf32, #tpu.memory_space<hbm>>
      %dma_wait3A_985 = tpu.memref_squeeze %dma_wait3A_984 : memref<1x1x8x2x128xf32, #tpu.memory_space<hbm>> -> memref<8x2x128xf32, #tpu.memory_space<hbm>>
      tpu.wait_dma2 semaphore(%run_scoped3A_965 : memref<!tpu.dma_semaphore, #tpu.memory_space<semaphore_mem>>) src(%arg8 : memref<8x2x128xf32, #tpu.memory_space<vmem>>) dst(%dma_wait3A_985 : memref<8x2x128xf32, #tpu.memory_space<hbm>>)
      tpu.yield
    }) : () -> ()
    %dma_start3A_136 = arith.constant 1 : i32
    %dma_start3A_137 = arith.constant 0 : i32
    %dma_start3A_138 = arith.constant 2 : i32
    %dma_start3A_139 = arith.constant 0 : i32
    %dma_start3A_140 = tpu.memref_slice %arg2[%add3A, %dma_start3A_136, %dma_start3A_137, %dma_start3A_138, %dma_start3A_139] : memref<32x8x128x8x128xf32, #tpu.memory_space<hbm>> -> memref<1x1x128x2x128xf32, #tpu.memory_space<hbm>>
    %dma_start3A_141 = tpu.memref_squeeze %dma_start3A_140 : memref<1x1x128x2x128xf32, #tpu.memory_space<hbm>> -> memref<128x2x128xf32, #tpu.memory_space<hbm>>
    %dma_start3A_142 = arith.constant 0 : i32
    %dma_start3A_143 = arith.constant 2 : i32
    %dma_start3A_144 = arith.constant 0 : i32
    %dma_start3A_145 = tpu.memref_slice %arg2[%add3A, %dma_start3A_136, %dma_start3A_142, %dma_start3A_143, %dma_start3A_144] : memref<32x8x128x8x128xf32, #tpu.memory_space<hbm>> -> memref<1x1x128x2x128xf32, #tpu.memory_space<hbm>>
    %dma_start3A_146 = tpu.memref_squeeze %dma_start3A_145 : memref<1x1x128x2x128xf32, #tpu.memory_space<hbm>> -> memref<128x2x128xf32, #tpu.memory_space<hbm>>
    tpu.enqueue_dma source(%dma_start3A_146 : memref<128x2x128xf32, #tpu.memory_space<hbm>>) target(%arg7 : memref<128x2x128xf32, #tpu.memory_space<vmem>>) target_semaphore(%arg10 : memref<!tpu.dma_semaphore, #tpu.memory_space<semaphore_mem>>)
    %dma_wait3A_147 = arith.constant 1 : i32
    %dma_wait3A_148 = arith.constant 0 : i32
    %dma_wait3A_149 = arith.constant 0 : i32
    %dma_wait3A_150 = arith.constant 0 : i32
    %dma_wait3A_151 = tpu.memref_slice %arg2[%add3A, %dma_wait3A_147, %dma_wait3A_148, %dma_wait3A_149, %dma_wait3A_150] : memref<32x8x128x8x128xf32, #tpu.memory_space<hbm>> -> memref<1x1x128x2x128xf32, #tpu.memory_space<hbm>>
    %dma_wait3A_152 = tpu.memref_squeeze %dma_wait3A_151 : memref<1x1x128x2x128xf32, #tpu.memory_space<hbm>> -> memref<128x2x128xf32, #tpu.memory_space<hbm>>
    %dma_wait3A_153 = arith.constant 0 : i32
    %dma_wait3A_154 = arith.constant 0 : i32
    %dma_wait3A_155 = arith.constant 0 : i32
    %dma_wait3A_156 = tpu.memref_slice %arg2[%add3A, %dma_wait3A_147, %dma_wait3A_153, %dma_wait3A_154, %dma_wait3A_155] : memref<32x8x128x8x128xf32, #tpu.memory_space<hbm>> -> memref<1x1x128x2x128xf32, #tpu.memory_space<hbm>>
    %dma_wait3A_157 = tpu.memref_squeeze %dma_wait3A_156 : memref<1x1x128x2x128xf32, #tpu.memory_space<hbm>> -> memref<128x2x128xf32, #tpu.memory_space<hbm>>
    tpu.wait_dma2 semaphore(%arg9 : memref<!tpu.dma_semaphore, #tpu.memory_space<semaphore_mem>>) src(%dma_wait3A_157 : memref<128x2x128xf32, #tpu.memory_space<hbm>>) dst(%arg6 : memref<128x2x128xf32, #tpu.memory_space<vmem>>)
    %scan3A_158 = arith.constant 0 : i32
    %scan3A_159 = arith.constant 0 : i32
    %scan3A_160 = arith.constant 64 : i32
    %scan3A_161 = arith.addi %scan3A_159, %scan3A_160 : i32
    %scan3A_162 = arith.constant 1 : i32
    %scan3A_163 = scf.for %scan3A_965 = %scan3A_159 to %scan3A_161 step %scan3A_162 iter_args(%scan3A_966 = %scan3A_158) -> (i32)  : i32 {
      %mul3A_967 = arith.constant 16 : i32
      %mul3A_968 = arith.muli %scan3A_965, %mul3A_967 : i32
      %get3A = arith.index_cast %mul3A_968 : i32 to index
      %get3A_969 = tpu.vector_load %arg5[%get3A] {strides = array<i32>} : memref<1024xi32, #tpu.memory_space<vmem>>, vector<16xi32>,
      %shift_right_arithmetic3A = arith.constant 7 : i32
      %shift_right_arithmetic3A_970 = vector.broadcast %shift_right_arithmetic3A : i32 to vector<16xi32>
      %shift_right_arithmetic3A_971 = arith.shrsi %get3A_969, %shift_right_arithmetic3A_970 : vector<16xi32>
      %and3A = arith.constant 127 : i32
      %and3A_972 = vector.broadcast %and3A : i32 to vector<16xi32>
      %and3A_973 = arith.andi %get3A_969, %and3A_972 : vector<16xi32>
      %jit3A = arith.constant 8 : i32
      %div3A = arith.divsi %scan3A_965, %jit3A : i32
      %sign3A = arith.constant 0 : i32
      %sign3A_974 = arith.cmpi sgt, %scan3A_965, %sign3A : i32
      %sign3A_975 = arith.extui %sign3A_974 : i1 to i32
      %sign3A_976 = arith.constant 0 : i32
      %sign3A_977 = arith.cmpi slt, %scan3A_965, %sign3A_976 : i32
      %sign3A_978 = arith.extui %sign3A_977 : i1 to i32
      %sign3A_979 = arith.subi %sign3A_975, %sign3A_978 : i32
      %sign3A_980 = arith.constant 0 : i32
      %sign3A_981 = arith.cmpi sgt, %jit3A, %sign3A_980 : i32
      %sign3A_982 = arith.extui %sign3A_981 : i1 to i32
      %sign3A_983 = arith.constant 0 : i32
      %sign3A_984 = arith.cmpi slt, %jit3A, %sign3A_983 : i32
      %sign3A_985 = arith.extui %sign3A_984 : i1 to i32
      %sign3A_986 = arith.subi %sign3A_982, %sign3A_985 : i32
      %ne3A = arith.cmpi ne, %sign3A_979, %sign3A_986 : i32
      %rem3A = arith.remsi %scan3A_965, %jit3A : i32
      %ne3A_987 = arith.constant 0 : i32
      %ne3A_988 = arith.cmpi ne, %rem3A, %ne3A_987 : i32
      %and3A_989 = arith.andi %ne3A, %ne3A_988 : i1
      %sub3A = arith.constant 1 : i32
      %sub3A_990 = arith.subi %div3A, %sub3A : i32
      %select_n3A = arith.select %and3A_989, %sub3A_990, %div3A : i32
      %jit3A_991 = arith.constant 8 : i32
      %eq3A = arith.constant 0 : i32
      %eq3A_992 = arith.cmpi eq, %jit3A_991, %eq3A : i32
      %jit3A_993 = arith.constant 1 : i32
      %select_n3A_994 = arith.select %eq3A_992, %jit3A_993, %jit3A_991 : i32
      %rem3A_995 = arith.remsi %scan3A_965, %select_n3A_994 : i32
      %ne3A_996 = arith.constant 0 : i32
      %ne3A_997 = arith.cmpi ne, %rem3A_995, %ne3A_996 : i32
      %lt3A = arith.constant 0 : i32
      %lt3A_998 = arith.cmpi slt, %rem3A_995, %lt3A : i32
      %lt3A_999 = arith.constant 0 : i32
      %lt3A_1000 = arith.cmpi slt, %select_n3A_994, %lt3A_999 : i32
      %ne3A_1001 = arith.xori %lt3A_998, %lt3A_1000 : i1
      %and3A_1002 = arith.andi %ne3A_1001, %ne3A_997 : i1
      %add3A_1003 = arith.addi %rem3A_995, %select_n3A_994 : i32
      %select_n3A_1004 = arith.select %and3A_1002, %add3A_1003, %rem3A_995 : i32
      %mul3A_1005 = arith.constant 16 : i32
      %mul3A_1006 = arith.muli %select_n3A_1004, %mul3A_1005 : i32
      %broadcast_in_dim3A = arith.constant 0 : i32
      %broadcast_in_dim3A_1007 = vector.broadcast %broadcast_in_dim3A : i32 to vector<16xi32>
      %gather3A = tpu.vector_load_idx %arg6[%shift_right_arithmetic3A_971, %broadcast_in_dim3A_1007, %and3A_973] : memref<128x2x128xf32, #tpu.memory_space<vmem>>[vector<16xi32>, vector<16xi32>, vector<16xi32>], vector<16xf32>,
      %swap3A = arith.constant 0 : i32
      %swap3A_1008 = arith.index_cast %select_n3A : i32 to index
      %swap3A_1009 = arith.index_cast %swap3A : i32 to index
      %swap3A_1010 = arith.index_cast %mul3A_1006 : i32 to index
      %swap3A_1011 = tpu.vector_load %arg8[%swap3A_1008, %swap3A_1009, %swap3A_1010] {strides = array<i32>} : memref<8x2x128xf32, #tpu.memory_space<vmem>>, vector<16xf32>,
      tpu.vector_store %arg8[%swap3A_1008, %swap3A_1009, %swap3A_1010], %gather3A {strides = array<i32>} : memref<8x2x128xf32, #tpu.memory_space<vmem>>, vector<16xf32>,
      %broadcast_in_dim3A_1012 = arith.constant 1 : i32
      %broadcast_in_dim3A_1013 = vector.broadcast %broadcast_in_dim3A_1012 : i32 to vector<16xi32>
      %gather3A_1014 = tpu.vector_load_idx %arg6[%shift_right_arithmetic3A_971, %broadcast_in_dim3A_1013, %and3A_973] : memref<128x2x128xf32, #tpu.memory_space<vmem>>[vector<16xi32>, vector<16xi32>, vector<16xi32>], vector<16xf32>,
      %swap3A_1015 = arith.constant 1 : i32
      %swap3A_1016 = arith.index_cast %select_n3A : i32 to index
      %swap3A_1017 = arith.index_cast %swap3A_1015 : i32 to index
      %swap3A_1018 = arith.index_cast %mul3A_1006 : i32 to index
      %swap3A_1019 = tpu.vector_load %arg8[%swap3A_1016, %swap3A_1017, %swap3A_1018] {strides = array<i32>} : memref<8x2x128xf32, #tpu.memory_space<vmem>>, vector<16xf32>,
      tpu.vector_store %arg8[%swap3A_1016, %swap3A_1017, %swap3A_1018], %gather3A_1014 {strides = array<i32>} : memref<8x2x128xf32, #tpu.memory_space<vmem>>, vector<16xf32>,
      %scan3A_1020 = arith.constant 0 : i32
      scf.yield %scan3A_1020 : i32
    }
    %scan3A_164 = arith.constant 64 : i32
    %run_scoped3A_165 = arith.constant 1 : i32
    "tpu.region"() ({
      %run_scoped3A_965 = tpu.sem_alloc : memref<!tpu.dma_semaphore, #tpu.memory_space<semaphore_mem>>
      %dma_start3A_966 = arith.constant 0 : i32
      %dma_start3A_967 = arith.constant 0 : i32
      %dma_start3A_968 = arith.constant 0 : i32
      %dma_start3A_969 = tpu.memref_slice %arg4[%add3A, %run_scoped3A_165, %dma_start3A_966, %dma_start3A_967, %dma_start3A_968] : memref<32x8x8x8x128xf32, #tpu.memory_space<hbm>> -> memref<1x1x8x2x128xf32, #tpu.memory_space<hbm>>
      %dma_start3A_970 = tpu.memref_squeeze %dma_start3A_969 : memref<1x1x8x2x128xf32, #tpu.memory_space<hbm>> -> memref<8x2x128xf32, #tpu.memory_space<hbm>>
      %dma_start3A_971 = arith.constant 0 : i32
      %dma_start3A_972 = arith.constant 0 : i32
      %dma_start3A_973 = arith.constant 0 : i32
      %dma_start3A_974 = tpu.memref_slice %arg4[%add3A, %run_scoped3A_165, %dma_start3A_971, %dma_start3A_972, %dma_start3A_973] : memref<32x8x8x8x128xf32, #tpu.memory_space<hbm>> -> memref<1x1x8x2x128xf32, #tpu.memory_space<hbm>>
      %dma_start3A_975 = tpu.memref_squeeze %dma_start3A_974 : memref<1x1x8x2x128xf32, #tpu.memory_space<hbm>> -> memref<8x2x128xf32, #tpu.memory_space<hbm>>
      tpu.enqueue_dma source(%arg8 : memref<8x2x128xf32, #tpu.memory_space<vmem>>) target(%dma_start3A_975 : memref<8x2x128xf32, #tpu.memory_space<hbm>>) target_semaphore(%run_scoped3A_965 : memref<!tpu.dma_semaphore, #tpu.memory_space<semaphore_mem>>)
      %dma_wait3A_976 = arith.constant 0 : i32
      %dma_wait3A_977 = arith.constant 0 : i32
      %dma_wait3A_978 = arith.constant 0 : i32
      %dma_wait3A_979 = tpu.memref_slice %arg4[%add3A, %run_scoped3A_165, %dma_wait3A_976, %dma_wait3A_977, %dma_wait3A_978] : memref<32x8x8x8x128xf32, #tpu.memory_space<hbm>> -> memref<1x1x8x2x128xf32, #tpu.memory_space<hbm>>
      %dma_wait3A_980 = tpu.memref_squeeze %dma_wait3A_979 : memref<1x1x8x2x128xf32, #tpu.memory_space<hbm>> -> memref<8x2x128xf32, #tpu.memory_space<hbm>>
      %dma_wait3A_981 = arith.constant 0 : i32
      %dma_wait3A_982 = arith.constant 0 : i32
      %dma_wait3A_983 = arith.constant 0 : i32
      %dma_wait3A_984 = tpu.memref_slice %arg4[%add3A, %run_scoped3A_165, %dma_wait3A_981, %dma_wait3A_982, %dma_wait3A_983] : memref<32x8x8x8x128xf32, #tpu.memory_space<hbm>> -> memref<1x1x8x2x128xf32, #tpu.memory_space<hbm>>
      %dma_wait3A_985 = tpu.memref_squeeze %dma_wait3A_984 : memref<1x1x8x2x128xf32, #tpu.memory_space<hbm>> -> memref<8x2x128xf32, #tpu.memory_space<hbm>>
      tpu.wait_dma2 semaphore(%run_scoped3A_965 : memref<!tpu.dma_semaphore, #tpu.memory_space<semaphore_mem>>) src(%arg8 : memref<8x2x128xf32, #tpu.memory_space<vmem>>) dst(%dma_wait3A_985 : memref<8x2x128xf32, #tpu.memory_space<hbm>>)
      tpu.yield
    }) : () -> ()
    %dma_start3A_166 = arith.constant 1 : i32
    %dma_start3A_167 = arith.constant 0 : i32
    %dma_start3A_168 = arith.constant 4 : i32
    %dma_start3A_169 = arith.constant 0 : i32
    %dma_start3A_170 = tpu.memref_slice %arg2[%add3A, %dma_start3A_166, %dma_start3A_167, %dma_start3A_168, %dma_start3A_169] : memref<32x8x128x8x128xf32, #tpu.memory_space<hbm>> -> memref<1x1x128x2x128xf32, #tpu.memory_space<hbm>>
    %dma_start3A_171 = tpu.memref_squeeze %dma_start3A_170 : memref<1x1x128x2x128xf32, #tpu.memory_space<hbm>> -> memref<128x2x128xf32, #tpu.memory_space<hbm>>
    %dma_start3A_172 = arith.constant 0 : i32
    %dma_start3A_173 = arith.constant 4 : i32
    %dma_start3A_174 = arith.constant 0 : i32
    %dma_start3A_175 = tpu.memref_slice %arg2[%add3A, %dma_start3A_166, %dma_start3A_172, %dma_start3A_173, %dma_start3A_174] : memref<32x8x128x8x128xf32, #tpu.memory_space<hbm>> -> memref<1x1x128x2x128xf32, #tpu.memory_space<hbm>>
    %dma_start3A_176 = tpu.memref_squeeze %dma_start3A_175 : memref<1x1x128x2x128xf32, #tpu.memory_space<hbm>> -> memref<128x2x128xf32, #tpu.memory_space<hbm>>
    tpu.enqueue_dma source(%dma_start3A_176 : memref<128x2x128xf32, #tpu.memory_space<hbm>>) target(%arg6 : memref<128x2x128xf32, #tpu.memory_space<vmem>>) target_semaphore(%arg9 : memref<!tpu.dma_semaphore, #tpu.memory_space<semaphore_mem>>)
    %dma_wait3A_177 = arith.constant 1 : i32
    %dma_wait3A_178 = arith.constant 0 : i32
    %dma_wait3A_179 = arith.constant 2 : i32
    %dma_wait3A_180 = arith.constant 0 : i32
    %dma_wait3A_181 = tpu.memref_slice %arg2[%add3A, %dma_wait3A_177, %dma_wait3A_178, %dma_wait3A_179, %dma_wait3A_180] : memref<32x8x128x8x128xf32, #tpu.memory_space<hbm>> -> memref<1x1x128x2x128xf32, #tpu.memory_space<hbm>>
    %dma_wait3A_182 = tpu.memref_squeeze %dma_wait3A_181 : memref<1x1x128x2x128xf32, #tpu.memory_space<hbm>> -> memref<128x2x128xf32, #tpu.memory_space<hbm>>
    %dma_wait3A_183 = arith.constant 0 : i32
    %dma_wait3A_184 = arith.constant 2 : i32
    %dma_wait3A_185 = arith.constant 0 : i32
    %dma_wait3A_186 = tpu.memref_slice %arg2[%add3A, %dma_wait3A_177, %dma_wait3A_183, %dma_wait3A_184, %dma_wait3A_185] : memref<32x8x128x8x128xf32, #tpu.memory_space<hbm>> -> memref<1x1x128x2x128xf32, #tpu.memory_space<hbm>>
    %dma_wait3A_187 = tpu.memref_squeeze %dma_wait3A_186 : memref<1x1x128x2x128xf32, #tpu.memory_space<hbm>> -> memref<128x2x128xf32, #tpu.memory_space<hbm>>
    tpu.wait_dma2 semaphore(%arg10 : memref<!tpu.dma_semaphore, #tpu.memory_space<semaphore_mem>>) src(%dma_wait3A_187 : memref<128x2x128xf32, #tpu.memory_space<hbm>>) dst(%arg7 : memref<128x2x128xf32, #tpu.memory_space<vmem>>)
    %scan3A_188 = arith.constant 0 : i32
    %scan3A_189 = arith.constant 0 : i32
    %scan3A_190 = arith.constant 64 : i32
    %scan3A_191 = arith.addi %scan3A_189, %scan3A_190 : i32
    %scan3A_192 = arith.constant 1 : i32
    %scan3A_193 = scf.for %scan3A_965 = %scan3A_189 to %scan3A_191 step %scan3A_192 iter_args(%scan3A_966 = %scan3A_188) -> (i32)  : i32 {
      %mul3A_967 = arith.constant 16 : i32
      %mul3A_968 = arith.muli %scan3A_965, %mul3A_967 : i32
      %get3A = arith.index_cast %mul3A_968 : i32 to index
      %get3A_969 = tpu.vector_load %arg5[%get3A] {strides = array<i32>} : memref<1024xi32, #tpu.memory_space<vmem>>, vector<16xi32>,
      %shift_right_arithmetic3A = arith.constant 7 : i32
      %shift_right_arithmetic3A_970 = vector.broadcast %shift_right_arithmetic3A : i32 to vector<16xi32>
      %shift_right_arithmetic3A_971 = arith.shrsi %get3A_969, %shift_right_arithmetic3A_970 : vector<16xi32>
      %and3A = arith.constant 127 : i32
      %and3A_972 = vector.broadcast %and3A : i32 to vector<16xi32>
      %and3A_973 = arith.andi %get3A_969, %and3A_972 : vector<16xi32>
      %jit3A = arith.constant 8 : i32
      %div3A = arith.divsi %scan3A_965, %jit3A : i32
      %sign3A = arith.constant 0 : i32
      %sign3A_974 = arith.cmpi sgt, %scan3A_965, %sign3A : i32
      %sign3A_975 = arith.extui %sign3A_974 : i1 to i32
      %sign3A_976 = arith.constant 0 : i32
      %sign3A_977 = arith.cmpi slt, %scan3A_965, %sign3A_976 : i32
      %sign3A_978 = arith.extui %sign3A_977 : i1 to i32
      %sign3A_979 = arith.subi %sign3A_975, %sign3A_978 : i32
      %sign3A_980 = arith.constant 0 : i32
      %sign3A_981 = arith.cmpi sgt, %jit3A, %sign3A_980 : i32
      %sign3A_982 = arith.extui %sign3A_981 : i1 to i32
      %sign3A_983 = arith.constant 0 : i32
      %sign3A_984 = arith.cmpi slt, %jit3A, %sign3A_983 : i32
      %sign3A_985 = arith.extui %sign3A_984 : i1 to i32
      %sign3A_986 = arith.subi %sign3A_982, %sign3A_985 : i32
      %ne3A = arith.cmpi ne, %sign3A_979, %sign3A_986 : i32
      %rem3A = arith.remsi %scan3A_965, %jit3A : i32
      %ne3A_987 = arith.constant 0 : i32
      %ne3A_988 = arith.cmpi ne, %rem3A, %ne3A_987 : i32
      %and3A_989 = arith.andi %ne3A, %ne3A_988 : i1
      %sub3A = arith.constant 1 : i32
      %sub3A_990 = arith.subi %div3A, %sub3A : i32
      %select_n3A = arith.select %and3A_989, %sub3A_990, %div3A : i32
      %jit3A_991 = arith.constant 8 : i32
      %eq3A = arith.constant 0 : i32
      %eq3A_992 = arith.cmpi eq, %jit3A_991, %eq3A : i32
      %jit3A_993 = arith.constant 1 : i32
      %select_n3A_994 = arith.select %eq3A_992, %jit3A_993, %jit3A_991 : i32
      %rem3A_995 = arith.remsi %scan3A_965, %select_n3A_994 : i32
      %ne3A_996 = arith.constant 0 : i32
      %ne3A_997 = arith.cmpi ne, %rem3A_995, %ne3A_996 : i32
      %lt3A = arith.constant 0 : i32
      %lt3A_998 = arith.cmpi slt, %rem3A_995, %lt3A : i32
      %lt3A_999 = arith.constant 0 : i32
      %lt3A_1000 = arith.cmpi slt, %select_n3A_994, %lt3A_999 : i32
      %ne3A_1001 = arith.xori %lt3A_998, %lt3A_1000 : i1
      %and3A_1002 = arith.andi %ne3A_1001, %ne3A_997 : i1
      %add3A_1003 = arith.addi %rem3A_995, %select_n3A_994 : i32
      %select_n3A_1004 = arith.select %and3A_1002, %add3A_1003, %rem3A_995 : i32
      %mul3A_1005 = arith.constant 16 : i32
      %mul3A_1006 = arith.muli %select_n3A_1004, %mul3A_1005 : i32
      %broadcast_in_dim3A = arith.constant 0 : i32
      %broadcast_in_dim3A_1007 = vector.broadcast %broadcast_in_dim3A : i32 to vector<16xi32>
      %gather3A = tpu.vector_load_idx %arg7[%shift_right_arithmetic3A_971, %broadcast_in_dim3A_1007, %and3A_973] : memref<128x2x128xf32, #tpu.memory_space<vmem>>[vector<16xi32>, vector<16xi32>, vector<16xi32>], vector<16xf32>,
      %swap3A = arith.constant 0 : i32
      %swap3A_1008 = arith.index_cast %select_n3A : i32 to index
      %swap3A_1009 = arith.index_cast %swap3A : i32 to index
      %swap3A_1010 = arith.index_cast %mul3A_1006 : i32 to index
      %swap3A_1011 = tpu.vector_load %arg8[%swap3A_1008, %swap3A_1009, %swap3A_1010] {strides = array<i32>} : memref<8x2x128xf32, #tpu.memory_space<vmem>>, vector<16xf32>,
      tpu.vector_store %arg8[%swap3A_1008, %swap3A_1009, %swap3A_1010], %gather3A {strides = array<i32>} : memref<8x2x128xf32, #tpu.memory_space<vmem>>, vector<16xf32>,
      %broadcast_in_dim3A_1012 = arith.constant 1 : i32
      %broadcast_in_dim3A_1013 = vector.broadcast %broadcast_in_dim3A_1012 : i32 to vector<16xi32>
      %gather3A_1014 = tpu.vector_load_idx %arg7[%shift_right_arithmetic3A_971, %broadcast_in_dim3A_1013, %and3A_973] : memref<128x2x128xf32, #tpu.memory_space<vmem>>[vector<16xi32>, vector<16xi32>, vector<16xi32>], vector<16xf32>,
      %swap3A_1015 = arith.constant 1 : i32
      %swap3A_1016 = arith.index_cast %select_n3A : i32 to index
      %swap3A_1017 = arith.index_cast %swap3A_1015 : i32 to index
      %swap3A_1018 = arith.index_cast %mul3A_1006 : i32 to index
      %swap3A_1019 = tpu.vector_load %arg8[%swap3A_1016, %swap3A_1017, %swap3A_1018] {strides = array<i32>} : memref<8x2x128xf32, #tpu.memory_space<vmem>>, vector<16xf32>,
      tpu.vector_store %arg8[%swap3A_1016, %swap3A_1017, %swap3A_1018], %gather3A_1014 {strides = array<i32>} : memref<8x2x128xf32, #tpu.memory_space<vmem>>, vector<16xf32>,
      %scan3A_1020 = arith.constant 0 : i32
      scf.yield %scan3A_1020 : i32
    }
    %scan3A_194 = arith.constant 64 : i32
    %run_scoped3A_195 = arith.constant 1 : i32
    "tpu.region"() ({
      %run_scoped3A_965 = tpu.sem_alloc : memref<!tpu.dma_semaphore, #tpu.memory_space<semaphore_mem>>
      %dma_start3A_966 = arith.constant 0 : i32
      %dma_start3A_967 = arith.constant 2 : i32
      %dma_start3A_968 = arith.constant 0 : i32
      %dma_start3A_969 = tpu.memref_slice %arg4[%add3A, %run_scoped3A_195, %dma_start3A_966, %dma_start3A_967, %dma_start3A_968] : memref<32x8x8x8x128xf32, #tpu.memory_space<hbm>> -> memref<1x1x8x2x128xf32, #tpu.memory_space<hbm>>
      %dma_start3A_970 = tpu.memref_squeeze %dma_start3A_969 : memref<1x1x8x2x128xf32, #tpu.memory_space<hbm>> -> memref<8x2x128xf32, #tpu.memory_space<hbm>>
      %dma_start3A_971 = arith.constant 0 : i32
      %dma_start3A_972 = arith.constant 2 : i32
      %dma_start3A_973 = arith.constant 0 : i32
      %dma_start3A_974 = tpu.memref_slice %arg4[%add3A, %run_scoped3A_195, %dma_start3A_971, %dma_start3A_972, %dma_start3A_973] : memref<32x8x8x8x128xf32, #tpu.memory_space<hbm>> -> memref<1x1x8x2x128xf32, #tpu.memory_space<hbm>>
      %dma_start3A_975 = tpu.memref_squeeze %dma_start3A_974 : memref<1x1x8x2x128xf32, #tpu.memory_space<hbm>> -> memref<8x2x128xf32, #tpu.memory_space<hbm>>
      tpu.enqueue_dma source(%arg8 : memref<8x2x128xf32, #tpu.memory_space<vmem>>) target(%dma_start3A_975 : memref<8x2x128xf32, #tpu.memory_space<hbm>>) target_semaphore(%run_scoped3A_965 : memref<!tpu.dma_semaphore, #tpu.memory_space<semaphore_mem>>)
      %dma_wait3A_976 = arith.constant 0 : i32
      %dma_wait3A_977 = arith.constant 2 : i32
      %dma_wait3A_978 = arith.constant 0 : i32
      %dma_wait3A_979 = tpu.memref_slice %arg4[%add3A, %run_scoped3A_195, %dma_wait3A_976, %dma_wait3A_977, %dma_wait3A_978] : memref<32x8x8x8x128xf32, #tpu.memory_space<hbm>> -> memref<1x1x8x2x128xf32, #tpu.memory_space<hbm>>
      %dma_wait3A_980 = tpu.memref_squeeze %dma_wait3A_979 : memref<1x1x8x2x128xf32, #tpu.memory_space<hbm>> -> memref<8x2x128xf32, #tpu.memory_space<hbm>>
      %dma_wait3A_981 = arith.constant 0 : i32
      %dma_wait3A_982 = arith.constant 2 : i32
      %dma_wait3A_983 = arith.constant 0 : i32
      %dma_wait3A_984 = tpu.memref_slice %arg4[%add3A, %run_scoped3A_195, %dma_wait3A_981, %dma_wait3A_982, %dma_wait3A_983] : memref<32x8x8x8x128xf32, #tpu.memory_space<hbm>> -> memref<1x1x8x2x128xf32, #tpu.memory_space<hbm>>
      %dma_wait3A_985 = tpu.memref_squeeze %dma_wait3A_984 : memref<1x1x8x2x128xf32, #tpu.memory_space<hbm>> -> memref<8x2x128xf32, #tpu.memory_space<hbm>>
      tpu.wait_dma2 semaphore(%run_scoped3A_965 : memref<!tpu.dma_semaphore, #tpu.memory_space<semaphore_mem>>) src(%arg8 : memref<8x2x128xf32, #tpu.memory_space<vmem>>) dst(%dma_wait3A_985 : memref<8x2x128xf32, #tpu.memory_space<hbm>>)
      tpu.yield
    }) : () -> ()
    %dma_start3A_196 = arith.constant 1 : i32
    %dma_start3A_197 = arith.constant 0 : i32
    %dma_start3A_198 = arith.constant 6 : i32
    %dma_start3A_199 = arith.constant 0 : i32
    %dma_start3A_200 = tpu.memref_slice %arg2[%add3A, %dma_start3A_196, %dma_start3A_197, %dma_start3A_198, %dma_start3A_199] : memref<32x8x128x8x128xf32, #tpu.memory_space<hbm>> -> memref<1x1x128x2x128xf32, #tpu.memory_space<hbm>>
    %dma_start3A_201 = tpu.memref_squeeze %dma_start3A_200 : memref<1x1x128x2x128xf32, #tpu.memory_space<hbm>> -> memref<128x2x128xf32, #tpu.memory_space<hbm>>
    %dma_start3A_202 = arith.constant 0 : i32
    %dma_start3A_203 = arith.constant 6 : i32
    %dma_start3A_204 = arith.constant 0 : i32
    %dma_start3A_205 = tpu.memref_slice %arg2[%add3A, %dma_start3A_196, %dma_start3A_202, %dma_start3A_203, %dma_start3A_204] : memref<32x8x128x8x128xf32, #tpu.memory_space<hbm>> -> memref<1x1x128x2x128xf32, #tpu.memory_space<hbm>>
    %dma_start3A_206 = tpu.memref_squeeze %dma_start3A_205 : memref<1x1x128x2x128xf32, #tpu.memory_space<hbm>> -> memref<128x2x128xf32, #tpu.memory_space<hbm>>
    tpu.enqueue_dma source(%dma_start3A_206 : memref<128x2x128xf32, #tpu.memory_space<hbm>>) target(%arg7 : memref<128x2x128xf32, #tpu.memory_space<vmem>>) target_semaphore(%arg10 : memref<!tpu.dma_semaphore, #tpu.memory_space<semaphore_mem>>)
    %dma_wait3A_207 = arith.constant 1 : i32
    %dma_wait3A_208 = arith.constant 0 : i32
    %dma_wait3A_209 = arith.constant 4 : i32
    %dma_wait3A_210 = arith.constant 0 : i32
    %dma_wait3A_211 = tpu.memref_slice %arg2[%add3A, %dma_wait3A_207, %dma_wait3A_208, %dma_wait3A_209, %dma_wait3A_210] : memref<32x8x128x8x128xf32, #tpu.memory_space<hbm>> -> memref<1x1x128x2x128xf32, #tpu.memory_space<hbm>>
    %dma_wait3A_212 = tpu.memref_squeeze %dma_wait3A_211 : memref<1x1x128x2x128xf32, #tpu.memory_space<hbm>> -> memref<128x2x128xf32, #tpu.memory_space<hbm>>
    %dma_wait3A_213 = arith.constant 0 : i32
    %dma_wait3A_214 = arith.constant 4 : i32
    %dma_wait3A_215 = arith.constant 0 : i32
    %dma_wait3A_216 = tpu.memref_slice %arg2[%add3A, %dma_wait3A_207, %dma_wait3A_213, %dma_wait3A_214, %dma_wait3A_215] : memref<32x8x128x8x128xf32, #tpu.memory_space<hbm>> -> memref<1x1x128x2x128xf32, #tpu.memory_space<hbm>>
    %dma_wait3A_217 = tpu.memref_squeeze %dma_wait3A_216 : memref<1x1x128x2x128xf32, #tpu.memory_space<hbm>> -> memref<128x2x128xf32, #tpu.memory_space<hbm>>
    tpu.wait_dma2 semaphore(%arg9 : memref<!tpu.dma_semaphore, #tpu.memory_space<semaphore_mem>>) src(%dma_wait3A_217 : memref<128x2x128xf32, #tpu.memory_space<hbm>>) dst(%arg6 : memref<128x2x128xf32, #tpu.memory_space<vmem>>)
    %scan3A_218 = arith.constant 0 : i32
    %scan3A_219 = arith.constant 0 : i32
    %scan3A_220 = arith.constant 64 : i32
    %scan3A_221 = arith.addi %scan3A_219, %scan3A_220 : i32
    %scan3A_222 = arith.constant 1 : i32
    %scan3A_223 = scf.for %scan3A_965 = %scan3A_219 to %scan3A_221 step %scan3A_222 iter_args(%scan3A_966 = %scan3A_218) -> (i32)  : i32 {
      %mul3A_967 = arith.constant 16 : i32
      %mul3A_968 = arith.muli %scan3A_965, %mul3A_967 : i32
      %get3A = arith.index_cast %mul3A_968 : i32 to index
      %get3A_969 = tpu.vector_load %arg5[%get3A] {strides = array<i32>} : memref<1024xi32, #tpu.memory_space<vmem>>, vector<16xi32>,
      %shift_right_arithmetic3A = arith.constant 7 : i32
      %shift_right_arithmetic3A_970 = vector.broadcast %shift_right_arithmetic3A : i32 to vector<16xi32>
      %shift_right_arithmetic3A_971 = arith.shrsi %get3A_969, %shift_right_arithmetic3A_970 : vector<16xi32>
      %and3A = arith.constant 127 : i32
      %and3A_972 = vector.broadcast %and3A : i32 to vector<16xi32>
      %and3A_973 = arith.andi %get3A_969, %and3A_972 : vector<16xi32>
      %jit3A = arith.constant 8 : i32
      %div3A = arith.divsi %scan3A_965, %jit3A : i32
      %sign3A = arith.constant 0 : i32
      %sign3A_974 = arith.cmpi sgt, %scan3A_965, %sign3A : i32
      %sign3A_975 = arith.extui %sign3A_974 : i1 to i32
      %sign3A_976 = arith.constant 0 : i32
      %sign3A_977 = arith.cmpi slt, %scan3A_965, %sign3A_976 : i32
      %sign3A_978 = arith.extui %sign3A_977 : i1 to i32
      %sign3A_979 = arith.subi %sign3A_975, %sign3A_978 : i32
      %sign3A_980 = arith.constant 0 : i32
      %sign3A_981 = arith.cmpi sgt, %jit3A, %sign3A_980 : i32
      %sign3A_982 = arith.extui %sign3A_981 : i1 to i32
      %sign3A_983 = arith.constant 0 : i32
      %sign3A_984 = arith.cmpi slt, %jit3A, %sign3A_983 : i32
      %sign3A_985 = arith.extui %sign3A_984 : i1 to i32
      %sign3A_986 = arith.subi %sign3A_982, %sign3A_985 : i32
      %ne3A = arith.cmpi ne, %sign3A_979, %sign3A_986 : i32
      %rem3A = arith.remsi %scan3A_965, %jit3A : i32
      %ne3A_987 = arith.constant 0 : i32
      %ne3A_988 = arith.cmpi ne, %rem3A, %ne3A_987 : i32
      %and3A_989 = arith.andi %ne3A, %ne3A_988 : i1
      %sub3A = arith.constant 1 : i32
      %sub3A_990 = arith.subi %div3A, %sub3A : i32
      %select_n3A = arith.select %and3A_989, %sub3A_990, %div3A : i32
      %jit3A_991 = arith.constant 8 : i32
      %eq3A = arith.constant 0 : i32
      %eq3A_992 = arith.cmpi eq, %jit3A_991, %eq3A : i32
      %jit3A_993 = arith.constant 1 : i32
      %select_n3A_994 = arith.select %eq3A_992, %jit3A_993, %jit3A_991 : i32
      %rem3A_995 = arith.remsi %scan3A_965, %select_n3A_994 : i32
      %ne3A_996 = arith.constant 0 : i32
      %ne3A_997 = arith.cmpi ne, %rem3A_995, %ne3A_996 : i32
      %lt3A = arith.constant 0 : i32
      %lt3A_998 = arith.cmpi slt, %rem3A_995, %lt3A : i32
      %lt3A_999 = arith.constant 0 : i32
      %lt3A_1000 = arith.cmpi slt, %select_n3A_994, %lt3A_999 : i32
      %ne3A_1001 = arith.xori %lt3A_998, %lt3A_1000 : i1
      %and3A_1002 = arith.andi %ne3A_1001, %ne3A_997 : i1
      %add3A_1003 = arith.addi %rem3A_995, %select_n3A_994 : i32
      %select_n3A_1004 = arith.select %and3A_1002, %add3A_1003, %rem3A_995 : i32
      %mul3A_1005 = arith.constant 16 : i32
      %mul3A_1006 = arith.muli %select_n3A_1004, %mul3A_1005 : i32
      %broadcast_in_dim3A = arith.constant 0 : i32
      %broadcast_in_dim3A_1007 = vector.broadcast %broadcast_in_dim3A : i32 to vector<16xi32>
      %gather3A = tpu.vector_load_idx %arg6[%shift_right_arithmetic3A_971, %broadcast_in_dim3A_1007, %and3A_973] : memref<128x2x128xf32, #tpu.memory_space<vmem>>[vector<16xi32>, vector<16xi32>, vector<16xi32>], vector<16xf32>,
      %swap3A = arith.constant 0 : i32
      %swap3A_1008 = arith.index_cast %select_n3A : i32 to index
      %swap3A_1009 = arith.index_cast %swap3A : i32 to index
      %swap3A_1010 = arith.index_cast %mul3A_1006 : i32 to index
      %swap3A_1011 = tpu.vector_load %arg8[%swap3A_1008, %swap3A_1009, %swap3A_1010] {strides = array<i32>} : memref<8x2x128xf32, #tpu.memory_space<vmem>>, vector<16xf32>,
      tpu.vector_store %arg8[%swap3A_1008, %swap3A_1009, %swap3A_1010], %gather3A {strides = array<i32>} : memref<8x2x128xf32, #tpu.memory_space<vmem>>, vector<16xf32>,
      %broadcast_in_dim3A_1012 = arith.constant 1 : i32
      %broadcast_in_dim3A_1013 = vector.broadcast %broadcast_in_dim3A_1012 : i32 to vector<16xi32>
      %gather3A_1014 = tpu.vector_load_idx %arg6[%shift_right_arithmetic3A_971, %broadcast_in_dim3A_1013, %and3A_973] : memref<128x2x128xf32, #tpu.memory_space<vmem>>[vector<16xi32>, vector<16xi32>, vector<16xi32>], vector<16xf32>,
      %swap3A_1015 = arith.constant 1 : i32
      %swap3A_1016 = arith.index_cast %select_n3A : i32 to index
      %swap3A_1017 = arith.index_cast %swap3A_1015 : i32 to index
      %swap3A_1018 = arith.index_cast %mul3A_1006 : i32 to index
      %swap3A_1019 = tpu.vector_load %arg8[%swap3A_1016, %swap3A_1017, %swap3A_1018] {strides = array<i32>} : memref<8x2x128xf32, #tpu.memory_space<vmem>>, vector<16xf32>,
      tpu.vector_store %arg8[%swap3A_1016, %swap3A_1017, %swap3A_1018], %gather3A_1014 {strides = array<i32>} : memref<8x2x128xf32, #tpu.memory_space<vmem>>, vector<16xf32>,
      %scan3A_1020 = arith.constant 0 : i32
      scf.yield %scan3A_1020 : i32
    }
    %scan3A_224 = arith.constant 64 : i32
    %run_scoped3A_225 = arith.constant 1 : i32
    "tpu.region"() ({
      %run_scoped3A_965 = tpu.sem_alloc : memref<!tpu.dma_semaphore, #tpu.memory_space<semaphore_mem>>
      %dma_start3A_966 = arith.constant 0 : i32
      %dma_start3A_967 = arith.constant 4 : i32
      %dma_start3A_968 = arith.constant 0 : i32
      %dma_start3A_969 = tpu.memref_slice %arg4[%add3A, %run_scoped3A_225, %dma_start3A_966, %dma_start3A_967, %dma_start3A_968] : memref<32x8x8x8x128xf32, #tpu.memory_space<hbm>> -> memref<1x1x8x2x128xf32, #tpu.memory_space<hbm>>
      %dma_start3A_970 = tpu.memref_squeeze %dma_start3A_969 : memref<1x1x8x2x128xf32, #tpu.memory_space<hbm>> -> memref<8x2x128xf32, #tpu.memory_space<hbm>>
      %dma_start3A_971 = arith.constant 0 : i32
      %dma_start3A_972 = arith.constant 4 : i32
      %dma_start3A_973 = arith.constant 0 : i32
      %dma_start3A_974 = tpu.memref_slice %arg4[%add3A, %run_scoped3A_225, %dma_start3A_971, %dma_start3A_972, %dma_start3A_973] : memref<32x8x8x8x128xf32, #tpu.memory_space<hbm>> -> memref<1x1x8x2x128xf32, #tpu.memory_space<hbm>>
      %dma_start3A_975 = tpu.memref_squeeze %dma_start3A_974 : memref<1x1x8x2x128xf32, #tpu.memory_space<hbm>> -> memref<8x2x128xf32, #tpu.memory_space<hbm>>
      tpu.enqueue_dma source(%arg8 : memref<8x2x128xf32, #tpu.memory_space<vmem>>) target(%dma_start3A_975 : memref<8x2x128xf32, #tpu.memory_space<hbm>>) target_semaphore(%run_scoped3A_965 : memref<!tpu.dma_semaphore, #tpu.memory_space<semaphore_mem>>)
      %dma_wait3A_976 = arith.constant 0 : i32
      %dma_wait3A_977 = arith.constant 4 : i32
      %dma_wait3A_978 = arith.constant 0 : i32
      %dma_wait3A_979 = tpu.memref_slice %arg4[%add3A, %run_scoped3A_225, %dma_wait3A_976, %dma_wait3A_977, %dma_wait3A_978] : memref<32x8x8x8x128xf32, #tpu.memory_space<hbm>> -> memref<1x1x8x2x128xf32, #tpu.memory_space<hbm>>
      %dma_wait3A_980 = tpu.memref_squeeze %dma_wait3A_979 : memref<1x1x8x2x128xf32, #tpu.memory_space<hbm>> -> memref<8x2x128xf32, #tpu.memory_space<hbm>>
      %dma_wait3A_981 = arith.constant 0 : i32
      %dma_wait3A_982 = arith.constant 4 : i32
      %dma_wait3A_983 = arith.constant 0 : i32
      %dma_wait3A_984 = tpu.memref_slice %arg4[%add3A, %run_scoped3A_225, %dma_wait3A_981, %dma_wait3A_982, %dma_wait3A_983] : memref<32x8x8x8x128xf32, #tpu.memory_space<hbm>> -> memref<1x1x8x2x128xf32, #tpu.memory_space<hbm>>
      %dma_wait3A_985 = tpu.memref_squeeze %dma_wait3A_984 : memref<1x1x8x2x128xf32, #tpu.memory_space<hbm>> -> memref<8x2x128xf32, #tpu.memory_space<hbm>>
      tpu.wait_dma2 semaphore(%run_scoped3A_965 : memref<!tpu.dma_semaphore, #tpu.memory_space<semaphore_mem>>) src(%arg8 : memref<8x2x128xf32, #tpu.memory_space<vmem>>) dst(%dma_wait3A_985 : memref<8x2x128xf32, #tpu.memory_space<hbm>>)
      tpu.yield
    }) : () -> ()
    %dma_start3A_226 = arith.constant 2 : i32
    %dma_start3A_227 = arith.constant 0 : i32
    %dma_start3A_228 = arith.constant 0 : i32
    %dma_start3A_229 = arith.constant 0 : i32
    %dma_start3A_230 = tpu.memref_slice %arg2[%add3A, %dma_start3A_226, %dma_start3A_227, %dma_start3A_228, %dma_start3A_229] : memref<32x8x128x8x128xf32, #tpu.memory_space<hbm>> -> memref<1x1x128x2x128xf32, #tpu.memory_space<hbm>>
    %dma_start3A_231 = tpu.memref_squeeze %dma_start3A_230 : memref<1x1x128x2x128xf32, #tpu.memory_space<hbm>> -> memref<128x2x128xf32, #tpu.memory_space<hbm>>
    %dma_start3A_232 = arith.constant 0 : i32
    %dma_start3A_233 = arith.constant 0 : i32
    %dma_start3A_234 = arith.constant 0 : i32
    %dma_start3A_235 = tpu.memref_slice %arg2[%add3A, %dma_start3A_226, %dma_start3A_232, %dma_start3A_233, %dma_start3A_234] : memref<32x8x128x8x128xf32, #tpu.memory_space<hbm>> -> memref<1x1x128x2x128xf32, #tpu.memory_space<hbm>>
    %dma_start3A_236 = tpu.memref_squeeze %dma_start3A_235 : memref<1x1x128x2x128xf32, #tpu.memory_space<hbm>> -> memref<128x2x128xf32, #tpu.memory_space<hbm>>
    tpu.enqueue_dma source(%dma_start3A_236 : memref<128x2x128xf32, #tpu.memory_space<hbm>>) target(%arg6 : memref<128x2x128xf32, #tpu.memory_space<vmem>>) target_semaphore(%arg9 : memref<!tpu.dma_semaphore, #tpu.memory_space<semaphore_mem>>)
    %dma_wait3A_237 = arith.constant 1 : i32
    %dma_wait3A_238 = arith.constant 0 : i32
    %dma_wait3A_239 = arith.constant 6 : i32
    %dma_wait3A_240 = arith.constant 0 : i32
    %dma_wait3A_241 = tpu.memref_slice %arg2[%add3A, %dma_wait3A_237, %dma_wait3A_238, %dma_wait3A_239, %dma_wait3A_240] : memref<32x8x128x8x128xf32, #tpu.memory_space<hbm>> -> memref<1x1x128x2x128xf32, #tpu.memory_space<hbm>>
    %dma_wait3A_242 = tpu.memref_squeeze %dma_wait3A_241 : memref<1x1x128x2x128xf32, #tpu.memory_space<hbm>> -> memref<128x2x128xf32, #tpu.memory_space<hbm>>
    %dma_wait3A_243 = arith.constant 0 : i32
    %dma_wait3A_244 = arith.constant 6 : i32
    %dma_wait3A_245 = arith.constant 0 : i32
    %dma_wait3A_246 = tpu.memref_slice %arg2[%add3A, %dma_wait3A_237, %dma_wait3A_243, %dma_wait3A_244, %dma_wait3A_245] : memref<32x8x128x8x128xf32, #tpu.memory_space<hbm>> -> memref<1x1x128x2x128xf32, #tpu.memory_space<hbm>>
    %dma_wait3A_247 = tpu.memref_squeeze %dma_wait3A_246 : memref<1x1x128x2x128xf32, #tpu.memory_space<hbm>> -> memref<128x2x128xf32, #tpu.memory_space<hbm>>
    tpu.wait_dma2 semaphore(%arg10 : memref<!tpu.dma_semaphore, #tpu.memory_space<semaphore_mem>>) src(%dma_wait3A_247 : memref<128x2x128xf32, #tpu.memory_space<hbm>>) dst(%arg7 : memref<128x2x128xf32, #tpu.memory_space<vmem>>)
    %scan3A_248 = arith.constant 0 : i32
    %scan3A_249 = arith.constant 0 : i32
    %scan3A_250 = arith.constant 64 : i32
    %scan3A_251 = arith.addi %scan3A_249, %scan3A_250 : i32
    %scan3A_252 = arith.constant 1 : i32
    %scan3A_253 = scf.for %scan3A_965 = %scan3A_249 to %scan3A_251 step %scan3A_252 iter_args(%scan3A_966 = %scan3A_248) -> (i32)  : i32 {
      %mul3A_967 = arith.constant 16 : i32
      %mul3A_968 = arith.muli %scan3A_965, %mul3A_967 : i32
      %get3A = arith.index_cast %mul3A_968 : i32 to index
      %get3A_969 = tpu.vector_load %arg5[%get3A] {strides = array<i32>} : memref<1024xi32, #tpu.memory_space<vmem>>, vector<16xi32>,
      %shift_right_arithmetic3A = arith.constant 7 : i32
      %shift_right_arithmetic3A_970 = vector.broadcast %shift_right_arithmetic3A : i32 to vector<16xi32>
      %shift_right_arithmetic3A_971 = arith.shrsi %get3A_969, %shift_right_arithmetic3A_970 : vector<16xi32>
      %and3A = arith.constant 127 : i32
      %and3A_972 = vector.broadcast %and3A : i32 to vector<16xi32>
      %and3A_973 = arith.andi %get3A_969, %and3A_972 : vector<16xi32>
      %jit3A = arith.constant 8 : i32
      %div3A = arith.divsi %scan3A_965, %jit3A : i32
      %sign3A = arith.constant 0 : i32
      %sign3A_974 = arith.cmpi sgt, %scan3A_965, %sign3A : i32
      %sign3A_975 = arith.extui %sign3A_974 : i1 to i32
      %sign3A_976 = arith.constant 0 : i32
      %sign3A_977 = arith.cmpi slt, %scan3A_965, %sign3A_976 : i32
      %sign3A_978 = arith.extui %sign3A_977 : i1 to i32
      %sign3A_979 = arith.subi %sign3A_975, %sign3A_978 : i32
      %sign3A_980 = arith.constant 0 : i32
      %sign3A_981 = arith.cmpi sgt, %jit3A, %sign3A_980 : i32
      %sign3A_982 = arith.extui %sign3A_981 : i1 to i32
      %sign3A_983 = arith.constant 0 : i32
      %sign3A_984 = arith.cmpi slt, %jit3A, %sign3A_983 : i32
      %sign3A_985 = arith.extui %sign3A_984 : i1 to i32
      %sign3A_986 = arith.subi %sign3A_982, %sign3A_985 : i32
      %ne3A = arith.cmpi ne, %sign3A_979, %sign3A_986 : i32
      %rem3A = arith.remsi %scan3A_965, %jit3A : i32
      %ne3A_987 = arith.constant 0 : i32
      %ne3A_988 = arith.cmpi ne, %rem3A, %ne3A_987 : i32
      %and3A_989 = arith.andi %ne3A, %ne3A_988 : i1
      %sub3A = arith.constant 1 : i32
      %sub3A_990 = arith.subi %div3A, %sub3A : i32
      %select_n3A = arith.select %and3A_989, %sub3A_990, %div3A : i32
      %jit3A_991 = arith.constant 8 : i32
      %eq3A = arith.constant 0 : i32
      %eq3A_992 = arith.cmpi eq, %jit3A_991, %eq3A : i32
      %jit3A_993 = arith.constant 1 : i32
      %select_n3A_994 = arith.select %eq3A_992, %jit3A_993, %jit3A_991 : i32
      %rem3A_995 = arith.remsi %scan3A_965, %select_n3A_994 : i32
      %ne3A_996 = arith.constant 0 : i32
      %ne3A_997 = arith.cmpi ne, %rem3A_995, %ne3A_996 : i32
      %lt3A = arith.constant 0 : i32
      %lt3A_998 = arith.cmpi slt, %rem3A_995, %lt3A : i32
      %lt3A_999 = arith.constant 0 : i32
      %lt3A_1000 = arith.cmpi slt, %select_n3A_994, %lt3A_999 : i32
      %ne3A_1001 = arith.xori %lt3A_998, %lt3A_1000 : i1
      %and3A_1002 = arith.andi %ne3A_1001, %ne3A_997 : i1
      %add3A_1003 = arith.addi %rem3A_995, %select_n3A_994 : i32
      %select_n3A_1004 = arith.select %and3A_1002, %add3A_1003, %rem3A_995 : i32
      %mul3A_1005 = arith.constant 16 : i32
      %mul3A_1006 = arith.muli %select_n3A_1004, %mul3A_1005 : i32
      %broadcast_in_dim3A = arith.constant 0 : i32
      %broadcast_in_dim3A_1007 = vector.broadcast %broadcast_in_dim3A : i32 to vector<16xi32>
      %gather3A = tpu.vector_load_idx %arg7[%shift_right_arithmetic3A_971, %broadcast_in_dim3A_1007, %and3A_973] : memref<128x2x128xf32, #tpu.memory_space<vmem>>[vector<16xi32>, vector<16xi32>, vector<16xi32>], vector<16xf32>,
      %swap3A = arith.constant 0 : i32
      %swap3A_1008 = arith.index_cast %select_n3A : i32 to index
      %swap3A_1009 = arith.index_cast %swap3A : i32 to index
      %swap3A_1010 = arith.index_cast %mul3A_1006 : i32 to index
      %swap3A_1011 = tpu.vector_load %arg8[%swap3A_1008, %swap3A_1009, %swap3A_1010] {strides = array<i32>} : memref<8x2x128xf32, #tpu.memory_space<vmem>>, vector<16xf32>,
      tpu.vector_store %arg8[%swap3A_1008, %swap3A_1009, %swap3A_1010], %gather3A {strides = array<i32>} : memref<8x2x128xf32, #tpu.memory_space<vmem>>, vector<16xf32>,
      %broadcast_in_dim3A_1012 = arith.constant 1 : i32
      %broadcast_in_dim3A_1013 = vector.broadcast %broadcast_in_dim3A_1012 : i32 to vector<16xi32>
      %gather3A_1014 = tpu.vector_load_idx %arg7[%shift_right_arithmetic3A_971, %broadcast_in_dim3A_1013, %and3A_973] : memref<128x2x128xf32, #tpu.memory_space<vmem>>[vector<16xi32>, vector<16xi32>, vector<16xi32>], vector<16xf32>,
      %swap3A_1015 = arith.constant 1 : i32
      %swap3A_1016 = arith.index_cast %select_n3A : i32 to index
      %swap3A_1017 = arith.index_cast %swap3A_1015 : i32 to index
      %swap3A_1018 = arith.index_cast %mul3A_1006 : i32 to index
      %swap3A_1019 = tpu.vector_load %arg8[%swap3A_1016, %swap3A_1017, %swap3A_1018] {strides = array<i32>} : memref<8x2x128xf32, #tpu.memory_space<vmem>>, vector<16xf32>,
      tpu.vector_store %arg8[%swap3A_1016, %swap3A_1017, %swap3A_1018], %gather3A_1014 {strides = array<i32>} : memref<8x2x128xf32, #tpu.memory_space<vmem>>, vector<16xf32>,
      %scan3A_1020 = arith.constant 0 : i32
      scf.yield %scan3A_1020 : i32
    }
    %scan3A_254 = arith.constant 64 : i32
    %run_scoped3A_255 = arith.constant 1 : i32
    "tpu.region"() ({
      %run_scoped3A_965 = tpu.sem_alloc : memref<!tpu.dma_semaphore, #tpu.memory_space<semaphore_mem>>
      %dma_start3A_966 = arith.constant 0 : i32
      %dma_start3A_967 = arith.constant 6 : i32
      %dma_start3A_968 = arith.constant 0 : i32
      %dma_start3A_969 = tpu.memref_slice %arg4[%add3A, %run_scoped3A_255, %dma_start3A_966, %dma_start3A_967, %dma_start3A_968] : memref<32x8x8x8x128xf32, #tpu.memory_space<hbm>> -> memref<1x1x8x2x128xf32, #tpu.memory_space<hbm>>
      %dma_start3A_970 = tpu.memref_squeeze %dma_start3A_969 : memref<1x1x8x2x128xf32, #tpu.memory_space<hbm>> -> memref<8x2x128xf32, #tpu.memory_space<hbm>>
      %dma_start3A_971 = arith.constant 0 : i32
      %dma_start3A_972 = arith.constant 6 : i32
      %dma_start3A_973 = arith.constant 0 : i32
      %dma_start3A_974 = tpu.memref_slice %arg4[%add3A, %run_scoped3A_255, %dma_start3A_971, %dma_start3A_972, %dma_start3A_973] : memref<32x8x8x8x128xf32, #tpu.memory_space<hbm>> -> memref<1x1x8x2x128xf32, #tpu.memory_space<hbm>>
      %dma_start3A_975 = tpu.memref_squeeze %dma_start3A_974 : memref<1x1x8x2x128xf32, #tpu.memory_space<hbm>> -> memref<8x2x128xf32, #tpu.memory_space<hbm>>
      tpu.enqueue_dma source(%arg8 : memref<8x2x128xf32, #tpu.memory_space<vmem>>) target(%dma_start3A_975 : memref<8x2x128xf32, #tpu.memory_space<hbm>>) target_semaphore(%run_scoped3A_965 : memref<!tpu.dma_semaphore, #tpu.memory_space<semaphore_mem>>)
      %dma_wait3A_976 = arith.constant 0 : i32
      %dma_wait3A_977 = arith.constant 6 : i32
      %dma_wait3A_978 = arith.constant 0 : i32
      %dma_wait3A_979 = tpu.memref_slice %arg4[%add3A, %run_scoped3A_255, %dma_wait3A_976, %dma_wait3A_977, %dma_wait3A_978] : memref<32x8x8x8x128xf32, #tpu.memory_space<hbm>> -> memref<1x1x8x2x128xf32, #tpu.memory_space<hbm>>
      %dma_wait3A_980 = tpu.memref_squeeze %dma_wait3A_979 : memref<1x1x8x2x128xf32, #tpu.memory_space<hbm>> -> memref<8x2x128xf32, #tpu.memory_space<hbm>>
      %dma_wait3A_981 = arith.constant 0 : i32
      %dma_wait3A_982 = arith.constant 6 : i32
      %dma_wait3A_983 = arith.constant 0 : i32
      %dma_wait3A_984 = tpu.memref_slice %arg4[%add3A, %run_scoped3A_255, %dma_wait3A_981, %dma_wait3A_982, %dma_wait3A_983] : memref<32x8x8x8x128xf32, #tpu.memory_space<hbm>> -> memref<1x1x8x2x128xf32, #tpu.memory_space<hbm>>
      %dma_wait3A_985 = tpu.memref_squeeze %dma_wait3A_984 : memref<1x1x8x2x128xf32, #tpu.memory_space<hbm>> -> memref<8x2x128xf32, #tpu.memory_space<hbm>>
      tpu.wait_dma2 semaphore(%run_scoped3A_965 : memref<!tpu.dma_semaphore, #tpu.memory_space<semaphore_mem>>) src(%arg8 : memref<8x2x128xf32, #tpu.memory_space<vmem>>) dst(%dma_wait3A_985 : memref<8x2x128xf32, #tpu.memory_space<hbm>>)
      tpu.yield
    }) : () -> ()
    %dma_start3A_256 = arith.constant 2 : i32
    %dma_start3A_257 = arith.constant 0 : i32
    %dma_start3A_258 = arith.constant 2 : i32
    %dma_start3A_259 = arith.constant 0 : i32
    %dma_start3A_260 = tpu.memref_slice %arg2[%add3A, %dma_start3A_256, %dma_start3A_257, %dma_start3A_258, %dma_start3A_259] : memref<32x8x128x8x128xf32, #tpu.memory_space<hbm>> -> memref<1x1x128x2x128xf32, #tpu.memory_space<hbm>>
    %dma_start3A_261 = tpu.memref_squeeze %dma_start3A_260 : memref<1x1x128x2x128xf32, #tpu.memory_space<hbm>> -> memref<128x2x128xf32, #tpu.memory_space<hbm>>
    %dma_start3A_262 = arith.constant 0 : i32
    %dma_start3A_263 = arith.constant 2 : i32
    %dma_start3A_264 = arith.constant 0 : i32
    %dma_start3A_265 = tpu.memref_slice %arg2[%add3A, %dma_start3A_256, %dma_start3A_262, %dma_start3A_263, %dma_start3A_264] : memref<32x8x128x8x128xf32, #tpu.memory_space<hbm>> -> memref<1x1x128x2x128xf32, #tpu.memory_space<hbm>>
    %dma_start3A_266 = tpu.memref_squeeze %dma_start3A_265 : memref<1x1x128x2x128xf32, #tpu.memory_space<hbm>> -> memref<128x2x128xf32, #tpu.memory_space<hbm>>
    tpu.enqueue_dma source(%dma_start3A_266 : memref<128x2x128xf32, #tpu.memory_space<hbm>>) target(%arg7 : memref<128x2x128xf32, #tpu.memory_space<vmem>>) target_semaphore(%arg10 : memref<!tpu.dma_semaphore, #tpu.memory_space<semaphore_mem>>)
    %dma_wait3A_267 = arith.constant 2 : i32
    %dma_wait3A_268 = arith.constant 0 : i32
    %dma_wait3A_269 = arith.constant 0 : i32
    %dma_wait3A_270 = arith.constant 0 : i32
    %dma_wait3A_271 = tpu.memref_slice %arg2[%add3A, %dma_wait3A_267, %dma_wait3A_268, %dma_wait3A_269, %dma_wait3A_270] : memref<32x8x128x8x128xf32, #tpu.memory_space<hbm>> -> memref<1x1x128x2x128xf32, #tpu.memory_space<hbm>>
    %dma_wait3A_272 = tpu.memref_squeeze %dma_wait3A_271 : memref<1x1x128x2x128xf32, #tpu.memory_space<hbm>> -> memref<128x2x128xf32, #tpu.memory_space<hbm>>
    %dma_wait3A_273 = arith.constant 0 : i32
    %dma_wait3A_274 = arith.constant 0 : i32
    %dma_wait3A_275 = arith.constant 0 : i32
    %dma_wait3A_276 = tpu.memref_slice %arg2[%add3A, %dma_wait3A_267, %dma_wait3A_273, %dma_wait3A_274, %dma_wait3A_275] : memref<32x8x128x8x128xf32, #tpu.memory_space<hbm>> -> memref<1x1x128x2x128xf32, #tpu.memory_space<hbm>>
    %dma_wait3A_277 = tpu.memref_squeeze %dma_wait3A_276 : memref<1x1x128x2x128xf32, #tpu.memory_space<hbm>> -> memref<128x2x128xf32, #tpu.memory_space<hbm>>
    tpu.wait_dma2 semaphore(%arg9 : memref<!tpu.dma_semaphore, #tpu.memory_space<semaphore_mem>>) src(%dma_wait3A_277 : memref<128x2x128xf32, #tpu.memory_space<hbm>>) dst(%arg6 : memref<128x2x128xf32, #tpu.memory_space<vmem>>)
    %scan3A_278 = arith.constant 0 : i32
    %scan3A_279 = arith.constant 0 : i32
    %scan3A_280 = arith.constant 64 : i32
    %scan3A_281 = arith.addi %scan3A_279, %scan3A_280 : i32
    %scan3A_282 = arith.constant 1 : i32
    %scan3A_283 = scf.for %scan3A_965 = %scan3A_279 to %scan3A_281 step %scan3A_282 iter_args(%scan3A_966 = %scan3A_278) -> (i32)  : i32 {
      %mul3A_967 = arith.constant 16 : i32
      %mul3A_968 = arith.muli %scan3A_965, %mul3A_967 : i32
      %get3A = arith.index_cast %mul3A_968 : i32 to index
      %get3A_969 = tpu.vector_load %arg5[%get3A] {strides = array<i32>} : memref<1024xi32, #tpu.memory_space<vmem>>, vector<16xi32>,
      %shift_right_arithmetic3A = arith.constant 7 : i32
      %shift_right_arithmetic3A_970 = vector.broadcast %shift_right_arithmetic3A : i32 to vector<16xi32>
      %shift_right_arithmetic3A_971 = arith.shrsi %get3A_969, %shift_right_arithmetic3A_970 : vector<16xi32>
      %and3A = arith.constant 127 : i32
      %and3A_972 = vector.broadcast %and3A : i32 to vector<16xi32>
      %and3A_973 = arith.andi %get3A_969, %and3A_972 : vector<16xi32>
      %jit3A = arith.constant 8 : i32
      %div3A = arith.divsi %scan3A_965, %jit3A : i32
      %sign3A = arith.constant 0 : i32
      %sign3A_974 = arith.cmpi sgt, %scan3A_965, %sign3A : i32
      %sign3A_975 = arith.extui %sign3A_974 : i1 to i32
      %sign3A_976 = arith.constant 0 : i32
      %sign3A_977 = arith.cmpi slt, %scan3A_965, %sign3A_976 : i32
      %sign3A_978 = arith.extui %sign3A_977 : i1 to i32
      %sign3A_979 = arith.subi %sign3A_975, %sign3A_978 : i32
      %sign3A_980 = arith.constant 0 : i32
      %sign3A_981 = arith.cmpi sgt, %jit3A, %sign3A_980 : i32
      %sign3A_982 = arith.extui %sign3A_981 : i1 to i32
      %sign3A_983 = arith.constant 0 : i32
      %sign3A_984 = arith.cmpi slt, %jit3A, %sign3A_983 : i32
      %sign3A_985 = arith.extui %sign3A_984 : i1 to i32
      %sign3A_986 = arith.subi %sign3A_982, %sign3A_985 : i32
      %ne3A = arith.cmpi ne, %sign3A_979, %sign3A_986 : i32
      %rem3A = arith.remsi %scan3A_965, %jit3A : i32
      %ne3A_987 = arith.constant 0 : i32
      %ne3A_988 = arith.cmpi ne, %rem3A, %ne3A_987 : i32
      %and3A_989 = arith.andi %ne3A, %ne3A_988 : i1
      %sub3A = arith.constant 1 : i32
      %sub3A_990 = arith.subi %div3A, %sub3A : i32
      %select_n3A = arith.select %and3A_989, %sub3A_990, %div3A : i32
      %jit3A_991 = arith.constant 8 : i32
      %eq3A = arith.constant 0 : i32
      %eq3A_992 = arith.cmpi eq, %jit3A_991, %eq3A : i32
      %jit3A_993 = arith.constant 1 : i32
      %select_n3A_994 = arith.select %eq3A_992, %jit3A_993, %jit3A_991 : i32
      %rem3A_995 = arith.remsi %scan3A_965, %select_n3A_994 : i32
      %ne3A_996 = arith.constant 0 : i32
      %ne3A_997 = arith.cmpi ne, %rem3A_995, %ne3A_996 : i32
      %lt3A = arith.constant 0 : i32
      %lt3A_998 = arith.cmpi slt, %rem3A_995, %lt3A : i32
      %lt3A_999 = arith.constant 0 : i32
      %lt3A_1000 = arith.cmpi slt, %select_n3A_994, %lt3A_999 : i32
      %ne3A_1001 = arith.xori %lt3A_998, %lt3A_1000 : i1
      %and3A_1002 = arith.andi %ne3A_1001, %ne3A_997 : i1
      %add3A_1003 = arith.addi %rem3A_995, %select_n3A_994 : i32
      %select_n3A_1004 = arith.select %and3A_1002, %add3A_1003, %rem3A_995 : i32
      %mul3A_1005 = arith.constant 16 : i32
      %mul3A_1006 = arith.muli %select_n3A_1004, %mul3A_1005 : i32
      %broadcast_in_dim3A = arith.constant 0 : i32
      %broadcast_in_dim3A_1007 = vector.broadcast %broadcast_in_dim3A : i32 to vector<16xi32>
      %gather3A = tpu.vector_load_idx %arg6[%shift_right_arithmetic3A_971, %broadcast_in_dim3A_1007, %and3A_973] : memref<128x2x128xf32, #tpu.memory_space<vmem>>[vector<16xi32>, vector<16xi32>, vector<16xi32>], vector<16xf32>,
      %swap3A = arith.constant 0 : i32
      %swap3A_1008 = arith.index_cast %select_n3A : i32 to index
      %swap3A_1009 = arith.index_cast %swap3A : i32 to index
      %swap3A_1010 = arith.index_cast %mul3A_1006 : i32 to index
      %swap3A_1011 = tpu.vector_load %arg8[%swap3A_1008, %swap3A_1009, %swap3A_1010] {strides = array<i32>} : memref<8x2x128xf32, #tpu.memory_space<vmem>>, vector<16xf32>,
      tpu.vector_store %arg8[%swap3A_1008, %swap3A_1009, %swap3A_1010], %gather3A {strides = array<i32>} : memref<8x2x128xf32, #tpu.memory_space<vmem>>, vector<16xf32>,
      %broadcast_in_dim3A_1012 = arith.constant 1 : i32
      %broadcast_in_dim3A_1013 = vector.broadcast %broadcast_in_dim3A_1012 : i32 to vector<16xi32>
      %gather3A_1014 = tpu.vector_load_idx %arg6[%shift_right_arithmetic3A_971, %broadcast_in_dim3A_1013, %and3A_973] : memref<128x2x128xf32, #tpu.memory_space<vmem>>[vector<16xi32>, vector<16xi32>, vector<16xi32>], vector<16xf32>,
      %swap3A_1015 = arith.constant 1 : i32
      %swap3A_1016 = arith.index_cast %select_n3A : i32 to index
      %swap3A_1017 = arith.index_cast %swap3A_1015 : i32 to index
      %swap3A_1018 = arith.index_cast %mul3A_1006 : i32 to index
      %swap3A_1019 = tpu.vector_load %arg8[%swap3A_1016, %swap3A_1017, %swap3A_1018] {strides = array<i32>} : memref<8x2x128xf32, #tpu.memory_space<vmem>>, vector<16xf32>,
      tpu.vector_store %arg8[%swap3A_1016, %swap3A_1017, %swap3A_1018], %gather3A_1014 {strides = array<i32>} : memref<8x2x128xf32, #tpu.memory_space<vmem>>, vector<16xf32>,
      %scan3A_1020 = arith.constant 0 : i32
      scf.yield %scan3A_1020 : i32
    }
    %scan3A_284 = arith.constant 64 : i32
    %run_scoped3A_285 = arith.constant 2 : i32
    "tpu.region"() ({
      %run_scoped3A_965 = tpu.sem_alloc : memref<!tpu.dma_semaphore, #tpu.memory_space<semaphore_mem>>
      %dma_start3A_966 = arith.constant 0 : i32
      %dma_start3A_967 = arith.constant 0 : i32
      %dma_start3A_968 = arith.constant 0 : i32
      %dma_start3A_969 = tpu.memref_slice %arg4[%add3A, %run_scoped3A_285, %dma_start3A_966, %dma_start3A_967, %dma_start3A_968] : memref<32x8x8x8x128xf32, #tpu.memory_space<hbm>> -> memref<1x1x8x2x128xf32, #tpu.memory_space<hbm>>
      %dma_start3A_970 = tpu.memref_squeeze %dma_start3A_969 : memref<1x1x8x2x128xf32, #tpu.memory_space<hbm>> -> memref<8x2x128xf32, #tpu.memory_space<hbm>>
      %dma_start3A_971 = arith.constant 0 : i32
      %dma_start3A_972 = arith.constant 0 : i32
      %dma_start3A_973 = arith.constant 0 : i32
      %dma_start3A_974 = tpu.memref_slice %arg4[%add3A, %run_scoped3A_285, %dma_start3A_971, %dma_start3A_972, %dma_start3A_973] : memref<32x8x8x8x128xf32, #tpu.memory_space<hbm>> -> memref<1x1x8x2x128xf32, #tpu.memory_space<hbm>>
      %dma_start3A_975 = tpu.memref_squeeze %dma_start3A_974 : memref<1x1x8x2x128xf32, #tpu.memory_space<hbm>> -> memref<8x2x128xf32, #tpu.memory_space<hbm>>
      tpu.enqueue_dma source(%arg8 : memref<8x2x128xf32, #tpu.memory_space<vmem>>) target(%dma_start3A_975 : memref<8x2x128xf32, #tpu.memory_space<hbm>>) target_semaphore(%run_scoped3A_965 : memref<!tpu.dma_semaphore, #tpu.memory_space<semaphore_mem>>)
      %dma_wait3A_976 = arith.constant 0 : i32
      %dma_wait3A_977 = arith.constant 0 : i32
      %dma_wait3A_978 = arith.constant 0 : i32
      %dma_wait3A_979 = tpu.memref_slice %arg4[%add3A, %run_scoped3A_285, %dma_wait3A_976, %dma_wait3A_977, %dma_wait3A_978] : memref<32x8x8x8x128xf32, #tpu.memory_space<hbm>> -> memref<1x1x8x2x128xf32, #tpu.memory_space<hbm>>
      %dma_wait3A_980 = tpu.memref_squeeze %dma_wait3A_979 : memref<1x1x8x2x128xf32, #tpu.memory_space<hbm>> -> memref<8x2x128xf32, #tpu.memory_space<hbm>>
      %dma_wait3A_981 = arith.constant 0 : i32
      %dma_wait3A_982 = arith.constant 0 : i32
      %dma_wait3A_983 = arith.constant 0 : i32
      %dma_wait3A_984 = tpu.memref_slice %arg4[%add3A, %run_scoped3A_285, %dma_wait3A_981, %dma_wait3A_982, %dma_wait3A_983] : memref<32x8x8x8x128xf32, #tpu.memory_space<hbm>> -> memref<1x1x8x2x128xf32, #tpu.memory_space<hbm>>
      %dma_wait3A_985 = tpu.memref_squeeze %dma_wait3A_984 : memref<1x1x8x2x128xf32, #tpu.memory_space<hbm>> -> memref<8x2x128xf32, #tpu.memory_space<hbm>>
      tpu.wait_dma2 semaphore(%run_scoped3A_965 : memref<!tpu.dma_semaphore, #tpu.memory_space<semaphore_mem>>) src(%arg8 : memref<8x2x128xf32, #tpu.memory_space<vmem>>) dst(%dma_wait3A_985 : memref<8x2x128xf32, #tpu.memory_space<hbm>>)
      tpu.yield
    }) : () -> ()
    %dma_start3A_286 = arith.constant 2 : i32
    %dma_start3A_287 = arith.constant 0 : i32
    %dma_start3A_288 = arith.constant 4 : i32
    %dma_start3A_289 = arith.constant 0 : i32
    %dma_start3A_290 = tpu.memref_slice %arg2[%add3A, %dma_start3A_286, %dma_start3A_287, %dma_start3A_288, %dma_start3A_289] : memref<32x8x128x8x128xf32, #tpu.memory_space<hbm>> -> memref<1x1x128x2x128xf32, #tpu.memory_space<hbm>>
    %dma_start3A_291 = tpu.memref_squeeze %dma_start3A_290 : memref<1x1x128x2x128xf32, #tpu.memory_space<hbm>> -> memref<128x2x128xf32, #tpu.memory_space<hbm>>
    %dma_start3A_292 = arith.constant 0 : i32
    %dma_start3A_293 = arith.constant 4 : i32
    %dma_start3A_294 = arith.constant 0 : i32
    %dma_start3A_295 = tpu.memref_slice %arg2[%add3A, %dma_start3A_286, %dma_start3A_292, %dma_start3A_293, %dma_start3A_294] : memref<32x8x128x8x128xf32, #tpu.memory_space<hbm>> -> memref<1x1x128x2x128xf32, #tpu.memory_space<hbm>>
    %dma_start3A_296 = tpu.memref_squeeze %dma_start3A_295 : memref<1x1x128x2x128xf32, #tpu.memory_space<hbm>> -> memref<128x2x128xf32, #tpu.memory_space<hbm>>
    tpu.enqueue_dma source(%dma_start3A_296 : memref<128x2x128xf32, #tpu.memory_space<hbm>>) target(%arg6 : memref<128x2x128xf32, #tpu.memory_space<vmem>>) target_semaphore(%arg9 : memref<!tpu.dma_semaphore, #tpu.memory_space<semaphore_mem>>)
    %dma_wait3A_297 = arith.constant 2 : i32
    %dma_wait3A_298 = arith.constant 0 : i32
    %dma_wait3A_299 = arith.constant 2 : i32
    %dma_wait3A_300 = arith.constant 0 : i32
    %dma_wait3A_301 = tpu.memref_slice %arg2[%add3A, %dma_wait3A_297, %dma_wait3A_298, %dma_wait3A_299, %dma_wait3A_300] : memref<32x8x128x8x128xf32, #tpu.memory_space<hbm>> -> memref<1x1x128x2x128xf32, #tpu.memory_space<hbm>>
    %dma_wait3A_302 = tpu.memref_squeeze %dma_wait3A_301 : memref<1x1x128x2x128xf32, #tpu.memory_space<hbm>> -> memref<128x2x128xf32, #tpu.memory_space<hbm>>
    %dma_wait3A_303 = arith.constant 0 : i32
    %dma_wait3A_304 = arith.constant 2 : i32
    %dma_wait3A_305 = arith.constant 0 : i32
    %dma_wait3A_306 = tpu.memref_slice %arg2[%add3A, %dma_wait3A_297, %dma_wait3A_303, %dma_wait3A_304, %dma_wait3A_305] : memref<32x8x128x8x128xf32, #tpu.memory_space<hbm>> -> memref<1x1x128x2x128xf32, #tpu.memory_space<hbm>>
    %dma_wait3A_307 = tpu.memref_squeeze %dma_wait3A_306 : memref<1x1x128x2x128xf32, #tpu.memory_space<hbm>> -> memref<128x2x128xf32, #tpu.memory_space<hbm>>
    tpu.wait_dma2 semaphore(%arg10 : memref<!tpu.dma_semaphore, #tpu.memory_space<semaphore_mem>>) src(%dma_wait3A_307 : memref<128x2x128xf32, #tpu.memory_space<hbm>>) dst(%arg7 : memref<128x2x128xf32, #tpu.memory_space<vmem>>)
    %scan3A_308 = arith.constant 0 : i32
    %scan3A_309 = arith.constant 0 : i32
    %scan3A_310 = arith.constant 64 : i32
    %scan3A_311 = arith.addi %scan3A_309, %scan3A_310 : i32
    %scan3A_312 = arith.constant 1 : i32
    %scan3A_313 = scf.for %scan3A_965 = %scan3A_309 to %scan3A_311 step %scan3A_312 iter_args(%scan3A_966 = %scan3A_308) -> (i32)  : i32 {
      %mul3A_967 = arith.constant 16 : i32
      %mul3A_968 = arith.muli %scan3A_965, %mul3A_967 : i32
      %get3A = arith.index_cast %mul3A_968 : i32 to index
      %get3A_969 = tpu.vector_load %arg5[%get3A] {strides = array<i32>} : memref<1024xi32, #tpu.memory_space<vmem>>, vector<16xi32>,
      %shift_right_arithmetic3A = arith.constant 7 : i32
      %shift_right_arithmetic3A_970 = vector.broadcast %shift_right_arithmetic3A : i32 to vector<16xi32>
      %shift_right_arithmetic3A_971 = arith.shrsi %get3A_969, %shift_right_arithmetic3A_970 : vector<16xi32>
      %and3A = arith.constant 127 : i32
      %and3A_972 = vector.broadcast %and3A : i32 to vector<16xi32>
      %and3A_973 = arith.andi %get3A_969, %and3A_972 : vector<16xi32>
      %jit3A = arith.constant 8 : i32
      %div3A = arith.divsi %scan3A_965, %jit3A : i32
      %sign3A = arith.constant 0 : i32
      %sign3A_974 = arith.cmpi sgt, %scan3A_965, %sign3A : i32
      %sign3A_975 = arith.extui %sign3A_974 : i1 to i32
      %sign3A_976 = arith.constant 0 : i32
      %sign3A_977 = arith.cmpi slt, %scan3A_965, %sign3A_976 : i32
      %sign3A_978 = arith.extui %sign3A_977 : i1 to i32
      %sign3A_979 = arith.subi %sign3A_975, %sign3A_978 : i32
      %sign3A_980 = arith.constant 0 : i32
      %sign3A_981 = arith.cmpi sgt, %jit3A, %sign3A_980 : i32
      %sign3A_982 = arith.extui %sign3A_981 : i1 to i32
      %sign3A_983 = arith.constant 0 : i32
      %sign3A_984 = arith.cmpi slt, %jit3A, %sign3A_983 : i32
      %sign3A_985 = arith.extui %sign3A_984 : i1 to i32
      %sign3A_986 = arith.subi %sign3A_982, %sign3A_985 : i32
      %ne3A = arith.cmpi ne, %sign3A_979, %sign3A_986 : i32
      %rem3A = arith.remsi %scan3A_965, %jit3A : i32
      %ne3A_987 = arith.constant 0 : i32
      %ne3A_988 = arith.cmpi ne, %rem3A, %ne3A_987 : i32
      %and3A_989 = arith.andi %ne3A, %ne3A_988 : i1
      %sub3A = arith.constant 1 : i32
      %sub3A_990 = arith.subi %div3A, %sub3A : i32
      %select_n3A = arith.select %and3A_989, %sub3A_990, %div3A : i32
      %jit3A_991 = arith.constant 8 : i32
      %eq3A = arith.constant 0 : i32
      %eq3A_992 = arith.cmpi eq, %jit3A_991, %eq3A : i32
      %jit3A_993 = arith.constant 1 : i32
      %select_n3A_994 = arith.select %eq3A_992, %jit3A_993, %jit3A_991 : i32
      %rem3A_995 = arith.remsi %scan3A_965, %select_n3A_994 : i32
      %ne3A_996 = arith.constant 0 : i32
      %ne3A_997 = arith.cmpi ne, %rem3A_995, %ne3A_996 : i32
      %lt3A = arith.constant 0 : i32
      %lt3A_998 = arith.cmpi slt, %rem3A_995, %lt3A : i32
      %lt3A_999 = arith.constant 0 : i32
      %lt3A_1000 = arith.cmpi slt, %select_n3A_994, %lt3A_999 : i32
      %ne3A_1001 = arith.xori %lt3A_998, %lt3A_1000 : i1
      %and3A_1002 = arith.andi %ne3A_1001, %ne3A_997 : i1
      %add3A_1003 = arith.addi %rem3A_995, %select_n3A_994 : i32
      %select_n3A_1004 = arith.select %and3A_1002, %add3A_1003, %rem3A_995 : i32
      %mul3A_1005 = arith.constant 16 : i32
      %mul3A_1006 = arith.muli %select_n3A_1004, %mul3A_1005 : i32
      %broadcast_in_dim3A = arith.constant 0 : i32
      %broadcast_in_dim3A_1007 = vector.broadcast %broadcast_in_dim3A : i32 to vector<16xi32>
      %gather3A = tpu.vector_load_idx %arg7[%shift_right_arithmetic3A_971, %broadcast_in_dim3A_1007, %and3A_973] : memref<128x2x128xf32, #tpu.memory_space<vmem>>[vector<16xi32>, vector<16xi32>, vector<16xi32>], vector<16xf32>,
      %swap3A = arith.constant 0 : i32
      %swap3A_1008 = arith.index_cast %select_n3A : i32 to index
      %swap3A_1009 = arith.index_cast %swap3A : i32 to index
      %swap3A_1010 = arith.index_cast %mul3A_1006 : i32 to index
      %swap3A_1011 = tpu.vector_load %arg8[%swap3A_1008, %swap3A_1009, %swap3A_1010] {strides = array<i32>} : memref<8x2x128xf32, #tpu.memory_space<vmem>>, vector<16xf32>,
      tpu.vector_store %arg8[%swap3A_1008, %swap3A_1009, %swap3A_1010], %gather3A {strides = array<i32>} : memref<8x2x128xf32, #tpu.memory_space<vmem>>, vector<16xf32>,
      %broadcast_in_dim3A_1012 = arith.constant 1 : i32
      %broadcast_in_dim3A_1013 = vector.broadcast %broadcast_in_dim3A_1012 : i32 to vector<16xi32>
      %gather3A_1014 = tpu.vector_load_idx %arg7[%shift_right_arithmetic3A_971, %broadcast_in_dim3A_1013, %and3A_973] : memref<128x2x128xf32, #tpu.memory_space<vmem>>[vector<16xi32>, vector<16xi32>, vector<16xi32>], vector<16xf32>,
      %swap3A_1015 = arith.constant 1 : i32
      %swap3A_1016 = arith.index_cast %select_n3A : i32 to index
      %swap3A_1017 = arith.index_cast %swap3A_1015 : i32 to index
      %swap3A_1018 = arith.index_cast %mul3A_1006 : i32 to index
      %swap3A_1019 = tpu.vector_load %arg8[%swap3A_1016, %swap3A_1017, %swap3A_1018] {strides = array<i32>} : memref<8x2x128xf32, #tpu.memory_space<vmem>>, vector<16xf32>,
      tpu.vector_store %arg8[%swap3A_1016, %swap3A_1017, %swap3A_1018], %gather3A_1014 {strides = array<i32>} : memref<8x2x128xf32, #tpu.memory_space<vmem>>, vector<16xf32>,
      %scan3A_1020 = arith.constant 0 : i32
      scf.yield %scan3A_1020 : i32
    }
    %scan3A_314 = arith.constant 64 : i32
    %run_scoped3A_315 = arith.constant 2 : i32
    "tpu.region"() ({
      %run_scoped3A_965 = tpu.sem_alloc : memref<!tpu.dma_semaphore, #tpu.memory_space<semaphore_mem>>
      %dma_start3A_966 = arith.constant 0 : i32
      %dma_start3A_967 = arith.constant 2 : i32
      %dma_start3A_968 = arith.constant 0 : i32
      %dma_start3A_969 = tpu.memref_slice %arg4[%add3A, %run_scoped3A_315, %dma_start3A_966, %dma_start3A_967, %dma_start3A_968] : memref<32x8x8x8x128xf32, #tpu.memory_space<hbm>> -> memref<1x1x8x2x128xf32, #tpu.memory_space<hbm>>
      %dma_start3A_970 = tpu.memref_squeeze %dma_start3A_969 : memref<1x1x8x2x128xf32, #tpu.memory_space<hbm>> -> memref<8x2x128xf32, #tpu.memory_space<hbm>>
      %dma_start3A_971 = arith.constant 0 : i32
      %dma_start3A_972 = arith.constant 2 : i32
      %dma_start3A_973 = arith.constant 0 : i32
      %dma_start3A_974 = tpu.memref_slice %arg4[%add3A, %run_scoped3A_315, %dma_start3A_971, %dma_start3A_972, %dma_start3A_973] : memref<32x8x8x8x128xf32, #tpu.memory_space<hbm>> -> memref<1x1x8x2x128xf32, #tpu.memory_space<hbm>>
      %dma_start3A_975 = tpu.memref_squeeze %dma_start3A_974 : memref<1x1x8x2x128xf32, #tpu.memory_space<hbm>> -> memref<8x2x128xf32, #tpu.memory_space<hbm>>
      tpu.enqueue_dma source(%arg8 : memref<8x2x128xf32, #tpu.memory_space<vmem>>) target(%dma_start3A_975 : memref<8x2x128xf32, #tpu.memory_space<hbm>>) target_semaphore(%run_scoped3A_965 : memref<!tpu.dma_semaphore, #tpu.memory_space<semaphore_mem>>)
      %dma_wait3A_976 = arith.constant 0 : i32
      %dma_wait3A_977 = arith.constant 2 : i32
      %dma_wait3A_978 = arith.constant 0 : i32
      %dma_wait3A_979 = tpu.memref_slice %arg4[%add3A, %run_scoped3A_315, %dma_wait3A_976, %dma_wait3A_977, %dma_wait3A_978] : memref<32x8x8x8x128xf32, #tpu.memory_space<hbm>> -> memref<1x1x8x2x128xf32, #tpu.memory_space<hbm>>
      %dma_wait3A_980 = tpu.memref_squeeze %dma_wait3A_979 : memref<1x1x8x2x128xf32, #tpu.memory_space<hbm>> -> memref<8x2x128xf32, #tpu.memory_space<hbm>>
      %dma_wait3A_981 = arith.constant 0 : i32
      %dma_wait3A_982 = arith.constant 2 : i32
      %dma_wait3A_983 = arith.constant 0 : i32
      %dma_wait3A_984 = tpu.memref_slice %arg4[%add3A, %run_scoped3A_315, %dma_wait3A_981, %dma_wait3A_982, %dma_wait3A_983] : memref<32x8x8x8x128xf32, #tpu.memory_space<hbm>> -> memref<1x1x8x2x128xf32, #tpu.memory_space<hbm>>
      %dma_wait3A_985 = tpu.memref_squeeze %dma_wait3A_984 : memref<1x1x8x2x128xf32, #tpu.memory_space<hbm>> -> memref<8x2x128xf32, #tpu.memory_space<hbm>>
      tpu.wait_dma2 semaphore(%run_scoped3A_965 : memref<!tpu.dma_semaphore, #tpu.memory_space<semaphore_mem>>) src(%arg8 : memref<8x2x128xf32, #tpu.memory_space<vmem>>) dst(%dma_wait3A_985 : memref<8x2x128xf32, #tpu.memory_space<hbm>>)
      tpu.yield
    }) : () -> ()
    %dma_start3A_316 = arith.constant 2 : i32
    %dma_start3A_317 = arith.constant 0 : i32
    %dma_start3A_318 = arith.constant 6 : i32
    %dma_start3A_319 = arith.constant 0 : i32
    %dma_start3A_320 = tpu.memref_slice %arg2[%add3A, %dma_start3A_316, %dma_start3A_317, %dma_start3A_318, %dma_start3A_319] : memref<32x8x128x8x128xf32, #tpu.memory_space<hbm>> -> memref<1x1x128x2x128xf32, #tpu.memory_space<hbm>>
    %dma_start3A_321 = tpu.memref_squeeze %dma_start3A_320 : memref<1x1x128x2x128xf32, #tpu.memory_space<hbm>> -> memref<128x2x128xf32, #tpu.memory_space<hbm>>
    %dma_start3A_322 = arith.constant 0 : i32
    %dma_start3A_323 = arith.constant 6 : i32
    %dma_start3A_324 = arith.constant 0 : i32
    %dma_start3A_325 = tpu.memref_slice %arg2[%add3A, %dma_start3A_316, %dma_start3A_322, %dma_start3A_323, %dma_start3A_324] : memref<32x8x128x8x128xf32, #tpu.memory_space<hbm>> -> memref<1x1x128x2x128xf32, #tpu.memory_space<hbm>>
    %dma_start3A_326 = tpu.memref_squeeze %dma_start3A_325 : memref<1x1x128x2x128xf32, #tpu.memory_space<hbm>> -> memref<128x2x128xf32, #tpu.memory_space<hbm>>
    tpu.enqueue_dma source(%dma_start3A_326 : memref<128x2x128xf32, #tpu.memory_space<hbm>>) target(%arg7 : memref<128x2x128xf32, #tpu.memory_space<vmem>>) target_semaphore(%arg10 : memref<!tpu.dma_semaphore, #tpu.memory_space<semaphore_mem>>)
    %dma_wait3A_327 = arith.constant 2 : i32
    %dma_wait3A_328 = arith.constant 0 : i32
    %dma_wait3A_329 = arith.constant 4 : i32
    %dma_wait3A_330 = arith.constant 0 : i32
    %dma_wait3A_331 = tpu.memref_slice %arg2[%add3A, %dma_wait3A_327, %dma_wait3A_328, %dma_wait3A_329, %dma_wait3A_330] : memref<32x8x128x8x128xf32, #tpu.memory_space<hbm>> -> memref<1x1x128x2x128xf32, #tpu.memory_space<hbm>>
    %dma_wait3A_332 = tpu.memref_squeeze %dma_wait3A_331 : memref<1x1x128x2x128xf32, #tpu.memory_space<hbm>> -> memref<128x2x128xf32, #tpu.memory_space<hbm>>
    %dma_wait3A_333 = arith.constant 0 : i32
    %dma_wait3A_334 = arith.constant 4 : i32
    %dma_wait3A_335 = arith.constant 0 : i32
    %dma_wait3A_336 = tpu.memref_slice %arg2[%add3A, %dma_wait3A_327, %dma_wait3A_333, %dma_wait3A_334, %dma_wait3A_335] : memref<32x8x128x8x128xf32, #tpu.memory_space<hbm>> -> memref<1x1x128x2x128xf32, #tpu.memory_space<hbm>>
    %dma_wait3A_337 = tpu.memref_squeeze %dma_wait3A_336 : memref<1x1x128x2x128xf32, #tpu.memory_space<hbm>> -> memref<128x2x128xf32, #tpu.memory_space<hbm>>
    tpu.wait_dma2 semaphore(%arg9 : memref<!tpu.dma_semaphore, #tpu.memory_space<semaphore_mem>>) src(%dma_wait3A_337 : memref<128x2x128xf32, #tpu.memory_space<hbm>>) dst(%arg6 : memref<128x2x128xf32, #tpu.memory_space<vmem>>)
    %scan3A_338 = arith.constant 0 : i32
    %scan3A_339 = arith.constant 0 : i32
    %scan3A_340 = arith.constant 64 : i32
    %scan3A_341 = arith.addi %scan3A_339, %scan3A_340 : i32
    %scan3A_342 = arith.constant 1 : i32
    %scan3A_343 = scf.for %scan3A_965 = %scan3A_339 to %scan3A_341 step %scan3A_342 iter_args(%scan3A_966 = %scan3A_338) -> (i32)  : i32 {
      %mul3A_967 = arith.constant 16 : i32
      %mul3A_968 = arith.muli %scan3A_965, %mul3A_967 : i32
      %get3A = arith.index_cast %mul3A_968 : i32 to index
      %get3A_969 = tpu.vector_load %arg5[%get3A] {strides = array<i32>} : memref<1024xi32, #tpu.memory_space<vmem>>, vector<16xi32>,
      %shift_right_arithmetic3A = arith.constant 7 : i32
      %shift_right_arithmetic3A_970 = vector.broadcast %shift_right_arithmetic3A : i32 to vector<16xi32>
      %shift_right_arithmetic3A_971 = arith.shrsi %get3A_969, %shift_right_arithmetic3A_970 : vector<16xi32>
      %and3A = arith.constant 127 : i32
      %and3A_972 = vector.broadcast %and3A : i32 to vector<16xi32>
      %and3A_973 = arith.andi %get3A_969, %and3A_972 : vector<16xi32>
      %jit3A = arith.constant 8 : i32
      %div3A = arith.divsi %scan3A_965, %jit3A : i32
      %sign3A = arith.constant 0 : i32
      %sign3A_974 = arith.cmpi sgt, %scan3A_965, %sign3A : i32
      %sign3A_975 = arith.extui %sign3A_974 : i1 to i32
      %sign3A_976 = arith.constant 0 : i32
      %sign3A_977 = arith.cmpi slt, %scan3A_965, %sign3A_976 : i32
      %sign3A_978 = arith.extui %sign3A_977 : i1 to i32
      %sign3A_979 = arith.subi %sign3A_975, %sign3A_978 : i32
      %sign3A_980 = arith.constant 0 : i32
      %sign3A_981 = arith.cmpi sgt, %jit3A, %sign3A_980 : i32
      %sign3A_982 = arith.extui %sign3A_981 : i1 to i32
      %sign3A_983 = arith.constant 0 : i32
      %sign3A_984 = arith.cmpi slt, %jit3A, %sign3A_983 : i32
      %sign3A_985 = arith.extui %sign3A_984 : i1 to i32
      %sign3A_986 = arith.subi %sign3A_982, %sign3A_985 : i32
      %ne3A = arith.cmpi ne, %sign3A_979, %sign3A_986 : i32
      %rem3A = arith.remsi %scan3A_965, %jit3A : i32
      %ne3A_987 = arith.constant 0 : i32
      %ne3A_988 = arith.cmpi ne, %rem3A, %ne3A_987 : i32
      %and3A_989 = arith.andi %ne3A, %ne3A_988 : i1
      %sub3A = arith.constant 1 : i32
      %sub3A_990 = arith.subi %div3A, %sub3A : i32
      %select_n3A = arith.select %and3A_989, %sub3A_990, %div3A : i32
      %jit3A_991 = arith.constant 8 : i32
      %eq3A = arith.constant 0 : i32
      %eq3A_992 = arith.cmpi eq, %jit3A_991, %eq3A : i32
      %jit3A_993 = arith.constant 1 : i32
      %select_n3A_994 = arith.select %eq3A_992, %jit3A_993, %jit3A_991 : i32
      %rem3A_995 = arith.remsi %scan3A_965, %select_n3A_994 : i32
      %ne3A_996 = arith.constant 0 : i32
      %ne3A_997 = arith.cmpi ne, %rem3A_995, %ne3A_996 : i32
      %lt3A = arith.constant 0 : i32
      %lt3A_998 = arith.cmpi slt, %rem3A_995, %lt3A : i32
      %lt3A_999 = arith.constant 0 : i32
      %lt3A_1000 = arith.cmpi slt, %select_n3A_994, %lt3A_999 : i32
      %ne3A_1001 = arith.xori %lt3A_998, %lt3A_1000 : i1
      %and3A_1002 = arith.andi %ne3A_1001, %ne3A_997 : i1
      %add3A_1003 = arith.addi %rem3A_995, %select_n3A_994 : i32
      %select_n3A_1004 = arith.select %and3A_1002, %add3A_1003, %rem3A_995 : i32
      %mul3A_1005 = arith.constant 16 : i32
      %mul3A_1006 = arith.muli %select_n3A_1004, %mul3A_1005 : i32
      %broadcast_in_dim3A = arith.constant 0 : i32
      %broadcast_in_dim3A_1007 = vector.broadcast %broadcast_in_dim3A : i32 to vector<16xi32>
      %gather3A = tpu.vector_load_idx %arg6[%shift_right_arithmetic3A_971, %broadcast_in_dim3A_1007, %and3A_973] : memref<128x2x128xf32, #tpu.memory_space<vmem>>[vector<16xi32>, vector<16xi32>, vector<16xi32>], vector<16xf32>,
      %swap3A = arith.constant 0 : i32
      %swap3A_1008 = arith.index_cast %select_n3A : i32 to index
      %swap3A_1009 = arith.index_cast %swap3A : i32 to index
      %swap3A_1010 = arith.index_cast %mul3A_1006 : i32 to index
      %swap3A_1011 = tpu.vector_load %arg8[%swap3A_1008, %swap3A_1009, %swap3A_1010] {strides = array<i32>} : memref<8x2x128xf32, #tpu.memory_space<vmem>>, vector<16xf32>,
      tpu.vector_store %arg8[%swap3A_1008, %swap3A_1009, %swap3A_1010], %gather3A {strides = array<i32>} : memref<8x2x128xf32, #tpu.memory_space<vmem>>, vector<16xf32>,
      %broadcast_in_dim3A_1012 = arith.constant 1 : i32
      %broadcast_in_dim3A_1013 = vector.broadcast %broadcast_in_dim3A_1012 : i32 to vector<16xi32>
      %gather3A_1014 = tpu.vector_load_idx %arg6[%shift_right_arithmetic3A_971, %broadcast_in_dim3A_1013, %and3A_973] : memref<128x2x128xf32, #tpu.memory_space<vmem>>[vector<16xi32>, vector<16xi32>, vector<16xi32>], vector<16xf32>,
      %swap3A_1015 = arith.constant 1 : i32
      %swap3A_1016 = arith.index_cast %select_n3A : i32 to index
      %swap3A_1017 = arith.index_cast %swap3A_1015 : i32 to index
      %swap3A_1018 = arith.index_cast %mul3A_1006 : i32 to index
      %swap3A_1019 = tpu.vector_load %arg8[%swap3A_1016, %swap3A_1017, %swap3A_1018] {strides = array<i32>} : memref<8x2x128xf32, #tpu.memory_space<vmem>>, vector<16xf32>,
      tpu.vector_store %arg8[%swap3A_1016, %swap3A_1017, %swap3A_1018], %gather3A_1014 {strides = array<i32>} : memref<8x2x128xf32, #tpu.memory_space<vmem>>, vector<16xf32>,
      %scan3A_1020 = arith.constant 0 : i32
      scf.yield %scan3A_1020 : i32
    }
    %scan3A_344 = arith.constant 64 : i32
    %run_scoped3A_345 = arith.constant 2 : i32
    "tpu.region"() ({
      %run_scoped3A_965 = tpu.sem_alloc : memref<!tpu.dma_semaphore, #tpu.memory_space<semaphore_mem>>
      %dma_start3A_966 = arith.constant 0 : i32
      %dma_start3A_967 = arith.constant 4 : i32
      %dma_start3A_968 = arith.constant 0 : i32
      %dma_start3A_969 = tpu.memref_slice %arg4[%add3A, %run_scoped3A_345, %dma_start3A_966, %dma_start3A_967, %dma_start3A_968] : memref<32x8x8x8x128xf32, #tpu.memory_space<hbm>> -> memref<1x1x8x2x128xf32, #tpu.memory_space<hbm>>
      %dma_start3A_970 = tpu.memref_squeeze %dma_start3A_969 : memref<1x1x8x2x128xf32, #tpu.memory_space<hbm>> -> memref<8x2x128xf32, #tpu.memory_space<hbm>>
      %dma_start3A_971 = arith.constant 0 : i32
      %dma_start3A_972 = arith.constant 4 : i32
      %dma_start3A_973 = arith.constant 0 : i32
      %dma_start3A_974 = tpu.memref_slice %arg4[%add3A, %run_scoped3A_345, %dma_start3A_971, %dma_start3A_972, %dma_start3A_973] : memref<32x8x8x8x128xf32, #tpu.memory_space<hbm>> -> memref<1x1x8x2x128xf32, #tpu.memory_space<hbm>>
      %dma_start3A_975 = tpu.memref_squeeze %dma_start3A_974 : memref<1x1x8x2x128xf32, #tpu.memory_space<hbm>> -> memref<8x2x128xf32, #tpu.memory_space<hbm>>
      tpu.enqueue_dma source(%arg8 : memref<8x2x128xf32, #tpu.memory_space<vmem>>) target(%dma_start3A_975 : memref<8x2x128xf32, #tpu.memory_space<hbm>>) target_semaphore(%run_scoped3A_965 : memref<!tpu.dma_semaphore, #tpu.memory_space<semaphore_mem>>)
      %dma_wait3A_976 = arith.constant 0 : i32
      %dma_wait3A_977 = arith.constant 4 : i32
      %dma_wait3A_978 = arith.constant 0 : i32
      %dma_wait3A_979 = tpu.memref_slice %arg4[%add3A, %run_scoped3A_345, %dma_wait3A_976, %dma_wait3A_977, %dma_wait3A_978] : memref<32x8x8x8x128xf32, #tpu.memory_space<hbm>> -> memref<1x1x8x2x128xf32, #tpu.memory_space<hbm>>
      %dma_wait3A_980 = tpu.memref_squeeze %dma_wait3A_979 : memref<1x1x8x2x128xf32, #tpu.memory_space<hbm>> -> memref<8x2x128xf32, #tpu.memory_space<hbm>>
      %dma_wait3A_981 = arith.constant 0 : i32
      %dma_wait3A_982 = arith.constant 4 : i32
      %dma_wait3A_983 = arith.constant 0 : i32
      %dma_wait3A_984 = tpu.memref_slice %arg4[%add3A, %run_scoped3A_345, %dma_wait3A_981, %dma_wait3A_982, %dma_wait3A_983] : memref<32x8x8x8x128xf32, #tpu.memory_space<hbm>> -> memref<1x1x8x2x128xf32, #tpu.memory_space<hbm>>
      %dma_wait3A_985 = tpu.memref_squeeze %dma_wait3A_984 : memref<1x1x8x2x128xf32, #tpu.memory_space<hbm>> -> memref<8x2x128xf32, #tpu.memory_space<hbm>>
      tpu.wait_dma2 semaphore(%run_scoped3A_965 : memref<!tpu.dma_semaphore, #tpu.memory_space<semaphore_mem>>) src(%arg8 : memref<8x2x128xf32, #tpu.memory_space<vmem>>) dst(%dma_wait3A_985 : memref<8x2x128xf32, #tpu.memory_space<hbm>>)
      tpu.yield
    }) : () -> ()
    %dma_start3A_346 = arith.constant 3 : i32
    %dma_start3A_347 = arith.constant 0 : i32
    %dma_start3A_348 = arith.constant 0 : i32
    %dma_start3A_349 = arith.constant 0 : i32
    %dma_start3A_350 = tpu.memref_slice %arg2[%add3A, %dma_start3A_346, %dma_start3A_347, %dma_start3A_348, %dma_start3A_349] : memref<32x8x128x8x128xf32, #tpu.memory_space<hbm>> -> memref<1x1x128x2x128xf32, #tpu.memory_space<hbm>>
    %dma_start3A_351 = tpu.memref_squeeze %dma_start3A_350 : memref<1x1x128x2x128xf32, #tpu.memory_space<hbm>> -> memref<128x2x128xf32, #tpu.memory_space<hbm>>
    %dma_start3A_352 = arith.constant 0 : i32
    %dma_start3A_353 = arith.constant 0 : i32
    %dma_start3A_354 = arith.constant 0 : i32
    %dma_start3A_355 = tpu.memref_slice %arg2[%add3A, %dma_start3A_346, %dma_start3A_352, %dma_start3A_353, %dma_start3A_354] : memref<32x8x128x8x128xf32, #tpu.memory_space<hbm>> -> memref<1x1x128x2x128xf32, #tpu.memory_space<hbm>>
    %dma_start3A_356 = tpu.memref_squeeze %dma_start3A_355 : memref<1x1x128x2x128xf32, #tpu.memory_space<hbm>> -> memref<128x2x128xf32, #tpu.memory_space<hbm>>
    tpu.enqueue_dma source(%dma_start3A_356 : memref<128x2x128xf32, #tpu.memory_space<hbm>>) target(%arg6 : memref<128x2x128xf32, #tpu.memory_space<vmem>>) target_semaphore(%arg9 : memref<!tpu.dma_semaphore, #tpu.memory_space<semaphore_mem>>)
    %dma_wait3A_357 = arith.constant 2 : i32
    %dma_wait3A_358 = arith.constant 0 : i32
    %dma_wait3A_359 = arith.constant 6 : i32
    %dma_wait3A_360 = arith.constant 0 : i32
    %dma_wait3A_361 = tpu.memref_slice %arg2[%add3A, %dma_wait3A_357, %dma_wait3A_358, %dma_wait3A_359, %dma_wait3A_360] : memref<32x8x128x8x128xf32, #tpu.memory_space<hbm>> -> memref<1x1x128x2x128xf32, #tpu.memory_space<hbm>>
    %dma_wait3A_362 = tpu.memref_squeeze %dma_wait3A_361 : memref<1x1x128x2x128xf32, #tpu.memory_space<hbm>> -> memref<128x2x128xf32, #tpu.memory_space<hbm>>
    %dma_wait3A_363 = arith.constant 0 : i32
    %dma_wait3A_364 = arith.constant 6 : i32
    %dma_wait3A_365 = arith.constant 0 : i32
    %dma_wait3A_366 = tpu.memref_slice %arg2[%add3A, %dma_wait3A_357, %dma_wait3A_363, %dma_wait3A_364, %dma_wait3A_365] : memref<32x8x128x8x128xf32, #tpu.memory_space<hbm>> -> memref<1x1x128x2x128xf32, #tpu.memory_space<hbm>>
    %dma_wait3A_367 = tpu.memref_squeeze %dma_wait3A_366 : memref<1x1x128x2x128xf32, #tpu.memory_space<hbm>> -> memref<128x2x128xf32, #tpu.memory_space<hbm>>
    tpu.wait_dma2 semaphore(%arg10 : memref<!tpu.dma_semaphore, #tpu.memory_space<semaphore_mem>>) src(%dma_wait3A_367 : memref<128x2x128xf32, #tpu.memory_space<hbm>>) dst(%arg7 : memref<128x2x128xf32, #tpu.memory_space<vmem>>)
    %scan3A_368 = arith.constant 0 : i32
    %scan3A_369 = arith.constant 0 : i32
    %scan3A_370 = arith.constant 64 : i32
    %scan3A_371 = arith.addi %scan3A_369, %scan3A_370 : i32
    %scan3A_372 = arith.constant 1 : i32
    %scan3A_373 = scf.for %scan3A_965 = %scan3A_369 to %scan3A_371 step %scan3A_372 iter_args(%scan3A_966 = %scan3A_368) -> (i32)  : i32 {
      %mul3A_967 = arith.constant 16 : i32
      %mul3A_968 = arith.muli %scan3A_965, %mul3A_967 : i32
      %get3A = arith.index_cast %mul3A_968 : i32 to index
      %get3A_969 = tpu.vector_load %arg5[%get3A] {strides = array<i32>} : memref<1024xi32, #tpu.memory_space<vmem>>, vector<16xi32>,
      %shift_right_arithmetic3A = arith.constant 7 : i32
      %shift_right_arithmetic3A_970 = vector.broadcast %shift_right_arithmetic3A : i32 to vector<16xi32>
      %shift_right_arithmetic3A_971 = arith.shrsi %get3A_969, %shift_right_arithmetic3A_970 : vector<16xi32>
      %and3A = arith.constant 127 : i32
      %and3A_972 = vector.broadcast %and3A : i32 to vector<16xi32>
      %and3A_973 = arith.andi %get3A_969, %and3A_972 : vector<16xi32>
      %jit3A = arith.constant 8 : i32
      %div3A = arith.divsi %scan3A_965, %jit3A : i32
      %sign3A = arith.constant 0 : i32
      %sign3A_974 = arith.cmpi sgt, %scan3A_965, %sign3A : i32
      %sign3A_975 = arith.extui %sign3A_974 : i1 to i32
      %sign3A_976 = arith.constant 0 : i32
      %sign3A_977 = arith.cmpi slt, %scan3A_965, %sign3A_976 : i32
      %sign3A_978 = arith.extui %sign3A_977 : i1 to i32
      %sign3A_979 = arith.subi %sign3A_975, %sign3A_978 : i32
      %sign3A_980 = arith.constant 0 : i32
      %sign3A_981 = arith.cmpi sgt, %jit3A, %sign3A_980 : i32
      %sign3A_982 = arith.extui %sign3A_981 : i1 to i32
      %sign3A_983 = arith.constant 0 : i32
      %sign3A_984 = arith.cmpi slt, %jit3A, %sign3A_983 : i32
      %sign3A_985 = arith.extui %sign3A_984 : i1 to i32
      %sign3A_986 = arith.subi %sign3A_982, %sign3A_985 : i32
      %ne3A = arith.cmpi ne, %sign3A_979, %sign3A_986 : i32
      %rem3A = arith.remsi %scan3A_965, %jit3A : i32
      %ne3A_987 = arith.constant 0 : i32
      %ne3A_988 = arith.cmpi ne, %rem3A, %ne3A_987 : i32
      %and3A_989 = arith.andi %ne3A, %ne3A_988 : i1
      %sub3A = arith.constant 1 : i32
      %sub3A_990 = arith.subi %div3A, %sub3A : i32
      %select_n3A = arith.select %and3A_989, %sub3A_990, %div3A : i32
      %jit3A_991 = arith.constant 8 : i32
      %eq3A = arith.constant 0 : i32
      %eq3A_992 = arith.cmpi eq, %jit3A_991, %eq3A : i32
      %jit3A_993 = arith.constant 1 : i32
      %select_n3A_994 = arith.select %eq3A_992, %jit3A_993, %jit3A_991 : i32
      %rem3A_995 = arith.remsi %scan3A_965, %select_n3A_994 : i32
      %ne3A_996 = arith.constant 0 : i32
      %ne3A_997 = arith.cmpi ne, %rem3A_995, %ne3A_996 : i32
      %lt3A = arith.constant 0 : i32
      %lt3A_998 = arith.cmpi slt, %rem3A_995, %lt3A : i32
      %lt3A_999 = arith.constant 0 : i32
      %lt3A_1000 = arith.cmpi slt, %select_n3A_994, %lt3A_999 : i32
      %ne3A_1001 = arith.xori %lt3A_998, %lt3A_1000 : i1
      %and3A_1002 = arith.andi %ne3A_1001, %ne3A_997 : i1
      %add3A_1003 = arith.addi %rem3A_995, %select_n3A_994 : i32
      %select_n3A_1004 = arith.select %and3A_1002, %add3A_1003, %rem3A_995 : i32
      %mul3A_1005 = arith.constant 16 : i32
      %mul3A_1006 = arith.muli %select_n3A_1004, %mul3A_1005 : i32
      %broadcast_in_dim3A = arith.constant 0 : i32
      %broadcast_in_dim3A_1007 = vector.broadcast %broadcast_in_dim3A : i32 to vector<16xi32>
      %gather3A = tpu.vector_load_idx %arg7[%shift_right_arithmetic3A_971, %broadcast_in_dim3A_1007, %and3A_973] : memref<128x2x128xf32, #tpu.memory_space<vmem>>[vector<16xi32>, vector<16xi32>, vector<16xi32>], vector<16xf32>,
      %swap3A = arith.constant 0 : i32
      %swap3A_1008 = arith.index_cast %select_n3A : i32 to index
      %swap3A_1009 = arith.index_cast %swap3A : i32 to index
      %swap3A_1010 = arith.index_cast %mul3A_1006 : i32 to index
      %swap3A_1011 = tpu.vector_load %arg8[%swap3A_1008, %swap3A_1009, %swap3A_1010] {strides = array<i32>} : memref<8x2x128xf32, #tpu.memory_space<vmem>>, vector<16xf32>,
      tpu.vector_store %arg8[%swap3A_1008, %swap3A_1009, %swap3A_1010], %gather3A {strides = array<i32>} : memref<8x2x128xf32, #tpu.memory_space<vmem>>, vector<16xf32>,
      %broadcast_in_dim3A_1012 = arith.constant 1 : i32
      %broadcast_in_dim3A_1013 = vector.broadcast %broadcast_in_dim3A_1012 : i32 to vector<16xi32>
      %gather3A_1014 = tpu.vector_load_idx %arg7[%shift_right_arithmetic3A_971, %broadcast_in_dim3A_1013, %and3A_973] : memref<128x2x128xf32, #tpu.memory_space<vmem>>[vector<16xi32>, vector<16xi32>, vector<16xi32>], vector<16xf32>,
      %swap3A_1015 = arith.constant 1 : i32
      %swap3A_1016 = arith.index_cast %select_n3A : i32 to index
      %swap3A_1017 = arith.index_cast %swap3A_1015 : i32 to index
      %swap3A_1018 = arith.index_cast %mul3A_1006 : i32 to index
      %swap3A_1019 = tpu.vector_load %arg8[%swap3A_1016, %swap3A_1017, %swap3A_1018] {strides = array<i32>} : memref<8x2x128xf32, #tpu.memory_space<vmem>>, vector<16xf32>,
      tpu.vector_store %arg8[%swap3A_1016, %swap3A_1017, %swap3A_1018], %gather3A_1014 {strides = array<i32>} : memref<8x2x128xf32, #tpu.memory_space<vmem>>, vector<16xf32>,
      %scan3A_1020 = arith.constant 0 : i32
      scf.yield %scan3A_1020 : i32
    }
    %scan3A_374 = arith.constant 64 : i32
    %run_scoped3A_375 = arith.constant 2 : i32
    "tpu.region"() ({
      %run_scoped3A_965 = tpu.sem_alloc : memref<!tpu.dma_semaphore, #tpu.memory_space<semaphore_mem>>
      %dma_start3A_966 = arith.constant 0 : i32
      %dma_start3A_967 = arith.constant 6 : i32
      %dma_start3A_968 = arith.constant 0 : i32
      %dma_start3A_969 = tpu.memref_slice %arg4[%add3A, %run_scoped3A_375, %dma_start3A_966, %dma_start3A_967, %dma_start3A_968] : memref<32x8x8x8x128xf32, #tpu.memory_space<hbm>> -> memref<1x1x8x2x128xf32, #tpu.memory_space<hbm>>
      %dma_start3A_970 = tpu.memref_squeeze %dma_start3A_969 : memref<1x1x8x2x128xf32, #tpu.memory_space<hbm>> -> memref<8x2x128xf32, #tpu.memory_space<hbm>>
      %dma_start3A_971 = arith.constant 0 : i32
      %dma_start3A_972 = arith.constant 6 : i32
      %dma_start3A_973 = arith.constant 0 : i32
      %dma_start3A_974 = tpu.memref_slice %arg4[%add3A, %run_scoped3A_375, %dma_start3A_971, %dma_start3A_972, %dma_start3A_973] : memref<32x8x8x8x128xf32, #tpu.memory_space<hbm>> -> memref<1x1x8x2x128xf32, #tpu.memory_space<hbm>>
      %dma_start3A_975 = tpu.memref_squeeze %dma_start3A_974 : memref<1x1x8x2x128xf32, #tpu.memory_space<hbm>> -> memref<8x2x128xf32, #tpu.memory_space<hbm>>
      tpu.enqueue_dma source(%arg8 : memref<8x2x128xf32, #tpu.memory_space<vmem>>) target(%dma_start3A_975 : memref<8x2x128xf32, #tpu.memory_space<hbm>>) target_semaphore(%run_scoped3A_965 : memref<!tpu.dma_semaphore, #tpu.memory_space<semaphore_mem>>)
      %dma_wait3A_976 = arith.constant 0 : i32
      %dma_wait3A_977 = arith.constant 6 : i32
      %dma_wait3A_978 = arith.constant 0 : i32
      %dma_wait3A_979 = tpu.memref_slice %arg4[%add3A, %run_scoped3A_375, %dma_wait3A_976, %dma_wait3A_977, %dma_wait3A_978] : memref<32x8x8x8x128xf32, #tpu.memory_space<hbm>> -> memref<1x1x8x2x128xf32, #tpu.memory_space<hbm>>
      %dma_wait3A_980 = tpu.memref_squeeze %dma_wait3A_979 : memref<1x1x8x2x128xf32, #tpu.memory_space<hbm>> -> memref<8x2x128xf32, #tpu.memory_space<hbm>>
      %dma_wait3A_981 = arith.constant 0 : i32
      %dma_wait3A_982 = arith.constant 6 : i32
      %dma_wait3A_983 = arith.constant 0 : i32
      %dma_wait3A_984 = tpu.memref_slice %arg4[%add3A, %run_scoped3A_375, %dma_wait3A_981, %dma_wait3A_982, %dma_wait3A_983] : memref<32x8x8x8x128xf32, #tpu.memory_space<hbm>> -> memref<1x1x8x2x128xf32, #tpu.memory_space<hbm>>
      %dma_wait3A_985 = tpu.memref_squeeze %dma_wait3A_984 : memref<1x1x8x2x128xf32, #tpu.memory_space<hbm>> -> memref<8x2x128xf32, #tpu.memory_space<hbm>>
      tpu.wait_dma2 semaphore(%run_scoped3A_965 : memref<!tpu.dma_semaphore, #tpu.memory_space<semaphore_mem>>) src(%arg8 : memref<8x2x128xf32, #tpu.memory_space<vmem>>) dst(%dma_wait3A_985 : memref<8x2x128xf32, #tpu.memory_space<hbm>>)
      tpu.yield
    }) : () -> ()
    %dma_start3A_376 = arith.constant 3 : i32
    %dma_start3A_377 = arith.constant 0 : i32
    %dma_start3A_378 = arith.constant 2 : i32
    %dma_start3A_379 = arith.constant 0 : i32
    %dma_start3A_380 = tpu.memref_slice %arg2[%add3A, %dma_start3A_376, %dma_start3A_377, %dma_start3A_378, %dma_start3A_379] : memref<32x8x128x8x128xf32, #tpu.memory_space<hbm>> -> memref<1x1x128x2x128xf32, #tpu.memory_space<hbm>>
    %dma_start3A_381 = tpu.memref_squeeze %dma_start3A_380 : memref<1x1x128x2x128xf32, #tpu.memory_space<hbm>> -> memref<128x2x128xf32, #tpu.memory_space<hbm>>
    %dma_start3A_382 = arith.constant 0 : i32
    %dma_start3A_383 = arith.constant 2 : i32
    %dma_start3A_384 = arith.constant 0 : i32
    %dma_start3A_385 = tpu.memref_slice %arg2[%add3A, %dma_start3A_376, %dma_start3A_382, %dma_start3A_383, %dma_start3A_384] : memref<32x8x128x8x128xf32, #tpu.memory_space<hbm>> -> memref<1x1x128x2x128xf32, #tpu.memory_space<hbm>>
    %dma_start3A_386 = tpu.memref_squeeze %dma_start3A_385 : memref<1x1x128x2x128xf32, #tpu.memory_space<hbm>> -> memref<128x2x128xf32, #tpu.memory_space<hbm>>
    tpu.enqueue_dma source(%dma_start3A_386 : memref<128x2x128xf32, #tpu.memory_space<hbm>>) target(%arg7 : memref<128x2x128xf32, #tpu.memory_space<vmem>>) target_semaphore(%arg10 : memref<!tpu.dma_semaphore, #tpu.memory_space<semaphore_mem>>)
    %dma_wait3A_387 = arith.constant 3 : i32
    %dma_wait3A_388 = arith.constant 0 : i32
    %dma_wait3A_389 = arith.constant 0 : i32
    %dma_wait3A_390 = arith.constant 0 : i32
    %dma_wait3A_391 = tpu.memref_slice %arg2[%add3A, %dma_wait3A_387, %dma_wait3A_388, %dma_wait3A_389, %dma_wait3A_390] : memref<32x8x128x8x128xf32, #tpu.memory_space<hbm>> -> memref<1x1x128x2x128xf32, #tpu.memory_space<hbm>>
    %dma_wait3A_392 = tpu.memref_squeeze %dma_wait3A_391 : memref<1x1x128x2x128xf32, #tpu.memory_space<hbm>> -> memref<128x2x128xf32, #tpu.memory_space<hbm>>
    %dma_wait3A_393 = arith.constant 0 : i32
    %dma_wait3A_394 = arith.constant 0 : i32
    %dma_wait3A_395 = arith.constant 0 : i32
    %dma_wait3A_396 = tpu.memref_slice %arg2[%add3A, %dma_wait3A_387, %dma_wait3A_393, %dma_wait3A_394, %dma_wait3A_395] : memref<32x8x128x8x128xf32, #tpu.memory_space<hbm>> -> memref<1x1x128x2x128xf32, #tpu.memory_space<hbm>>
    %dma_wait3A_397 = tpu.memref_squeeze %dma_wait3A_396 : memref<1x1x128x2x128xf32, #tpu.memory_space<hbm>> -> memref<128x2x128xf32, #tpu.memory_space<hbm>>
    tpu.wait_dma2 semaphore(%arg9 : memref<!tpu.dma_semaphore, #tpu.memory_space<semaphore_mem>>) src(%dma_wait3A_397 : memref<128x2x128xf32, #tpu.memory_space<hbm>>) dst(%arg6 : memref<128x2x128xf32, #tpu.memory_space<vmem>>)
    %scan3A_398 = arith.constant 0 : i32
    %scan3A_399 = arith.constant 0 : i32
    %scan3A_400 = arith.constant 64 : i32
    %scan3A_401 = arith.addi %scan3A_399, %scan3A_400 : i32
    %scan3A_402 = arith.constant 1 : i32
    %scan3A_403 = scf.for %scan3A_965 = %scan3A_399 to %scan3A_401 step %scan3A_402 iter_args(%scan3A_966 = %scan3A_398) -> (i32)  : i32 {
      %mul3A_967 = arith.constant 16 : i32
      %mul3A_968 = arith.muli %scan3A_965, %mul3A_967 : i32
      %get3A = arith.index_cast %mul3A_968 : i32 to index
      %get3A_969 = tpu.vector_load %arg5[%get3A] {strides = array<i32>} : memref<1024xi32, #tpu.memory_space<vmem>>, vector<16xi32>,
      %shift_right_arithmetic3A = arith.constant 7 : i32
      %shift_right_arithmetic3A_970 = vector.broadcast %shift_right_arithmetic3A : i32 to vector<16xi32>
      %shift_right_arithmetic3A_971 = arith.shrsi %get3A_969, %shift_right_arithmetic3A_970 : vector<16xi32>
      %and3A = arith.constant 127 : i32
      %and3A_972 = vector.broadcast %and3A : i32 to vector<16xi32>
      %and3A_973 = arith.andi %get3A_969, %and3A_972 : vector<16xi32>
      %jit3A = arith.constant 8 : i32
      %div3A = arith.divsi %scan3A_965, %jit3A : i32
      %sign3A = arith.constant 0 : i32
      %sign3A_974 = arith.cmpi sgt, %scan3A_965, %sign3A : i32
      %sign3A_975 = arith.extui %sign3A_974 : i1 to i32
      %sign3A_976 = arith.constant 0 : i32
      %sign3A_977 = arith.cmpi slt, %scan3A_965, %sign3A_976 : i32
      %sign3A_978 = arith.extui %sign3A_977 : i1 to i32
      %sign3A_979 = arith.subi %sign3A_975, %sign3A_978 : i32
      %sign3A_980 = arith.constant 0 : i32
      %sign3A_981 = arith.cmpi sgt, %jit3A, %sign3A_980 : i32
      %sign3A_982 = arith.extui %sign3A_981 : i1 to i32
      %sign3A_983 = arith.constant 0 : i32
      %sign3A_984 = arith.cmpi slt, %jit3A, %sign3A_983 : i32
      %sign3A_985 = arith.extui %sign3A_984 : i1 to i32
      %sign3A_986 = arith.subi %sign3A_982, %sign3A_985 : i32
      %ne3A = arith.cmpi ne, %sign3A_979, %sign3A_986 : i32
      %rem3A = arith.remsi %scan3A_965, %jit3A : i32
      %ne3A_987 = arith.constant 0 : i32
      %ne3A_988 = arith.cmpi ne, %rem3A, %ne3A_987 : i32
      %and3A_989 = arith.andi %ne3A, %ne3A_988 : i1
      %sub3A = arith.constant 1 : i32
      %sub3A_990 = arith.subi %div3A, %sub3A : i32
      %select_n3A = arith.select %and3A_989, %sub3A_990, %div3A : i32
      %jit3A_991 = arith.constant 8 : i32
      %eq3A = arith.constant 0 : i32
      %eq3A_992 = arith.cmpi eq, %jit3A_991, %eq3A : i32
      %jit3A_993 = arith.constant 1 : i32
      %select_n3A_994 = arith.select %eq3A_992, %jit3A_993, %jit3A_991 : i32
      %rem3A_995 = arith.remsi %scan3A_965, %select_n3A_994 : i32
      %ne3A_996 = arith.constant 0 : i32
      %ne3A_997 = arith.cmpi ne, %rem3A_995, %ne3A_996 : i32
      %lt3A = arith.constant 0 : i32
      %lt3A_998 = arith.cmpi slt, %rem3A_995, %lt3A : i32
      %lt3A_999 = arith.constant 0 : i32
      %lt3A_1000 = arith.cmpi slt, %select_n3A_994, %lt3A_999 : i32
      %ne3A_1001 = arith.xori %lt3A_998, %lt3A_1000 : i1
      %and3A_1002 = arith.andi %ne3A_1001, %ne3A_997 : i1
      %add3A_1003 = arith.addi %rem3A_995, %select_n3A_994 : i32
      %select_n3A_1004 = arith.select %and3A_1002, %add3A_1003, %rem3A_995 : i32
      %mul3A_1005 = arith.constant 16 : i32
      %mul3A_1006 = arith.muli %select_n3A_1004, %mul3A_1005 : i32
      %broadcast_in_dim3A = arith.constant 0 : i32
      %broadcast_in_dim3A_1007 = vector.broadcast %broadcast_in_dim3A : i32 to vector<16xi32>
      %gather3A = tpu.vector_load_idx %arg6[%shift_right_arithmetic3A_971, %broadcast_in_dim3A_1007, %and3A_973] : memref<128x2x128xf32, #tpu.memory_space<vmem>>[vector<16xi32>, vector<16xi32>, vector<16xi32>], vector<16xf32>,
      %swap3A = arith.constant 0 : i32
      %swap3A_1008 = arith.index_cast %select_n3A : i32 to index
      %swap3A_1009 = arith.index_cast %swap3A : i32 to index
      %swap3A_1010 = arith.index_cast %mul3A_1006 : i32 to index
      %swap3A_1011 = tpu.vector_load %arg8[%swap3A_1008, %swap3A_1009, %swap3A_1010] {strides = array<i32>} : memref<8x2x128xf32, #tpu.memory_space<vmem>>, vector<16xf32>,
      tpu.vector_store %arg8[%swap3A_1008, %swap3A_1009, %swap3A_1010], %gather3A {strides = array<i32>} : memref<8x2x128xf32, #tpu.memory_space<vmem>>, vector<16xf32>,
      %broadcast_in_dim3A_1012 = arith.constant 1 : i32
      %broadcast_in_dim3A_1013 = vector.broadcast %broadcast_in_dim3A_1012 : i32 to vector<16xi32>
      %gather3A_1014 = tpu.vector_load_idx %arg6[%shift_right_arithmetic3A_971, %broadcast_in_dim3A_1013, %and3A_973] : memref<128x2x128xf32, #tpu.memory_space<vmem>>[vector<16xi32>, vector<16xi32>, vector<16xi32>], vector<16xf32>,
      %swap3A_1015 = arith.constant 1 : i32
      %swap3A_1016 = arith.index_cast %select_n3A : i32 to index
      %swap3A_1017 = arith.index_cast %swap3A_1015 : i32 to index
      %swap3A_1018 = arith.index_cast %mul3A_1006 : i32 to index
      %swap3A_1019 = tpu.vector_load %arg8[%swap3A_1016, %swap3A_1017, %swap3A_1018] {strides = array<i32>} : memref<8x2x128xf32, #tpu.memory_space<vmem>>, vector<16xf32>,
      tpu.vector_store %arg8[%swap3A_1016, %swap3A_1017, %swap3A_1018], %gather3A_1014 {strides = array<i32>} : memref<8x2x128xf32, #tpu.memory_space<vmem>>, vector<16xf32>,
      %scan3A_1020 = arith.constant 0 : i32
      scf.yield %scan3A_1020 : i32
    }
    %scan3A_404 = arith.constant 64 : i32
    %run_scoped3A_405 = arith.constant 3 : i32
    "tpu.region"() ({
      %run_scoped3A_965 = tpu.sem_alloc : memref<!tpu.dma_semaphore, #tpu.memory_space<semaphore_mem>>
      %dma_start3A_966 = arith.constant 0 : i32
      %dma_start3A_967 = arith.constant 0 : i32
      %dma_start3A_968 = arith.constant 0 : i32
      %dma_start3A_969 = tpu.memref_slice %arg4[%add3A, %run_scoped3A_405, %dma_start3A_966, %dma_start3A_967, %dma_start3A_968] : memref<32x8x8x8x128xf32, #tpu.memory_space<hbm>> -> memref<1x1x8x2x128xf32, #tpu.memory_space<hbm>>
      %dma_start3A_970 = tpu.memref_squeeze %dma_start3A_969 : memref<1x1x8x2x128xf32, #tpu.memory_space<hbm>> -> memref<8x2x128xf32, #tpu.memory_space<hbm>>
      %dma_start3A_971 = arith.constant 0 : i32
      %dma_start3A_972 = arith.constant 0 : i32
      %dma_start3A_973 = arith.constant 0 : i32
      %dma_start3A_974 = tpu.memref_slice %arg4[%add3A, %run_scoped3A_405, %dma_start3A_971, %dma_start3A_972, %dma_start3A_973] : memref<32x8x8x8x128xf32, #tpu.memory_space<hbm>> -> memref<1x1x8x2x128xf32, #tpu.memory_space<hbm>>
      %dma_start3A_975 = tpu.memref_squeeze %dma_start3A_974 : memref<1x1x8x2x128xf32, #tpu.memory_space<hbm>> -> memref<8x2x128xf32, #tpu.memory_space<hbm>>
      tpu.enqueue_dma source(%arg8 : memref<8x2x128xf32, #tpu.memory_space<vmem>>) target(%dma_start3A_975 : memref<8x2x128xf32, #tpu.memory_space<hbm>>) target_semaphore(%run_scoped3A_965 : memref<!tpu.dma_semaphore, #tpu.memory_space<semaphore_mem>>)
      %dma_wait3A_976 = arith.constant 0 : i32
      %dma_wait3A_977 = arith.constant 0 : i32
      %dma_wait3A_978 = arith.constant 0 : i32
      %dma_wait3A_979 = tpu.memref_slice %arg4[%add3A, %run_scoped3A_405, %dma_wait3A_976, %dma_wait3A_977, %dma_wait3A_978] : memref<32x8x8x8x128xf32, #tpu.memory_space<hbm>> -> memref<1x1x8x2x128xf32, #tpu.memory_space<hbm>>
      %dma_wait3A_980 = tpu.memref_squeeze %dma_wait3A_979 : memref<1x1x8x2x128xf32, #tpu.memory_space<hbm>> -> memref<8x2x128xf32, #tpu.memory_space<hbm>>
      %dma_wait3A_981 = arith.constant 0 : i32
      %dma_wait3A_982 = arith.constant 0 : i32
      %dma_wait3A_983 = arith.constant 0 : i32
      %dma_wait3A_984 = tpu.memref_slice %arg4[%add3A, %run_scoped3A_405, %dma_wait3A_981, %dma_wait3A_982, %dma_wait3A_983] : memref<32x8x8x8x128xf32, #tpu.memory_space<hbm>> -> memref<1x1x8x2x128xf32, #tpu.memory_space<hbm>>
      %dma_wait3A_985 = tpu.memref_squeeze %dma_wait3A_984 : memref<1x1x8x2x128xf32, #tpu.memory_space<hbm>> -> memref<8x2x128xf32, #tpu.memory_space<hbm>>
      tpu.wait_dma2 semaphore(%run_scoped3A_965 : memref<!tpu.dma_semaphore, #tpu.memory_space<semaphore_mem>>) src(%arg8 : memref<8x2x128xf32, #tpu.memory_space<vmem>>) dst(%dma_wait3A_985 : memref<8x2x128xf32, #tpu.memory_space<hbm>>)
      tpu.yield
    }) : () -> ()
    %dma_start3A_406 = arith.constant 3 : i32
    %dma_start3A_407 = arith.constant 0 : i32
    %dma_start3A_408 = arith.constant 4 : i32
    %dma_start3A_409 = arith.constant 0 : i32
    %dma_start3A_410 = tpu.memref_slice %arg2[%add3A, %dma_start3A_406, %dma_start3A_407, %dma_start3A_408, %dma_start3A_409] : memref<32x8x128x8x128xf32, #tpu.memory_space<hbm>> -> memref<1x1x128x2x128xf32, #tpu.memory_space<hbm>>
    %dma_start3A_411 = tpu.memref_squeeze %dma_start3A_410 : memref<1x1x128x2x128xf32, #tpu.memory_space<hbm>> -> memref<128x2x128xf32, #tpu.memory_space<hbm>>
    %dma_start3A_412 = arith.constant 0 : i32
    %dma_start3A_413 = arith.constant 4 : i32
    %dma_start3A_414 = arith.constant 0 : i32
    %dma_start3A_415 = tpu.memref_slice %arg2[%add3A, %dma_start3A_406, %dma_start3A_412, %dma_start3A_413, %dma_start3A_414] : memref<32x8x128x8x128xf32, #tpu.memory_space<hbm>> -> memref<1x1x128x2x128xf32, #tpu.memory_space<hbm>>
    %dma_start3A_416 = tpu.memref_squeeze %dma_start3A_415 : memref<1x1x128x2x128xf32, #tpu.memory_space<hbm>> -> memref<128x2x128xf32, #tpu.memory_space<hbm>>
    tpu.enqueue_dma source(%dma_start3A_416 : memref<128x2x128xf32, #tpu.memory_space<hbm>>) target(%arg6 : memref<128x2x128xf32, #tpu.memory_space<vmem>>) target_semaphore(%arg9 : memref<!tpu.dma_semaphore, #tpu.memory_space<semaphore_mem>>)
    %dma_wait3A_417 = arith.constant 3 : i32
    %dma_wait3A_418 = arith.constant 0 : i32
    %dma_wait3A_419 = arith.constant 2 : i32
    %dma_wait3A_420 = arith.constant 0 : i32
    %dma_wait3A_421 = tpu.memref_slice %arg2[%add3A, %dma_wait3A_417, %dma_wait3A_418, %dma_wait3A_419, %dma_wait3A_420] : memref<32x8x128x8x128xf32, #tpu.memory_space<hbm>> -> memref<1x1x128x2x128xf32, #tpu.memory_space<hbm>>
    %dma_wait3A_422 = tpu.memref_squeeze %dma_wait3A_421 : memref<1x1x128x2x128xf32, #tpu.memory_space<hbm>> -> memref<128x2x128xf32, #tpu.memory_space<hbm>>
    %dma_wait3A_423 = arith.constant 0 : i32
    %dma_wait3A_424 = arith.constant 2 : i32
    %dma_wait3A_425 = arith.constant 0 : i32
    %dma_wait3A_426 = tpu.memref_slice %arg2[%add3A, %dma_wait3A_417, %dma_wait3A_423, %dma_wait3A_424, %dma_wait3A_425] : memref<32x8x128x8x128xf32, #tpu.memory_space<hbm>> -> memref<1x1x128x2x128xf32, #tpu.memory_space<hbm>>
    %dma_wait3A_427 = tpu.memref_squeeze %dma_wait3A_426 : memref<1x1x128x2x128xf32, #tpu.memory_space<hbm>> -> memref<128x2x128xf32, #tpu.memory_space<hbm>>
    tpu.wait_dma2 semaphore(%arg10 : memref<!tpu.dma_semaphore, #tpu.memory_space<semaphore_mem>>) src(%dma_wait3A_427 : memref<128x2x128xf32, #tpu.memory_space<hbm>>) dst(%arg7 : memref<128x2x128xf32, #tpu.memory_space<vmem>>)
    %scan3A_428 = arith.constant 0 : i32
    %scan3A_429 = arith.constant 0 : i32
    %scan3A_430 = arith.constant 64 : i32
    %scan3A_431 = arith.addi %scan3A_429, %scan3A_430 : i32
    %scan3A_432 = arith.constant 1 : i32
    %scan3A_433 = scf.for %scan3A_965 = %scan3A_429 to %scan3A_431 step %scan3A_432 iter_args(%scan3A_966 = %scan3A_428) -> (i32)  : i32 {
      %mul3A_967 = arith.constant 16 : i32
      %mul3A_968 = arith.muli %scan3A_965, %mul3A_967 : i32
      %get3A = arith.index_cast %mul3A_968 : i32 to index
      %get3A_969 = tpu.vector_load %arg5[%get3A] {strides = array<i32>} : memref<1024xi32, #tpu.memory_space<vmem>>, vector<16xi32>,
      %shift_right_arithmetic3A = arith.constant 7 : i32
      %shift_right_arithmetic3A_970 = vector.broadcast %shift_right_arithmetic3A : i32 to vector<16xi32>
      %shift_right_arithmetic3A_971 = arith.shrsi %get3A_969, %shift_right_arithmetic3A_970 : vector<16xi32>
      %and3A = arith.constant 127 : i32
      %and3A_972 = vector.broadcast %and3A : i32 to vector<16xi32>
      %and3A_973 = arith.andi %get3A_969, %and3A_972 : vector<16xi32>
      %jit3A = arith.constant 8 : i32
      %div3A = arith.divsi %scan3A_965, %jit3A : i32
      %sign3A = arith.constant 0 : i32
      %sign3A_974 = arith.cmpi sgt, %scan3A_965, %sign3A : i32
      %sign3A_975 = arith.extui %sign3A_974 : i1 to i32
      %sign3A_976 = arith.constant 0 : i32
      %sign3A_977 = arith.cmpi slt, %scan3A_965, %sign3A_976 : i32
      %sign3A_978 = arith.extui %sign3A_977 : i1 to i32
      %sign3A_979 = arith.subi %sign3A_975, %sign3A_978 : i32
      %sign3A_980 = arith.constant 0 : i32
      %sign3A_981 = arith.cmpi sgt, %jit3A, %sign3A_980 : i32
      %sign3A_982 = arith.extui %sign3A_981 : i1 to i32
      %sign3A_983 = arith.constant 0 : i32
      %sign3A_984 = arith.cmpi slt, %jit3A, %sign3A_983 : i32
      %sign3A_985 = arith.extui %sign3A_984 : i1 to i32
      %sign3A_986 = arith.subi %sign3A_982, %sign3A_985 : i32
      %ne3A = arith.cmpi ne, %sign3A_979, %sign3A_986 : i32
      %rem3A = arith.remsi %scan3A_965, %jit3A : i32
      %ne3A_987 = arith.constant 0 : i32
      %ne3A_988 = arith.cmpi ne, %rem3A, %ne3A_987 : i32
      %and3A_989 = arith.andi %ne3A, %ne3A_988 : i1
      %sub3A = arith.constant 1 : i32
      %sub3A_990 = arith.subi %div3A, %sub3A : i32
      %select_n3A = arith.select %and3A_989, %sub3A_990, %div3A : i32
      %jit3A_991 = arith.constant 8 : i32
      %eq3A = arith.constant 0 : i32
      %eq3A_992 = arith.cmpi eq, %jit3A_991, %eq3A : i32
      %jit3A_993 = arith.constant 1 : i32
      %select_n3A_994 = arith.select %eq3A_992, %jit3A_993, %jit3A_991 : i32
      %rem3A_995 = arith.remsi %scan3A_965, %select_n3A_994 : i32
      %ne3A_996 = arith.constant 0 : i32
      %ne3A_997 = arith.cmpi ne, %rem3A_995, %ne3A_996 : i32
      %lt3A = arith.constant 0 : i32
      %lt3A_998 = arith.cmpi slt, %rem3A_995, %lt3A : i32
      %lt3A_999 = arith.constant 0 : i32
      %lt3A_1000 = arith.cmpi slt, %select_n3A_994, %lt3A_999 : i32
      %ne3A_1001 = arith.xori %lt3A_998, %lt3A_1000 : i1
      %and3A_1002 = arith.andi %ne3A_1001, %ne3A_997 : i1
      %add3A_1003 = arith.addi %rem3A_995, %select_n3A_994 : i32
      %select_n3A_1004 = arith.select %and3A_1002, %add3A_1003, %rem3A_995 : i32
      %mul3A_1005 = arith.constant 16 : i32
      %mul3A_1006 = arith.muli %select_n3A_1004, %mul3A_1005 : i32
      %broadcast_in_dim3A = arith.constant 0 : i32
      %broadcast_in_dim3A_1007 = vector.broadcast %broadcast_in_dim3A : i32 to vector<16xi32>
      %gather3A = tpu.vector_load_idx %arg7[%shift_right_arithmetic3A_971, %broadcast_in_dim3A_1007, %and3A_973] : memref<128x2x128xf32, #tpu.memory_space<vmem>>[vector<16xi32>, vector<16xi32>, vector<16xi32>], vector<16xf32>,
      %swap3A = arith.constant 0 : i32
      %swap3A_1008 = arith.index_cast %select_n3A : i32 to index
      %swap3A_1009 = arith.index_cast %swap3A : i32 to index
      %swap3A_1010 = arith.index_cast %mul3A_1006 : i32 to index
      %swap3A_1011 = tpu.vector_load %arg8[%swap3A_1008, %swap3A_1009, %swap3A_1010] {strides = array<i32>} : memref<8x2x128xf32, #tpu.memory_space<vmem>>, vector<16xf32>,
      tpu.vector_store %arg8[%swap3A_1008, %swap3A_1009, %swap3A_1010], %gather3A {strides = array<i32>} : memref<8x2x128xf32, #tpu.memory_space<vmem>>, vector<16xf32>,
      %broadcast_in_dim3A_1012 = arith.constant 1 : i32
      %broadcast_in_dim3A_1013 = vector.broadcast %broadcast_in_dim3A_1012 : i32 to vector<16xi32>
      %gather3A_1014 = tpu.vector_load_idx %arg7[%shift_right_arithmetic3A_971, %broadcast_in_dim3A_1013, %and3A_973] : memref<128x2x128xf32, #tpu.memory_space<vmem>>[vector<16xi32>, vector<16xi32>, vector<16xi32>], vector<16xf32>,
      %swap3A_1015 = arith.constant 1 : i32
      %swap3A_1016 = arith.index_cast %select_n3A : i32 to index
      %swap3A_1017 = arith.index_cast %swap3A_1015 : i32 to index
      %swap3A_1018 = arith.index_cast %mul3A_1006 : i32 to index
      %swap3A_1019 = tpu.vector_load %arg8[%swap3A_1016, %swap3A_1017, %swap3A_1018] {strides = array<i32>} : memref<8x2x128xf32, #tpu.memory_space<vmem>>, vector<16xf32>,
      tpu.vector_store %arg8[%swap3A_1016, %swap3A_1017, %swap3A_1018], %gather3A_1014 {strides = array<i32>} : memref<8x2x128xf32, #tpu.memory_space<vmem>>, vector<16xf32>,
      %scan3A_1020 = arith.constant 0 : i32
      scf.yield %scan3A_1020 : i32
    }
    %scan3A_434 = arith.constant 64 : i32
    %run_scoped3A_435 = arith.constant 3 : i32
    "tpu.region"() ({
      %run_scoped3A_965 = tpu.sem_alloc : memref<!tpu.dma_semaphore, #tpu.memory_space<semaphore_mem>>
      %dma_start3A_966 = arith.constant 0 : i32
      %dma_start3A_967 = arith.constant 2 : i32
      %dma_start3A_968 = arith.constant 0 : i32
      %dma_start3A_969 = tpu.memref_slice %arg4[%add3A, %run_scoped3A_435, %dma_start3A_966, %dma_start3A_967, %dma_start3A_968] : memref<32x8x8x8x128xf32, #tpu.memory_space<hbm>> -> memref<1x1x8x2x128xf32, #tpu.memory_space<hbm>>
      %dma_start3A_970 = tpu.memref_squeeze %dma_start3A_969 : memref<1x1x8x2x128xf32, #tpu.memory_space<hbm>> -> memref<8x2x128xf32, #tpu.memory_space<hbm>>
      %dma_start3A_971 = arith.constant 0 : i32
      %dma_start3A_972 = arith.constant 2 : i32
      %dma_start3A_973 = arith.constant 0 : i32
      %dma_start3A_974 = tpu.memref_slice %arg4[%add3A, %run_scoped3A_435, %dma_start3A_971, %dma_start3A_972, %dma_start3A_973] : memref<32x8x8x8x128xf32, #tpu.memory_space<hbm>> -> memref<1x1x8x2x128xf32, #tpu.memory_space<hbm>>
      %dma_start3A_975 = tpu.memref_squeeze %dma_start3A_974 : memref<1x1x8x2x128xf32, #tpu.memory_space<hbm>> -> memref<8x2x128xf32, #tpu.memory_space<hbm>>
      tpu.enqueue_dma source(%arg8 : memref<8x2x128xf32, #tpu.memory_space<vmem>>) target(%dma_start3A_975 : memref<8x2x128xf32, #tpu.memory_space<hbm>>) target_semaphore(%run_scoped3A_965 : memref<!tpu.dma_semaphore, #tpu.memory_space<semaphore_mem>>)
      %dma_wait3A_976 = arith.constant 0 : i32
      %dma_wait3A_977 = arith.constant 2 : i32
      %dma_wait3A_978 = arith.constant 0 : i32
      %dma_wait3A_979 = tpu.memref_slice %arg4[%add3A, %run_scoped3A_435, %dma_wait3A_976, %dma_wait3A_977, %dma_wait3A_978] : memref<32x8x8x8x128xf32, #tpu.memory_space<hbm>> -> memref<1x1x8x2x128xf32, #tpu.memory_space<hbm>>
      %dma_wait3A_980 = tpu.memref_squeeze %dma_wait3A_979 : memref<1x1x8x2x128xf32, #tpu.memory_space<hbm>> -> memref<8x2x128xf32, #tpu.memory_space<hbm>>
      %dma_wait3A_981 = arith.constant 0 : i32
      %dma_wait3A_982 = arith.constant 2 : i32
      %dma_wait3A_983 = arith.constant 0 : i32
      %dma_wait3A_984 = tpu.memref_slice %arg4[%add3A, %run_scoped3A_435, %dma_wait3A_981, %dma_wait3A_982, %dma_wait3A_983] : memref<32x8x8x8x128xf32, #tpu.memory_space<hbm>> -> memref<1x1x8x2x128xf32, #tpu.memory_space<hbm>>
      %dma_wait3A_985 = tpu.memref_squeeze %dma_wait3A_984 : memref<1x1x8x2x128xf32, #tpu.memory_space<hbm>> -> memref<8x2x128xf32, #tpu.memory_space<hbm>>
      tpu.wait_dma2 semaphore(%run_scoped3A_965 : memref<!tpu.dma_semaphore, #tpu.memory_space<semaphore_mem>>) src(%arg8 : memref<8x2x128xf32, #tpu.memory_space<vmem>>) dst(%dma_wait3A_985 : memref<8x2x128xf32, #tpu.memory_space<hbm>>)
      tpu.yield
    }) : () -> ()
    %dma_start3A_436 = arith.constant 3 : i32
    %dma_start3A_437 = arith.constant 0 : i32
    %dma_start3A_438 = arith.constant 6 : i32
    %dma_start3A_439 = arith.constant 0 : i32
    %dma_start3A_440 = tpu.memref_slice %arg2[%add3A, %dma_start3A_436, %dma_start3A_437, %dma_start3A_438, %dma_start3A_439] : memref<32x8x128x8x128xf32, #tpu.memory_space<hbm>> -> memref<1x1x128x2x128xf32, #tpu.memory_space<hbm>>
    %dma_start3A_441 = tpu.memref_squeeze %dma_start3A_440 : memref<1x1x128x2x128xf32, #tpu.memory_space<hbm>> -> memref<128x2x128xf32, #tpu.memory_space<hbm>>
    %dma_start3A_442 = arith.constant 0 : i32
    %dma_start3A_443 = arith.constant 6 : i32
    %dma_start3A_444 = arith.constant 0 : i32
    %dma_start3A_445 = tpu.memref_slice %arg2[%add3A, %dma_start3A_436, %dma_start3A_442, %dma_start3A_443, %dma_start3A_444] : memref<32x8x128x8x128xf32, #tpu.memory_space<hbm>> -> memref<1x1x128x2x128xf32, #tpu.memory_space<hbm>>
    %dma_start3A_446 = tpu.memref_squeeze %dma_start3A_445 : memref<1x1x128x2x128xf32, #tpu.memory_space<hbm>> -> memref<128x2x128xf32, #tpu.memory_space<hbm>>
    tpu.enqueue_dma source(%dma_start3A_446 : memref<128x2x128xf32, #tpu.memory_space<hbm>>) target(%arg7 : memref<128x2x128xf32, #tpu.memory_space<vmem>>) target_semaphore(%arg10 : memref<!tpu.dma_semaphore, #tpu.memory_space<semaphore_mem>>)
    %dma_wait3A_447 = arith.constant 3 : i32
    %dma_wait3A_448 = arith.constant 0 : i32
    %dma_wait3A_449 = arith.constant 4 : i32
    %dma_wait3A_450 = arith.constant 0 : i32
    %dma_wait3A_451 = tpu.memref_slice %arg2[%add3A, %dma_wait3A_447, %dma_wait3A_448, %dma_wait3A_449, %dma_wait3A_450] : memref<32x8x128x8x128xf32, #tpu.memory_space<hbm>> -> memref<1x1x128x2x128xf32, #tpu.memory_space<hbm>>
    %dma_wait3A_452 = tpu.memref_squeeze %dma_wait3A_451 : memref<1x1x128x2x128xf32, #tpu.memory_space<hbm>> -> memref<128x2x128xf32, #tpu.memory_space<hbm>>
    %dma_wait3A_453 = arith.constant 0 : i32
    %dma_wait3A_454 = arith.constant 4 : i32
    %dma_wait3A_455 = arith.constant 0 : i32
    %dma_wait3A_456 = tpu.memref_slice %arg2[%add3A, %dma_wait3A_447, %dma_wait3A_453, %dma_wait3A_454, %dma_wait3A_455] : memref<32x8x128x8x128xf32, #tpu.memory_space<hbm>> -> memref<1x1x128x2x128xf32, #tpu.memory_space<hbm>>
    %dma_wait3A_457 = tpu.memref_squeeze %dma_wait3A_456 : memref<1x1x128x2x128xf32, #tpu.memory_space<hbm>> -> memref<128x2x128xf32, #tpu.memory_space<hbm>>
    tpu.wait_dma2 semaphore(%arg9 : memref<!tpu.dma_semaphore, #tpu.memory_space<semaphore_mem>>) src(%dma_wait3A_457 : memref<128x2x128xf32, #tpu.memory_space<hbm>>) dst(%arg6 : memref<128x2x128xf32, #tpu.memory_space<vmem>>)
    %scan3A_458 = arith.constant 0 : i32
    %scan3A_459 = arith.constant 0 : i32
    %scan3A_460 = arith.constant 64 : i32
    %scan3A_461 = arith.addi %scan3A_459, %scan3A_460 : i32
    %scan3A_462 = arith.constant 1 : i32
    %scan3A_463 = scf.for %scan3A_965 = %scan3A_459 to %scan3A_461 step %scan3A_462 iter_args(%scan3A_966 = %scan3A_458) -> (i32)  : i32 {
      %mul3A_967 = arith.constant 16 : i32
      %mul3A_968 = arith.muli %scan3A_965, %mul3A_967 : i32
      %get3A = arith.index_cast %mul3A_968 : i32 to index
      %get3A_969 = tpu.vector_load %arg5[%get3A] {strides = array<i32>} : memref<1024xi32, #tpu.memory_space<vmem>>, vector<16xi32>,
      %shift_right_arithmetic3A = arith.constant 7 : i32
      %shift_right_arithmetic3A_970 = vector.broadcast %shift_right_arithmetic3A : i32 to vector<16xi32>
      %shift_right_arithmetic3A_971 = arith.shrsi %get3A_969, %shift_right_arithmetic3A_970 : vector<16xi32>
      %and3A = arith.constant 127 : i32
      %and3A_972 = vector.broadcast %and3A : i32 to vector<16xi32>
      %and3A_973 = arith.andi %get3A_969, %and3A_972 : vector<16xi32>
      %jit3A = arith.constant 8 : i32
      %div3A = arith.divsi %scan3A_965, %jit3A : i32
      %sign3A = arith.constant 0 : i32
      %sign3A_974 = arith.cmpi sgt, %scan3A_965, %sign3A : i32
      %sign3A_975 = arith.extui %sign3A_974 : i1 to i32
      %sign3A_976 = arith.constant 0 : i32
      %sign3A_977 = arith.cmpi slt, %scan3A_965, %sign3A_976 : i32
      %sign3A_978 = arith.extui %sign3A_977 : i1 to i32
      %sign3A_979 = arith.subi %sign3A_975, %sign3A_978 : i32
      %sign3A_980 = arith.constant 0 : i32
      %sign3A_981 = arith.cmpi sgt, %jit3A, %sign3A_980 : i32
      %sign3A_982 = arith.extui %sign3A_981 : i1 to i32
      %sign3A_983 = arith.constant 0 : i32
      %sign3A_984 = arith.cmpi slt, %jit3A, %sign3A_983 : i32
      %sign3A_985 = arith.extui %sign3A_984 : i1 to i32
      %sign3A_986 = arith.subi %sign3A_982, %sign3A_985 : i32
      %ne3A = arith.cmpi ne, %sign3A_979, %sign3A_986 : i32
      %rem3A = arith.remsi %scan3A_965, %jit3A : i32
      %ne3A_987 = arith.constant 0 : i32
      %ne3A_988 = arith.cmpi ne, %rem3A, %ne3A_987 : i32
      %and3A_989 = arith.andi %ne3A, %ne3A_988 : i1
      %sub3A = arith.constant 1 : i32
      %sub3A_990 = arith.subi %div3A, %sub3A : i32
      %select_n3A = arith.select %and3A_989, %sub3A_990, %div3A : i32
      %jit3A_991 = arith.constant 8 : i32
      %eq3A = arith.constant 0 : i32
      %eq3A_992 = arith.cmpi eq, %jit3A_991, %eq3A : i32
      %jit3A_993 = arith.constant 1 : i32
      %select_n3A_994 = arith.select %eq3A_992, %jit3A_993, %jit3A_991 : i32
      %rem3A_995 = arith.remsi %scan3A_965, %select_n3A_994 : i32
      %ne3A_996 = arith.constant 0 : i32
      %ne3A_997 = arith.cmpi ne, %rem3A_995, %ne3A_996 : i32
      %lt3A = arith.constant 0 : i32
      %lt3A_998 = arith.cmpi slt, %rem3A_995, %lt3A : i32
      %lt3A_999 = arith.constant 0 : i32
      %lt3A_1000 = arith.cmpi slt, %select_n3A_994, %lt3A_999 : i32
      %ne3A_1001 = arith.xori %lt3A_998, %lt3A_1000 : i1
      %and3A_1002 = arith.andi %ne3A_1001, %ne3A_997 : i1
      %add3A_1003 = arith.addi %rem3A_995, %select_n3A_994 : i32
      %select_n3A_1004 = arith.select %and3A_1002, %add3A_1003, %rem3A_995 : i32
      %mul3A_1005 = arith.constant 16 : i32
      %mul3A_1006 = arith.muli %select_n3A_1004, %mul3A_1005 : i32
      %broadcast_in_dim3A = arith.constant 0 : i32
      %broadcast_in_dim3A_1007 = vector.broadcast %broadcast_in_dim3A : i32 to vector<16xi32>
      %gather3A = tpu.vector_load_idx %arg6[%shift_right_arithmetic3A_971, %broadcast_in_dim3A_1007, %and3A_973] : memref<128x2x128xf32, #tpu.memory_space<vmem>>[vector<16xi32>, vector<16xi32>, vector<16xi32>], vector<16xf32>,
      %swap3A = arith.constant 0 : i32
      %swap3A_1008 = arith.index_cast %select_n3A : i32 to index
      %swap3A_1009 = arith.index_cast %swap3A : i32 to index
      %swap3A_1010 = arith.index_cast %mul3A_1006 : i32 to index
      %swap3A_1011 = tpu.vector_load %arg8[%swap3A_1008, %swap3A_1009, %swap3A_1010] {strides = array<i32>} : memref<8x2x128xf32, #tpu.memory_space<vmem>>, vector<16xf32>,
      tpu.vector_store %arg8[%swap3A_1008, %swap3A_1009, %swap3A_1010], %gather3A {strides = array<i32>} : memref<8x2x128xf32, #tpu.memory_space<vmem>>, vector<16xf32>,
      %broadcast_in_dim3A_1012 = arith.constant 1 : i32
      %broadcast_in_dim3A_1013 = vector.broadcast %broadcast_in_dim3A_1012 : i32 to vector<16xi32>
      %gather3A_1014 = tpu.vector_load_idx %arg6[%shift_right_arithmetic3A_971, %broadcast_in_dim3A_1013, %and3A_973] : memref<128x2x128xf32, #tpu.memory_space<vmem>>[vector<16xi32>, vector<16xi32>, vector<16xi32>], vector<16xf32>,
      %swap3A_1015 = arith.constant 1 : i32
      %swap3A_1016 = arith.index_cast %select_n3A : i32 to index
      %swap3A_1017 = arith.index_cast %swap3A_1015 : i32 to index
      %swap3A_1018 = arith.index_cast %mul3A_1006 : i32 to index
      %swap3A_1019 = tpu.vector_load %arg8[%swap3A_1016, %swap3A_1017, %swap3A_1018] {strides = array<i32>} : memref<8x2x128xf32, #tpu.memory_space<vmem>>, vector<16xf32>,
      tpu.vector_store %arg8[%swap3A_1016, %swap3A_1017, %swap3A_1018], %gather3A_1014 {strides = array<i32>} : memref<8x2x128xf32, #tpu.memory_space<vmem>>, vector<16xf32>,
      %scan3A_1020 = arith.constant 0 : i32
      scf.yield %scan3A_1020 : i32
    }
    %scan3A_464 = arith.constant 64 : i32
    %run_scoped3A_465 = arith.constant 3 : i32
    "tpu.region"() ({
      %run_scoped3A_965 = tpu.sem_alloc : memref<!tpu.dma_semaphore, #tpu.memory_space<semaphore_mem>>
      %dma_start3A_966 = arith.constant 0 : i32
      %dma_start3A_967 = arith.constant 4 : i32
      %dma_start3A_968 = arith.constant 0 : i32
      %dma_start3A_969 = tpu.memref_slice %arg4[%add3A, %run_scoped3A_465, %dma_start3A_966, %dma_start3A_967, %dma_start3A_968] : memref<32x8x8x8x128xf32, #tpu.memory_space<hbm>> -> memref<1x1x8x2x128xf32, #tpu.memory_space<hbm>>
      %dma_start3A_970 = tpu.memref_squeeze %dma_start3A_969 : memref<1x1x8x2x128xf32, #tpu.memory_space<hbm>> -> memref<8x2x128xf32, #tpu.memory_space<hbm>>
      %dma_start3A_971 = arith.constant 0 : i32
      %dma_start3A_972 = arith.constant 4 : i32
      %dma_start3A_973 = arith.constant 0 : i32
      %dma_start3A_974 = tpu.memref_slice %arg4[%add3A, %run_scoped3A_465, %dma_start3A_971, %dma_start3A_972, %dma_start3A_973] : memref<32x8x8x8x128xf32, #tpu.memory_space<hbm>> -> memref<1x1x8x2x128xf32, #tpu.memory_space<hbm>>
      %dma_start3A_975 = tpu.memref_squeeze %dma_start3A_974 : memref<1x1x8x2x128xf32, #tpu.memory_space<hbm>> -> memref<8x2x128xf32, #tpu.memory_space<hbm>>
      tpu.enqueue_dma source(%arg8 : memref<8x2x128xf32, #tpu.memory_space<vmem>>) target(%dma_start3A_975 : memref<8x2x128xf32, #tpu.memory_space<hbm>>) target_semaphore(%run_scoped3A_965 : memref<!tpu.dma_semaphore, #tpu.memory_space<semaphore_mem>>)
      %dma_wait3A_976 = arith.constant 0 : i32
      %dma_wait3A_977 = arith.constant 4 : i32
      %dma_wait3A_978 = arith.constant 0 : i32
      %dma_wait3A_979 = tpu.memref_slice %arg4[%add3A, %run_scoped3A_465, %dma_wait3A_976, %dma_wait3A_977, %dma_wait3A_978] : memref<32x8x8x8x128xf32, #tpu.memory_space<hbm>> -> memref<1x1x8x2x128xf32, #tpu.memory_space<hbm>>
      %dma_wait3A_980 = tpu.memref_squeeze %dma_wait3A_979 : memref<1x1x8x2x128xf32, #tpu.memory_space<hbm>> -> memref<8x2x128xf32, #tpu.memory_space<hbm>>
      %dma_wait3A_981 = arith.constant 0 : i32
      %dma_wait3A_982 = arith.constant 4 : i32
      %dma_wait3A_983 = arith.constant 0 : i32
      %dma_wait3A_984 = tpu.memref_slice %arg4[%add3A, %run_scoped3A_465, %dma_wait3A_981, %dma_wait3A_982, %dma_wait3A_983] : memref<32x8x8x8x128xf32, #tpu.memory_space<hbm>> -> memref<1x1x8x2x128xf32, #tpu.memory_space<hbm>>
      %dma_wait3A_985 = tpu.memref_squeeze %dma_wait3A_984 : memref<1x1x8x2x128xf32, #tpu.memory_space<hbm>> -> memref<8x2x128xf32, #tpu.memory_space<hbm>>
      tpu.wait_dma2 semaphore(%run_scoped3A_965 : memref<!tpu.dma_semaphore, #tpu.memory_space<semaphore_mem>>) src(%arg8 : memref<8x2x128xf32, #tpu.memory_space<vmem>>) dst(%dma_wait3A_985 : memref<8x2x128xf32, #tpu.memory_space<hbm>>)
      tpu.yield
    }) : () -> ()
    %dma_start3A_466 = arith.constant 4 : i32
    %dma_start3A_467 = arith.constant 0 : i32
    %dma_start3A_468 = arith.constant 0 : i32
    %dma_start3A_469 = arith.constant 0 : i32
    %dma_start3A_470 = tpu.memref_slice %arg2[%add3A, %dma_start3A_466, %dma_start3A_467, %dma_start3A_468, %dma_start3A_469] : memref<32x8x128x8x128xf32, #tpu.memory_space<hbm>> -> memref<1x1x128x2x128xf32, #tpu.memory_space<hbm>>
    %dma_start3A_471 = tpu.memref_squeeze %dma_start3A_470 : memref<1x1x128x2x128xf32, #tpu.memory_space<hbm>> -> memref<128x2x128xf32, #tpu.memory_space<hbm>>
    %dma_start3A_472 = arith.constant 0 : i32
    %dma_start3A_473 = arith.constant 0 : i32
    %dma_start3A_474 = arith.constant 0 : i32
    %dma_start3A_475 = tpu.memref_slice %arg2[%add3A, %dma_start3A_466, %dma_start3A_472, %dma_start3A_473, %dma_start3A_474] : memref<32x8x128x8x128xf32, #tpu.memory_space<hbm>> -> memref<1x1x128x2x128xf32, #tpu.memory_space<hbm>>
    %dma_start3A_476 = tpu.memref_squeeze %dma_start3A_475 : memref<1x1x128x2x128xf32, #tpu.memory_space<hbm>> -> memref<128x2x128xf32, #tpu.memory_space<hbm>>
    tpu.enqueue_dma source(%dma_start3A_476 : memref<128x2x128xf32, #tpu.memory_space<hbm>>) target(%arg6 : memref<128x2x128xf32, #tpu.memory_space<vmem>>) target_semaphore(%arg9 : memref<!tpu.dma_semaphore, #tpu.memory_space<semaphore_mem>>)
    %dma_wait3A_477 = arith.constant 3 : i32
    %dma_wait3A_478 = arith.constant 0 : i32
    %dma_wait3A_479 = arith.constant 6 : i32
    %dma_wait3A_480 = arith.constant 0 : i32
    %dma_wait3A_481 = tpu.memref_slice %arg2[%add3A, %dma_wait3A_477, %dma_wait3A_478, %dma_wait3A_479, %dma_wait3A_480] : memref<32x8x128x8x128xf32, #tpu.memory_space<hbm>> -> memref<1x1x128x2x128xf32, #tpu.memory_space<hbm>>
    %dma_wait3A_482 = tpu.memref_squeeze %dma_wait3A_481 : memref<1x1x128x2x128xf32, #tpu.memory_space<hbm>> -> memref<128x2x128xf32, #tpu.memory_space<hbm>>
    %dma_wait3A_483 = arith.constant 0 : i32
    %dma_wait3A_484 = arith.constant 6 : i32
    %dma_wait3A_485 = arith.constant 0 : i32
    %dma_wait3A_486 = tpu.memref_slice %arg2[%add3A, %dma_wait3A_477, %dma_wait3A_483, %dma_wait3A_484, %dma_wait3A_485] : memref<32x8x128x8x128xf32, #tpu.memory_space<hbm>> -> memref<1x1x128x2x128xf32, #tpu.memory_space<hbm>>
    %dma_wait3A_487 = tpu.memref_squeeze %dma_wait3A_486 : memref<1x1x128x2x128xf32, #tpu.memory_space<hbm>> -> memref<128x2x128xf32, #tpu.memory_space<hbm>>
    tpu.wait_dma2 semaphore(%arg10 : memref<!tpu.dma_semaphore, #tpu.memory_space<semaphore_mem>>) src(%dma_wait3A_487 : memref<128x2x128xf32, #tpu.memory_space<hbm>>) dst(%arg7 : memref<128x2x128xf32, #tpu.memory_space<vmem>>)
    %scan3A_488 = arith.constant 0 : i32
    %scan3A_489 = arith.constant 0 : i32
    %scan3A_490 = arith.constant 64 : i32
    %scan3A_491 = arith.addi %scan3A_489, %scan3A_490 : i32
    %scan3A_492 = arith.constant 1 : i32
    %scan3A_493 = scf.for %scan3A_965 = %scan3A_489 to %scan3A_491 step %scan3A_492 iter_args(%scan3A_966 = %scan3A_488) -> (i32)  : i32 {
      %mul3A_967 = arith.constant 16 : i32
      %mul3A_968 = arith.muli %scan3A_965, %mul3A_967 : i32
      %get3A = arith.index_cast %mul3A_968 : i32 to index
      %get3A_969 = tpu.vector_load %arg5[%get3A] {strides = array<i32>} : memref<1024xi32, #tpu.memory_space<vmem>>, vector<16xi32>,
      %shift_right_arithmetic3A = arith.constant 7 : i32
      %shift_right_arithmetic3A_970 = vector.broadcast %shift_right_arithmetic3A : i32 to vector<16xi32>
      %shift_right_arithmetic3A_971 = arith.shrsi %get3A_969, %shift_right_arithmetic3A_970 : vector<16xi32>
      %and3A = arith.constant 127 : i32
      %and3A_972 = vector.broadcast %and3A : i32 to vector<16xi32>
      %and3A_973 = arith.andi %get3A_969, %and3A_972 : vector<16xi32>
      %jit3A = arith.constant 8 : i32
      %div3A = arith.divsi %scan3A_965, %jit3A : i32
      %sign3A = arith.constant 0 : i32
      %sign3A_974 = arith.cmpi sgt, %scan3A_965, %sign3A : i32
      %sign3A_975 = arith.extui %sign3A_974 : i1 to i32
      %sign3A_976 = arith.constant 0 : i32
      %sign3A_977 = arith.cmpi slt, %scan3A_965, %sign3A_976 : i32
      %sign3A_978 = arith.extui %sign3A_977 : i1 to i32
      %sign3A_979 = arith.subi %sign3A_975, %sign3A_978 : i32
      %sign3A_980 = arith.constant 0 : i32
      %sign3A_981 = arith.cmpi sgt, %jit3A, %sign3A_980 : i32
      %sign3A_982 = arith.extui %sign3A_981 : i1 to i32
      %sign3A_983 = arith.constant 0 : i32
      %sign3A_984 = arith.cmpi slt, %jit3A, %sign3A_983 : i32
      %sign3A_985 = arith.extui %sign3A_984 : i1 to i32
      %sign3A_986 = arith.subi %sign3A_982, %sign3A_985 : i32
      %ne3A = arith.cmpi ne, %sign3A_979, %sign3A_986 : i32
      %rem3A = arith.remsi %scan3A_965, %jit3A : i32
      %ne3A_987 = arith.constant 0 : i32
      %ne3A_988 = arith.cmpi ne, %rem3A, %ne3A_987 : i32
      %and3A_989 = arith.andi %ne3A, %ne3A_988 : i1
      %sub3A = arith.constant 1 : i32
      %sub3A_990 = arith.subi %div3A, %sub3A : i32
      %select_n3A = arith.select %and3A_989, %sub3A_990, %div3A : i32
      %jit3A_991 = arith.constant 8 : i32
      %eq3A = arith.constant 0 : i32
      %eq3A_992 = arith.cmpi eq, %jit3A_991, %eq3A : i32
      %jit3A_993 = arith.constant 1 : i32
      %select_n3A_994 = arith.select %eq3A_992, %jit3A_993, %jit3A_991 : i32
      %rem3A_995 = arith.remsi %scan3A_965, %select_n3A_994 : i32
      %ne3A_996 = arith.constant 0 : i32
      %ne3A_997 = arith.cmpi ne, %rem3A_995, %ne3A_996 : i32
      %lt3A = arith.constant 0 : i32
      %lt3A_998 = arith.cmpi slt, %rem3A_995, %lt3A : i32
      %lt3A_999 = arith.constant 0 : i32
      %lt3A_1000 = arith.cmpi slt, %select_n3A_994, %lt3A_999 : i32
      %ne3A_1001 = arith.xori %lt3A_998, %lt3A_1000 : i1
      %and3A_1002 = arith.andi %ne3A_1001, %ne3A_997 : i1
      %add3A_1003 = arith.addi %rem3A_995, %select_n3A_994 : i32
      %select_n3A_1004 = arith.select %and3A_1002, %add3A_1003, %rem3A_995 : i32
      %mul3A_1005 = arith.constant 16 : i32
      %mul3A_1006 = arith.muli %select_n3A_1004, %mul3A_1005 : i32
      %broadcast_in_dim3A = arith.constant 0 : i32
      %broadcast_in_dim3A_1007 = vector.broadcast %broadcast_in_dim3A : i32 to vector<16xi32>
      %gather3A = tpu.vector_load_idx %arg7[%shift_right_arithmetic3A_971, %broadcast_in_dim3A_1007, %and3A_973] : memref<128x2x128xf32, #tpu.memory_space<vmem>>[vector<16xi32>, vector<16xi32>, vector<16xi32>], vector<16xf32>,
      %swap3A = arith.constant 0 : i32
      %swap3A_1008 = arith.index_cast %select_n3A : i32 to index
      %swap3A_1009 = arith.index_cast %swap3A : i32 to index
      %swap3A_1010 = arith.index_cast %mul3A_1006 : i32 to index
      %swap3A_1011 = tpu.vector_load %arg8[%swap3A_1008, %swap3A_1009, %swap3A_1010] {strides = array<i32>} : memref<8x2x128xf32, #tpu.memory_space<vmem>>, vector<16xf32>,
      tpu.vector_store %arg8[%swap3A_1008, %swap3A_1009, %swap3A_1010], %gather3A {strides = array<i32>} : memref<8x2x128xf32, #tpu.memory_space<vmem>>, vector<16xf32>,
      %broadcast_in_dim3A_1012 = arith.constant 1 : i32
      %broadcast_in_dim3A_1013 = vector.broadcast %broadcast_in_dim3A_1012 : i32 to vector<16xi32>
      %gather3A_1014 = tpu.vector_load_idx %arg7[%shift_right_arithmetic3A_971, %broadcast_in_dim3A_1013, %and3A_973] : memref<128x2x128xf32, #tpu.memory_space<vmem>>[vector<16xi32>, vector<16xi32>, vector<16xi32>], vector<16xf32>,
      %swap3A_1015 = arith.constant 1 : i32
      %swap3A_1016 = arith.index_cast %select_n3A : i32 to index
      %swap3A_1017 = arith.index_cast %swap3A_1015 : i32 to index
      %swap3A_1018 = arith.index_cast %mul3A_1006 : i32 to index
      %swap3A_1019 = tpu.vector_load %arg8[%swap3A_1016, %swap3A_1017, %swap3A_1018] {strides = array<i32>} : memref<8x2x128xf32, #tpu.memory_space<vmem>>, vector<16xf32>,
      tpu.vector_store %arg8[%swap3A_1016, %swap3A_1017, %swap3A_1018], %gather3A_1014 {strides = array<i32>} : memref<8x2x128xf32, #tpu.memory_space<vmem>>, vector<16xf32>,
      %scan3A_1020 = arith.constant 0 : i32
      scf.yield %scan3A_1020 : i32
    }
    %scan3A_494 = arith.constant 64 : i32
    %run_scoped3A_495 = arith.constant 3 : i32
    "tpu.region"() ({
      %run_scoped3A_965 = tpu.sem_alloc : memref<!tpu.dma_semaphore, #tpu.memory_space<semaphore_mem>>
      %dma_start3A_966 = arith.constant 0 : i32
      %dma_start3A_967 = arith.constant 6 : i32
      %dma_start3A_968 = arith.constant 0 : i32
      %dma_start3A_969 = tpu.memref_slice %arg4[%add3A, %run_scoped3A_495, %dma_start3A_966, %dma_start3A_967, %dma_start3A_968] : memref<32x8x8x8x128xf32, #tpu.memory_space<hbm>> -> memref<1x1x8x2x128xf32, #tpu.memory_space<hbm>>
      %dma_start3A_970 = tpu.memref_squeeze %dma_start3A_969 : memref<1x1x8x2x128xf32, #tpu.memory_space<hbm>> -> memref<8x2x128xf32, #tpu.memory_space<hbm>>
      %dma_start3A_971 = arith.constant 0 : i32
      %dma_start3A_972 = arith.constant 6 : i32
      %dma_start3A_973 = arith.constant 0 : i32
      %dma_start3A_974 = tpu.memref_slice %arg4[%add3A, %run_scoped3A_495, %dma_start3A_971, %dma_start3A_972, %dma_start3A_973] : memref<32x8x8x8x128xf32, #tpu.memory_space<hbm>> -> memref<1x1x8x2x128xf32, #tpu.memory_space<hbm>>
      %dma_start3A_975 = tpu.memref_squeeze %dma_start3A_974 : memref<1x1x8x2x128xf32, #tpu.memory_space<hbm>> -> memref<8x2x128xf32, #tpu.memory_space<hbm>>
      tpu.enqueue_dma source(%arg8 : memref<8x2x128xf32, #tpu.memory_space<vmem>>) target(%dma_start3A_975 : memref<8x2x128xf32, #tpu.memory_space<hbm>>) target_semaphore(%run_scoped3A_965 : memref<!tpu.dma_semaphore, #tpu.memory_space<semaphore_mem>>)
      %dma_wait3A_976 = arith.constant 0 : i32
      %dma_wait3A_977 = arith.constant 6 : i32
      %dma_wait3A_978 = arith.constant 0 : i32
      %dma_wait3A_979 = tpu.memref_slice %arg4[%add3A, %run_scoped3A_495, %dma_wait3A_976, %dma_wait3A_977, %dma_wait3A_978] : memref<32x8x8x8x128xf32, #tpu.memory_space<hbm>> -> memref<1x1x8x2x128xf32, #tpu.memory_space<hbm>>
      %dma_wait3A_980 = tpu.memref_squeeze %dma_wait3A_979 : memref<1x1x8x2x128xf32, #tpu.memory_space<hbm>> -> memref<8x2x128xf32, #tpu.memory_space<hbm>>
      %dma_wait3A_981 = arith.constant 0 : i32
      %dma_wait3A_982 = arith.constant 6 : i32
      %dma_wait3A_983 = arith.constant 0 : i32
      %dma_wait3A_984 = tpu.memref_slice %arg4[%add3A, %run_scoped3A_495, %dma_wait3A_981, %dma_wait3A_982, %dma_wait3A_983] : memref<32x8x8x8x128xf32, #tpu.memory_space<hbm>> -> memref<1x1x8x2x128xf32, #tpu.memory_space<hbm>>
      %dma_wait3A_985 = tpu.memref_squeeze %dma_wait3A_984 : memref<1x1x8x2x128xf32, #tpu.memory_space<hbm>> -> memref<8x2x128xf32, #tpu.memory_space<hbm>>
      tpu.wait_dma2 semaphore(%run_scoped3A_965 : memref<!tpu.dma_semaphore, #tpu.memory_space<semaphore_mem>>) src(%arg8 : memref<8x2x128xf32, #tpu.memory_space<vmem>>) dst(%dma_wait3A_985 : memref<8x2x128xf32, #tpu.memory_space<hbm>>)
      tpu.yield
    }) : () -> ()
    %dma_start3A_496 = arith.constant 4 : i32
    %dma_start3A_497 = arith.constant 0 : i32
    %dma_start3A_498 = arith.constant 2 : i32
    %dma_start3A_499 = arith.constant 0 : i32
    %dma_start3A_500 = tpu.memref_slice %arg2[%add3A, %dma_start3A_496, %dma_start3A_497, %dma_start3A_498, %dma_start3A_499] : memref<32x8x128x8x128xf32, #tpu.memory_space<hbm>> -> memref<1x1x128x2x128xf32, #tpu.memory_space<hbm>>
    %dma_start3A_501 = tpu.memref_squeeze %dma_start3A_500 : memref<1x1x128x2x128xf32, #tpu.memory_space<hbm>> -> memref<128x2x128xf32, #tpu.memory_space<hbm>>
    %dma_start3A_502 = arith.constant 0 : i32
    %dma_start3A_503 = arith.constant 2 : i32
    %dma_start3A_504 = arith.constant 0 : i32
    %dma_start3A_505 = tpu.memref_slice %arg2[%add3A, %dma_start3A_496, %dma_start3A_502, %dma_start3A_503, %dma_start3A_504] : memref<32x8x128x8x128xf32, #tpu.memory_space<hbm>> -> memref<1x1x128x2x128xf32, #tpu.memory_space<hbm>>
    %dma_start3A_506 = tpu.memref_squeeze %dma_start3A_505 : memref<1x1x128x2x128xf32, #tpu.memory_space<hbm>> -> memref<128x2x128xf32, #tpu.memory_space<hbm>>
    tpu.enqueue_dma source(%dma_start3A_506 : memref<128x2x128xf32, #tpu.memory_space<hbm>>) target(%arg7 : memref<128x2x128xf32, #tpu.memory_space<vmem>>) target_semaphore(%arg10 : memref<!tpu.dma_semaphore, #tpu.memory_space<semaphore_mem>>)
    %dma_wait3A_507 = arith.constant 4 : i32
    %dma_wait3A_508 = arith.constant 0 : i32
    %dma_wait3A_509 = arith.constant 0 : i32
    %dma_wait3A_510 = arith.constant 0 : i32
    %dma_wait3A_511 = tpu.memref_slice %arg2[%add3A, %dma_wait3A_507, %dma_wait3A_508, %dma_wait3A_509, %dma_wait3A_510] : memref<32x8x128x8x128xf32, #tpu.memory_space<hbm>> -> memref<1x1x128x2x128xf32, #tpu.memory_space<hbm>>
    %dma_wait3A_512 = tpu.memref_squeeze %dma_wait3A_511 : memref<1x1x128x2x128xf32, #tpu.memory_space<hbm>> -> memref<128x2x128xf32, #tpu.memory_space<hbm>>
    %dma_wait3A_513 = arith.constant 0 : i32
    %dma_wait3A_514 = arith.constant 0 : i32
    %dma_wait3A_515 = arith.constant 0 : i32
    %dma_wait3A_516 = tpu.memref_slice %arg2[%add3A, %dma_wait3A_507, %dma_wait3A_513, %dma_wait3A_514, %dma_wait3A_515] : memref<32x8x128x8x128xf32, #tpu.memory_space<hbm>> -> memref<1x1x128x2x128xf32, #tpu.memory_space<hbm>>
    %dma_wait3A_517 = tpu.memref_squeeze %dma_wait3A_516 : memref<1x1x128x2x128xf32, #tpu.memory_space<hbm>> -> memref<128x2x128xf32, #tpu.memory_space<hbm>>
    tpu.wait_dma2 semaphore(%arg9 : memref<!tpu.dma_semaphore, #tpu.memory_space<semaphore_mem>>) src(%dma_wait3A_517 : memref<128x2x128xf32, #tpu.memory_space<hbm>>) dst(%arg6 : memref<128x2x128xf32, #tpu.memory_space<vmem>>)
    %scan3A_518 = arith.constant 0 : i32
    %scan3A_519 = arith.constant 0 : i32
    %scan3A_520 = arith.constant 64 : i32
    %scan3A_521 = arith.addi %scan3A_519, %scan3A_520 : i32
    %scan3A_522 = arith.constant 1 : i32
    %scan3A_523 = scf.for %scan3A_965 = %scan3A_519 to %scan3A_521 step %scan3A_522 iter_args(%scan3A_966 = %scan3A_518) -> (i32)  : i32 {
      %mul3A_967 = arith.constant 16 : i32
      %mul3A_968 = arith.muli %scan3A_965, %mul3A_967 : i32
      %get3A = arith.index_cast %mul3A_968 : i32 to index
      %get3A_969 = tpu.vector_load %arg5[%get3A] {strides = array<i32>} : memref<1024xi32, #tpu.memory_space<vmem>>, vector<16xi32>,
      %shift_right_arithmetic3A = arith.constant 7 : i32
      %shift_right_arithmetic3A_970 = vector.broadcast %shift_right_arithmetic3A : i32 to vector<16xi32>
      %shift_right_arithmetic3A_971 = arith.shrsi %get3A_969, %shift_right_arithmetic3A_970 : vector<16xi32>
      %and3A = arith.constant 127 : i32
      %and3A_972 = vector.broadcast %and3A : i32 to vector<16xi32>
      %and3A_973 = arith.andi %get3A_969, %and3A_972 : vector<16xi32>
      %jit3A = arith.constant 8 : i32
      %div3A = arith.divsi %scan3A_965, %jit3A : i32
      %sign3A = arith.constant 0 : i32
      %sign3A_974 = arith.cmpi sgt, %scan3A_965, %sign3A : i32
      %sign3A_975 = arith.extui %sign3A_974 : i1 to i32
      %sign3A_976 = arith.constant 0 : i32
      %sign3A_977 = arith.cmpi slt, %scan3A_965, %sign3A_976 : i32
      %sign3A_978 = arith.extui %sign3A_977 : i1 to i32
      %sign3A_979 = arith.subi %sign3A_975, %sign3A_978 : i32
      %sign3A_980 = arith.constant 0 : i32
      %sign3A_981 = arith.cmpi sgt, %jit3A, %sign3A_980 : i32
      %sign3A_982 = arith.extui %sign3A_981 : i1 to i32
      %sign3A_983 = arith.constant 0 : i32
      %sign3A_984 = arith.cmpi slt, %jit3A, %sign3A_983 : i32
      %sign3A_985 = arith.extui %sign3A_984 : i1 to i32
      %sign3A_986 = arith.subi %sign3A_982, %sign3A_985 : i32
      %ne3A = arith.cmpi ne, %sign3A_979, %sign3A_986 : i32
      %rem3A = arith.remsi %scan3A_965, %jit3A : i32
      %ne3A_987 = arith.constant 0 : i32
      %ne3A_988 = arith.cmpi ne, %rem3A, %ne3A_987 : i32
      %and3A_989 = arith.andi %ne3A, %ne3A_988 : i1
      %sub3A = arith.constant 1 : i32
      %sub3A_990 = arith.subi %div3A, %sub3A : i32
      %select_n3A = arith.select %and3A_989, %sub3A_990, %div3A : i32
      %jit3A_991 = arith.constant 8 : i32
      %eq3A = arith.constant 0 : i32
      %eq3A_992 = arith.cmpi eq, %jit3A_991, %eq3A : i32
      %jit3A_993 = arith.constant 1 : i32
      %select_n3A_994 = arith.select %eq3A_992, %jit3A_993, %jit3A_991 : i32
      %rem3A_995 = arith.remsi %scan3A_965, %select_n3A_994 : i32
      %ne3A_996 = arith.constant 0 : i32
      %ne3A_997 = arith.cmpi ne, %rem3A_995, %ne3A_996 : i32
      %lt3A = arith.constant 0 : i32
      %lt3A_998 = arith.cmpi slt, %rem3A_995, %lt3A : i32
      %lt3A_999 = arith.constant 0 : i32
      %lt3A_1000 = arith.cmpi slt, %select_n3A_994, %lt3A_999 : i32
      %ne3A_1001 = arith.xori %lt3A_998, %lt3A_1000 : i1
      %and3A_1002 = arith.andi %ne3A_1001, %ne3A_997 : i1
      %add3A_1003 = arith.addi %rem3A_995, %select_n3A_994 : i32
      %select_n3A_1004 = arith.select %and3A_1002, %add3A_1003, %rem3A_995 : i32
      %mul3A_1005 = arith.constant 16 : i32
      %mul3A_1006 = arith.muli %select_n3A_1004, %mul3A_1005 : i32
      %broadcast_in_dim3A = arith.constant 0 : i32
      %broadcast_in_dim3A_1007 = vector.broadcast %broadcast_in_dim3A : i32 to vector<16xi32>
      %gather3A = tpu.vector_load_idx %arg6[%shift_right_arithmetic3A_971, %broadcast_in_dim3A_1007, %and3A_973] : memref<128x2x128xf32, #tpu.memory_space<vmem>>[vector<16xi32>, vector<16xi32>, vector<16xi32>], vector<16xf32>,
      %swap3A = arith.constant 0 : i32
      %swap3A_1008 = arith.index_cast %select_n3A : i32 to index
      %swap3A_1009 = arith.index_cast %swap3A : i32 to index
      %swap3A_1010 = arith.index_cast %mul3A_1006 : i32 to index
      %swap3A_1011 = tpu.vector_load %arg8[%swap3A_1008, %swap3A_1009, %swap3A_1010] {strides = array<i32>} : memref<8x2x128xf32, #tpu.memory_space<vmem>>, vector<16xf32>,
      tpu.vector_store %arg8[%swap3A_1008, %swap3A_1009, %swap3A_1010], %gather3A {strides = array<i32>} : memref<8x2x128xf32, #tpu.memory_space<vmem>>, vector<16xf32>,
      %broadcast_in_dim3A_1012 = arith.constant 1 : i32
      %broadcast_in_dim3A_1013 = vector.broadcast %broadcast_in_dim3A_1012 : i32 to vector<16xi32>
      %gather3A_1014 = tpu.vector_load_idx %arg6[%shift_right_arithmetic3A_971, %broadcast_in_dim3A_1013, %and3A_973] : memref<128x2x128xf32, #tpu.memory_space<vmem>>[vector<16xi32>, vector<16xi32>, vector<16xi32>], vector<16xf32>,
      %swap3A_1015 = arith.constant 1 : i32
      %swap3A_1016 = arith.index_cast %select_n3A : i32 to index
      %swap3A_1017 = arith.index_cast %swap3A_1015 : i32 to index
      %swap3A_1018 = arith.index_cast %mul3A_1006 : i32 to index
      %swap3A_1019 = tpu.vector_load %arg8[%swap3A_1016, %swap3A_1017, %swap3A_1018] {strides = array<i32>} : memref<8x2x128xf32, #tpu.memory_space<vmem>>, vector<16xf32>,
      tpu.vector_store %arg8[%swap3A_1016, %swap3A_1017, %swap3A_1018], %gather3A_1014 {strides = array<i32>} : memref<8x2x128xf32, #tpu.memory_space<vmem>>, vector<16xf32>,
      %scan3A_1020 = arith.constant 0 : i32
      scf.yield %scan3A_1020 : i32
    }
    %scan3A_524 = arith.constant 64 : i32
    %run_scoped3A_525 = arith.constant 4 : i32
    "tpu.region"() ({
      %run_scoped3A_965 = tpu.sem_alloc : memref<!tpu.dma_semaphore, #tpu.memory_space<semaphore_mem>>
      %dma_start3A_966 = arith.constant 0 : i32
      %dma_start3A_967 = arith.constant 0 : i32
      %dma_start3A_968 = arith.constant 0 : i32
      %dma_start3A_969 = tpu.memref_slice %arg4[%add3A, %run_scoped3A_525, %dma_start3A_966, %dma_start3A_967, %dma_start3A_968] : memref<32x8x8x8x128xf32, #tpu.memory_space<hbm>> -> memref<1x1x8x2x128xf32, #tpu.memory_space<hbm>>
      %dma_start3A_970 = tpu.memref_squeeze %dma_start3A_969 : memref<1x1x8x2x128xf32, #tpu.memory_space<hbm>> -> memref<8x2x128xf32, #tpu.memory_space<hbm>>
      %dma_start3A_971 = arith.constant 0 : i32
      %dma_start3A_972 = arith.constant 0 : i32
      %dma_start3A_973 = arith.constant 0 : i32
      %dma_start3A_974 = tpu.memref_slice %arg4[%add3A, %run_scoped3A_525, %dma_start3A_971, %dma_start3A_972, %dma_start3A_973] : memref<32x8x8x8x128xf32, #tpu.memory_space<hbm>> -> memref<1x1x8x2x128xf32, #tpu.memory_space<hbm>>
      %dma_start3A_975 = tpu.memref_squeeze %dma_start3A_974 : memref<1x1x8x2x128xf32, #tpu.memory_space<hbm>> -> memref<8x2x128xf32, #tpu.memory_space<hbm>>
      tpu.enqueue_dma source(%arg8 : memref<8x2x128xf32, #tpu.memory_space<vmem>>) target(%dma_start3A_975 : memref<8x2x128xf32, #tpu.memory_space<hbm>>) target_semaphore(%run_scoped3A_965 : memref<!tpu.dma_semaphore, #tpu.memory_space<semaphore_mem>>)
      %dma_wait3A_976 = arith.constant 0 : i32
      %dma_wait3A_977 = arith.constant 0 : i32
      %dma_wait3A_978 = arith.constant 0 : i32
      %dma_wait3A_979 = tpu.memref_slice %arg4[%add3A, %run_scoped3A_525, %dma_wait3A_976, %dma_wait3A_977, %dma_wait3A_978] : memref<32x8x8x8x128xf32, #tpu.memory_space<hbm>> -> memref<1x1x8x2x128xf32, #tpu.memory_space<hbm>>
      %dma_wait3A_980 = tpu.memref_squeeze %dma_wait3A_979 : memref<1x1x8x2x128xf32, #tpu.memory_space<hbm>> -> memref<8x2x128xf32, #tpu.memory_space<hbm>>
      %dma_wait3A_981 = arith.constant 0 : i32
      %dma_wait3A_982 = arith.constant 0 : i32
      %dma_wait3A_983 = arith.constant 0 : i32
      %dma_wait3A_984 = tpu.memref_slice %arg4[%add3A, %run_scoped3A_525, %dma_wait3A_981, %dma_wait3A_982, %dma_wait3A_983] : memref<32x8x8x8x128xf32, #tpu.memory_space<hbm>> -> memref<1x1x8x2x128xf32, #tpu.memory_space<hbm>>
      %dma_wait3A_985 = tpu.memref_squeeze %dma_wait3A_984 : memref<1x1x8x2x128xf32, #tpu.memory_space<hbm>> -> memref<8x2x128xf32, #tpu.memory_space<hbm>>
      tpu.wait_dma2 semaphore(%run_scoped3A_965 : memref<!tpu.dma_semaphore, #tpu.memory_space<semaphore_mem>>) src(%arg8 : memref<8x2x128xf32, #tpu.memory_space<vmem>>) dst(%dma_wait3A_985 : memref<8x2x128xf32, #tpu.memory_space<hbm>>)
      tpu.yield
    }) : () -> ()
    %dma_start3A_526 = arith.constant 4 : i32
    %dma_start3A_527 = arith.constant 0 : i32
    %dma_start3A_528 = arith.constant 4 : i32
    %dma_start3A_529 = arith.constant 0 : i32
    %dma_start3A_530 = tpu.memref_slice %arg2[%add3A, %dma_start3A_526, %dma_start3A_527, %dma_start3A_528, %dma_start3A_529] : memref<32x8x128x8x128xf32, #tpu.memory_space<hbm>> -> memref<1x1x128x2x128xf32, #tpu.memory_space<hbm>>
    %dma_start3A_531 = tpu.memref_squeeze %dma_start3A_530 : memref<1x1x128x2x128xf32, #tpu.memory_space<hbm>> -> memref<128x2x128xf32, #tpu.memory_space<hbm>>
    %dma_start3A_532 = arith.constant 0 : i32
    %dma_start3A_533 = arith.constant 4 : i32
    %dma_start3A_534 = arith.constant 0 : i32
    %dma_start3A_535 = tpu.memref_slice %arg2[%add3A, %dma_start3A_526, %dma_start3A_532, %dma_start3A_533, %dma_start3A_534] : memref<32x8x128x8x128xf32, #tpu.memory_space<hbm>> -> memref<1x1x128x2x128xf32, #tpu.memory_space<hbm>>
    %dma_start3A_536 = tpu.memref_squeeze %dma_start3A_535 : memref<1x1x128x2x128xf32, #tpu.memory_space<hbm>> -> memref<128x2x128xf32, #tpu.memory_space<hbm>>
    tpu.enqueue_dma source(%dma_start3A_536 : memref<128x2x128xf32, #tpu.memory_space<hbm>>) target(%arg6 : memref<128x2x128xf32, #tpu.memory_space<vmem>>) target_semaphore(%arg9 : memref<!tpu.dma_semaphore, #tpu.memory_space<semaphore_mem>>)
    %dma_wait3A_537 = arith.constant 4 : i32
    %dma_wait3A_538 = arith.constant 0 : i32
    %dma_wait3A_539 = arith.constant 2 : i32
    %dma_wait3A_540 = arith.constant 0 : i32
    %dma_wait3A_541 = tpu.memref_slice %arg2[%add3A, %dma_wait3A_537, %dma_wait3A_538, %dma_wait3A_539, %dma_wait3A_540] : memref<32x8x128x8x128xf32, #tpu.memory_space<hbm>> -> memref<1x1x128x2x128xf32, #tpu.memory_space<hbm>>
    %dma_wait3A_542 = tpu.memref_squeeze %dma_wait3A_541 : memref<1x1x128x2x128xf32, #tpu.memory_space<hbm>> -> memref<128x2x128xf32, #tpu.memory_space<hbm>>
    %dma_wait3A_543 = arith.constant 0 : i32
    %dma_wait3A_544 = arith.constant 2 : i32
    %dma_wait3A_545 = arith.constant 0 : i32
    %dma_wait3A_546 = tpu.memref_slice %arg2[%add3A, %dma_wait3A_537, %dma_wait3A_543, %dma_wait3A_544, %dma_wait3A_545] : memref<32x8x128x8x128xf32, #tpu.memory_space<hbm>> -> memref<1x1x128x2x128xf32, #tpu.memory_space<hbm>>
    %dma_wait3A_547 = tpu.memref_squeeze %dma_wait3A_546 : memref<1x1x128x2x128xf32, #tpu.memory_space<hbm>> -> memref<128x2x128xf32, #tpu.memory_space<hbm>>
    tpu.wait_dma2 semaphore(%arg10 : memref<!tpu.dma_semaphore, #tpu.memory_space<semaphore_mem>>) src(%dma_wait3A_547 : memref<128x2x128xf32, #tpu.memory_space<hbm>>) dst(%arg7 : memref<128x2x128xf32, #tpu.memory_space<vmem>>)
    %scan3A_548 = arith.constant 0 : i32
    %scan3A_549 = arith.constant 0 : i32
    %scan3A_550 = arith.constant 64 : i32
    %scan3A_551 = arith.addi %scan3A_549, %scan3A_550 : i32
    %scan3A_552 = arith.constant 1 : i32
    %scan3A_553 = scf.for %scan3A_965 = %scan3A_549 to %scan3A_551 step %scan3A_552 iter_args(%scan3A_966 = %scan3A_548) -> (i32)  : i32 {
      %mul3A_967 = arith.constant 16 : i32
      %mul3A_968 = arith.muli %scan3A_965, %mul3A_967 : i32
      %get3A = arith.index_cast %mul3A_968 : i32 to index
      %get3A_969 = tpu.vector_load %arg5[%get3A] {strides = array<i32>} : memref<1024xi32, #tpu.memory_space<vmem>>, vector<16xi32>,
      %shift_right_arithmetic3A = arith.constant 7 : i32
      %shift_right_arithmetic3A_970 = vector.broadcast %shift_right_arithmetic3A : i32 to vector<16xi32>
      %shift_right_arithmetic3A_971 = arith.shrsi %get3A_969, %shift_right_arithmetic3A_970 : vector<16xi32>
      %and3A = arith.constant 127 : i32
      %and3A_972 = vector.broadcast %and3A : i32 to vector<16xi32>
      %and3A_973 = arith.andi %get3A_969, %and3A_972 : vector<16xi32>
      %jit3A = arith.constant 8 : i32
      %div3A = arith.divsi %scan3A_965, %jit3A : i32
      %sign3A = arith.constant 0 : i32
      %sign3A_974 = arith.cmpi sgt, %scan3A_965, %sign3A : i32
      %sign3A_975 = arith.extui %sign3A_974 : i1 to i32
      %sign3A_976 = arith.constant 0 : i32
      %sign3A_977 = arith.cmpi slt, %scan3A_965, %sign3A_976 : i32
      %sign3A_978 = arith.extui %sign3A_977 : i1 to i32
      %sign3A_979 = arith.subi %sign3A_975, %sign3A_978 : i32
      %sign3A_980 = arith.constant 0 : i32
      %sign3A_981 = arith.cmpi sgt, %jit3A, %sign3A_980 : i32
      %sign3A_982 = arith.extui %sign3A_981 : i1 to i32
      %sign3A_983 = arith.constant 0 : i32
      %sign3A_984 = arith.cmpi slt, %jit3A, %sign3A_983 : i32
      %sign3A_985 = arith.extui %sign3A_984 : i1 to i32
      %sign3A_986 = arith.subi %sign3A_982, %sign3A_985 : i32
      %ne3A = arith.cmpi ne, %sign3A_979, %sign3A_986 : i32
      %rem3A = arith.remsi %scan3A_965, %jit3A : i32
      %ne3A_987 = arith.constant 0 : i32
      %ne3A_988 = arith.cmpi ne, %rem3A, %ne3A_987 : i32
      %and3A_989 = arith.andi %ne3A, %ne3A_988 : i1
      %sub3A = arith.constant 1 : i32
      %sub3A_990 = arith.subi %div3A, %sub3A : i32
      %select_n3A = arith.select %and3A_989, %sub3A_990, %div3A : i32
      %jit3A_991 = arith.constant 8 : i32
      %eq3A = arith.constant 0 : i32
      %eq3A_992 = arith.cmpi eq, %jit3A_991, %eq3A : i32
      %jit3A_993 = arith.constant 1 : i32
      %select_n3A_994 = arith.select %eq3A_992, %jit3A_993, %jit3A_991 : i32
      %rem3A_995 = arith.remsi %scan3A_965, %select_n3A_994 : i32
      %ne3A_996 = arith.constant 0 : i32
      %ne3A_997 = arith.cmpi ne, %rem3A_995, %ne3A_996 : i32
      %lt3A = arith.constant 0 : i32
      %lt3A_998 = arith.cmpi slt, %rem3A_995, %lt3A : i32
      %lt3A_999 = arith.constant 0 : i32
      %lt3A_1000 = arith.cmpi slt, %select_n3A_994, %lt3A_999 : i32
      %ne3A_1001 = arith.xori %lt3A_998, %lt3A_1000 : i1
      %and3A_1002 = arith.andi %ne3A_1001, %ne3A_997 : i1
      %add3A_1003 = arith.addi %rem3A_995, %select_n3A_994 : i32
      %select_n3A_1004 = arith.select %and3A_1002, %add3A_1003, %rem3A_995 : i32
      %mul3A_1005 = arith.constant 16 : i32
      %mul3A_1006 = arith.muli %select_n3A_1004, %mul3A_1005 : i32
      %broadcast_in_dim3A = arith.constant 0 : i32
      %broadcast_in_dim3A_1007 = vector.broadcast %broadcast_in_dim3A : i32 to vector<16xi32>
      %gather3A = tpu.vector_load_idx %arg7[%shift_right_arithmetic3A_971, %broadcast_in_dim3A_1007, %and3A_973] : memref<128x2x128xf32, #tpu.memory_space<vmem>>[vector<16xi32>, vector<16xi32>, vector<16xi32>], vector<16xf32>,
      %swap3A = arith.constant 0 : i32
      %swap3A_1008 = arith.index_cast %select_n3A : i32 to index
      %swap3A_1009 = arith.index_cast %swap3A : i32 to index
      %swap3A_1010 = arith.index_cast %mul3A_1006 : i32 to index
      %swap3A_1011 = tpu.vector_load %arg8[%swap3A_1008, %swap3A_1009, %swap3A_1010] {strides = array<i32>} : memref<8x2x128xf32, #tpu.memory_space<vmem>>, vector<16xf32>,
      tpu.vector_store %arg8[%swap3A_1008, %swap3A_1009, %swap3A_1010], %gather3A {strides = array<i32>} : memref<8x2x128xf32, #tpu.memory_space<vmem>>, vector<16xf32>,
      %broadcast_in_dim3A_1012 = arith.constant 1 : i32
      %broadcast_in_dim3A_1013 = vector.broadcast %broadcast_in_dim3A_1012 : i32 to vector<16xi32>
      %gather3A_1014 = tpu.vector_load_idx %arg7[%shift_right_arithmetic3A_971, %broadcast_in_dim3A_1013, %and3A_973] : memref<128x2x128xf32, #tpu.memory_space<vmem>>[vector<16xi32>, vector<16xi32>, vector<16xi32>], vector<16xf32>,
      %swap3A_1015 = arith.constant 1 : i32
      %swap3A_1016 = arith.index_cast %select_n3A : i32 to index
      %swap3A_1017 = arith.index_cast %swap3A_1015 : i32 to index
      %swap3A_1018 = arith.index_cast %mul3A_1006 : i32 to index
      %swap3A_1019 = tpu.vector_load %arg8[%swap3A_1016, %swap3A_1017, %swap3A_1018] {strides = array<i32>} : memref<8x2x128xf32, #tpu.memory_space<vmem>>, vector<16xf32>,
      tpu.vector_store %arg8[%swap3A_1016, %swap3A_1017, %swap3A_1018], %gather3A_1014 {strides = array<i32>} : memref<8x2x128xf32, #tpu.memory_space<vmem>>, vector<16xf32>,
      %scan3A_1020 = arith.constant 0 : i32
      scf.yield %scan3A_1020 : i32
    }
    %scan3A_554 = arith.constant 64 : i32
    %run_scoped3A_555 = arith.constant 4 : i32
    "tpu.region"() ({
      %run_scoped3A_965 = tpu.sem_alloc : memref<!tpu.dma_semaphore, #tpu.memory_space<semaphore_mem>>
      %dma_start3A_966 = arith.constant 0 : i32
      %dma_start3A_967 = arith.constant 2 : i32
      %dma_start3A_968 = arith.constant 0 : i32
      %dma_start3A_969 = tpu.memref_slice %arg4[%add3A, %run_scoped3A_555, %dma_start3A_966, %dma_start3A_967, %dma_start3A_968] : memref<32x8x8x8x128xf32, #tpu.memory_space<hbm>> -> memref<1x1x8x2x128xf32, #tpu.memory_space<hbm>>
      %dma_start3A_970 = tpu.memref_squeeze %dma_start3A_969 : memref<1x1x8x2x128xf32, #tpu.memory_space<hbm>> -> memref<8x2x128xf32, #tpu.memory_space<hbm>>
      %dma_start3A_971 = arith.constant 0 : i32
      %dma_start3A_972 = arith.constant 2 : i32
      %dma_start3A_973 = arith.constant 0 : i32
      %dma_start3A_974 = tpu.memref_slice %arg4[%add3A, %run_scoped3A_555, %dma_start3A_971, %dma_start3A_972, %dma_start3A_973] : memref<32x8x8x8x128xf32, #tpu.memory_space<hbm>> -> memref<1x1x8x2x128xf32, #tpu.memory_space<hbm>>
      %dma_start3A_975 = tpu.memref_squeeze %dma_start3A_974 : memref<1x1x8x2x128xf32, #tpu.memory_space<hbm>> -> memref<8x2x128xf32, #tpu.memory_space<hbm>>
      tpu.enqueue_dma source(%arg8 : memref<8x2x128xf32, #tpu.memory_space<vmem>>) target(%dma_start3A_975 : memref<8x2x128xf32, #tpu.memory_space<hbm>>) target_semaphore(%run_scoped3A_965 : memref<!tpu.dma_semaphore, #tpu.memory_space<semaphore_mem>>)
      %dma_wait3A_976 = arith.constant 0 : i32
      %dma_wait3A_977 = arith.constant 2 : i32
      %dma_wait3A_978 = arith.constant 0 : i32
      %dma_wait3A_979 = tpu.memref_slice %arg4[%add3A, %run_scoped3A_555, %dma_wait3A_976, %dma_wait3A_977, %dma_wait3A_978] : memref<32x8x8x8x128xf32, #tpu.memory_space<hbm>> -> memref<1x1x8x2x128xf32, #tpu.memory_space<hbm>>
      %dma_wait3A_980 = tpu.memref_squeeze %dma_wait3A_979 : memref<1x1x8x2x128xf32, #tpu.memory_space<hbm>> -> memref<8x2x128xf32, #tpu.memory_space<hbm>>
      %dma_wait3A_981 = arith.constant 0 : i32
      %dma_wait3A_982 = arith.constant 2 : i32
      %dma_wait3A_983 = arith.constant 0 : i32
      %dma_wait3A_984 = tpu.memref_slice %arg4[%add3A, %run_scoped3A_555, %dma_wait3A_981, %dma_wait3A_982, %dma_wait3A_983] : memref<32x8x8x8x128xf32, #tpu.memory_space<hbm>> -> memref<1x1x8x2x128xf32, #tpu.memory_space<hbm>>
      %dma_wait3A_985 = tpu.memref_squeeze %dma_wait3A_984 : memref<1x1x8x2x128xf32, #tpu.memory_space<hbm>> -> memref<8x2x128xf32, #tpu.memory_space<hbm>>
      tpu.wait_dma2 semaphore(%run_scoped3A_965 : memref<!tpu.dma_semaphore, #tpu.memory_space<semaphore_mem>>) src(%arg8 : memref<8x2x128xf32, #tpu.memory_space<vmem>>) dst(%dma_wait3A_985 : memref<8x2x128xf32, #tpu.memory_space<hbm>>)
      tpu.yield
    }) : () -> ()
    %dma_start3A_556 = arith.constant 4 : i32
    %dma_start3A_557 = arith.constant 0 : i32
    %dma_start3A_558 = arith.constant 6 : i32
    %dma_start3A_559 = arith.constant 0 : i32
    %dma_start3A_560 = tpu.memref_slice %arg2[%add3A, %dma_start3A_556, %dma_start3A_557, %dma_start3A_558, %dma_start3A_559] : memref<32x8x128x8x128xf32, #tpu.memory_space<hbm>> -> memref<1x1x128x2x128xf32, #tpu.memory_space<hbm>>
    %dma_start3A_561 = tpu.memref_squeeze %dma_start3A_560 : memref<1x1x128x2x128xf32, #tpu.memory_space<hbm>> -> memref<128x2x128xf32, #tpu.memory_space<hbm>>
    %dma_start3A_562 = arith.constant 0 : i32
    %dma_start3A_563 = arith.constant 6 : i32
    %dma_start3A_564 = arith.constant 0 : i32
    %dma_start3A_565 = tpu.memref_slice %arg2[%add3A, %dma_start3A_556, %dma_start3A_562, %dma_start3A_563, %dma_start3A_564] : memref<32x8x128x8x128xf32, #tpu.memory_space<hbm>> -> memref<1x1x128x2x128xf32, #tpu.memory_space<hbm>>
    %dma_start3A_566 = tpu.memref_squeeze %dma_start3A_565 : memref<1x1x128x2x128xf32, #tpu.memory_space<hbm>> -> memref<128x2x128xf32, #tpu.memory_space<hbm>>
    tpu.enqueue_dma source(%dma_start3A_566 : memref<128x2x128xf32, #tpu.memory_space<hbm>>) target(%arg7 : memref<128x2x128xf32, #tpu.memory_space<vmem>>) target_semaphore(%arg10 : memref<!tpu.dma_semaphore, #tpu.memory_space<semaphore_mem>>)
    %dma_wait3A_567 = arith.constant 4 : i32
    %dma_wait3A_568 = arith.constant 0 : i32
    %dma_wait3A_569 = arith.constant 4 : i32
    %dma_wait3A_570 = arith.constant 0 : i32
    %dma_wait3A_571 = tpu.memref_slice %arg2[%add3A, %dma_wait3A_567, %dma_wait3A_568, %dma_wait3A_569, %dma_wait3A_570] : memref<32x8x128x8x128xf32, #tpu.memory_space<hbm>> -> memref<1x1x128x2x128xf32, #tpu.memory_space<hbm>>
    %dma_wait3A_572 = tpu.memref_squeeze %dma_wait3A_571 : memref<1x1x128x2x128xf32, #tpu.memory_space<hbm>> -> memref<128x2x128xf32, #tpu.memory_space<hbm>>
    %dma_wait3A_573 = arith.constant 0 : i32
    %dma_wait3A_574 = arith.constant 4 : i32
    %dma_wait3A_575 = arith.constant 0 : i32
    %dma_wait3A_576 = tpu.memref_slice %arg2[%add3A, %dma_wait3A_567, %dma_wait3A_573, %dma_wait3A_574, %dma_wait3A_575] : memref<32x8x128x8x128xf32, #tpu.memory_space<hbm>> -> memref<1x1x128x2x128xf32, #tpu.memory_space<hbm>>
    %dma_wait3A_577 = tpu.memref_squeeze %dma_wait3A_576 : memref<1x1x128x2x128xf32, #tpu.memory_space<hbm>> -> memref<128x2x128xf32, #tpu.memory_space<hbm>>
    tpu.wait_dma2 semaphore(%arg9 : memref<!tpu.dma_semaphore, #tpu.memory_space<semaphore_mem>>) src(%dma_wait3A_577 : memref<128x2x128xf32, #tpu.memory_space<hbm>>) dst(%arg6 : memref<128x2x128xf32, #tpu.memory_space<vmem>>)
    %scan3A_578 = arith.constant 0 : i32
    %scan3A_579 = arith.constant 0 : i32
    %scan3A_580 = arith.constant 64 : i32
    %scan3A_581 = arith.addi %scan3A_579, %scan3A_580 : i32
    %scan3A_582 = arith.constant 1 : i32
    %scan3A_583 = scf.for %scan3A_965 = %scan3A_579 to %scan3A_581 step %scan3A_582 iter_args(%scan3A_966 = %scan3A_578) -> (i32)  : i32 {
      %mul3A_967 = arith.constant 16 : i32
      %mul3A_968 = arith.muli %scan3A_965, %mul3A_967 : i32
      %get3A = arith.index_cast %mul3A_968 : i32 to index
      %get3A_969 = tpu.vector_load %arg5[%get3A] {strides = array<i32>} : memref<1024xi32, #tpu.memory_space<vmem>>, vector<16xi32>,
      %shift_right_arithmetic3A = arith.constant 7 : i32
      %shift_right_arithmetic3A_970 = vector.broadcast %shift_right_arithmetic3A : i32 to vector<16xi32>
      %shift_right_arithmetic3A_971 = arith.shrsi %get3A_969, %shift_right_arithmetic3A_970 : vector<16xi32>
      %and3A = arith.constant 127 : i32
      %and3A_972 = vector.broadcast %and3A : i32 to vector<16xi32>
      %and3A_973 = arith.andi %get3A_969, %and3A_972 : vector<16xi32>
      %jit3A = arith.constant 8 : i32
      %div3A = arith.divsi %scan3A_965, %jit3A : i32
      %sign3A = arith.constant 0 : i32
      %sign3A_974 = arith.cmpi sgt, %scan3A_965, %sign3A : i32
      %sign3A_975 = arith.extui %sign3A_974 : i1 to i32
      %sign3A_976 = arith.constant 0 : i32
      %sign3A_977 = arith.cmpi slt, %scan3A_965, %sign3A_976 : i32
      %sign3A_978 = arith.extui %sign3A_977 : i1 to i32
      %sign3A_979 = arith.subi %sign3A_975, %sign3A_978 : i32
      %sign3A_980 = arith.constant 0 : i32
      %sign3A_981 = arith.cmpi sgt, %jit3A, %sign3A_980 : i32
      %sign3A_982 = arith.extui %sign3A_981 : i1 to i32
      %sign3A_983 = arith.constant 0 : i32
      %sign3A_984 = arith.cmpi slt, %jit3A, %sign3A_983 : i32
      %sign3A_985 = arith.extui %sign3A_984 : i1 to i32
      %sign3A_986 = arith.subi %sign3A_982, %sign3A_985 : i32
      %ne3A = arith.cmpi ne, %sign3A_979, %sign3A_986 : i32
      %rem3A = arith.remsi %scan3A_965, %jit3A : i32
      %ne3A_987 = arith.constant 0 : i32
      %ne3A_988 = arith.cmpi ne, %rem3A, %ne3A_987 : i32
      %and3A_989 = arith.andi %ne3A, %ne3A_988 : i1
      %sub3A = arith.constant 1 : i32
      %sub3A_990 = arith.subi %div3A, %sub3A : i32
      %select_n3A = arith.select %and3A_989, %sub3A_990, %div3A : i32
      %jit3A_991 = arith.constant 8 : i32
      %eq3A = arith.constant 0 : i32
      %eq3A_992 = arith.cmpi eq, %jit3A_991, %eq3A : i32
      %jit3A_993 = arith.constant 1 : i32
      %select_n3A_994 = arith.select %eq3A_992, %jit3A_993, %jit3A_991 : i32
      %rem3A_995 = arith.remsi %scan3A_965, %select_n3A_994 : i32
      %ne3A_996 = arith.constant 0 : i32
      %ne3A_997 = arith.cmpi ne, %rem3A_995, %ne3A_996 : i32
      %lt3A = arith.constant 0 : i32
      %lt3A_998 = arith.cmpi slt, %rem3A_995, %lt3A : i32
      %lt3A_999 = arith.constant 0 : i32
      %lt3A_1000 = arith.cmpi slt, %select_n3A_994, %lt3A_999 : i32
      %ne3A_1001 = arith.xori %lt3A_998, %lt3A_1000 : i1
      %and3A_1002 = arith.andi %ne3A_1001, %ne3A_997 : i1
      %add3A_1003 = arith.addi %rem3A_995, %select_n3A_994 : i32
      %select_n3A_1004 = arith.select %and3A_1002, %add3A_1003, %rem3A_995 : i32
      %mul3A_1005 = arith.constant 16 : i32
      %mul3A_1006 = arith.muli %select_n3A_1004, %mul3A_1005 : i32
      %broadcast_in_dim3A = arith.constant 0 : i32
      %broadcast_in_dim3A_1007 = vector.broadcast %broadcast_in_dim3A : i32 to vector<16xi32>
      %gather3A = tpu.vector_load_idx %arg6[%shift_right_arithmetic3A_971, %broadcast_in_dim3A_1007, %and3A_973] : memref<128x2x128xf32, #tpu.memory_space<vmem>>[vector<16xi32>, vector<16xi32>, vector<16xi32>], vector<16xf32>,
      %swap3A = arith.constant 0 : i32
      %swap3A_1008 = arith.index_cast %select_n3A : i32 to index
      %swap3A_1009 = arith.index_cast %swap3A : i32 to index
      %swap3A_1010 = arith.index_cast %mul3A_1006 : i32 to index
      %swap3A_1011 = tpu.vector_load %arg8[%swap3A_1008, %swap3A_1009, %swap3A_1010] {strides = array<i32>} : memref<8x2x128xf32, #tpu.memory_space<vmem>>, vector<16xf32>,
      tpu.vector_store %arg8[%swap3A_1008, %swap3A_1009, %swap3A_1010], %gather3A {strides = array<i32>} : memref<8x2x128xf32, #tpu.memory_space<vmem>>, vector<16xf32>,
      %broadcast_in_dim3A_1012 = arith.constant 1 : i32
      %broadcast_in_dim3A_1013 = vector.broadcast %broadcast_in_dim3A_1012 : i32 to vector<16xi32>
      %gather3A_1014 = tpu.vector_load_idx %arg6[%shift_right_arithmetic3A_971, %broadcast_in_dim3A_1013, %and3A_973] : memref<128x2x128xf32, #tpu.memory_space<vmem>>[vector<16xi32>, vector<16xi32>, vector<16xi32>], vector<16xf32>,
      %swap3A_1015 = arith.constant 1 : i32
      %swap3A_1016 = arith.index_cast %select_n3A : i32 to index
      %swap3A_1017 = arith.index_cast %swap3A_1015 : i32 to index
      %swap3A_1018 = arith.index_cast %mul3A_1006 : i32 to index
      %swap3A_1019 = tpu.vector_load %arg8[%swap3A_1016, %swap3A_1017, %swap3A_1018] {strides = array<i32>} : memref<8x2x128xf32, #tpu.memory_space<vmem>>, vector<16xf32>,
      tpu.vector_store %arg8[%swap3A_1016, %swap3A_1017, %swap3A_1018], %gather3A_1014 {strides = array<i32>} : memref<8x2x128xf32, #tpu.memory_space<vmem>>, vector<16xf32>,
      %scan3A_1020 = arith.constant 0 : i32
      scf.yield %scan3A_1020 : i32
    }
    %scan3A_584 = arith.constant 64 : i32
    %run_scoped3A_585 = arith.constant 4 : i32
    "tpu.region"() ({
      %run_scoped3A_965 = tpu.sem_alloc : memref<!tpu.dma_semaphore, #tpu.memory_space<semaphore_mem>>
      %dma_start3A_966 = arith.constant 0 : i32
      %dma_start3A_967 = arith.constant 4 : i32
      %dma_start3A_968 = arith.constant 0 : i32
      %dma_start3A_969 = tpu.memref_slice %arg4[%add3A, %run_scoped3A_585, %dma_start3A_966, %dma_start3A_967, %dma_start3A_968] : memref<32x8x8x8x128xf32, #tpu.memory_space<hbm>> -> memref<1x1x8x2x128xf32, #tpu.memory_space<hbm>>
      %dma_start3A_970 = tpu.memref_squeeze %dma_start3A_969 : memref<1x1x8x2x128xf32, #tpu.memory_space<hbm>> -> memref<8x2x128xf32, #tpu.memory_space<hbm>>
      %dma_start3A_971 = arith.constant 0 : i32
      %dma_start3A_972 = arith.constant 4 : i32
      %dma_start3A_973 = arith.constant 0 : i32
      %dma_start3A_974 = tpu.memref_slice %arg4[%add3A, %run_scoped3A_585, %dma_start3A_971, %dma_start3A_972, %dma_start3A_973] : memref<32x8x8x8x128xf32, #tpu.memory_space<hbm>> -> memref<1x1x8x2x128xf32, #tpu.memory_space<hbm>>
      %dma_start3A_975 = tpu.memref_squeeze %dma_start3A_974 : memref<1x1x8x2x128xf32, #tpu.memory_space<hbm>> -> memref<8x2x128xf32, #tpu.memory_space<hbm>>
      tpu.enqueue_dma source(%arg8 : memref<8x2x128xf32, #tpu.memory_space<vmem>>) target(%dma_start3A_975 : memref<8x2x128xf32, #tpu.memory_space<hbm>>) target_semaphore(%run_scoped3A_965 : memref<!tpu.dma_semaphore, #tpu.memory_space<semaphore_mem>>)
      %dma_wait3A_976 = arith.constant 0 : i32
      %dma_wait3A_977 = arith.constant 4 : i32
      %dma_wait3A_978 = arith.constant 0 : i32
      %dma_wait3A_979 = tpu.memref_slice %arg4[%add3A, %run_scoped3A_585, %dma_wait3A_976, %dma_wait3A_977, %dma_wait3A_978] : memref<32x8x8x8x128xf32, #tpu.memory_space<hbm>> -> memref<1x1x8x2x128xf32, #tpu.memory_space<hbm>>
      %dma_wait3A_980 = tpu.memref_squeeze %dma_wait3A_979 : memref<1x1x8x2x128xf32, #tpu.memory_space<hbm>> -> memref<8x2x128xf32, #tpu.memory_space<hbm>>
      %dma_wait3A_981 = arith.constant 0 : i32
      %dma_wait3A_982 = arith.constant 4 : i32
      %dma_wait3A_983 = arith.constant 0 : i32
      %dma_wait3A_984 = tpu.memref_slice %arg4[%add3A, %run_scoped3A_585, %dma_wait3A_981, %dma_wait3A_982, %dma_wait3A_983] : memref<32x8x8x8x128xf32, #tpu.memory_space<hbm>> -> memref<1x1x8x2x128xf32, #tpu.memory_space<hbm>>
      %dma_wait3A_985 = tpu.memref_squeeze %dma_wait3A_984 : memref<1x1x8x2x128xf32, #tpu.memory_space<hbm>> -> memref<8x2x128xf32, #tpu.memory_space<hbm>>
      tpu.wait_dma2 semaphore(%run_scoped3A_965 : memref<!tpu.dma_semaphore, #tpu.memory_space<semaphore_mem>>) src(%arg8 : memref<8x2x128xf32, #tpu.memory_space<vmem>>) dst(%dma_wait3A_985 : memref<8x2x128xf32, #tpu.memory_space<hbm>>)
      tpu.yield
    }) : () -> ()
    %dma_start3A_586 = arith.constant 5 : i32
    %dma_start3A_587 = arith.constant 0 : i32
    %dma_start3A_588 = arith.constant 0 : i32
    %dma_start3A_589 = arith.constant 0 : i32
    %dma_start3A_590 = tpu.memref_slice %arg2[%add3A, %dma_start3A_586, %dma_start3A_587, %dma_start3A_588, %dma_start3A_589] : memref<32x8x128x8x128xf32, #tpu.memory_space<hbm>> -> memref<1x1x128x2x128xf32, #tpu.memory_space<hbm>>
    %dma_start3A_591 = tpu.memref_squeeze %dma_start3A_590 : memref<1x1x128x2x128xf32, #tpu.memory_space<hbm>> -> memref<128x2x128xf32, #tpu.memory_space<hbm>>
    %dma_start3A_592 = arith.constant 0 : i32
    %dma_start3A_593 = arith.constant 0 : i32
    %dma_start3A_594 = arith.constant 0 : i32
    %dma_start3A_595 = tpu.memref_slice %arg2[%add3A, %dma_start3A_586, %dma_start3A_592, %dma_start3A_593, %dma_start3A_594] : memref<32x8x128x8x128xf32, #tpu.memory_space<hbm>> -> memref<1x1x128x2x128xf32, #tpu.memory_space<hbm>>
    %dma_start3A_596 = tpu.memref_squeeze %dma_start3A_595 : memref<1x1x128x2x128xf32, #tpu.memory_space<hbm>> -> memref<128x2x128xf32, #tpu.memory_space<hbm>>
    tpu.enqueue_dma source(%dma_start3A_596 : memref<128x2x128xf32, #tpu.memory_space<hbm>>) target(%arg6 : memref<128x2x128xf32, #tpu.memory_space<vmem>>) target_semaphore(%arg9 : memref<!tpu.dma_semaphore, #tpu.memory_space<semaphore_mem>>)
    %dma_wait3A_597 = arith.constant 4 : i32
    %dma_wait3A_598 = arith.constant 0 : i32
    %dma_wait3A_599 = arith.constant 6 : i32
    %dma_wait3A_600 = arith.constant 0 : i32
    %dma_wait3A_601 = tpu.memref_slice %arg2[%add3A, %dma_wait3A_597, %dma_wait3A_598, %dma_wait3A_599, %dma_wait3A_600] : memref<32x8x128x8x128xf32, #tpu.memory_space<hbm>> -> memref<1x1x128x2x128xf32, #tpu.memory_space<hbm>>
    %dma_wait3A_602 = tpu.memref_squeeze %dma_wait3A_601 : memref<1x1x128x2x128xf32, #tpu.memory_space<hbm>> -> memref<128x2x128xf32, #tpu.memory_space<hbm>>
    %dma_wait3A_603 = arith.constant 0 : i32
    %dma_wait3A_604 = arith.constant 6 : i32
    %dma_wait3A_605 = arith.constant 0 : i32
    %dma_wait3A_606 = tpu.memref_slice %arg2[%add3A, %dma_wait3A_597, %dma_wait3A_603, %dma_wait3A_604, %dma_wait3A_605] : memref<32x8x128x8x128xf32, #tpu.memory_space<hbm>> -> memref<1x1x128x2x128xf32, #tpu.memory_space<hbm>>
    %dma_wait3A_607 = tpu.memref_squeeze %dma_wait3A_606 : memref<1x1x128x2x128xf32, #tpu.memory_space<hbm>> -> memref<128x2x128xf32, #tpu.memory_space<hbm>>
    tpu.wait_dma2 semaphore(%arg10 : memref<!tpu.dma_semaphore, #tpu.memory_space<semaphore_mem>>) src(%dma_wait3A_607 : memref<128x2x128xf32, #tpu.memory_space<hbm>>) dst(%arg7 : memref<128x2x128xf32, #tpu.memory_space<vmem>>)
    %scan3A_608 = arith.constant 0 : i32
    %scan3A_609 = arith.constant 0 : i32
    %scan3A_610 = arith.constant 64 : i32
    %scan3A_611 = arith.addi %scan3A_609, %scan3A_610 : i32
    %scan3A_612 = arith.constant 1 : i32
    %scan3A_613 = scf.for %scan3A_965 = %scan3A_609 to %scan3A_611 step %scan3A_612 iter_args(%scan3A_966 = %scan3A_608) -> (i32)  : i32 {
      %mul3A_967 = arith.constant 16 : i32
      %mul3A_968 = arith.muli %scan3A_965, %mul3A_967 : i32
      %get3A = arith.index_cast %mul3A_968 : i32 to index
      %get3A_969 = tpu.vector_load %arg5[%get3A] {strides = array<i32>} : memref<1024xi32, #tpu.memory_space<vmem>>, vector<16xi32>,
      %shift_right_arithmetic3A = arith.constant 7 : i32
      %shift_right_arithmetic3A_970 = vector.broadcast %shift_right_arithmetic3A : i32 to vector<16xi32>
      %shift_right_arithmetic3A_971 = arith.shrsi %get3A_969, %shift_right_arithmetic3A_970 : vector<16xi32>
      %and3A = arith.constant 127 : i32
      %and3A_972 = vector.broadcast %and3A : i32 to vector<16xi32>
      %and3A_973 = arith.andi %get3A_969, %and3A_972 : vector<16xi32>
      %jit3A = arith.constant 8 : i32
      %div3A = arith.divsi %scan3A_965, %jit3A : i32
      %sign3A = arith.constant 0 : i32
      %sign3A_974 = arith.cmpi sgt, %scan3A_965, %sign3A : i32
      %sign3A_975 = arith.extui %sign3A_974 : i1 to i32
      %sign3A_976 = arith.constant 0 : i32
      %sign3A_977 = arith.cmpi slt, %scan3A_965, %sign3A_976 : i32
      %sign3A_978 = arith.extui %sign3A_977 : i1 to i32
      %sign3A_979 = arith.subi %sign3A_975, %sign3A_978 : i32
      %sign3A_980 = arith.constant 0 : i32
      %sign3A_981 = arith.cmpi sgt, %jit3A, %sign3A_980 : i32
      %sign3A_982 = arith.extui %sign3A_981 : i1 to i32
      %sign3A_983 = arith.constant 0 : i32
      %sign3A_984 = arith.cmpi slt, %jit3A, %sign3A_983 : i32
      %sign3A_985 = arith.extui %sign3A_984 : i1 to i32
      %sign3A_986 = arith.subi %sign3A_982, %sign3A_985 : i32
      %ne3A = arith.cmpi ne, %sign3A_979, %sign3A_986 : i32
      %rem3A = arith.remsi %scan3A_965, %jit3A : i32
      %ne3A_987 = arith.constant 0 : i32
      %ne3A_988 = arith.cmpi ne, %rem3A, %ne3A_987 : i32
      %and3A_989 = arith.andi %ne3A, %ne3A_988 : i1
      %sub3A = arith.constant 1 : i32
      %sub3A_990 = arith.subi %div3A, %sub3A : i32
      %select_n3A = arith.select %and3A_989, %sub3A_990, %div3A : i32
      %jit3A_991 = arith.constant 8 : i32
      %eq3A = arith.constant 0 : i32
      %eq3A_992 = arith.cmpi eq, %jit3A_991, %eq3A : i32
      %jit3A_993 = arith.constant 1 : i32
      %select_n3A_994 = arith.select %eq3A_992, %jit3A_993, %jit3A_991 : i32
      %rem3A_995 = arith.remsi %scan3A_965, %select_n3A_994 : i32
      %ne3A_996 = arith.constant 0 : i32
      %ne3A_997 = arith.cmpi ne, %rem3A_995, %ne3A_996 : i32
      %lt3A = arith.constant 0 : i32
      %lt3A_998 = arith.cmpi slt, %rem3A_995, %lt3A : i32
      %lt3A_999 = arith.constant 0 : i32
      %lt3A_1000 = arith.cmpi slt, %select_n3A_994, %lt3A_999 : i32
      %ne3A_1001 = arith.xori %lt3A_998, %lt3A_1000 : i1
      %and3A_1002 = arith.andi %ne3A_1001, %ne3A_997 : i1
      %add3A_1003 = arith.addi %rem3A_995, %select_n3A_994 : i32
      %select_n3A_1004 = arith.select %and3A_1002, %add3A_1003, %rem3A_995 : i32
      %mul3A_1005 = arith.constant 16 : i32
      %mul3A_1006 = arith.muli %select_n3A_1004, %mul3A_1005 : i32
      %broadcast_in_dim3A = arith.constant 0 : i32
      %broadcast_in_dim3A_1007 = vector.broadcast %broadcast_in_dim3A : i32 to vector<16xi32>
      %gather3A = tpu.vector_load_idx %arg7[%shift_right_arithmetic3A_971, %broadcast_in_dim3A_1007, %and3A_973] : memref<128x2x128xf32, #tpu.memory_space<vmem>>[vector<16xi32>, vector<16xi32>, vector<16xi32>], vector<16xf32>,
      %swap3A = arith.constant 0 : i32
      %swap3A_1008 = arith.index_cast %select_n3A : i32 to index
      %swap3A_1009 = arith.index_cast %swap3A : i32 to index
      %swap3A_1010 = arith.index_cast %mul3A_1006 : i32 to index
      %swap3A_1011 = tpu.vector_load %arg8[%swap3A_1008, %swap3A_1009, %swap3A_1010] {strides = array<i32>} : memref<8x2x128xf32, #tpu.memory_space<vmem>>, vector<16xf32>,
      tpu.vector_store %arg8[%swap3A_1008, %swap3A_1009, %swap3A_1010], %gather3A {strides = array<i32>} : memref<8x2x128xf32, #tpu.memory_space<vmem>>, vector<16xf32>,
      %broadcast_in_dim3A_1012 = arith.constant 1 : i32
      %broadcast_in_dim3A_1013 = vector.broadcast %broadcast_in_dim3A_1012 : i32 to vector<16xi32>
      %gather3A_1014 = tpu.vector_load_idx %arg7[%shift_right_arithmetic3A_971, %broadcast_in_dim3A_1013, %and3A_973] : memref<128x2x128xf32, #tpu.memory_space<vmem>>[vector<16xi32>, vector<16xi32>, vector<16xi32>], vector<16xf32>,
      %swap3A_1015 = arith.constant 1 : i32
      %swap3A_1016 = arith.index_cast %select_n3A : i32 to index
      %swap3A_1017 = arith.index_cast %swap3A_1015 : i32 to index
      %swap3A_1018 = arith.index_cast %mul3A_1006 : i32 to index
      %swap3A_1019 = tpu.vector_load %arg8[%swap3A_1016, %swap3A_1017, %swap3A_1018] {strides = array<i32>} : memref<8x2x128xf32, #tpu.memory_space<vmem>>, vector<16xf32>,
      tpu.vector_store %arg8[%swap3A_1016, %swap3A_1017, %swap3A_1018], %gather3A_1014 {strides = array<i32>} : memref<8x2x128xf32, #tpu.memory_space<vmem>>, vector<16xf32>,
      %scan3A_1020 = arith.constant 0 : i32
      scf.yield %scan3A_1020 : i32
    }
    %scan3A_614 = arith.constant 64 : i32
    %run_scoped3A_615 = arith.constant 4 : i32
    "tpu.region"() ({
      %run_scoped3A_965 = tpu.sem_alloc : memref<!tpu.dma_semaphore, #tpu.memory_space<semaphore_mem>>
      %dma_start3A_966 = arith.constant 0 : i32
      %dma_start3A_967 = arith.constant 6 : i32
      %dma_start3A_968 = arith.constant 0 : i32
      %dma_start3A_969 = tpu.memref_slice %arg4[%add3A, %run_scoped3A_615, %dma_start3A_966, %dma_start3A_967, %dma_start3A_968] : memref<32x8x8x8x128xf32, #tpu.memory_space<hbm>> -> memref<1x1x8x2x128xf32, #tpu.memory_space<hbm>>
      %dma_start3A_970 = tpu.memref_squeeze %dma_start3A_969 : memref<1x1x8x2x128xf32, #tpu.memory_space<hbm>> -> memref<8x2x128xf32, #tpu.memory_space<hbm>>
      %dma_start3A_971 = arith.constant 0 : i32
      %dma_start3A_972 = arith.constant 6 : i32
      %dma_start3A_973 = arith.constant 0 : i32
      %dma_start3A_974 = tpu.memref_slice %arg4[%add3A, %run_scoped3A_615, %dma_start3A_971, %dma_start3A_972, %dma_start3A_973] : memref<32x8x8x8x128xf32, #tpu.memory_space<hbm>> -> memref<1x1x8x2x128xf32, #tpu.memory_space<hbm>>
      %dma_start3A_975 = tpu.memref_squeeze %dma_start3A_974 : memref<1x1x8x2x128xf32, #tpu.memory_space<hbm>> -> memref<8x2x128xf32, #tpu.memory_space<hbm>>
      tpu.enqueue_dma source(%arg8 : memref<8x2x128xf32, #tpu.memory_space<vmem>>) target(%dma_start3A_975 : memref<8x2x128xf32, #tpu.memory_space<hbm>>) target_semaphore(%run_scoped3A_965 : memref<!tpu.dma_semaphore, #tpu.memory_space<semaphore_mem>>)
      %dma_wait3A_976 = arith.constant 0 : i32
      %dma_wait3A_977 = arith.constant 6 : i32
      %dma_wait3A_978 = arith.constant 0 : i32
      %dma_wait3A_979 = tpu.memref_slice %arg4[%add3A, %run_scoped3A_615, %dma_wait3A_976, %dma_wait3A_977, %dma_wait3A_978] : memref<32x8x8x8x128xf32, #tpu.memory_space<hbm>> -> memref<1x1x8x2x128xf32, #tpu.memory_space<hbm>>
      %dma_wait3A_980 = tpu.memref_squeeze %dma_wait3A_979 : memref<1x1x8x2x128xf32, #tpu.memory_space<hbm>> -> memref<8x2x128xf32, #tpu.memory_space<hbm>>
      %dma_wait3A_981 = arith.constant 0 : i32
      %dma_wait3A_982 = arith.constant 6 : i32
      %dma_wait3A_983 = arith.constant 0 : i32
      %dma_wait3A_984 = tpu.memref_slice %arg4[%add3A, %run_scoped3A_615, %dma_wait3A_981, %dma_wait3A_982, %dma_wait3A_983] : memref<32x8x8x8x128xf32, #tpu.memory_space<hbm>> -> memref<1x1x8x2x128xf32, #tpu.memory_space<hbm>>
      %dma_wait3A_985 = tpu.memref_squeeze %dma_wait3A_984 : memref<1x1x8x2x128xf32, #tpu.memory_space<hbm>> -> memref<8x2x128xf32, #tpu.memory_space<hbm>>
      tpu.wait_dma2 semaphore(%run_scoped3A_965 : memref<!tpu.dma_semaphore, #tpu.memory_space<semaphore_mem>>) src(%arg8 : memref<8x2x128xf32, #tpu.memory_space<vmem>>) dst(%dma_wait3A_985 : memref<8x2x128xf32, #tpu.memory_space<hbm>>)
      tpu.yield
    }) : () -> ()
    %dma_start3A_616 = arith.constant 5 : i32
    %dma_start3A_617 = arith.constant 0 : i32
    %dma_start3A_618 = arith.constant 2 : i32
    %dma_start3A_619 = arith.constant 0 : i32
    %dma_start3A_620 = tpu.memref_slice %arg2[%add3A, %dma_start3A_616, %dma_start3A_617, %dma_start3A_618, %dma_start3A_619] : memref<32x8x128x8x128xf32, #tpu.memory_space<hbm>> -> memref<1x1x128x2x128xf32, #tpu.memory_space<hbm>>
    %dma_start3A_621 = tpu.memref_squeeze %dma_start3A_620 : memref<1x1x128x2x128xf32, #tpu.memory_space<hbm>> -> memref<128x2x128xf32, #tpu.memory_space<hbm>>
    %dma_start3A_622 = arith.constant 0 : i32
    %dma_start3A_623 = arith.constant 2 : i32
    %dma_start3A_624 = arith.constant 0 : i32
    %dma_start3A_625 = tpu.memref_slice %arg2[%add3A, %dma_start3A_616, %dma_start3A_622, %dma_start3A_623, %dma_start3A_624] : memref<32x8x128x8x128xf32, #tpu.memory_space<hbm>> -> memref<1x1x128x2x128xf32, #tpu.memory_space<hbm>>
    %dma_start3A_626 = tpu.memref_squeeze %dma_start3A_625 : memref<1x1x128x2x128xf32, #tpu.memory_space<hbm>> -> memref<128x2x128xf32, #tpu.memory_space<hbm>>
    tpu.enqueue_dma source(%dma_start3A_626 : memref<128x2x128xf32, #tpu.memory_space<hbm>>) target(%arg7 : memref<128x2x128xf32, #tpu.memory_space<vmem>>) target_semaphore(%arg10 : memref<!tpu.dma_semaphore, #tpu.memory_space<semaphore_mem>>)
    %dma_wait3A_627 = arith.constant 5 : i32
    %dma_wait3A_628 = arith.constant 0 : i32
    %dma_wait3A_629 = arith.constant 0 : i32
    %dma_wait3A_630 = arith.constant 0 : i32
    %dma_wait3A_631 = tpu.memref_slice %arg2[%add3A, %dma_wait3A_627, %dma_wait3A_628, %dma_wait3A_629, %dma_wait3A_630] : memref<32x8x128x8x128xf32, #tpu.memory_space<hbm>> -> memref<1x1x128x2x128xf32, #tpu.memory_space<hbm>>
    %dma_wait3A_632 = tpu.memref_squeeze %dma_wait3A_631 : memref<1x1x128x2x128xf32, #tpu.memory_space<hbm>> -> memref<128x2x128xf32, #tpu.memory_space<hbm>>
    %dma_wait3A_633 = arith.constant 0 : i32
    %dma_wait3A_634 = arith.constant 0 : i32
    %dma_wait3A_635 = arith.constant 0 : i32
    %dma_wait3A_636 = tpu.memref_slice %arg2[%add3A, %dma_wait3A_627, %dma_wait3A_633, %dma_wait3A_634, %dma_wait3A_635] : memref<32x8x128x8x128xf32, #tpu.memory_space<hbm>> -> memref<1x1x128x2x128xf32, #tpu.memory_space<hbm>>
    %dma_wait3A_637 = tpu.memref_squeeze %dma_wait3A_636 : memref<1x1x128x2x128xf32, #tpu.memory_space<hbm>> -> memref<128x2x128xf32, #tpu.memory_space<hbm>>
    tpu.wait_dma2 semaphore(%arg9 : memref<!tpu.dma_semaphore, #tpu.memory_space<semaphore_mem>>) src(%dma_wait3A_637 : memref<128x2x128xf32, #tpu.memory_space<hbm>>) dst(%arg6 : memref<128x2x128xf32, #tpu.memory_space<vmem>>)
    %scan3A_638 = arith.constant 0 : i32
    %scan3A_639 = arith.constant 0 : i32
    %scan3A_640 = arith.constant 64 : i32
    %scan3A_641 = arith.addi %scan3A_639, %scan3A_640 : i32
    %scan3A_642 = arith.constant 1 : i32
    %scan3A_643 = scf.for %scan3A_965 = %scan3A_639 to %scan3A_641 step %scan3A_642 iter_args(%scan3A_966 = %scan3A_638) -> (i32)  : i32 {
      %mul3A_967 = arith.constant 16 : i32
      %mul3A_968 = arith.muli %scan3A_965, %mul3A_967 : i32
      %get3A = arith.index_cast %mul3A_968 : i32 to index
      %get3A_969 = tpu.vector_load %arg5[%get3A] {strides = array<i32>} : memref<1024xi32, #tpu.memory_space<vmem>>, vector<16xi32>,
      %shift_right_arithmetic3A = arith.constant 7 : i32
      %shift_right_arithmetic3A_970 = vector.broadcast %shift_right_arithmetic3A : i32 to vector<16xi32>
      %shift_right_arithmetic3A_971 = arith.shrsi %get3A_969, %shift_right_arithmetic3A_970 : vector<16xi32>
      %and3A = arith.constant 127 : i32
      %and3A_972 = vector.broadcast %and3A : i32 to vector<16xi32>
      %and3A_973 = arith.andi %get3A_969, %and3A_972 : vector<16xi32>
      %jit3A = arith.constant 8 : i32
      %div3A = arith.divsi %scan3A_965, %jit3A : i32
      %sign3A = arith.constant 0 : i32
      %sign3A_974 = arith.cmpi sgt, %scan3A_965, %sign3A : i32
      %sign3A_975 = arith.extui %sign3A_974 : i1 to i32
      %sign3A_976 = arith.constant 0 : i32
      %sign3A_977 = arith.cmpi slt, %scan3A_965, %sign3A_976 : i32
      %sign3A_978 = arith.extui %sign3A_977 : i1 to i32
      %sign3A_979 = arith.subi %sign3A_975, %sign3A_978 : i32
      %sign3A_980 = arith.constant 0 : i32
      %sign3A_981 = arith.cmpi sgt, %jit3A, %sign3A_980 : i32
      %sign3A_982 = arith.extui %sign3A_981 : i1 to i32
      %sign3A_983 = arith.constant 0 : i32
      %sign3A_984 = arith.cmpi slt, %jit3A, %sign3A_983 : i32
      %sign3A_985 = arith.extui %sign3A_984 : i1 to i32
      %sign3A_986 = arith.subi %sign3A_982, %sign3A_985 : i32
      %ne3A = arith.cmpi ne, %sign3A_979, %sign3A_986 : i32
      %rem3A = arith.remsi %scan3A_965, %jit3A : i32
      %ne3A_987 = arith.constant 0 : i32
      %ne3A_988 = arith.cmpi ne, %rem3A, %ne3A_987 : i32
      %and3A_989 = arith.andi %ne3A, %ne3A_988 : i1
      %sub3A = arith.constant 1 : i32
      %sub3A_990 = arith.subi %div3A, %sub3A : i32
      %select_n3A = arith.select %and3A_989, %sub3A_990, %div3A : i32
      %jit3A_991 = arith.constant 8 : i32
      %eq3A = arith.constant 0 : i32
      %eq3A_992 = arith.cmpi eq, %jit3A_991, %eq3A : i32
      %jit3A_993 = arith.constant 1 : i32
      %select_n3A_994 = arith.select %eq3A_992, %jit3A_993, %jit3A_991 : i32
      %rem3A_995 = arith.remsi %scan3A_965, %select_n3A_994 : i32
      %ne3A_996 = arith.constant 0 : i32
      %ne3A_997 = arith.cmpi ne, %rem3A_995, %ne3A_996 : i32
      %lt3A = arith.constant 0 : i32
      %lt3A_998 = arith.cmpi slt, %rem3A_995, %lt3A : i32
      %lt3A_999 = arith.constant 0 : i32
      %lt3A_1000 = arith.cmpi slt, %select_n3A_994, %lt3A_999 : i32
      %ne3A_1001 = arith.xori %lt3A_998, %lt3A_1000 : i1
      %and3A_1002 = arith.andi %ne3A_1001, %ne3A_997 : i1
      %add3A_1003 = arith.addi %rem3A_995, %select_n3A_994 : i32
      %select_n3A_1004 = arith.select %and3A_1002, %add3A_1003, %rem3A_995 : i32
      %mul3A_1005 = arith.constant 16 : i32
      %mul3A_1006 = arith.muli %select_n3A_1004, %mul3A_1005 : i32
      %broadcast_in_dim3A = arith.constant 0 : i32
      %broadcast_in_dim3A_1007 = vector.broadcast %broadcast_in_dim3A : i32 to vector<16xi32>
      %gather3A = tpu.vector_load_idx %arg6[%shift_right_arithmetic3A_971, %broadcast_in_dim3A_1007, %and3A_973] : memref<128x2x128xf32, #tpu.memory_space<vmem>>[vector<16xi32>, vector<16xi32>, vector<16xi32>], vector<16xf32>,
      %swap3A = arith.constant 0 : i32
      %swap3A_1008 = arith.index_cast %select_n3A : i32 to index
      %swap3A_1009 = arith.index_cast %swap3A : i32 to index
      %swap3A_1010 = arith.index_cast %mul3A_1006 : i32 to index
      %swap3A_1011 = tpu.vector_load %arg8[%swap3A_1008, %swap3A_1009, %swap3A_1010] {strides = array<i32>} : memref<8x2x128xf32, #tpu.memory_space<vmem>>, vector<16xf32>,
      tpu.vector_store %arg8[%swap3A_1008, %swap3A_1009, %swap3A_1010], %gather3A {strides = array<i32>} : memref<8x2x128xf32, #tpu.memory_space<vmem>>, vector<16xf32>,
      %broadcast_in_dim3A_1012 = arith.constant 1 : i32
      %broadcast_in_dim3A_1013 = vector.broadcast %broadcast_in_dim3A_1012 : i32 to vector<16xi32>
      %gather3A_1014 = tpu.vector_load_idx %arg6[%shift_right_arithmetic3A_971, %broadcast_in_dim3A_1013, %and3A_973] : memref<128x2x128xf32, #tpu.memory_space<vmem>>[vector<16xi32>, vector<16xi32>, vector<16xi32>], vector<16xf32>,
      %swap3A_1015 = arith.constant 1 : i32
      %swap3A_1016 = arith.index_cast %select_n3A : i32 to index
      %swap3A_1017 = arith.index_cast %swap3A_1015 : i32 to index
      %swap3A_1018 = arith.index_cast %mul3A_1006 : i32 to index
      %swap3A_1019 = tpu.vector_load %arg8[%swap3A_1016, %swap3A_1017, %swap3A_1018] {strides = array<i32>} : memref<8x2x128xf32, #tpu.memory_space<vmem>>, vector<16xf32>,
      tpu.vector_store %arg8[%swap3A_1016, %swap3A_1017, %swap3A_1018], %gather3A_1014 {strides = array<i32>} : memref<8x2x128xf32, #tpu.memory_space<vmem>>, vector<16xf32>,
      %scan3A_1020 = arith.constant 0 : i32
      scf.yield %scan3A_1020 : i32
    }
    %scan3A_644 = arith.constant 64 : i32
    %run_scoped3A_645 = arith.constant 5 : i32
    "tpu.region"() ({
      %run_scoped3A_965 = tpu.sem_alloc : memref<!tpu.dma_semaphore, #tpu.memory_space<semaphore_mem>>
      %dma_start3A_966 = arith.constant 0 : i32
      %dma_start3A_967 = arith.constant 0 : i32
      %dma_start3A_968 = arith.constant 0 : i32
      %dma_start3A_969 = tpu.memref_slice %arg4[%add3A, %run_scoped3A_645, %dma_start3A_966, %dma_start3A_967, %dma_start3A_968] : memref<32x8x8x8x128xf32, #tpu.memory_space<hbm>> -> memref<1x1x8x2x128xf32, #tpu.memory_space<hbm>>
      %dma_start3A_970 = tpu.memref_squeeze %dma_start3A_969 : memref<1x1x8x2x128xf32, #tpu.memory_space<hbm>> -> memref<8x2x128xf32, #tpu.memory_space<hbm>>
      %dma_start3A_971 = arith.constant 0 : i32
      %dma_start3A_972 = arith.constant 0 : i32
      %dma_start3A_973 = arith.constant 0 : i32
      %dma_start3A_974 = tpu.memref_slice %arg4[%add3A, %run_scoped3A_645, %dma_start3A_971, %dma_start3A_972, %dma_start3A_973] : memref<32x8x8x8x128xf32, #tpu.memory_space<hbm>> -> memref<1x1x8x2x128xf32, #tpu.memory_space<hbm>>
      %dma_start3A_975 = tpu.memref_squeeze %dma_start3A_974 : memref<1x1x8x2x128xf32, #tpu.memory_space<hbm>> -> memref<8x2x128xf32, #tpu.memory_space<hbm>>
      tpu.enqueue_dma source(%arg8 : memref<8x2x128xf32, #tpu.memory_space<vmem>>) target(%dma_start3A_975 : memref<8x2x128xf32, #tpu.memory_space<hbm>>) target_semaphore(%run_scoped3A_965 : memref<!tpu.dma_semaphore, #tpu.memory_space<semaphore_mem>>)
      %dma_wait3A_976 = arith.constant 0 : i32
      %dma_wait3A_977 = arith.constant 0 : i32
      %dma_wait3A_978 = arith.constant 0 : i32
      %dma_wait3A_979 = tpu.memref_slice %arg4[%add3A, %run_scoped3A_645, %dma_wait3A_976, %dma_wait3A_977, %dma_wait3A_978] : memref<32x8x8x8x128xf32, #tpu.memory_space<hbm>> -> memref<1x1x8x2x128xf32, #tpu.memory_space<hbm>>
      %dma_wait3A_980 = tpu.memref_squeeze %dma_wait3A_979 : memref<1x1x8x2x128xf32, #tpu.memory_space<hbm>> -> memref<8x2x128xf32, #tpu.memory_space<hbm>>
      %dma_wait3A_981 = arith.constant 0 : i32
      %dma_wait3A_982 = arith.constant 0 : i32
      %dma_wait3A_983 = arith.constant 0 : i32
      %dma_wait3A_984 = tpu.memref_slice %arg4[%add3A, %run_scoped3A_645, %dma_wait3A_981, %dma_wait3A_982, %dma_wait3A_983] : memref<32x8x8x8x128xf32, #tpu.memory_space<hbm>> -> memref<1x1x8x2x128xf32, #tpu.memory_space<hbm>>
      %dma_wait3A_985 = tpu.memref_squeeze %dma_wait3A_984 : memref<1x1x8x2x128xf32, #tpu.memory_space<hbm>> -> memref<8x2x128xf32, #tpu.memory_space<hbm>>
      tpu.wait_dma2 semaphore(%run_scoped3A_965 : memref<!tpu.dma_semaphore, #tpu.memory_space<semaphore_mem>>) src(%arg8 : memref<8x2x128xf32, #tpu.memory_space<vmem>>) dst(%dma_wait3A_985 : memref<8x2x128xf32, #tpu.memory_space<hbm>>)
      tpu.yield
    }) : () -> ()
    %dma_start3A_646 = arith.constant 5 : i32
    %dma_start3A_647 = arith.constant 0 : i32
    %dma_start3A_648 = arith.constant 4 : i32
    %dma_start3A_649 = arith.constant 0 : i32
    %dma_start3A_650 = tpu.memref_slice %arg2[%add3A, %dma_start3A_646, %dma_start3A_647, %dma_start3A_648, %dma_start3A_649] : memref<32x8x128x8x128xf32, #tpu.memory_space<hbm>> -> memref<1x1x128x2x128xf32, #tpu.memory_space<hbm>>
    %dma_start3A_651 = tpu.memref_squeeze %dma_start3A_650 : memref<1x1x128x2x128xf32, #tpu.memory_space<hbm>> -> memref<128x2x128xf32, #tpu.memory_space<hbm>>
    %dma_start3A_652 = arith.constant 0 : i32
    %dma_start3A_653 = arith.constant 4 : i32
    %dma_start3A_654 = arith.constant 0 : i32
    %dma_start3A_655 = tpu.memref_slice %arg2[%add3A, %dma_start3A_646, %dma_start3A_652, %dma_start3A_653, %dma_start3A_654] : memref<32x8x128x8x128xf32, #tpu.memory_space<hbm>> -> memref<1x1x128x2x128xf32, #tpu.memory_space<hbm>>
    %dma_start3A_656 = tpu.memref_squeeze %dma_start3A_655 : memref<1x1x128x2x128xf32, #tpu.memory_space<hbm>> -> memref<128x2x128xf32, #tpu.memory_space<hbm>>
    tpu.enqueue_dma source(%dma_start3A_656 : memref<128x2x128xf32, #tpu.memory_space<hbm>>) target(%arg6 : memref<128x2x128xf32, #tpu.memory_space<vmem>>) target_semaphore(%arg9 : memref<!tpu.dma_semaphore, #tpu.memory_space<semaphore_mem>>)
    %dma_wait3A_657 = arith.constant 5 : i32
    %dma_wait3A_658 = arith.constant 0 : i32
    %dma_wait3A_659 = arith.constant 2 : i32
    %dma_wait3A_660 = arith.constant 0 : i32
    %dma_wait3A_661 = tpu.memref_slice %arg2[%add3A, %dma_wait3A_657, %dma_wait3A_658, %dma_wait3A_659, %dma_wait3A_660] : memref<32x8x128x8x128xf32, #tpu.memory_space<hbm>> -> memref<1x1x128x2x128xf32, #tpu.memory_space<hbm>>
    %dma_wait3A_662 = tpu.memref_squeeze %dma_wait3A_661 : memref<1x1x128x2x128xf32, #tpu.memory_space<hbm>> -> memref<128x2x128xf32, #tpu.memory_space<hbm>>
    %dma_wait3A_663 = arith.constant 0 : i32
    %dma_wait3A_664 = arith.constant 2 : i32
    %dma_wait3A_665 = arith.constant 0 : i32
    %dma_wait3A_666 = tpu.memref_slice %arg2[%add3A, %dma_wait3A_657, %dma_wait3A_663, %dma_wait3A_664, %dma_wait3A_665] : memref<32x8x128x8x128xf32, #tpu.memory_space<hbm>> -> memref<1x1x128x2x128xf32, #tpu.memory_space<hbm>>
    %dma_wait3A_667 = tpu.memref_squeeze %dma_wait3A_666 : memref<1x1x128x2x128xf32, #tpu.memory_space<hbm>> -> memref<128x2x128xf32, #tpu.memory_space<hbm>>
    tpu.wait_dma2 semaphore(%arg10 : memref<!tpu.dma_semaphore, #tpu.memory_space<semaphore_mem>>) src(%dma_wait3A_667 : memref<128x2x128xf32, #tpu.memory_space<hbm>>) dst(%arg7 : memref<128x2x128xf32, #tpu.memory_space<vmem>>)
    %scan3A_668 = arith.constant 0 : i32
    %scan3A_669 = arith.constant 0 : i32
    %scan3A_670 = arith.constant 64 : i32
    %scan3A_671 = arith.addi %scan3A_669, %scan3A_670 : i32
    %scan3A_672 = arith.constant 1 : i32
    %scan3A_673 = scf.for %scan3A_965 = %scan3A_669 to %scan3A_671 step %scan3A_672 iter_args(%scan3A_966 = %scan3A_668) -> (i32)  : i32 {
      %mul3A_967 = arith.constant 16 : i32
      %mul3A_968 = arith.muli %scan3A_965, %mul3A_967 : i32
      %get3A = arith.index_cast %mul3A_968 : i32 to index
      %get3A_969 = tpu.vector_load %arg5[%get3A] {strides = array<i32>} : memref<1024xi32, #tpu.memory_space<vmem>>, vector<16xi32>,
      %shift_right_arithmetic3A = arith.constant 7 : i32
      %shift_right_arithmetic3A_970 = vector.broadcast %shift_right_arithmetic3A : i32 to vector<16xi32>
      %shift_right_arithmetic3A_971 = arith.shrsi %get3A_969, %shift_right_arithmetic3A_970 : vector<16xi32>
      %and3A = arith.constant 127 : i32
      %and3A_972 = vector.broadcast %and3A : i32 to vector<16xi32>
      %and3A_973 = arith.andi %get3A_969, %and3A_972 : vector<16xi32>
      %jit3A = arith.constant 8 : i32
      %div3A = arith.divsi %scan3A_965, %jit3A : i32
      %sign3A = arith.constant 0 : i32
      %sign3A_974 = arith.cmpi sgt, %scan3A_965, %sign3A : i32
      %sign3A_975 = arith.extui %sign3A_974 : i1 to i32
      %sign3A_976 = arith.constant 0 : i32
      %sign3A_977 = arith.cmpi slt, %scan3A_965, %sign3A_976 : i32
      %sign3A_978 = arith.extui %sign3A_977 : i1 to i32
      %sign3A_979 = arith.subi %sign3A_975, %sign3A_978 : i32
      %sign3A_980 = arith.constant 0 : i32
      %sign3A_981 = arith.cmpi sgt, %jit3A, %sign3A_980 : i32
      %sign3A_982 = arith.extui %sign3A_981 : i1 to i32
      %sign3A_983 = arith.constant 0 : i32
      %sign3A_984 = arith.cmpi slt, %jit3A, %sign3A_983 : i32
      %sign3A_985 = arith.extui %sign3A_984 : i1 to i32
      %sign3A_986 = arith.subi %sign3A_982, %sign3A_985 : i32
      %ne3A = arith.cmpi ne, %sign3A_979, %sign3A_986 : i32
      %rem3A = arith.remsi %scan3A_965, %jit3A : i32
      %ne3A_987 = arith.constant 0 : i32
      %ne3A_988 = arith.cmpi ne, %rem3A, %ne3A_987 : i32
      %and3A_989 = arith.andi %ne3A, %ne3A_988 : i1
      %sub3A = arith.constant 1 : i32
      %sub3A_990 = arith.subi %div3A, %sub3A : i32
      %select_n3A = arith.select %and3A_989, %sub3A_990, %div3A : i32
      %jit3A_991 = arith.constant 8 : i32
      %eq3A = arith.constant 0 : i32
      %eq3A_992 = arith.cmpi eq, %jit3A_991, %eq3A : i32
      %jit3A_993 = arith.constant 1 : i32
      %select_n3A_994 = arith.select %eq3A_992, %jit3A_993, %jit3A_991 : i32
      %rem3A_995 = arith.remsi %scan3A_965, %select_n3A_994 : i32
      %ne3A_996 = arith.constant 0 : i32
      %ne3A_997 = arith.cmpi ne, %rem3A_995, %ne3A_996 : i32
      %lt3A = arith.constant 0 : i32
      %lt3A_998 = arith.cmpi slt, %rem3A_995, %lt3A : i32
      %lt3A_999 = arith.constant 0 : i32
      %lt3A_1000 = arith.cmpi slt, %select_n3A_994, %lt3A_999 : i32
      %ne3A_1001 = arith.xori %lt3A_998, %lt3A_1000 : i1
      %and3A_1002 = arith.andi %ne3A_1001, %ne3A_997 : i1
      %add3A_1003 = arith.addi %rem3A_995, %select_n3A_994 : i32
      %select_n3A_1004 = arith.select %and3A_1002, %add3A_1003, %rem3A_995 : i32
      %mul3A_1005 = arith.constant 16 : i32
      %mul3A_1006 = arith.muli %select_n3A_1004, %mul3A_1005 : i32
      %broadcast_in_dim3A = arith.constant 0 : i32
      %broadcast_in_dim3A_1007 = vector.broadcast %broadcast_in_dim3A : i32 to vector<16xi32>
      %gather3A = tpu.vector_load_idx %arg7[%shift_right_arithmetic3A_971, %broadcast_in_dim3A_1007, %and3A_973] : memref<128x2x128xf32, #tpu.memory_space<vmem>>[vector<16xi32>, vector<16xi32>, vector<16xi32>], vector<16xf32>,
      %swap3A = arith.constant 0 : i32
      %swap3A_1008 = arith.index_cast %select_n3A : i32 to index
      %swap3A_1009 = arith.index_cast %swap3A : i32 to index
      %swap3A_1010 = arith.index_cast %mul3A_1006 : i32 to index
      %swap3A_1011 = tpu.vector_load %arg8[%swap3A_1008, %swap3A_1009, %swap3A_1010] {strides = array<i32>} : memref<8x2x128xf32, #tpu.memory_space<vmem>>, vector<16xf32>,
      tpu.vector_store %arg8[%swap3A_1008, %swap3A_1009, %swap3A_1010], %gather3A {strides = array<i32>} : memref<8x2x128xf32, #tpu.memory_space<vmem>>, vector<16xf32>,
      %broadcast_in_dim3A_1012 = arith.constant 1 : i32
      %broadcast_in_dim3A_1013 = vector.broadcast %broadcast_in_dim3A_1012 : i32 to vector<16xi32>
      %gather3A_1014 = tpu.vector_load_idx %arg7[%shift_right_arithmetic3A_971, %broadcast_in_dim3A_1013, %and3A_973] : memref<128x2x128xf32, #tpu.memory_space<vmem>>[vector<16xi32>, vector<16xi32>, vector<16xi32>], vector<16xf32>,
      %swap3A_1015 = arith.constant 1 : i32
      %swap3A_1016 = arith.index_cast %select_n3A : i32 to index
      %swap3A_1017 = arith.index_cast %swap3A_1015 : i32 to index
      %swap3A_1018 = arith.index_cast %mul3A_1006 : i32 to index
      %swap3A_1019 = tpu.vector_load %arg8[%swap3A_1016, %swap3A_1017, %swap3A_1018] {strides = array<i32>} : memref<8x2x128xf32, #tpu.memory_space<vmem>>, vector<16xf32>,
      tpu.vector_store %arg8[%swap3A_1016, %swap3A_1017, %swap3A_1018], %gather3A_1014 {strides = array<i32>} : memref<8x2x128xf32, #tpu.memory_space<vmem>>, vector<16xf32>,
      %scan3A_1020 = arith.constant 0 : i32
      scf.yield %scan3A_1020 : i32
    }
    %scan3A_674 = arith.constant 64 : i32
    %run_scoped3A_675 = arith.constant 5 : i32
    "tpu.region"() ({
      %run_scoped3A_965 = tpu.sem_alloc : memref<!tpu.dma_semaphore, #tpu.memory_space<semaphore_mem>>
      %dma_start3A_966 = arith.constant 0 : i32
      %dma_start3A_967 = arith.constant 2 : i32
      %dma_start3A_968 = arith.constant 0 : i32
      %dma_start3A_969 = tpu.memref_slice %arg4[%add3A, %run_scoped3A_675, %dma_start3A_966, %dma_start3A_967, %dma_start3A_968] : memref<32x8x8x8x128xf32, #tpu.memory_space<hbm>> -> memref<1x1x8x2x128xf32, #tpu.memory_space<hbm>>
      %dma_start3A_970 = tpu.memref_squeeze %dma_start3A_969 : memref<1x1x8x2x128xf32, #tpu.memory_space<hbm>> -> memref<8x2x128xf32, #tpu.memory_space<hbm>>
      %dma_start3A_971 = arith.constant 0 : i32
      %dma_start3A_972 = arith.constant 2 : i32
      %dma_start3A_973 = arith.constant 0 : i32
      %dma_start3A_974 = tpu.memref_slice %arg4[%add3A, %run_scoped3A_675, %dma_start3A_971, %dma_start3A_972, %dma_start3A_973] : memref<32x8x8x8x128xf32, #tpu.memory_space<hbm>> -> memref<1x1x8x2x128xf32, #tpu.memory_space<hbm>>
      %dma_start3A_975 = tpu.memref_squeeze %dma_start3A_974 : memref<1x1x8x2x128xf32, #tpu.memory_space<hbm>> -> memref<8x2x128xf32, #tpu.memory_space<hbm>>
      tpu.enqueue_dma source(%arg8 : memref<8x2x128xf32, #tpu.memory_space<vmem>>) target(%dma_start3A_975 : memref<8x2x128xf32, #tpu.memory_space<hbm>>) target_semaphore(%run_scoped3A_965 : memref<!tpu.dma_semaphore, #tpu.memory_space<semaphore_mem>>)
      %dma_wait3A_976 = arith.constant 0 : i32
      %dma_wait3A_977 = arith.constant 2 : i32
      %dma_wait3A_978 = arith.constant 0 : i32
      %dma_wait3A_979 = tpu.memref_slice %arg4[%add3A, %run_scoped3A_675, %dma_wait3A_976, %dma_wait3A_977, %dma_wait3A_978] : memref<32x8x8x8x128xf32, #tpu.memory_space<hbm>> -> memref<1x1x8x2x128xf32, #tpu.memory_space<hbm>>
      %dma_wait3A_980 = tpu.memref_squeeze %dma_wait3A_979 : memref<1x1x8x2x128xf32, #tpu.memory_space<hbm>> -> memref<8x2x128xf32, #tpu.memory_space<hbm>>
      %dma_wait3A_981 = arith.constant 0 : i32
      %dma_wait3A_982 = arith.constant 2 : i32
      %dma_wait3A_983 = arith.constant 0 : i32
      %dma_wait3A_984 = tpu.memref_slice %arg4[%add3A, %run_scoped3A_675, %dma_wait3A_981, %dma_wait3A_982, %dma_wait3A_983] : memref<32x8x8x8x128xf32, #tpu.memory_space<hbm>> -> memref<1x1x8x2x128xf32, #tpu.memory_space<hbm>>
      %dma_wait3A_985 = tpu.memref_squeeze %dma_wait3A_984 : memref<1x1x8x2x128xf32, #tpu.memory_space<hbm>> -> memref<8x2x128xf32, #tpu.memory_space<hbm>>
      tpu.wait_dma2 semaphore(%run_scoped3A_965 : memref<!tpu.dma_semaphore, #tpu.memory_space<semaphore_mem>>) src(%arg8 : memref<8x2x128xf32, #tpu.memory_space<vmem>>) dst(%dma_wait3A_985 : memref<8x2x128xf32, #tpu.memory_space<hbm>>)
      tpu.yield
    }) : () -> ()
    %dma_start3A_676 = arith.constant 5 : i32
    %dma_start3A_677 = arith.constant 0 : i32
    %dma_start3A_678 = arith.constant 6 : i32
    %dma_start3A_679 = arith.constant 0 : i32
    %dma_start3A_680 = tpu.memref_slice %arg2[%add3A, %dma_start3A_676, %dma_start3A_677, %dma_start3A_678, %dma_start3A_679] : memref<32x8x128x8x128xf32, #tpu.memory_space<hbm>> -> memref<1x1x128x2x128xf32, #tpu.memory_space<hbm>>
    %dma_start3A_681 = tpu.memref_squeeze %dma_start3A_680 : memref<1x1x128x2x128xf32, #tpu.memory_space<hbm>> -> memref<128x2x128xf32, #tpu.memory_space<hbm>>
    %dma_start3A_682 = arith.constant 0 : i32
    %dma_start3A_683 = arith.constant 6 : i32
    %dma_start3A_684 = arith.constant 0 : i32
    %dma_start3A_685 = tpu.memref_slice %arg2[%add3A, %dma_start3A_676, %dma_start3A_682, %dma_start3A_683, %dma_start3A_684] : memref<32x8x128x8x128xf32, #tpu.memory_space<hbm>> -> memref<1x1x128x2x128xf32, #tpu.memory_space<hbm>>
    %dma_start3A_686 = tpu.memref_squeeze %dma_start3A_685 : memref<1x1x128x2x128xf32, #tpu.memory_space<hbm>> -> memref<128x2x128xf32, #tpu.memory_space<hbm>>
    tpu.enqueue_dma source(%dma_start3A_686 : memref<128x2x128xf32, #tpu.memory_space<hbm>>) target(%arg7 : memref<128x2x128xf32, #tpu.memory_space<vmem>>) target_semaphore(%arg10 : memref<!tpu.dma_semaphore, #tpu.memory_space<semaphore_mem>>)
    %dma_wait3A_687 = arith.constant 5 : i32
    %dma_wait3A_688 = arith.constant 0 : i32
    %dma_wait3A_689 = arith.constant 4 : i32
    %dma_wait3A_690 = arith.constant 0 : i32
    %dma_wait3A_691 = tpu.memref_slice %arg2[%add3A, %dma_wait3A_687, %dma_wait3A_688, %dma_wait3A_689, %dma_wait3A_690] : memref<32x8x128x8x128xf32, #tpu.memory_space<hbm>> -> memref<1x1x128x2x128xf32, #tpu.memory_space<hbm>>
    %dma_wait3A_692 = tpu.memref_squeeze %dma_wait3A_691 : memref<1x1x128x2x128xf32, #tpu.memory_space<hbm>> -> memref<128x2x128xf32, #tpu.memory_space<hbm>>
    %dma_wait3A_693 = arith.constant 0 : i32
    %dma_wait3A_694 = arith.constant 4 : i32
    %dma_wait3A_695 = arith.constant 0 : i32
    %dma_wait3A_696 = tpu.memref_slice %arg2[%add3A, %dma_wait3A_687, %dma_wait3A_693, %dma_wait3A_694, %dma_wait3A_695] : memref<32x8x128x8x128xf32, #tpu.memory_space<hbm>> -> memref<1x1x128x2x128xf32, #tpu.memory_space<hbm>>
    %dma_wait3A_697 = tpu.memref_squeeze %dma_wait3A_696 : memref<1x1x128x2x128xf32, #tpu.memory_space<hbm>> -> memref<128x2x128xf32, #tpu.memory_space<hbm>>
    tpu.wait_dma2 semaphore(%arg9 : memref<!tpu.dma_semaphore, #tpu.memory_space<semaphore_mem>>) src(%dma_wait3A_697 : memref<128x2x128xf32, #tpu.memory_space<hbm>>) dst(%arg6 : memref<128x2x128xf32, #tpu.memory_space<vmem>>)
    %scan3A_698 = arith.constant 0 : i32
    %scan3A_699 = arith.constant 0 : i32
    %scan3A_700 = arith.constant 64 : i32
    %scan3A_701 = arith.addi %scan3A_699, %scan3A_700 : i32
    %scan3A_702 = arith.constant 1 : i32
    %scan3A_703 = scf.for %scan3A_965 = %scan3A_699 to %scan3A_701 step %scan3A_702 iter_args(%scan3A_966 = %scan3A_698) -> (i32)  : i32 {
      %mul3A_967 = arith.constant 16 : i32
      %mul3A_968 = arith.muli %scan3A_965, %mul3A_967 : i32
      %get3A = arith.index_cast %mul3A_968 : i32 to index
      %get3A_969 = tpu.vector_load %arg5[%get3A] {strides = array<i32>} : memref<1024xi32, #tpu.memory_space<vmem>>, vector<16xi32>,
      %shift_right_arithmetic3A = arith.constant 7 : i32
      %shift_right_arithmetic3A_970 = vector.broadcast %shift_right_arithmetic3A : i32 to vector<16xi32>
      %shift_right_arithmetic3A_971 = arith.shrsi %get3A_969, %shift_right_arithmetic3A_970 : vector<16xi32>
      %and3A = arith.constant 127 : i32
      %and3A_972 = vector.broadcast %and3A : i32 to vector<16xi32>
      %and3A_973 = arith.andi %get3A_969, %and3A_972 : vector<16xi32>
      %jit3A = arith.constant 8 : i32
      %div3A = arith.divsi %scan3A_965, %jit3A : i32
      %sign3A = arith.constant 0 : i32
      %sign3A_974 = arith.cmpi sgt, %scan3A_965, %sign3A : i32
      %sign3A_975 = arith.extui %sign3A_974 : i1 to i32
      %sign3A_976 = arith.constant 0 : i32
      %sign3A_977 = arith.cmpi slt, %scan3A_965, %sign3A_976 : i32
      %sign3A_978 = arith.extui %sign3A_977 : i1 to i32
      %sign3A_979 = arith.subi %sign3A_975, %sign3A_978 : i32
      %sign3A_980 = arith.constant 0 : i32
      %sign3A_981 = arith.cmpi sgt, %jit3A, %sign3A_980 : i32
      %sign3A_982 = arith.extui %sign3A_981 : i1 to i32
      %sign3A_983 = arith.constant 0 : i32
      %sign3A_984 = arith.cmpi slt, %jit3A, %sign3A_983 : i32
      %sign3A_985 = arith.extui %sign3A_984 : i1 to i32
      %sign3A_986 = arith.subi %sign3A_982, %sign3A_985 : i32
      %ne3A = arith.cmpi ne, %sign3A_979, %sign3A_986 : i32
      %rem3A = arith.remsi %scan3A_965, %jit3A : i32
      %ne3A_987 = arith.constant 0 : i32
      %ne3A_988 = arith.cmpi ne, %rem3A, %ne3A_987 : i32
      %and3A_989 = arith.andi %ne3A, %ne3A_988 : i1
      %sub3A = arith.constant 1 : i32
      %sub3A_990 = arith.subi %div3A, %sub3A : i32
      %select_n3A = arith.select %and3A_989, %sub3A_990, %div3A : i32
      %jit3A_991 = arith.constant 8 : i32
      %eq3A = arith.constant 0 : i32
      %eq3A_992 = arith.cmpi eq, %jit3A_991, %eq3A : i32
      %jit3A_993 = arith.constant 1 : i32
      %select_n3A_994 = arith.select %eq3A_992, %jit3A_993, %jit3A_991 : i32
      %rem3A_995 = arith.remsi %scan3A_965, %select_n3A_994 : i32
      %ne3A_996 = arith.constant 0 : i32
      %ne3A_997 = arith.cmpi ne, %rem3A_995, %ne3A_996 : i32
      %lt3A = arith.constant 0 : i32
      %lt3A_998 = arith.cmpi slt, %rem3A_995, %lt3A : i32
      %lt3A_999 = arith.constant 0 : i32
      %lt3A_1000 = arith.cmpi slt, %select_n3A_994, %lt3A_999 : i32
      %ne3A_1001 = arith.xori %lt3A_998, %lt3A_1000 : i1
      %and3A_1002 = arith.andi %ne3A_1001, %ne3A_997 : i1
      %add3A_1003 = arith.addi %rem3A_995, %select_n3A_994 : i32
      %select_n3A_1004 = arith.select %and3A_1002, %add3A_1003, %rem3A_995 : i32
      %mul3A_1005 = arith.constant 16 : i32
      %mul3A_1006 = arith.muli %select_n3A_1004, %mul3A_1005 : i32
      %broadcast_in_dim3A = arith.constant 0 : i32
      %broadcast_in_dim3A_1007 = vector.broadcast %broadcast_in_dim3A : i32 to vector<16xi32>
      %gather3A = tpu.vector_load_idx %arg6[%shift_right_arithmetic3A_971, %broadcast_in_dim3A_1007, %and3A_973] : memref<128x2x128xf32, #tpu.memory_space<vmem>>[vector<16xi32>, vector<16xi32>, vector<16xi32>], vector<16xf32>,
      %swap3A = arith.constant 0 : i32
      %swap3A_1008 = arith.index_cast %select_n3A : i32 to index
      %swap3A_1009 = arith.index_cast %swap3A : i32 to index
      %swap3A_1010 = arith.index_cast %mul3A_1006 : i32 to index
      %swap3A_1011 = tpu.vector_load %arg8[%swap3A_1008, %swap3A_1009, %swap3A_1010] {strides = array<i32>} : memref<8x2x128xf32, #tpu.memory_space<vmem>>, vector<16xf32>,
      tpu.vector_store %arg8[%swap3A_1008, %swap3A_1009, %swap3A_1010], %gather3A {strides = array<i32>} : memref<8x2x128xf32, #tpu.memory_space<vmem>>, vector<16xf32>,
      %broadcast_in_dim3A_1012 = arith.constant 1 : i32
      %broadcast_in_dim3A_1013 = vector.broadcast %broadcast_in_dim3A_1012 : i32 to vector<16xi32>
      %gather3A_1014 = tpu.vector_load_idx %arg6[%shift_right_arithmetic3A_971, %broadcast_in_dim3A_1013, %and3A_973] : memref<128x2x128xf32, #tpu.memory_space<vmem>>[vector<16xi32>, vector<16xi32>, vector<16xi32>], vector<16xf32>,
      %swap3A_1015 = arith.constant 1 : i32
      %swap3A_1016 = arith.index_cast %select_n3A : i32 to index
      %swap3A_1017 = arith.index_cast %swap3A_1015 : i32 to index
      %swap3A_1018 = arith.index_cast %mul3A_1006 : i32 to index
      %swap3A_1019 = tpu.vector_load %arg8[%swap3A_1016, %swap3A_1017, %swap3A_1018] {strides = array<i32>} : memref<8x2x128xf32, #tpu.memory_space<vmem>>, vector<16xf32>,
      tpu.vector_store %arg8[%swap3A_1016, %swap3A_1017, %swap3A_1018], %gather3A_1014 {strides = array<i32>} : memref<8x2x128xf32, #tpu.memory_space<vmem>>, vector<16xf32>,
      %scan3A_1020 = arith.constant 0 : i32
      scf.yield %scan3A_1020 : i32
    }
    %scan3A_704 = arith.constant 64 : i32
    %run_scoped3A_705 = arith.constant 5 : i32
    "tpu.region"() ({
      %run_scoped3A_965 = tpu.sem_alloc : memref<!tpu.dma_semaphore, #tpu.memory_space<semaphore_mem>>
      %dma_start3A_966 = arith.constant 0 : i32
      %dma_start3A_967 = arith.constant 4 : i32
      %dma_start3A_968 = arith.constant 0 : i32
      %dma_start3A_969 = tpu.memref_slice %arg4[%add3A, %run_scoped3A_705, %dma_start3A_966, %dma_start3A_967, %dma_start3A_968] : memref<32x8x8x8x128xf32, #tpu.memory_space<hbm>> -> memref<1x1x8x2x128xf32, #tpu.memory_space<hbm>>
      %dma_start3A_970 = tpu.memref_squeeze %dma_start3A_969 : memref<1x1x8x2x128xf32, #tpu.memory_space<hbm>> -> memref<8x2x128xf32, #tpu.memory_space<hbm>>
      %dma_start3A_971 = arith.constant 0 : i32
      %dma_start3A_972 = arith.constant 4 : i32
      %dma_start3A_973 = arith.constant 0 : i32
      %dma_start3A_974 = tpu.memref_slice %arg4[%add3A, %run_scoped3A_705, %dma_start3A_971, %dma_start3A_972, %dma_start3A_973] : memref<32x8x8x8x128xf32, #tpu.memory_space<hbm>> -> memref<1x1x8x2x128xf32, #tpu.memory_space<hbm>>
      %dma_start3A_975 = tpu.memref_squeeze %dma_start3A_974 : memref<1x1x8x2x128xf32, #tpu.memory_space<hbm>> -> memref<8x2x128xf32, #tpu.memory_space<hbm>>
      tpu.enqueue_dma source(%arg8 : memref<8x2x128xf32, #tpu.memory_space<vmem>>) target(%dma_start3A_975 : memref<8x2x128xf32, #tpu.memory_space<hbm>>) target_semaphore(%run_scoped3A_965 : memref<!tpu.dma_semaphore, #tpu.memory_space<semaphore_mem>>)
      %dma_wait3A_976 = arith.constant 0 : i32
      %dma_wait3A_977 = arith.constant 4 : i32
      %dma_wait3A_978 = arith.constant 0 : i32
      %dma_wait3A_979 = tpu.memref_slice %arg4[%add3A, %run_scoped3A_705, %dma_wait3A_976, %dma_wait3A_977, %dma_wait3A_978] : memref<32x8x8x8x128xf32, #tpu.memory_space<hbm>> -> memref<1x1x8x2x128xf32, #tpu.memory_space<hbm>>
      %dma_wait3A_980 = tpu.memref_squeeze %dma_wait3A_979 : memref<1x1x8x2x128xf32, #tpu.memory_space<hbm>> -> memref<8x2x128xf32, #tpu.memory_space<hbm>>
      %dma_wait3A_981 = arith.constant 0 : i32
      %dma_wait3A_982 = arith.constant 4 : i32
      %dma_wait3A_983 = arith.constant 0 : i32
      %dma_wait3A_984 = tpu.memref_slice %arg4[%add3A, %run_scoped3A_705, %dma_wait3A_981, %dma_wait3A_982, %dma_wait3A_983] : memref<32x8x8x8x128xf32, #tpu.memory_space<hbm>> -> memref<1x1x8x2x128xf32, #tpu.memory_space<hbm>>
      %dma_wait3A_985 = tpu.memref_squeeze %dma_wait3A_984 : memref<1x1x8x2x128xf32, #tpu.memory_space<hbm>> -> memref<8x2x128xf32, #tpu.memory_space<hbm>>
      tpu.wait_dma2 semaphore(%run_scoped3A_965 : memref<!tpu.dma_semaphore, #tpu.memory_space<semaphore_mem>>) src(%arg8 : memref<8x2x128xf32, #tpu.memory_space<vmem>>) dst(%dma_wait3A_985 : memref<8x2x128xf32, #tpu.memory_space<hbm>>)
      tpu.yield
    }) : () -> ()
    %dma_start3A_706 = arith.constant 6 : i32
    %dma_start3A_707 = arith.constant 0 : i32
    %dma_start3A_708 = arith.constant 0 : i32
    %dma_start3A_709 = arith.constant 0 : i32
    %dma_start3A_710 = tpu.memref_slice %arg2[%add3A, %dma_start3A_706, %dma_start3A_707, %dma_start3A_708, %dma_start3A_709] : memref<32x8x128x8x128xf32, #tpu.memory_space<hbm>> -> memref<1x1x128x2x128xf32, #tpu.memory_space<hbm>>
    %dma_start3A_711 = tpu.memref_squeeze %dma_start3A_710 : memref<1x1x128x2x128xf32, #tpu.memory_space<hbm>> -> memref<128x2x128xf32, #tpu.memory_space<hbm>>
    %dma_start3A_712 = arith.constant 0 : i32
    %dma_start3A_713 = arith.constant 0 : i32
    %dma_start3A_714 = arith.constant 0 : i32
    %dma_start3A_715 = tpu.memref_slice %arg2[%add3A, %dma_start3A_706, %dma_start3A_712, %dma_start3A_713, %dma_start3A_714] : memref<32x8x128x8x128xf32, #tpu.memory_space<hbm>> -> memref<1x1x128x2x128xf32, #tpu.memory_space<hbm>>
    %dma_start3A_716 = tpu.memref_squeeze %dma_start3A_715 : memref<1x1x128x2x128xf32, #tpu.memory_space<hbm>> -> memref<128x2x128xf32, #tpu.memory_space<hbm>>
    tpu.enqueue_dma source(%dma_start3A_716 : memref<128x2x128xf32, #tpu.memory_space<hbm>>) target(%arg6 : memref<128x2x128xf32, #tpu.memory_space<vmem>>) target_semaphore(%arg9 : memref<!tpu.dma_semaphore, #tpu.memory_space<semaphore_mem>>)
    %dma_wait3A_717 = arith.constant 5 : i32
    %dma_wait3A_718 = arith.constant 0 : i32
    %dma_wait3A_719 = arith.constant 6 : i32
    %dma_wait3A_720 = arith.constant 0 : i32
    %dma_wait3A_721 = tpu.memref_slice %arg2[%add3A, %dma_wait3A_717, %dma_wait3A_718, %dma_wait3A_719, %dma_wait3A_720] : memref<32x8x128x8x128xf32, #tpu.memory_space<hbm>> -> memref<1x1x128x2x128xf32, #tpu.memory_space<hbm>>
    %dma_wait3A_722 = tpu.memref_squeeze %dma_wait3A_721 : memref<1x1x128x2x128xf32, #tpu.memory_space<hbm>> -> memref<128x2x128xf32, #tpu.memory_space<hbm>>
    %dma_wait3A_723 = arith.constant 0 : i32
    %dma_wait3A_724 = arith.constant 6 : i32
    %dma_wait3A_725 = arith.constant 0 : i32
    %dma_wait3A_726 = tpu.memref_slice %arg2[%add3A, %dma_wait3A_717, %dma_wait3A_723, %dma_wait3A_724, %dma_wait3A_725] : memref<32x8x128x8x128xf32, #tpu.memory_space<hbm>> -> memref<1x1x128x2x128xf32, #tpu.memory_space<hbm>>
    %dma_wait3A_727 = tpu.memref_squeeze %dma_wait3A_726 : memref<1x1x128x2x128xf32, #tpu.memory_space<hbm>> -> memref<128x2x128xf32, #tpu.memory_space<hbm>>
    tpu.wait_dma2 semaphore(%arg10 : memref<!tpu.dma_semaphore, #tpu.memory_space<semaphore_mem>>) src(%dma_wait3A_727 : memref<128x2x128xf32, #tpu.memory_space<hbm>>) dst(%arg7 : memref<128x2x128xf32, #tpu.memory_space<vmem>>)
    %scan3A_728 = arith.constant 0 : i32
    %scan3A_729 = arith.constant 0 : i32
    %scan3A_730 = arith.constant 64 : i32
    %scan3A_731 = arith.addi %scan3A_729, %scan3A_730 : i32
    %scan3A_732 = arith.constant 1 : i32
    %scan3A_733 = scf.for %scan3A_965 = %scan3A_729 to %scan3A_731 step %scan3A_732 iter_args(%scan3A_966 = %scan3A_728) -> (i32)  : i32 {
      %mul3A_967 = arith.constant 16 : i32
      %mul3A_968 = arith.muli %scan3A_965, %mul3A_967 : i32
      %get3A = arith.index_cast %mul3A_968 : i32 to index
      %get3A_969 = tpu.vector_load %arg5[%get3A] {strides = array<i32>} : memref<1024xi32, #tpu.memory_space<vmem>>, vector<16xi32>,
      %shift_right_arithmetic3A = arith.constant 7 : i32
      %shift_right_arithmetic3A_970 = vector.broadcast %shift_right_arithmetic3A : i32 to vector<16xi32>
      %shift_right_arithmetic3A_971 = arith.shrsi %get3A_969, %shift_right_arithmetic3A_970 : vector<16xi32>
      %and3A = arith.constant 127 : i32
      %and3A_972 = vector.broadcast %and3A : i32 to vector<16xi32>
      %and3A_973 = arith.andi %get3A_969, %and3A_972 : vector<16xi32>
      %jit3A = arith.constant 8 : i32
      %div3A = arith.divsi %scan3A_965, %jit3A : i32
      %sign3A = arith.constant 0 : i32
      %sign3A_974 = arith.cmpi sgt, %scan3A_965, %sign3A : i32
      %sign3A_975 = arith.extui %sign3A_974 : i1 to i32
      %sign3A_976 = arith.constant 0 : i32
      %sign3A_977 = arith.cmpi slt, %scan3A_965, %sign3A_976 : i32
      %sign3A_978 = arith.extui %sign3A_977 : i1 to i32
      %sign3A_979 = arith.subi %sign3A_975, %sign3A_978 : i32
      %sign3A_980 = arith.constant 0 : i32
      %sign3A_981 = arith.cmpi sgt, %jit3A, %sign3A_980 : i32
      %sign3A_982 = arith.extui %sign3A_981 : i1 to i32
      %sign3A_983 = arith.constant 0 : i32
      %sign3A_984 = arith.cmpi slt, %jit3A, %sign3A_983 : i32
      %sign3A_985 = arith.extui %sign3A_984 : i1 to i32
      %sign3A_986 = arith.subi %sign3A_982, %sign3A_985 : i32
      %ne3A = arith.cmpi ne, %sign3A_979, %sign3A_986 : i32
      %rem3A = arith.remsi %scan3A_965, %jit3A : i32
      %ne3A_987 = arith.constant 0 : i32
      %ne3A_988 = arith.cmpi ne, %rem3A, %ne3A_987 : i32
      %and3A_989 = arith.andi %ne3A, %ne3A_988 : i1
      %sub3A = arith.constant 1 : i32
      %sub3A_990 = arith.subi %div3A, %sub3A : i32
      %select_n3A = arith.select %and3A_989, %sub3A_990, %div3A : i32
      %jit3A_991 = arith.constant 8 : i32
      %eq3A = arith.constant 0 : i32
      %eq3A_992 = arith.cmpi eq, %jit3A_991, %eq3A : i32
      %jit3A_993 = arith.constant 1 : i32
      %select_n3A_994 = arith.select %eq3A_992, %jit3A_993, %jit3A_991 : i32
      %rem3A_995 = arith.remsi %scan3A_965, %select_n3A_994 : i32
      %ne3A_996 = arith.constant 0 : i32
      %ne3A_997 = arith.cmpi ne, %rem3A_995, %ne3A_996 : i32
      %lt3A = arith.constant 0 : i32
      %lt3A_998 = arith.cmpi slt, %rem3A_995, %lt3A : i32
      %lt3A_999 = arith.constant 0 : i32
      %lt3A_1000 = arith.cmpi slt, %select_n3A_994, %lt3A_999 : i32
      %ne3A_1001 = arith.xori %lt3A_998, %lt3A_1000 : i1
      %and3A_1002 = arith.andi %ne3A_1001, %ne3A_997 : i1
      %add3A_1003 = arith.addi %rem3A_995, %select_n3A_994 : i32
      %select_n3A_1004 = arith.select %and3A_1002, %add3A_1003, %rem3A_995 : i32
      %mul3A_1005 = arith.constant 16 : i32
      %mul3A_1006 = arith.muli %select_n3A_1004, %mul3A_1005 : i32
      %broadcast_in_dim3A = arith.constant 0 : i32
      %broadcast_in_dim3A_1007 = vector.broadcast %broadcast_in_dim3A : i32 to vector<16xi32>
      %gather3A = tpu.vector_load_idx %arg7[%shift_right_arithmetic3A_971, %broadcast_in_dim3A_1007, %and3A_973] : memref<128x2x128xf32, #tpu.memory_space<vmem>>[vector<16xi32>, vector<16xi32>, vector<16xi32>], vector<16xf32>,
      %swap3A = arith.constant 0 : i32
      %swap3A_1008 = arith.index_cast %select_n3A : i32 to index
      %swap3A_1009 = arith.index_cast %swap3A : i32 to index
      %swap3A_1010 = arith.index_cast %mul3A_1006 : i32 to index
      %swap3A_1011 = tpu.vector_load %arg8[%swap3A_1008, %swap3A_1009, %swap3A_1010] {strides = array<i32>} : memref<8x2x128xf32, #tpu.memory_space<vmem>>, vector<16xf32>,
      tpu.vector_store %arg8[%swap3A_1008, %swap3A_1009, %swap3A_1010], %gather3A {strides = array<i32>} : memref<8x2x128xf32, #tpu.memory_space<vmem>>, vector<16xf32>,
      %broadcast_in_dim3A_1012 = arith.constant 1 : i32
      %broadcast_in_dim3A_1013 = vector.broadcast %broadcast_in_dim3A_1012 : i32 to vector<16xi32>
      %gather3A_1014 = tpu.vector_load_idx %arg7[%shift_right_arithmetic3A_971, %broadcast_in_dim3A_1013, %and3A_973] : memref<128x2x128xf32, #tpu.memory_space<vmem>>[vector<16xi32>, vector<16xi32>, vector<16xi32>], vector<16xf32>,
      %swap3A_1015 = arith.constant 1 : i32
      %swap3A_1016 = arith.index_cast %select_n3A : i32 to index
      %swap3A_1017 = arith.index_cast %swap3A_1015 : i32 to index
      %swap3A_1018 = arith.index_cast %mul3A_1006 : i32 to index
      %swap3A_1019 = tpu.vector_load %arg8[%swap3A_1016, %swap3A_1017, %swap3A_1018] {strides = array<i32>} : memref<8x2x128xf32, #tpu.memory_space<vmem>>, vector<16xf32>,
      tpu.vector_store %arg8[%swap3A_1016, %swap3A_1017, %swap3A_1018], %gather3A_1014 {strides = array<i32>} : memref<8x2x128xf32, #tpu.memory_space<vmem>>, vector<16xf32>,
      %scan3A_1020 = arith.constant 0 : i32
      scf.yield %scan3A_1020 : i32
    }
    %scan3A_734 = arith.constant 64 : i32
    %run_scoped3A_735 = arith.constant 5 : i32
    "tpu.region"() ({
      %run_scoped3A_965 = tpu.sem_alloc : memref<!tpu.dma_semaphore, #tpu.memory_space<semaphore_mem>>
      %dma_start3A_966 = arith.constant 0 : i32
      %dma_start3A_967 = arith.constant 6 : i32
      %dma_start3A_968 = arith.constant 0 : i32
      %dma_start3A_969 = tpu.memref_slice %arg4[%add3A, %run_scoped3A_735, %dma_start3A_966, %dma_start3A_967, %dma_start3A_968] : memref<32x8x8x8x128xf32, #tpu.memory_space<hbm>> -> memref<1x1x8x2x128xf32, #tpu.memory_space<hbm>>
      %dma_start3A_970 = tpu.memref_squeeze %dma_start3A_969 : memref<1x1x8x2x128xf32, #tpu.memory_space<hbm>> -> memref<8x2x128xf32, #tpu.memory_space<hbm>>
      %dma_start3A_971 = arith.constant 0 : i32
      %dma_start3A_972 = arith.constant 6 : i32
      %dma_start3A_973 = arith.constant 0 : i32
      %dma_start3A_974 = tpu.memref_slice %arg4[%add3A, %run_scoped3A_735, %dma_start3A_971, %dma_start3A_972, %dma_start3A_973] : memref<32x8x8x8x128xf32, #tpu.memory_space<hbm>> -> memref<1x1x8x2x128xf32, #tpu.memory_space<hbm>>
      %dma_start3A_975 = tpu.memref_squeeze %dma_start3A_974 : memref<1x1x8x2x128xf32, #tpu.memory_space<hbm>> -> memref<8x2x128xf32, #tpu.memory_space<hbm>>
      tpu.enqueue_dma source(%arg8 : memref<8x2x128xf32, #tpu.memory_space<vmem>>) target(%dma_start3A_975 : memref<8x2x128xf32, #tpu.memory_space<hbm>>) target_semaphore(%run_scoped3A_965 : memref<!tpu.dma_semaphore, #tpu.memory_space<semaphore_mem>>)
      %dma_wait3A_976 = arith.constant 0 : i32
      %dma_wait3A_977 = arith.constant 6 : i32
      %dma_wait3A_978 = arith.constant 0 : i32
      %dma_wait3A_979 = tpu.memref_slice %arg4[%add3A, %run_scoped3A_735, %dma_wait3A_976, %dma_wait3A_977, %dma_wait3A_978] : memref<32x8x8x8x128xf32, #tpu.memory_space<hbm>> -> memref<1x1x8x2x128xf32, #tpu.memory_space<hbm>>
      %dma_wait3A_980 = tpu.memref_squeeze %dma_wait3A_979 : memref<1x1x8x2x128xf32, #tpu.memory_space<hbm>> -> memref<8x2x128xf32, #tpu.memory_space<hbm>>
      %dma_wait3A_981 = arith.constant 0 : i32
      %dma_wait3A_982 = arith.constant 6 : i32
      %dma_wait3A_983 = arith.constant 0 : i32
      %dma_wait3A_984 = tpu.memref_slice %arg4[%add3A, %run_scoped3A_735, %dma_wait3A_981, %dma_wait3A_982, %dma_wait3A_983] : memref<32x8x8x8x128xf32, #tpu.memory_space<hbm>> -> memref<1x1x8x2x128xf32, #tpu.memory_space<hbm>>
      %dma_wait3A_985 = tpu.memref_squeeze %dma_wait3A_984 : memref<1x1x8x2x128xf32, #tpu.memory_space<hbm>> -> memref<8x2x128xf32, #tpu.memory_space<hbm>>
      tpu.wait_dma2 semaphore(%run_scoped3A_965 : memref<!tpu.dma_semaphore, #tpu.memory_space<semaphore_mem>>) src(%arg8 : memref<8x2x128xf32, #tpu.memory_space<vmem>>) dst(%dma_wait3A_985 : memref<8x2x128xf32, #tpu.memory_space<hbm>>)
      tpu.yield
    }) : () -> ()
    %dma_start3A_736 = arith.constant 6 : i32
    %dma_start3A_737 = arith.constant 0 : i32
    %dma_start3A_738 = arith.constant 2 : i32
    %dma_start3A_739 = arith.constant 0 : i32
    %dma_start3A_740 = tpu.memref_slice %arg2[%add3A, %dma_start3A_736, %dma_start3A_737, %dma_start3A_738, %dma_start3A_739] : memref<32x8x128x8x128xf32, #tpu.memory_space<hbm>> -> memref<1x1x128x2x128xf32, #tpu.memory_space<hbm>>
    %dma_start3A_741 = tpu.memref_squeeze %dma_start3A_740 : memref<1x1x128x2x128xf32, #tpu.memory_space<hbm>> -> memref<128x2x128xf32, #tpu.memory_space<hbm>>
    %dma_start3A_742 = arith.constant 0 : i32
    %dma_start3A_743 = arith.constant 2 : i32
    %dma_start3A_744 = arith.constant 0 : i32
    %dma_start3A_745 = tpu.memref_slice %arg2[%add3A, %dma_start3A_736, %dma_start3A_742, %dma_start3A_743, %dma_start3A_744] : memref<32x8x128x8x128xf32, #tpu.memory_space<hbm>> -> memref<1x1x128x2x128xf32, #tpu.memory_space<hbm>>
    %dma_start3A_746 = tpu.memref_squeeze %dma_start3A_745 : memref<1x1x128x2x128xf32, #tpu.memory_space<hbm>> -> memref<128x2x128xf32, #tpu.memory_space<hbm>>
    tpu.enqueue_dma source(%dma_start3A_746 : memref<128x2x128xf32, #tpu.memory_space<hbm>>) target(%arg7 : memref<128x2x128xf32, #tpu.memory_space<vmem>>) target_semaphore(%arg10 : memref<!tpu.dma_semaphore, #tpu.memory_space<semaphore_mem>>)
    %dma_wait3A_747 = arith.constant 6 : i32
    %dma_wait3A_748 = arith.constant 0 : i32
    %dma_wait3A_749 = arith.constant 0 : i32
    %dma_wait3A_750 = arith.constant 0 : i32
    %dma_wait3A_751 = tpu.memref_slice %arg2[%add3A, %dma_wait3A_747, %dma_wait3A_748, %dma_wait3A_749, %dma_wait3A_750] : memref<32x8x128x8x128xf32, #tpu.memory_space<hbm>> -> memref<1x1x128x2x128xf32, #tpu.memory_space<hbm>>
    %dma_wait3A_752 = tpu.memref_squeeze %dma_wait3A_751 : memref<1x1x128x2x128xf32, #tpu.memory_space<hbm>> -> memref<128x2x128xf32, #tpu.memory_space<hbm>>
    %dma_wait3A_753 = arith.constant 0 : i32
    %dma_wait3A_754 = arith.constant 0 : i32
    %dma_wait3A_755 = arith.constant 0 : i32
    %dma_wait3A_756 = tpu.memref_slice %arg2[%add3A, %dma_wait3A_747, %dma_wait3A_753, %dma_wait3A_754, %dma_wait3A_755] : memref<32x8x128x8x128xf32, #tpu.memory_space<hbm>> -> memref<1x1x128x2x128xf32, #tpu.memory_space<hbm>>
    %dma_wait3A_757 = tpu.memref_squeeze %dma_wait3A_756 : memref<1x1x128x2x128xf32, #tpu.memory_space<hbm>> -> memref<128x2x128xf32, #tpu.memory_space<hbm>>
    tpu.wait_dma2 semaphore(%arg9 : memref<!tpu.dma_semaphore, #tpu.memory_space<semaphore_mem>>) src(%dma_wait3A_757 : memref<128x2x128xf32, #tpu.memory_space<hbm>>) dst(%arg6 : memref<128x2x128xf32, #tpu.memory_space<vmem>>)
    %scan3A_758 = arith.constant 0 : i32
    %scan3A_759 = arith.constant 0 : i32
    %scan3A_760 = arith.constant 64 : i32
    %scan3A_761 = arith.addi %scan3A_759, %scan3A_760 : i32
    %scan3A_762 = arith.constant 1 : i32
    %scan3A_763 = scf.for %scan3A_965 = %scan3A_759 to %scan3A_761 step %scan3A_762 iter_args(%scan3A_966 = %scan3A_758) -> (i32)  : i32 {
      %mul3A_967 = arith.constant 16 : i32
      %mul3A_968 = arith.muli %scan3A_965, %mul3A_967 : i32
      %get3A = arith.index_cast %mul3A_968 : i32 to index
      %get3A_969 = tpu.vector_load %arg5[%get3A] {strides = array<i32>} : memref<1024xi32, #tpu.memory_space<vmem>>, vector<16xi32>,
      %shift_right_arithmetic3A = arith.constant 7 : i32
      %shift_right_arithmetic3A_970 = vector.broadcast %shift_right_arithmetic3A : i32 to vector<16xi32>
      %shift_right_arithmetic3A_971 = arith.shrsi %get3A_969, %shift_right_arithmetic3A_970 : vector<16xi32>
      %and3A = arith.constant 127 : i32
      %and3A_972 = vector.broadcast %and3A : i32 to vector<16xi32>
      %and3A_973 = arith.andi %get3A_969, %and3A_972 : vector<16xi32>
      %jit3A = arith.constant 8 : i32
      %div3A = arith.divsi %scan3A_965, %jit3A : i32
      %sign3A = arith.constant 0 : i32
      %sign3A_974 = arith.cmpi sgt, %scan3A_965, %sign3A : i32
      %sign3A_975 = arith.extui %sign3A_974 : i1 to i32
      %sign3A_976 = arith.constant 0 : i32
      %sign3A_977 = arith.cmpi slt, %scan3A_965, %sign3A_976 : i32
      %sign3A_978 = arith.extui %sign3A_977 : i1 to i32
      %sign3A_979 = arith.subi %sign3A_975, %sign3A_978 : i32
      %sign3A_980 = arith.constant 0 : i32
      %sign3A_981 = arith.cmpi sgt, %jit3A, %sign3A_980 : i32
      %sign3A_982 = arith.extui %sign3A_981 : i1 to i32
      %sign3A_983 = arith.constant 0 : i32
      %sign3A_984 = arith.cmpi slt, %jit3A, %sign3A_983 : i32
      %sign3A_985 = arith.extui %sign3A_984 : i1 to i32
      %sign3A_986 = arith.subi %sign3A_982, %sign3A_985 : i32
      %ne3A = arith.cmpi ne, %sign3A_979, %sign3A_986 : i32
      %rem3A = arith.remsi %scan3A_965, %jit3A : i32
      %ne3A_987 = arith.constant 0 : i32
      %ne3A_988 = arith.cmpi ne, %rem3A, %ne3A_987 : i32
      %and3A_989 = arith.andi %ne3A, %ne3A_988 : i1
      %sub3A = arith.constant 1 : i32
      %sub3A_990 = arith.subi %div3A, %sub3A : i32
      %select_n3A = arith.select %and3A_989, %sub3A_990, %div3A : i32
      %jit3A_991 = arith.constant 8 : i32
      %eq3A = arith.constant 0 : i32
      %eq3A_992 = arith.cmpi eq, %jit3A_991, %eq3A : i32
      %jit3A_993 = arith.constant 1 : i32
      %select_n3A_994 = arith.select %eq3A_992, %jit3A_993, %jit3A_991 : i32
      %rem3A_995 = arith.remsi %scan3A_965, %select_n3A_994 : i32
      %ne3A_996 = arith.constant 0 : i32
      %ne3A_997 = arith.cmpi ne, %rem3A_995, %ne3A_996 : i32
      %lt3A = arith.constant 0 : i32
      %lt3A_998 = arith.cmpi slt, %rem3A_995, %lt3A : i32
      %lt3A_999 = arith.constant 0 : i32
      %lt3A_1000 = arith.cmpi slt, %select_n3A_994, %lt3A_999 : i32
      %ne3A_1001 = arith.xori %lt3A_998, %lt3A_1000 : i1
      %and3A_1002 = arith.andi %ne3A_1001, %ne3A_997 : i1
      %add3A_1003 = arith.addi %rem3A_995, %select_n3A_994 : i32
      %select_n3A_1004 = arith.select %and3A_1002, %add3A_1003, %rem3A_995 : i32
      %mul3A_1005 = arith.constant 16 : i32
      %mul3A_1006 = arith.muli %select_n3A_1004, %mul3A_1005 : i32
      %broadcast_in_dim3A = arith.constant 0 : i32
      %broadcast_in_dim3A_1007 = vector.broadcast %broadcast_in_dim3A : i32 to vector<16xi32>
      %gather3A = tpu.vector_load_idx %arg6[%shift_right_arithmetic3A_971, %broadcast_in_dim3A_1007, %and3A_973] : memref<128x2x128xf32, #tpu.memory_space<vmem>>[vector<16xi32>, vector<16xi32>, vector<16xi32>], vector<16xf32>,
      %swap3A = arith.constant 0 : i32
      %swap3A_1008 = arith.index_cast %select_n3A : i32 to index
      %swap3A_1009 = arith.index_cast %swap3A : i32 to index
      %swap3A_1010 = arith.index_cast %mul3A_1006 : i32 to index
      %swap3A_1011 = tpu.vector_load %arg8[%swap3A_1008, %swap3A_1009, %swap3A_1010] {strides = array<i32>} : memref<8x2x128xf32, #tpu.memory_space<vmem>>, vector<16xf32>,
      tpu.vector_store %arg8[%swap3A_1008, %swap3A_1009, %swap3A_1010], %gather3A {strides = array<i32>} : memref<8x2x128xf32, #tpu.memory_space<vmem>>, vector<16xf32>,
      %broadcast_in_dim3A_1012 = arith.constant 1 : i32
      %broadcast_in_dim3A_1013 = vector.broadcast %broadcast_in_dim3A_1012 : i32 to vector<16xi32>
      %gather3A_1014 = tpu.vector_load_idx %arg6[%shift_right_arithmetic3A_971, %broadcast_in_dim3A_1013, %and3A_973] : memref<128x2x128xf32, #tpu.memory_space<vmem>>[vector<16xi32>, vector<16xi32>, vector<16xi32>], vector<16xf32>,
      %swap3A_1015 = arith.constant 1 : i32
      %swap3A_1016 = arith.index_cast %select_n3A : i32 to index
      %swap3A_1017 = arith.index_cast %swap3A_1015 : i32 to index
      %swap3A_1018 = arith.index_cast %mul3A_1006 : i32 to index
      %swap3A_1019 = tpu.vector_load %arg8[%swap3A_1016, %swap3A_1017, %swap3A_1018] {strides = array<i32>} : memref<8x2x128xf32, #tpu.memory_space<vmem>>, vector<16xf32>,
      tpu.vector_store %arg8[%swap3A_1016, %swap3A_1017, %swap3A_1018], %gather3A_1014 {strides = array<i32>} : memref<8x2x128xf32, #tpu.memory_space<vmem>>, vector<16xf32>,
      %scan3A_1020 = arith.constant 0 : i32
      scf.yield %scan3A_1020 : i32
    }
    %scan3A_764 = arith.constant 64 : i32
    %run_scoped3A_765 = arith.constant 6 : i32
    "tpu.region"() ({
      %run_scoped3A_965 = tpu.sem_alloc : memref<!tpu.dma_semaphore, #tpu.memory_space<semaphore_mem>>
      %dma_start3A_966 = arith.constant 0 : i32
      %dma_start3A_967 = arith.constant 0 : i32
      %dma_start3A_968 = arith.constant 0 : i32
      %dma_start3A_969 = tpu.memref_slice %arg4[%add3A, %run_scoped3A_765, %dma_start3A_966, %dma_start3A_967, %dma_start3A_968] : memref<32x8x8x8x128xf32, #tpu.memory_space<hbm>> -> memref<1x1x8x2x128xf32, #tpu.memory_space<hbm>>
      %dma_start3A_970 = tpu.memref_squeeze %dma_start3A_969 : memref<1x1x8x2x128xf32, #tpu.memory_space<hbm>> -> memref<8x2x128xf32, #tpu.memory_space<hbm>>
      %dma_start3A_971 = arith.constant 0 : i32
      %dma_start3A_972 = arith.constant 0 : i32
      %dma_start3A_973 = arith.constant 0 : i32
      %dma_start3A_974 = tpu.memref_slice %arg4[%add3A, %run_scoped3A_765, %dma_start3A_971, %dma_start3A_972, %dma_start3A_973] : memref<32x8x8x8x128xf32, #tpu.memory_space<hbm>> -> memref<1x1x8x2x128xf32, #tpu.memory_space<hbm>>
      %dma_start3A_975 = tpu.memref_squeeze %dma_start3A_974 : memref<1x1x8x2x128xf32, #tpu.memory_space<hbm>> -> memref<8x2x128xf32, #tpu.memory_space<hbm>>
      tpu.enqueue_dma source(%arg8 : memref<8x2x128xf32, #tpu.memory_space<vmem>>) target(%dma_start3A_975 : memref<8x2x128xf32, #tpu.memory_space<hbm>>) target_semaphore(%run_scoped3A_965 : memref<!tpu.dma_semaphore, #tpu.memory_space<semaphore_mem>>)
      %dma_wait3A_976 = arith.constant 0 : i32
      %dma_wait3A_977 = arith.constant 0 : i32
      %dma_wait3A_978 = arith.constant 0 : i32
      %dma_wait3A_979 = tpu.memref_slice %arg4[%add3A, %run_scoped3A_765, %dma_wait3A_976, %dma_wait3A_977, %dma_wait3A_978] : memref<32x8x8x8x128xf32, #tpu.memory_space<hbm>> -> memref<1x1x8x2x128xf32, #tpu.memory_space<hbm>>
      %dma_wait3A_980 = tpu.memref_squeeze %dma_wait3A_979 : memref<1x1x8x2x128xf32, #tpu.memory_space<hbm>> -> memref<8x2x128xf32, #tpu.memory_space<hbm>>
      %dma_wait3A_981 = arith.constant 0 : i32
      %dma_wait3A_982 = arith.constant 0 : i32
      %dma_wait3A_983 = arith.constant 0 : i32
      %dma_wait3A_984 = tpu.memref_slice %arg4[%add3A, %run_scoped3A_765, %dma_wait3A_981, %dma_wait3A_982, %dma_wait3A_983] : memref<32x8x8x8x128xf32, #tpu.memory_space<hbm>> -> memref<1x1x8x2x128xf32, #tpu.memory_space<hbm>>
      %dma_wait3A_985 = tpu.memref_squeeze %dma_wait3A_984 : memref<1x1x8x2x128xf32, #tpu.memory_space<hbm>> -> memref<8x2x128xf32, #tpu.memory_space<hbm>>
      tpu.wait_dma2 semaphore(%run_scoped3A_965 : memref<!tpu.dma_semaphore, #tpu.memory_space<semaphore_mem>>) src(%arg8 : memref<8x2x128xf32, #tpu.memory_space<vmem>>) dst(%dma_wait3A_985 : memref<8x2x128xf32, #tpu.memory_space<hbm>>)
      tpu.yield
    }) : () -> ()
    %dma_start3A_766 = arith.constant 6 : i32
    %dma_start3A_767 = arith.constant 0 : i32
    %dma_start3A_768 = arith.constant 4 : i32
    %dma_start3A_769 = arith.constant 0 : i32
    %dma_start3A_770 = tpu.memref_slice %arg2[%add3A, %dma_start3A_766, %dma_start3A_767, %dma_start3A_768, %dma_start3A_769] : memref<32x8x128x8x128xf32, #tpu.memory_space<hbm>> -> memref<1x1x128x2x128xf32, #tpu.memory_space<hbm>>
    %dma_start3A_771 = tpu.memref_squeeze %dma_start3A_770 : memref<1x1x128x2x128xf32, #tpu.memory_space<hbm>> -> memref<128x2x128xf32, #tpu.memory_space<hbm>>
    %dma_start3A_772 = arith.constant 0 : i32
    %dma_start3A_773 = arith.constant 4 : i32
    %dma_start3A_774 = arith.constant 0 : i32
    %dma_start3A_775 = tpu.memref_slice %arg2[%add3A, %dma_start3A_766, %dma_start3A_772, %dma_start3A_773, %dma_start3A_774] : memref<32x8x128x8x128xf32, #tpu.memory_space<hbm>> -> memref<1x1x128x2x128xf32, #tpu.memory_space<hbm>>
    %dma_start3A_776 = tpu.memref_squeeze %dma_start3A_775 : memref<1x1x128x2x128xf32, #tpu.memory_space<hbm>> -> memref<128x2x128xf32, #tpu.memory_space<hbm>>
    tpu.enqueue_dma source(%dma_start3A_776 : memref<128x2x128xf32, #tpu.memory_space<hbm>>) target(%arg6 : memref<128x2x128xf32, #tpu.memory_space<vmem>>) target_semaphore(%arg9 : memref<!tpu.dma_semaphore, #tpu.memory_space<semaphore_mem>>)
    %dma_wait3A_777 = arith.constant 6 : i32
    %dma_wait3A_778 = arith.constant 0 : i32
    %dma_wait3A_779 = arith.constant 2 : i32
    %dma_wait3A_780 = arith.constant 0 : i32
    %dma_wait3A_781 = tpu.memref_slice %arg2[%add3A, %dma_wait3A_777, %dma_wait3A_778, %dma_wait3A_779, %dma_wait3A_780] : memref<32x8x128x8x128xf32, #tpu.memory_space<hbm>> -> memref<1x1x128x2x128xf32, #tpu.memory_space<hbm>>
    %dma_wait3A_782 = tpu.memref_squeeze %dma_wait3A_781 : memref<1x1x128x2x128xf32, #tpu.memory_space<hbm>> -> memref<128x2x128xf32, #tpu.memory_space<hbm>>
    %dma_wait3A_783 = arith.constant 0 : i32
    %dma_wait3A_784 = arith.constant 2 : i32
    %dma_wait3A_785 = arith.constant 0 : i32
    %dma_wait3A_786 = tpu.memref_slice %arg2[%add3A, %dma_wait3A_777, %dma_wait3A_783, %dma_wait3A_784, %dma_wait3A_785] : memref<32x8x128x8x128xf32, #tpu.memory_space<hbm>> -> memref<1x1x128x2x128xf32, #tpu.memory_space<hbm>>
    %dma_wait3A_787 = tpu.memref_squeeze %dma_wait3A_786 : memref<1x1x128x2x128xf32, #tpu.memory_space<hbm>> -> memref<128x2x128xf32, #tpu.memory_space<hbm>>
    tpu.wait_dma2 semaphore(%arg10 : memref<!tpu.dma_semaphore, #tpu.memory_space<semaphore_mem>>) src(%dma_wait3A_787 : memref<128x2x128xf32, #tpu.memory_space<hbm>>) dst(%arg7 : memref<128x2x128xf32, #tpu.memory_space<vmem>>)
    %scan3A_788 = arith.constant 0 : i32
    %scan3A_789 = arith.constant 0 : i32
    %scan3A_790 = arith.constant 64 : i32
    %scan3A_791 = arith.addi %scan3A_789, %scan3A_790 : i32
    %scan3A_792 = arith.constant 1 : i32
    %scan3A_793 = scf.for %scan3A_965 = %scan3A_789 to %scan3A_791 step %scan3A_792 iter_args(%scan3A_966 = %scan3A_788) -> (i32)  : i32 {
      %mul3A_967 = arith.constant 16 : i32
      %mul3A_968 = arith.muli %scan3A_965, %mul3A_967 : i32
      %get3A = arith.index_cast %mul3A_968 : i32 to index
      %get3A_969 = tpu.vector_load %arg5[%get3A] {strides = array<i32>} : memref<1024xi32, #tpu.memory_space<vmem>>, vector<16xi32>,
      %shift_right_arithmetic3A = arith.constant 7 : i32
      %shift_right_arithmetic3A_970 = vector.broadcast %shift_right_arithmetic3A : i32 to vector<16xi32>
      %shift_right_arithmetic3A_971 = arith.shrsi %get3A_969, %shift_right_arithmetic3A_970 : vector<16xi32>
      %and3A = arith.constant 127 : i32
      %and3A_972 = vector.broadcast %and3A : i32 to vector<16xi32>
      %and3A_973 = arith.andi %get3A_969, %and3A_972 : vector<16xi32>
      %jit3A = arith.constant 8 : i32
      %div3A = arith.divsi %scan3A_965, %jit3A : i32
      %sign3A = arith.constant 0 : i32
      %sign3A_974 = arith.cmpi sgt, %scan3A_965, %sign3A : i32
      %sign3A_975 = arith.extui %sign3A_974 : i1 to i32
      %sign3A_976 = arith.constant 0 : i32
      %sign3A_977 = arith.cmpi slt, %scan3A_965, %sign3A_976 : i32
      %sign3A_978 = arith.extui %sign3A_977 : i1 to i32
      %sign3A_979 = arith.subi %sign3A_975, %sign3A_978 : i32
      %sign3A_980 = arith.constant 0 : i32
      %sign3A_981 = arith.cmpi sgt, %jit3A, %sign3A_980 : i32
      %sign3A_982 = arith.extui %sign3A_981 : i1 to i32
      %sign3A_983 = arith.constant 0 : i32
      %sign3A_984 = arith.cmpi slt, %jit3A, %sign3A_983 : i32
      %sign3A_985 = arith.extui %sign3A_984 : i1 to i32
      %sign3A_986 = arith.subi %sign3A_982, %sign3A_985 : i32
      %ne3A = arith.cmpi ne, %sign3A_979, %sign3A_986 : i32
      %rem3A = arith.remsi %scan3A_965, %jit3A : i32
      %ne3A_987 = arith.constant 0 : i32
      %ne3A_988 = arith.cmpi ne, %rem3A, %ne3A_987 : i32
      %and3A_989 = arith.andi %ne3A, %ne3A_988 : i1
      %sub3A = arith.constant 1 : i32
      %sub3A_990 = arith.subi %div3A, %sub3A : i32
      %select_n3A = arith.select %and3A_989, %sub3A_990, %div3A : i32
      %jit3A_991 = arith.constant 8 : i32
      %eq3A = arith.constant 0 : i32
      %eq3A_992 = arith.cmpi eq, %jit3A_991, %eq3A : i32
      %jit3A_993 = arith.constant 1 : i32
      %select_n3A_994 = arith.select %eq3A_992, %jit3A_993, %jit3A_991 : i32
      %rem3A_995 = arith.remsi %scan3A_965, %select_n3A_994 : i32
      %ne3A_996 = arith.constant 0 : i32
      %ne3A_997 = arith.cmpi ne, %rem3A_995, %ne3A_996 : i32
      %lt3A = arith.constant 0 : i32
      %lt3A_998 = arith.cmpi slt, %rem3A_995, %lt3A : i32
      %lt3A_999 = arith.constant 0 : i32
      %lt3A_1000 = arith.cmpi slt, %select_n3A_994, %lt3A_999 : i32
      %ne3A_1001 = arith.xori %lt3A_998, %lt3A_1000 : i1
      %and3A_1002 = arith.andi %ne3A_1001, %ne3A_997 : i1
      %add3A_1003 = arith.addi %rem3A_995, %select_n3A_994 : i32
      %select_n3A_1004 = arith.select %and3A_1002, %add3A_1003, %rem3A_995 : i32
      %mul3A_1005 = arith.constant 16 : i32
      %mul3A_1006 = arith.muli %select_n3A_1004, %mul3A_1005 : i32
      %broadcast_in_dim3A = arith.constant 0 : i32
      %broadcast_in_dim3A_1007 = vector.broadcast %broadcast_in_dim3A : i32 to vector<16xi32>
      %gather3A = tpu.vector_load_idx %arg7[%shift_right_arithmetic3A_971, %broadcast_in_dim3A_1007, %and3A_973] : memref<128x2x128xf32, #tpu.memory_space<vmem>>[vector<16xi32>, vector<16xi32>, vector<16xi32>], vector<16xf32>,
      %swap3A = arith.constant 0 : i32
      %swap3A_1008 = arith.index_cast %select_n3A : i32 to index
      %swap3A_1009 = arith.index_cast %swap3A : i32 to index
      %swap3A_1010 = arith.index_cast %mul3A_1006 : i32 to index
      %swap3A_1011 = tpu.vector_load %arg8[%swap3A_1008, %swap3A_1009, %swap3A_1010] {strides = array<i32>} : memref<8x2x128xf32, #tpu.memory_space<vmem>>, vector<16xf32>,
      tpu.vector_store %arg8[%swap3A_1008, %swap3A_1009, %swap3A_1010], %gather3A {strides = array<i32>} : memref<8x2x128xf32, #tpu.memory_space<vmem>>, vector<16xf32>,
      %broadcast_in_dim3A_1012 = arith.constant 1 : i32
      %broadcast_in_dim3A_1013 = vector.broadcast %broadcast_in_dim3A_1012 : i32 to vector<16xi32>
      %gather3A_1014 = tpu.vector_load_idx %arg7[%shift_right_arithmetic3A_971, %broadcast_in_dim3A_1013, %and3A_973] : memref<128x2x128xf32, #tpu.memory_space<vmem>>[vector<16xi32>, vector<16xi32>, vector<16xi32>], vector<16xf32>,
      %swap3A_1015 = arith.constant 1 : i32
      %swap3A_1016 = arith.index_cast %select_n3A : i32 to index
      %swap3A_1017 = arith.index_cast %swap3A_1015 : i32 to index
      %swap3A_1018 = arith.index_cast %mul3A_1006 : i32 to index
      %swap3A_1019 = tpu.vector_load %arg8[%swap3A_1016, %swap3A_1017, %swap3A_1018] {strides = array<i32>} : memref<8x2x128xf32, #tpu.memory_space<vmem>>, vector<16xf32>,
      tpu.vector_store %arg8[%swap3A_1016, %swap3A_1017, %swap3A_1018], %gather3A_1014 {strides = array<i32>} : memref<8x2x128xf32, #tpu.memory_space<vmem>>, vector<16xf32>,
      %scan3A_1020 = arith.constant 0 : i32
      scf.yield %scan3A_1020 : i32
    }
    %scan3A_794 = arith.constant 64 : i32
    %run_scoped3A_795 = arith.constant 6 : i32
    "tpu.region"() ({
      %run_scoped3A_965 = tpu.sem_alloc : memref<!tpu.dma_semaphore, #tpu.memory_space<semaphore_mem>>
      %dma_start3A_966 = arith.constant 0 : i32
      %dma_start3A_967 = arith.constant 2 : i32
      %dma_start3A_968 = arith.constant 0 : i32
      %dma_start3A_969 = tpu.memref_slice %arg4[%add3A, %run_scoped3A_795, %dma_start3A_966, %dma_start3A_967, %dma_start3A_968] : memref<32x8x8x8x128xf32, #tpu.memory_space<hbm>> -> memref<1x1x8x2x128xf32, #tpu.memory_space<hbm>>
      %dma_start3A_970 = tpu.memref_squeeze %dma_start3A_969 : memref<1x1x8x2x128xf32, #tpu.memory_space<hbm>> -> memref<8x2x128xf32, #tpu.memory_space<hbm>>
      %dma_start3A_971 = arith.constant 0 : i32
      %dma_start3A_972 = arith.constant 2 : i32
      %dma_start3A_973 = arith.constant 0 : i32
      %dma_start3A_974 = tpu.memref_slice %arg4[%add3A, %run_scoped3A_795, %dma_start3A_971, %dma_start3A_972, %dma_start3A_973] : memref<32x8x8x8x128xf32, #tpu.memory_space<hbm>> -> memref<1x1x8x2x128xf32, #tpu.memory_space<hbm>>
      %dma_start3A_975 = tpu.memref_squeeze %dma_start3A_974 : memref<1x1x8x2x128xf32, #tpu.memory_space<hbm>> -> memref<8x2x128xf32, #tpu.memory_space<hbm>>
      tpu.enqueue_dma source(%arg8 : memref<8x2x128xf32, #tpu.memory_space<vmem>>) target(%dma_start3A_975 : memref<8x2x128xf32, #tpu.memory_space<hbm>>) target_semaphore(%run_scoped3A_965 : memref<!tpu.dma_semaphore, #tpu.memory_space<semaphore_mem>>)
      %dma_wait3A_976 = arith.constant 0 : i32
      %dma_wait3A_977 = arith.constant 2 : i32
      %dma_wait3A_978 = arith.constant 0 : i32
      %dma_wait3A_979 = tpu.memref_slice %arg4[%add3A, %run_scoped3A_795, %dma_wait3A_976, %dma_wait3A_977, %dma_wait3A_978] : memref<32x8x8x8x128xf32, #tpu.memory_space<hbm>> -> memref<1x1x8x2x128xf32, #tpu.memory_space<hbm>>
      %dma_wait3A_980 = tpu.memref_squeeze %dma_wait3A_979 : memref<1x1x8x2x128xf32, #tpu.memory_space<hbm>> -> memref<8x2x128xf32, #tpu.memory_space<hbm>>
      %dma_wait3A_981 = arith.constant 0 : i32
      %dma_wait3A_982 = arith.constant 2 : i32
      %dma_wait3A_983 = arith.constant 0 : i32
      %dma_wait3A_984 = tpu.memref_slice %arg4[%add3A, %run_scoped3A_795, %dma_wait3A_981, %dma_wait3A_982, %dma_wait3A_983] : memref<32x8x8x8x128xf32, #tpu.memory_space<hbm>> -> memref<1x1x8x2x128xf32, #tpu.memory_space<hbm>>
      %dma_wait3A_985 = tpu.memref_squeeze %dma_wait3A_984 : memref<1x1x8x2x128xf32, #tpu.memory_space<hbm>> -> memref<8x2x128xf32, #tpu.memory_space<hbm>>
      tpu.wait_dma2 semaphore(%run_scoped3A_965 : memref<!tpu.dma_semaphore, #tpu.memory_space<semaphore_mem>>) src(%arg8 : memref<8x2x128xf32, #tpu.memory_space<vmem>>) dst(%dma_wait3A_985 : memref<8x2x128xf32, #tpu.memory_space<hbm>>)
      tpu.yield
    }) : () -> ()
    %dma_start3A_796 = arith.constant 6 : i32
    %dma_start3A_797 = arith.constant 0 : i32
    %dma_start3A_798 = arith.constant 6 : i32
    %dma_start3A_799 = arith.constant 0 : i32
    %dma_start3A_800 = tpu.memref_slice %arg2[%add3A, %dma_start3A_796, %dma_start3A_797, %dma_start3A_798, %dma_start3A_799] : memref<32x8x128x8x128xf32, #tpu.memory_space<hbm>> -> memref<1x1x128x2x128xf32, #tpu.memory_space<hbm>>
    %dma_start3A_801 = tpu.memref_squeeze %dma_start3A_800 : memref<1x1x128x2x128xf32, #tpu.memory_space<hbm>> -> memref<128x2x128xf32, #tpu.memory_space<hbm>>
    %dma_start3A_802 = arith.constant 0 : i32
    %dma_start3A_803 = arith.constant 6 : i32
    %dma_start3A_804 = arith.constant 0 : i32
    %dma_start3A_805 = tpu.memref_slice %arg2[%add3A, %dma_start3A_796, %dma_start3A_802, %dma_start3A_803, %dma_start3A_804] : memref<32x8x128x8x128xf32, #tpu.memory_space<hbm>> -> memref<1x1x128x2x128xf32, #tpu.memory_space<hbm>>
    %dma_start3A_806 = tpu.memref_squeeze %dma_start3A_805 : memref<1x1x128x2x128xf32, #tpu.memory_space<hbm>> -> memref<128x2x128xf32, #tpu.memory_space<hbm>>
    tpu.enqueue_dma source(%dma_start3A_806 : memref<128x2x128xf32, #tpu.memory_space<hbm>>) target(%arg7 : memref<128x2x128xf32, #tpu.memory_space<vmem>>) target_semaphore(%arg10 : memref<!tpu.dma_semaphore, #tpu.memory_space<semaphore_mem>>)
    %dma_wait3A_807 = arith.constant 6 : i32
    %dma_wait3A_808 = arith.constant 0 : i32
    %dma_wait3A_809 = arith.constant 4 : i32
    %dma_wait3A_810 = arith.constant 0 : i32
    %dma_wait3A_811 = tpu.memref_slice %arg2[%add3A, %dma_wait3A_807, %dma_wait3A_808, %dma_wait3A_809, %dma_wait3A_810] : memref<32x8x128x8x128xf32, #tpu.memory_space<hbm>> -> memref<1x1x128x2x128xf32, #tpu.memory_space<hbm>>
    %dma_wait3A_812 = tpu.memref_squeeze %dma_wait3A_811 : memref<1x1x128x2x128xf32, #tpu.memory_space<hbm>> -> memref<128x2x128xf32, #tpu.memory_space<hbm>>
    %dma_wait3A_813 = arith.constant 0 : i32
    %dma_wait3A_814 = arith.constant 4 : i32
    %dma_wait3A_815 = arith.constant 0 : i32
    %dma_wait3A_816 = tpu.memref_slice %arg2[%add3A, %dma_wait3A_807, %dma_wait3A_813, %dma_wait3A_814, %dma_wait3A_815] : memref<32x8x128x8x128xf32, #tpu.memory_space<hbm>> -> memref<1x1x128x2x128xf32, #tpu.memory_space<hbm>>
    %dma_wait3A_817 = tpu.memref_squeeze %dma_wait3A_816 : memref<1x1x128x2x128xf32, #tpu.memory_space<hbm>> -> memref<128x2x128xf32, #tpu.memory_space<hbm>>
    tpu.wait_dma2 semaphore(%arg9 : memref<!tpu.dma_semaphore, #tpu.memory_space<semaphore_mem>>) src(%dma_wait3A_817 : memref<128x2x128xf32, #tpu.memory_space<hbm>>) dst(%arg6 : memref<128x2x128xf32, #tpu.memory_space<vmem>>)
    %scan3A_818 = arith.constant 0 : i32
    %scan3A_819 = arith.constant 0 : i32
    %scan3A_820 = arith.constant 64 : i32
    %scan3A_821 = arith.addi %scan3A_819, %scan3A_820 : i32
    %scan3A_822 = arith.constant 1 : i32
    %scan3A_823 = scf.for %scan3A_965 = %scan3A_819 to %scan3A_821 step %scan3A_822 iter_args(%scan3A_966 = %scan3A_818) -> (i32)  : i32 {
      %mul3A_967 = arith.constant 16 : i32
      %mul3A_968 = arith.muli %scan3A_965, %mul3A_967 : i32
      %get3A = arith.index_cast %mul3A_968 : i32 to index
      %get3A_969 = tpu.vector_load %arg5[%get3A] {strides = array<i32>} : memref<1024xi32, #tpu.memory_space<vmem>>, vector<16xi32>,
      %shift_right_arithmetic3A = arith.constant 7 : i32
      %shift_right_arithmetic3A_970 = vector.broadcast %shift_right_arithmetic3A : i32 to vector<16xi32>
      %shift_right_arithmetic3A_971 = arith.shrsi %get3A_969, %shift_right_arithmetic3A_970 : vector<16xi32>
      %and3A = arith.constant 127 : i32
      %and3A_972 = vector.broadcast %and3A : i32 to vector<16xi32>
      %and3A_973 = arith.andi %get3A_969, %and3A_972 : vector<16xi32>
      %jit3A = arith.constant 8 : i32
      %div3A = arith.divsi %scan3A_965, %jit3A : i32
      %sign3A = arith.constant 0 : i32
      %sign3A_974 = arith.cmpi sgt, %scan3A_965, %sign3A : i32
      %sign3A_975 = arith.extui %sign3A_974 : i1 to i32
      %sign3A_976 = arith.constant 0 : i32
      %sign3A_977 = arith.cmpi slt, %scan3A_965, %sign3A_976 : i32
      %sign3A_978 = arith.extui %sign3A_977 : i1 to i32
      %sign3A_979 = arith.subi %sign3A_975, %sign3A_978 : i32
      %sign3A_980 = arith.constant 0 : i32
      %sign3A_981 = arith.cmpi sgt, %jit3A, %sign3A_980 : i32
      %sign3A_982 = arith.extui %sign3A_981 : i1 to i32
      %sign3A_983 = arith.constant 0 : i32
      %sign3A_984 = arith.cmpi slt, %jit3A, %sign3A_983 : i32
      %sign3A_985 = arith.extui %sign3A_984 : i1 to i32
      %sign3A_986 = arith.subi %sign3A_982, %sign3A_985 : i32
      %ne3A = arith.cmpi ne, %sign3A_979, %sign3A_986 : i32
      %rem3A = arith.remsi %scan3A_965, %jit3A : i32
      %ne3A_987 = arith.constant 0 : i32
      %ne3A_988 = arith.cmpi ne, %rem3A, %ne3A_987 : i32
      %and3A_989 = arith.andi %ne3A, %ne3A_988 : i1
      %sub3A = arith.constant 1 : i32
      %sub3A_990 = arith.subi %div3A, %sub3A : i32
      %select_n3A = arith.select %and3A_989, %sub3A_990, %div3A : i32
      %jit3A_991 = arith.constant 8 : i32
      %eq3A = arith.constant 0 : i32
      %eq3A_992 = arith.cmpi eq, %jit3A_991, %eq3A : i32
      %jit3A_993 = arith.constant 1 : i32
      %select_n3A_994 = arith.select %eq3A_992, %jit3A_993, %jit3A_991 : i32
      %rem3A_995 = arith.remsi %scan3A_965, %select_n3A_994 : i32
      %ne3A_996 = arith.constant 0 : i32
      %ne3A_997 = arith.cmpi ne, %rem3A_995, %ne3A_996 : i32
      %lt3A = arith.constant 0 : i32
      %lt3A_998 = arith.cmpi slt, %rem3A_995, %lt3A : i32
      %lt3A_999 = arith.constant 0 : i32
      %lt3A_1000 = arith.cmpi slt, %select_n3A_994, %lt3A_999 : i32
      %ne3A_1001 = arith.xori %lt3A_998, %lt3A_1000 : i1
      %and3A_1002 = arith.andi %ne3A_1001, %ne3A_997 : i1
      %add3A_1003 = arith.addi %rem3A_995, %select_n3A_994 : i32
      %select_n3A_1004 = arith.select %and3A_1002, %add3A_1003, %rem3A_995 : i32
      %mul3A_1005 = arith.constant 16 : i32
      %mul3A_1006 = arith.muli %select_n3A_1004, %mul3A_1005 : i32
      %broadcast_in_dim3A = arith.constant 0 : i32
      %broadcast_in_dim3A_1007 = vector.broadcast %broadcast_in_dim3A : i32 to vector<16xi32>
      %gather3A = tpu.vector_load_idx %arg6[%shift_right_arithmetic3A_971, %broadcast_in_dim3A_1007, %and3A_973] : memref<128x2x128xf32, #tpu.memory_space<vmem>>[vector<16xi32>, vector<16xi32>, vector<16xi32>], vector<16xf32>,
      %swap3A = arith.constant 0 : i32
      %swap3A_1008 = arith.index_cast %select_n3A : i32 to index
      %swap3A_1009 = arith.index_cast %swap3A : i32 to index
      %swap3A_1010 = arith.index_cast %mul3A_1006 : i32 to index
      %swap3A_1011 = tpu.vector_load %arg8[%swap3A_1008, %swap3A_1009, %swap3A_1010] {strides = array<i32>} : memref<8x2x128xf32, #tpu.memory_space<vmem>>, vector<16xf32>,
      tpu.vector_store %arg8[%swap3A_1008, %swap3A_1009, %swap3A_1010], %gather3A {strides = array<i32>} : memref<8x2x128xf32, #tpu.memory_space<vmem>>, vector<16xf32>,
      %broadcast_in_dim3A_1012 = arith.constant 1 : i32
      %broadcast_in_dim3A_1013 = vector.broadcast %broadcast_in_dim3A_1012 : i32 to vector<16xi32>
      %gather3A_1014 = tpu.vector_load_idx %arg6[%shift_right_arithmetic3A_971, %broadcast_in_dim3A_1013, %and3A_973] : memref<128x2x128xf32, #tpu.memory_space<vmem>>[vector<16xi32>, vector<16xi32>, vector<16xi32>], vector<16xf32>,
      %swap3A_1015 = arith.constant 1 : i32
      %swap3A_1016 = arith.index_cast %select_n3A : i32 to index
      %swap3A_1017 = arith.index_cast %swap3A_1015 : i32 to index
      %swap3A_1018 = arith.index_cast %mul3A_1006 : i32 to index
      %swap3A_1019 = tpu.vector_load %arg8[%swap3A_1016, %swap3A_1017, %swap3A_1018] {strides = array<i32>} : memref<8x2x128xf32, #tpu.memory_space<vmem>>, vector<16xf32>,
      tpu.vector_store %arg8[%swap3A_1016, %swap3A_1017, %swap3A_1018], %gather3A_1014 {strides = array<i32>} : memref<8x2x128xf32, #tpu.memory_space<vmem>>, vector<16xf32>,
      %scan3A_1020 = arith.constant 0 : i32
      scf.yield %scan3A_1020 : i32
    }
    %scan3A_824 = arith.constant 64 : i32
    %run_scoped3A_825 = arith.constant 6 : i32
    "tpu.region"() ({
      %run_scoped3A_965 = tpu.sem_alloc : memref<!tpu.dma_semaphore, #tpu.memory_space<semaphore_mem>>
      %dma_start3A_966 = arith.constant 0 : i32
      %dma_start3A_967 = arith.constant 4 : i32
      %dma_start3A_968 = arith.constant 0 : i32
      %dma_start3A_969 = tpu.memref_slice %arg4[%add3A, %run_scoped3A_825, %dma_start3A_966, %dma_start3A_967, %dma_start3A_968] : memref<32x8x8x8x128xf32, #tpu.memory_space<hbm>> -> memref<1x1x8x2x128xf32, #tpu.memory_space<hbm>>
      %dma_start3A_970 = tpu.memref_squeeze %dma_start3A_969 : memref<1x1x8x2x128xf32, #tpu.memory_space<hbm>> -> memref<8x2x128xf32, #tpu.memory_space<hbm>>
      %dma_start3A_971 = arith.constant 0 : i32
      %dma_start3A_972 = arith.constant 4 : i32
      %dma_start3A_973 = arith.constant 0 : i32
      %dma_start3A_974 = tpu.memref_slice %arg4[%add3A, %run_scoped3A_825, %dma_start3A_971, %dma_start3A_972, %dma_start3A_973] : memref<32x8x8x8x128xf32, #tpu.memory_space<hbm>> -> memref<1x1x8x2x128xf32, #tpu.memory_space<hbm>>
      %dma_start3A_975 = tpu.memref_squeeze %dma_start3A_974 : memref<1x1x8x2x128xf32, #tpu.memory_space<hbm>> -> memref<8x2x128xf32, #tpu.memory_space<hbm>>
      tpu.enqueue_dma source(%arg8 : memref<8x2x128xf32, #tpu.memory_space<vmem>>) target(%dma_start3A_975 : memref<8x2x128xf32, #tpu.memory_space<hbm>>) target_semaphore(%run_scoped3A_965 : memref<!tpu.dma_semaphore, #tpu.memory_space<semaphore_mem>>)
      %dma_wait3A_976 = arith.constant 0 : i32
      %dma_wait3A_977 = arith.constant 4 : i32
      %dma_wait3A_978 = arith.constant 0 : i32
      %dma_wait3A_979 = tpu.memref_slice %arg4[%add3A, %run_scoped3A_825, %dma_wait3A_976, %dma_wait3A_977, %dma_wait3A_978] : memref<32x8x8x8x128xf32, #tpu.memory_space<hbm>> -> memref<1x1x8x2x128xf32, #tpu.memory_space<hbm>>
      %dma_wait3A_980 = tpu.memref_squeeze %dma_wait3A_979 : memref<1x1x8x2x128xf32, #tpu.memory_space<hbm>> -> memref<8x2x128xf32, #tpu.memory_space<hbm>>
      %dma_wait3A_981 = arith.constant 0 : i32
      %dma_wait3A_982 = arith.constant 4 : i32
      %dma_wait3A_983 = arith.constant 0 : i32
      %dma_wait3A_984 = tpu.memref_slice %arg4[%add3A, %run_scoped3A_825, %dma_wait3A_981, %dma_wait3A_982, %dma_wait3A_983] : memref<32x8x8x8x128xf32, #tpu.memory_space<hbm>> -> memref<1x1x8x2x128xf32, #tpu.memory_space<hbm>>
      %dma_wait3A_985 = tpu.memref_squeeze %dma_wait3A_984 : memref<1x1x8x2x128xf32, #tpu.memory_space<hbm>> -> memref<8x2x128xf32, #tpu.memory_space<hbm>>
      tpu.wait_dma2 semaphore(%run_scoped3A_965 : memref<!tpu.dma_semaphore, #tpu.memory_space<semaphore_mem>>) src(%arg8 : memref<8x2x128xf32, #tpu.memory_space<vmem>>) dst(%dma_wait3A_985 : memref<8x2x128xf32, #tpu.memory_space<hbm>>)
      tpu.yield
    }) : () -> ()
    %dma_start3A_826 = arith.constant 7 : i32
    %dma_start3A_827 = arith.constant 0 : i32
    %dma_start3A_828 = arith.constant 0 : i32
    %dma_start3A_829 = arith.constant 0 : i32
    %dma_start3A_830 = tpu.memref_slice %arg2[%add3A, %dma_start3A_826, %dma_start3A_827, %dma_start3A_828, %dma_start3A_829] : memref<32x8x128x8x128xf32, #tpu.memory_space<hbm>> -> memref<1x1x128x2x128xf32, #tpu.memory_space<hbm>>
    %dma_start3A_831 = tpu.memref_squeeze %dma_start3A_830 : memref<1x1x128x2x128xf32, #tpu.memory_space<hbm>> -> memref<128x2x128xf32, #tpu.memory_space<hbm>>
    %dma_start3A_832 = arith.constant 0 : i32
    %dma_start3A_833 = arith.constant 0 : i32
    %dma_start3A_834 = arith.constant 0 : i32
    %dma_start3A_835 = tpu.memref_slice %arg2[%add3A, %dma_start3A_826, %dma_start3A_832, %dma_start3A_833, %dma_start3A_834] : memref<32x8x128x8x128xf32, #tpu.memory_space<hbm>> -> memref<1x1x128x2x128xf32, #tpu.memory_space<hbm>>
    %dma_start3A_836 = tpu.memref_squeeze %dma_start3A_835 : memref<1x1x128x2x128xf32, #tpu.memory_space<hbm>> -> memref<128x2x128xf32, #tpu.memory_space<hbm>>
    tpu.enqueue_dma source(%dma_start3A_836 : memref<128x2x128xf32, #tpu.memory_space<hbm>>) target(%arg6 : memref<128x2x128xf32, #tpu.memory_space<vmem>>) target_semaphore(%arg9 : memref<!tpu.dma_semaphore, #tpu.memory_space<semaphore_mem>>)
    %dma_wait3A_837 = arith.constant 6 : i32
    %dma_wait3A_838 = arith.constant 0 : i32
    %dma_wait3A_839 = arith.constant 6 : i32
    %dma_wait3A_840 = arith.constant 0 : i32
    %dma_wait3A_841 = tpu.memref_slice %arg2[%add3A, %dma_wait3A_837, %dma_wait3A_838, %dma_wait3A_839, %dma_wait3A_840] : memref<32x8x128x8x128xf32, #tpu.memory_space<hbm>> -> memref<1x1x128x2x128xf32, #tpu.memory_space<hbm>>
    %dma_wait3A_842 = tpu.memref_squeeze %dma_wait3A_841 : memref<1x1x128x2x128xf32, #tpu.memory_space<hbm>> -> memref<128x2x128xf32, #tpu.memory_space<hbm>>
    %dma_wait3A_843 = arith.constant 0 : i32
    %dma_wait3A_844 = arith.constant 6 : i32
    %dma_wait3A_845 = arith.constant 0 : i32
    %dma_wait3A_846 = tpu.memref_slice %arg2[%add3A, %dma_wait3A_837, %dma_wait3A_843, %dma_wait3A_844, %dma_wait3A_845] : memref<32x8x128x8x128xf32, #tpu.memory_space<hbm>> -> memref<1x1x128x2x128xf32, #tpu.memory_space<hbm>>
    %dma_wait3A_847 = tpu.memref_squeeze %dma_wait3A_846 : memref<1x1x128x2x128xf32, #tpu.memory_space<hbm>> -> memref<128x2x128xf32, #tpu.memory_space<hbm>>
    tpu.wait_dma2 semaphore(%arg10 : memref<!tpu.dma_semaphore, #tpu.memory_space<semaphore_mem>>) src(%dma_wait3A_847 : memref<128x2x128xf32, #tpu.memory_space<hbm>>) dst(%arg7 : memref<128x2x128xf32, #tpu.memory_space<vmem>>)
    %scan3A_848 = arith.constant 0 : i32
    %scan3A_849 = arith.constant 0 : i32
    %scan3A_850 = arith.constant 64 : i32
    %scan3A_851 = arith.addi %scan3A_849, %scan3A_850 : i32
    %scan3A_852 = arith.constant 1 : i32
    %scan3A_853 = scf.for %scan3A_965 = %scan3A_849 to %scan3A_851 step %scan3A_852 iter_args(%scan3A_966 = %scan3A_848) -> (i32)  : i32 {
      %mul3A_967 = arith.constant 16 : i32
      %mul3A_968 = arith.muli %scan3A_965, %mul3A_967 : i32
      %get3A = arith.index_cast %mul3A_968 : i32 to index
      %get3A_969 = tpu.vector_load %arg5[%get3A] {strides = array<i32>} : memref<1024xi32, #tpu.memory_space<vmem>>, vector<16xi32>,
      %shift_right_arithmetic3A = arith.constant 7 : i32
      %shift_right_arithmetic3A_970 = vector.broadcast %shift_right_arithmetic3A : i32 to vector<16xi32>
      %shift_right_arithmetic3A_971 = arith.shrsi %get3A_969, %shift_right_arithmetic3A_970 : vector<16xi32>
      %and3A = arith.constant 127 : i32
      %and3A_972 = vector.broadcast %and3A : i32 to vector<16xi32>
      %and3A_973 = arith.andi %get3A_969, %and3A_972 : vector<16xi32>
      %jit3A = arith.constant 8 : i32
      %div3A = arith.divsi %scan3A_965, %jit3A : i32
      %sign3A = arith.constant 0 : i32
      %sign3A_974 = arith.cmpi sgt, %scan3A_965, %sign3A : i32
      %sign3A_975 = arith.extui %sign3A_974 : i1 to i32
      %sign3A_976 = arith.constant 0 : i32
      %sign3A_977 = arith.cmpi slt, %scan3A_965, %sign3A_976 : i32
      %sign3A_978 = arith.extui %sign3A_977 : i1 to i32
      %sign3A_979 = arith.subi %sign3A_975, %sign3A_978 : i32
      %sign3A_980 = arith.constant 0 : i32
      %sign3A_981 = arith.cmpi sgt, %jit3A, %sign3A_980 : i32
      %sign3A_982 = arith.extui %sign3A_981 : i1 to i32
      %sign3A_983 = arith.constant 0 : i32
      %sign3A_984 = arith.cmpi slt, %jit3A, %sign3A_983 : i32
      %sign3A_985 = arith.extui %sign3A_984 : i1 to i32
      %sign3A_986 = arith.subi %sign3A_982, %sign3A_985 : i32
      %ne3A = arith.cmpi ne, %sign3A_979, %sign3A_986 : i32
      %rem3A = arith.remsi %scan3A_965, %jit3A : i32
      %ne3A_987 = arith.constant 0 : i32
      %ne3A_988 = arith.cmpi ne, %rem3A, %ne3A_987 : i32
      %and3A_989 = arith.andi %ne3A, %ne3A_988 : i1
      %sub3A = arith.constant 1 : i32
      %sub3A_990 = arith.subi %div3A, %sub3A : i32
      %select_n3A = arith.select %and3A_989, %sub3A_990, %div3A : i32
      %jit3A_991 = arith.constant 8 : i32
      %eq3A = arith.constant 0 : i32
      %eq3A_992 = arith.cmpi eq, %jit3A_991, %eq3A : i32
      %jit3A_993 = arith.constant 1 : i32
      %select_n3A_994 = arith.select %eq3A_992, %jit3A_993, %jit3A_991 : i32
      %rem3A_995 = arith.remsi %scan3A_965, %select_n3A_994 : i32
      %ne3A_996 = arith.constant 0 : i32
      %ne3A_997 = arith.cmpi ne, %rem3A_995, %ne3A_996 : i32
      %lt3A = arith.constant 0 : i32
      %lt3A_998 = arith.cmpi slt, %rem3A_995, %lt3A : i32
      %lt3A_999 = arith.constant 0 : i32
      %lt3A_1000 = arith.cmpi slt, %select_n3A_994, %lt3A_999 : i32
      %ne3A_1001 = arith.xori %lt3A_998, %lt3A_1000 : i1
      %and3A_1002 = arith.andi %ne3A_1001, %ne3A_997 : i1
      %add3A_1003 = arith.addi %rem3A_995, %select_n3A_994 : i32
      %select_n3A_1004 = arith.select %and3A_1002, %add3A_1003, %rem3A_995 : i32
      %mul3A_1005 = arith.constant 16 : i32
      %mul3A_1006 = arith.muli %select_n3A_1004, %mul3A_1005 : i32
      %broadcast_in_dim3A = arith.constant 0 : i32
      %broadcast_in_dim3A_1007 = vector.broadcast %broadcast_in_dim3A : i32 to vector<16xi32>
      %gather3A = tpu.vector_load_idx %arg7[%shift_right_arithmetic3A_971, %broadcast_in_dim3A_1007, %and3A_973] : memref<128x2x128xf32, #tpu.memory_space<vmem>>[vector<16xi32>, vector<16xi32>, vector<16xi32>], vector<16xf32>,
      %swap3A = arith.constant 0 : i32
      %swap3A_1008 = arith.index_cast %select_n3A : i32 to index
      %swap3A_1009 = arith.index_cast %swap3A : i32 to index
      %swap3A_1010 = arith.index_cast %mul3A_1006 : i32 to index
      %swap3A_1011 = tpu.vector_load %arg8[%swap3A_1008, %swap3A_1009, %swap3A_1010] {strides = array<i32>} : memref<8x2x128xf32, #tpu.memory_space<vmem>>, vector<16xf32>,
      tpu.vector_store %arg8[%swap3A_1008, %swap3A_1009, %swap3A_1010], %gather3A {strides = array<i32>} : memref<8x2x128xf32, #tpu.memory_space<vmem>>, vector<16xf32>,
      %broadcast_in_dim3A_1012 = arith.constant 1 : i32
      %broadcast_in_dim3A_1013 = vector.broadcast %broadcast_in_dim3A_1012 : i32 to vector<16xi32>
      %gather3A_1014 = tpu.vector_load_idx %arg7[%shift_right_arithmetic3A_971, %broadcast_in_dim3A_1013, %and3A_973] : memref<128x2x128xf32, #tpu.memory_space<vmem>>[vector<16xi32>, vector<16xi32>, vector<16xi32>], vector<16xf32>,
      %swap3A_1015 = arith.constant 1 : i32
      %swap3A_1016 = arith.index_cast %select_n3A : i32 to index
      %swap3A_1017 = arith.index_cast %swap3A_1015 : i32 to index
      %swap3A_1018 = arith.index_cast %mul3A_1006 : i32 to index
      %swap3A_1019 = tpu.vector_load %arg8[%swap3A_1016, %swap3A_1017, %swap3A_1018] {strides = array<i32>} : memref<8x2x128xf32, #tpu.memory_space<vmem>>, vector<16xf32>,
      tpu.vector_store %arg8[%swap3A_1016, %swap3A_1017, %swap3A_1018], %gather3A_1014 {strides = array<i32>} : memref<8x2x128xf32, #tpu.memory_space<vmem>>, vector<16xf32>,
      %scan3A_1020 = arith.constant 0 : i32
      scf.yield %scan3A_1020 : i32
    }
    %scan3A_854 = arith.constant 64 : i32
    %run_scoped3A_855 = arith.constant 6 : i32
    "tpu.region"() ({
      %run_scoped3A_965 = tpu.sem_alloc : memref<!tpu.dma_semaphore, #tpu.memory_space<semaphore_mem>>
      %dma_start3A_966 = arith.constant 0 : i32
      %dma_start3A_967 = arith.constant 6 : i32
      %dma_start3A_968 = arith.constant 0 : i32
      %dma_start3A_969 = tpu.memref_slice %arg4[%add3A, %run_scoped3A_855, %dma_start3A_966, %dma_start3A_967, %dma_start3A_968] : memref<32x8x8x8x128xf32, #tpu.memory_space<hbm>> -> memref<1x1x8x2x128xf32, #tpu.memory_space<hbm>>
      %dma_start3A_970 = tpu.memref_squeeze %dma_start3A_969 : memref<1x1x8x2x128xf32, #tpu.memory_space<hbm>> -> memref<8x2x128xf32, #tpu.memory_space<hbm>>
      %dma_start3A_971 = arith.constant 0 : i32
      %dma_start3A_972 = arith.constant 6 : i32
      %dma_start3A_973 = arith.constant 0 : i32
      %dma_start3A_974 = tpu.memref_slice %arg4[%add3A, %run_scoped3A_855, %dma_start3A_971, %dma_start3A_972, %dma_start3A_973] : memref<32x8x8x8x128xf32, #tpu.memory_space<hbm>> -> memref<1x1x8x2x128xf32, #tpu.memory_space<hbm>>
      %dma_start3A_975 = tpu.memref_squeeze %dma_start3A_974 : memref<1x1x8x2x128xf32, #tpu.memory_space<hbm>> -> memref<8x2x128xf32, #tpu.memory_space<hbm>>
      tpu.enqueue_dma source(%arg8 : memref<8x2x128xf32, #tpu.memory_space<vmem>>) target(%dma_start3A_975 : memref<8x2x128xf32, #tpu.memory_space<hbm>>) target_semaphore(%run_scoped3A_965 : memref<!tpu.dma_semaphore, #tpu.memory_space<semaphore_mem>>)
      %dma_wait3A_976 = arith.constant 0 : i32
      %dma_wait3A_977 = arith.constant 6 : i32
      %dma_wait3A_978 = arith.constant 0 : i32
      %dma_wait3A_979 = tpu.memref_slice %arg4[%add3A, %run_scoped3A_855, %dma_wait3A_976, %dma_wait3A_977, %dma_wait3A_978] : memref<32x8x8x8x128xf32, #tpu.memory_space<hbm>> -> memref<1x1x8x2x128xf32, #tpu.memory_space<hbm>>
      %dma_wait3A_980 = tpu.memref_squeeze %dma_wait3A_979 : memref<1x1x8x2x128xf32, #tpu.memory_space<hbm>> -> memref<8x2x128xf32, #tpu.memory_space<hbm>>
      %dma_wait3A_981 = arith.constant 0 : i32
      %dma_wait3A_982 = arith.constant 6 : i32
      %dma_wait3A_983 = arith.constant 0 : i32
      %dma_wait3A_984 = tpu.memref_slice %arg4[%add3A, %run_scoped3A_855, %dma_wait3A_981, %dma_wait3A_982, %dma_wait3A_983] : memref<32x8x8x8x128xf32, #tpu.memory_space<hbm>> -> memref<1x1x8x2x128xf32, #tpu.memory_space<hbm>>
      %dma_wait3A_985 = tpu.memref_squeeze %dma_wait3A_984 : memref<1x1x8x2x128xf32, #tpu.memory_space<hbm>> -> memref<8x2x128xf32, #tpu.memory_space<hbm>>
      tpu.wait_dma2 semaphore(%run_scoped3A_965 : memref<!tpu.dma_semaphore, #tpu.memory_space<semaphore_mem>>) src(%arg8 : memref<8x2x128xf32, #tpu.memory_space<vmem>>) dst(%dma_wait3A_985 : memref<8x2x128xf32, #tpu.memory_space<hbm>>)
      tpu.yield
    }) : () -> ()
    %dma_start3A_856 = arith.constant 7 : i32
    %dma_start3A_857 = arith.constant 0 : i32
    %dma_start3A_858 = arith.constant 2 : i32
    %dma_start3A_859 = arith.constant 0 : i32
    %dma_start3A_860 = tpu.memref_slice %arg2[%add3A, %dma_start3A_856, %dma_start3A_857, %dma_start3A_858, %dma_start3A_859] : memref<32x8x128x8x128xf32, #tpu.memory_space<hbm>> -> memref<1x1x128x2x128xf32, #tpu.memory_space<hbm>>
    %dma_start3A_861 = tpu.memref_squeeze %dma_start3A_860 : memref<1x1x128x2x128xf32, #tpu.memory_space<hbm>> -> memref<128x2x128xf32, #tpu.memory_space<hbm>>
    %dma_start3A_862 = arith.constant 0 : i32
    %dma_start3A_863 = arith.constant 2 : i32
    %dma_start3A_864 = arith.constant 0 : i32
    %dma_start3A_865 = tpu.memref_slice %arg2[%add3A, %dma_start3A_856, %dma_start3A_862, %dma_start3A_863, %dma_start3A_864] : memref<32x8x128x8x128xf32, #tpu.memory_space<hbm>> -> memref<1x1x128x2x128xf32, #tpu.memory_space<hbm>>
    %dma_start3A_866 = tpu.memref_squeeze %dma_start3A_865 : memref<1x1x128x2x128xf32, #tpu.memory_space<hbm>> -> memref<128x2x128xf32, #tpu.memory_space<hbm>>
    tpu.enqueue_dma source(%dma_start3A_866 : memref<128x2x128xf32, #tpu.memory_space<hbm>>) target(%arg7 : memref<128x2x128xf32, #tpu.memory_space<vmem>>) target_semaphore(%arg10 : memref<!tpu.dma_semaphore, #tpu.memory_space<semaphore_mem>>)
    %dma_wait3A_867 = arith.constant 7 : i32
    %dma_wait3A_868 = arith.constant 0 : i32
    %dma_wait3A_869 = arith.constant 0 : i32
    %dma_wait3A_870 = arith.constant 0 : i32
    %dma_wait3A_871 = tpu.memref_slice %arg2[%add3A, %dma_wait3A_867, %dma_wait3A_868, %dma_wait3A_869, %dma_wait3A_870] : memref<32x8x128x8x128xf32, #tpu.memory_space<hbm>> -> memref<1x1x128x2x128xf32, #tpu.memory_space<hbm>>
    %dma_wait3A_872 = tpu.memref_squeeze %dma_wait3A_871 : memref<1x1x128x2x128xf32, #tpu.memory_space<hbm>> -> memref<128x2x128xf32, #tpu.memory_space<hbm>>
    %dma_wait3A_873 = arith.constant 0 : i32
    %dma_wait3A_874 = arith.constant 0 : i32
    %dma_wait3A_875 = arith.constant 0 : i32
    %dma_wait3A_876 = tpu.memref_slice %arg2[%add3A, %dma_wait3A_867, %dma_wait3A_873, %dma_wait3A_874, %dma_wait3A_875] : memref<32x8x128x8x128xf32, #tpu.memory_space<hbm>> -> memref<1x1x128x2x128xf32, #tpu.memory_space<hbm>>
    %dma_wait3A_877 = tpu.memref_squeeze %dma_wait3A_876 : memref<1x1x128x2x128xf32, #tpu.memory_space<hbm>> -> memref<128x2x128xf32, #tpu.memory_space<hbm>>
    tpu.wait_dma2 semaphore(%arg9 : memref<!tpu.dma_semaphore, #tpu.memory_space<semaphore_mem>>) src(%dma_wait3A_877 : memref<128x2x128xf32, #tpu.memory_space<hbm>>) dst(%arg6 : memref<128x2x128xf32, #tpu.memory_space<vmem>>)
    %scan3A_878 = arith.constant 0 : i32
    %scan3A_879 = arith.constant 0 : i32
    %scan3A_880 = arith.constant 64 : i32
    %scan3A_881 = arith.addi %scan3A_879, %scan3A_880 : i32
    %scan3A_882 = arith.constant 1 : i32
    %scan3A_883 = scf.for %scan3A_965 = %scan3A_879 to %scan3A_881 step %scan3A_882 iter_args(%scan3A_966 = %scan3A_878) -> (i32)  : i32 {
      %mul3A_967 = arith.constant 16 : i32
      %mul3A_968 = arith.muli %scan3A_965, %mul3A_967 : i32
      %get3A = arith.index_cast %mul3A_968 : i32 to index
      %get3A_969 = tpu.vector_load %arg5[%get3A] {strides = array<i32>} : memref<1024xi32, #tpu.memory_space<vmem>>, vector<16xi32>,
      %shift_right_arithmetic3A = arith.constant 7 : i32
      %shift_right_arithmetic3A_970 = vector.broadcast %shift_right_arithmetic3A : i32 to vector<16xi32>
      %shift_right_arithmetic3A_971 = arith.shrsi %get3A_969, %shift_right_arithmetic3A_970 : vector<16xi32>
      %and3A = arith.constant 127 : i32
      %and3A_972 = vector.broadcast %and3A : i32 to vector<16xi32>
      %and3A_973 = arith.andi %get3A_969, %and3A_972 : vector<16xi32>
      %jit3A = arith.constant 8 : i32
      %div3A = arith.divsi %scan3A_965, %jit3A : i32
      %sign3A = arith.constant 0 : i32
      %sign3A_974 = arith.cmpi sgt, %scan3A_965, %sign3A : i32
      %sign3A_975 = arith.extui %sign3A_974 : i1 to i32
      %sign3A_976 = arith.constant 0 : i32
      %sign3A_977 = arith.cmpi slt, %scan3A_965, %sign3A_976 : i32
      %sign3A_978 = arith.extui %sign3A_977 : i1 to i32
      %sign3A_979 = arith.subi %sign3A_975, %sign3A_978 : i32
      %sign3A_980 = arith.constant 0 : i32
      %sign3A_981 = arith.cmpi sgt, %jit3A, %sign3A_980 : i32
      %sign3A_982 = arith.extui %sign3A_981 : i1 to i32
      %sign3A_983 = arith.constant 0 : i32
      %sign3A_984 = arith.cmpi slt, %jit3A, %sign3A_983 : i32
      %sign3A_985 = arith.extui %sign3A_984 : i1 to i32
      %sign3A_986 = arith.subi %sign3A_982, %sign3A_985 : i32
      %ne3A = arith.cmpi ne, %sign3A_979, %sign3A_986 : i32
      %rem3A = arith.remsi %scan3A_965, %jit3A : i32
      %ne3A_987 = arith.constant 0 : i32
      %ne3A_988 = arith.cmpi ne, %rem3A, %ne3A_987 : i32
      %and3A_989 = arith.andi %ne3A, %ne3A_988 : i1
      %sub3A = arith.constant 1 : i32
      %sub3A_990 = arith.subi %div3A, %sub3A : i32
      %select_n3A = arith.select %and3A_989, %sub3A_990, %div3A : i32
      %jit3A_991 = arith.constant 8 : i32
      %eq3A = arith.constant 0 : i32
      %eq3A_992 = arith.cmpi eq, %jit3A_991, %eq3A : i32
      %jit3A_993 = arith.constant 1 : i32
      %select_n3A_994 = arith.select %eq3A_992, %jit3A_993, %jit3A_991 : i32
      %rem3A_995 = arith.remsi %scan3A_965, %select_n3A_994 : i32
      %ne3A_996 = arith.constant 0 : i32
      %ne3A_997 = arith.cmpi ne, %rem3A_995, %ne3A_996 : i32
      %lt3A = arith.constant 0 : i32
      %lt3A_998 = arith.cmpi slt, %rem3A_995, %lt3A : i32
      %lt3A_999 = arith.constant 0 : i32
      %lt3A_1000 = arith.cmpi slt, %select_n3A_994, %lt3A_999 : i32
      %ne3A_1001 = arith.xori %lt3A_998, %lt3A_1000 : i1
      %and3A_1002 = arith.andi %ne3A_1001, %ne3A_997 : i1
      %add3A_1003 = arith.addi %rem3A_995, %select_n3A_994 : i32
      %select_n3A_1004 = arith.select %and3A_1002, %add3A_1003, %rem3A_995 : i32
      %mul3A_1005 = arith.constant 16 : i32
      %mul3A_1006 = arith.muli %select_n3A_1004, %mul3A_1005 : i32
      %broadcast_in_dim3A = arith.constant 0 : i32
      %broadcast_in_dim3A_1007 = vector.broadcast %broadcast_in_dim3A : i32 to vector<16xi32>
      %gather3A = tpu.vector_load_idx %arg6[%shift_right_arithmetic3A_971, %broadcast_in_dim3A_1007, %and3A_973] : memref<128x2x128xf32, #tpu.memory_space<vmem>>[vector<16xi32>, vector<16xi32>, vector<16xi32>], vector<16xf32>,
      %swap3A = arith.constant 0 : i32
      %swap3A_1008 = arith.index_cast %select_n3A : i32 to index
      %swap3A_1009 = arith.index_cast %swap3A : i32 to index
      %swap3A_1010 = arith.index_cast %mul3A_1006 : i32 to index
      %swap3A_1011 = tpu.vector_load %arg8[%swap3A_1008, %swap3A_1009, %swap3A_1010] {strides = array<i32>} : memref<8x2x128xf32, #tpu.memory_space<vmem>>, vector<16xf32>,
      tpu.vector_store %arg8[%swap3A_1008, %swap3A_1009, %swap3A_1010], %gather3A {strides = array<i32>} : memref<8x2x128xf32, #tpu.memory_space<vmem>>, vector<16xf32>,
      %broadcast_in_dim3A_1012 = arith.constant 1 : i32
      %broadcast_in_dim3A_1013 = vector.broadcast %broadcast_in_dim3A_1012 : i32 to vector<16xi32>
      %gather3A_1014 = tpu.vector_load_idx %arg6[%shift_right_arithmetic3A_971, %broadcast_in_dim3A_1013, %and3A_973] : memref<128x2x128xf32, #tpu.memory_space<vmem>>[vector<16xi32>, vector<16xi32>, vector<16xi32>], vector<16xf32>,
      %swap3A_1015 = arith.constant 1 : i32
      %swap3A_1016 = arith.index_cast %select_n3A : i32 to index
      %swap3A_1017 = arith.index_cast %swap3A_1015 : i32 to index
      %swap3A_1018 = arith.index_cast %mul3A_1006 : i32 to index
      %swap3A_1019 = tpu.vector_load %arg8[%swap3A_1016, %swap3A_1017, %swap3A_1018] {strides = array<i32>} : memref<8x2x128xf32, #tpu.memory_space<vmem>>, vector<16xf32>,
      tpu.vector_store %arg8[%swap3A_1016, %swap3A_1017, %swap3A_1018], %gather3A_1014 {strides = array<i32>} : memref<8x2x128xf32, #tpu.memory_space<vmem>>, vector<16xf32>,
      %scan3A_1020 = arith.constant 0 : i32
      scf.yield %scan3A_1020 : i32
    }
    %scan3A_884 = arith.constant 64 : i32
    %run_scoped3A_885 = arith.constant 7 : i32
    "tpu.region"() ({
      %run_scoped3A_965 = tpu.sem_alloc : memref<!tpu.dma_semaphore, #tpu.memory_space<semaphore_mem>>
      %dma_start3A_966 = arith.constant 0 : i32
      %dma_start3A_967 = arith.constant 0 : i32
      %dma_start3A_968 = arith.constant 0 : i32
      %dma_start3A_969 = tpu.memref_slice %arg4[%add3A, %run_scoped3A_885, %dma_start3A_966, %dma_start3A_967, %dma_start3A_968] : memref<32x8x8x8x128xf32, #tpu.memory_space<hbm>> -> memref<1x1x8x2x128xf32, #tpu.memory_space<hbm>>
      %dma_start3A_970 = tpu.memref_squeeze %dma_start3A_969 : memref<1x1x8x2x128xf32, #tpu.memory_space<hbm>> -> memref<8x2x128xf32, #tpu.memory_space<hbm>>
      %dma_start3A_971 = arith.constant 0 : i32
      %dma_start3A_972 = arith.constant 0 : i32
      %dma_start3A_973 = arith.constant 0 : i32
      %dma_start3A_974 = tpu.memref_slice %arg4[%add3A, %run_scoped3A_885, %dma_start3A_971, %dma_start3A_972, %dma_start3A_973] : memref<32x8x8x8x128xf32, #tpu.memory_space<hbm>> -> memref<1x1x8x2x128xf32, #tpu.memory_space<hbm>>
      %dma_start3A_975 = tpu.memref_squeeze %dma_start3A_974 : memref<1x1x8x2x128xf32, #tpu.memory_space<hbm>> -> memref<8x2x128xf32, #tpu.memory_space<hbm>>
      tpu.enqueue_dma source(%arg8 : memref<8x2x128xf32, #tpu.memory_space<vmem>>) target(%dma_start3A_975 : memref<8x2x128xf32, #tpu.memory_space<hbm>>) target_semaphore(%run_scoped3A_965 : memref<!tpu.dma_semaphore, #tpu.memory_space<semaphore_mem>>)
      %dma_wait3A_976 = arith.constant 0 : i32
      %dma_wait3A_977 = arith.constant 0 : i32
      %dma_wait3A_978 = arith.constant 0 : i32
      %dma_wait3A_979 = tpu.memref_slice %arg4[%add3A, %run_scoped3A_885, %dma_wait3A_976, %dma_wait3A_977, %dma_wait3A_978] : memref<32x8x8x8x128xf32, #tpu.memory_space<hbm>> -> memref<1x1x8x2x128xf32, #tpu.memory_space<hbm>>
      %dma_wait3A_980 = tpu.memref_squeeze %dma_wait3A_979 : memref<1x1x8x2x128xf32, #tpu.memory_space<hbm>> -> memref<8x2x128xf32, #tpu.memory_space<hbm>>
      %dma_wait3A_981 = arith.constant 0 : i32
      %dma_wait3A_982 = arith.constant 0 : i32
      %dma_wait3A_983 = arith.constant 0 : i32
      %dma_wait3A_984 = tpu.memref_slice %arg4[%add3A, %run_scoped3A_885, %dma_wait3A_981, %dma_wait3A_982, %dma_wait3A_983] : memref<32x8x8x8x128xf32, #tpu.memory_space<hbm>> -> memref<1x1x8x2x128xf32, #tpu.memory_space<hbm>>
      %dma_wait3A_985 = tpu.memref_squeeze %dma_wait3A_984 : memref<1x1x8x2x128xf32, #tpu.memory_space<hbm>> -> memref<8x2x128xf32, #tpu.memory_space<hbm>>
      tpu.wait_dma2 semaphore(%run_scoped3A_965 : memref<!tpu.dma_semaphore, #tpu.memory_space<semaphore_mem>>) src(%arg8 : memref<8x2x128xf32, #tpu.memory_space<vmem>>) dst(%dma_wait3A_985 : memref<8x2x128xf32, #tpu.memory_space<hbm>>)
      tpu.yield
    }) : () -> ()
    %dma_start3A_886 = arith.constant 7 : i32
    %dma_start3A_887 = arith.constant 0 : i32
    %dma_start3A_888 = arith.constant 4 : i32
    %dma_start3A_889 = arith.constant 0 : i32
    %dma_start3A_890 = tpu.memref_slice %arg2[%add3A, %dma_start3A_886, %dma_start3A_887, %dma_start3A_888, %dma_start3A_889] : memref<32x8x128x8x128xf32, #tpu.memory_space<hbm>> -> memref<1x1x128x2x128xf32, #tpu.memory_space<hbm>>
    %dma_start3A_891 = tpu.memref_squeeze %dma_start3A_890 : memref<1x1x128x2x128xf32, #tpu.memory_space<hbm>> -> memref<128x2x128xf32, #tpu.memory_space<hbm>>
    %dma_start3A_892 = arith.constant 0 : i32
    %dma_start3A_893 = arith.constant 4 : i32
    %dma_start3A_894 = arith.constant 0 : i32
    %dma_start3A_895 = tpu.memref_slice %arg2[%add3A, %dma_start3A_886, %dma_start3A_892, %dma_start3A_893, %dma_start3A_894] : memref<32x8x128x8x128xf32, #tpu.memory_space<hbm>> -> memref<1x1x128x2x128xf32, #tpu.memory_space<hbm>>
    %dma_start3A_896 = tpu.memref_squeeze %dma_start3A_895 : memref<1x1x128x2x128xf32, #tpu.memory_space<hbm>> -> memref<128x2x128xf32, #tpu.memory_space<hbm>>
    tpu.enqueue_dma source(%dma_start3A_896 : memref<128x2x128xf32, #tpu.memory_space<hbm>>) target(%arg6 : memref<128x2x128xf32, #tpu.memory_space<vmem>>) target_semaphore(%arg9 : memref<!tpu.dma_semaphore, #tpu.memory_space<semaphore_mem>>)
    %dma_wait3A_897 = arith.constant 7 : i32
    %dma_wait3A_898 = arith.constant 0 : i32
    %dma_wait3A_899 = arith.constant 2 : i32
    %dma_wait3A_900 = arith.constant 0 : i32
    %dma_wait3A_901 = tpu.memref_slice %arg2[%add3A, %dma_wait3A_897, %dma_wait3A_898, %dma_wait3A_899, %dma_wait3A_900] : memref<32x8x128x8x128xf32, #tpu.memory_space<hbm>> -> memref<1x1x128x2x128xf32, #tpu.memory_space<hbm>>
    %dma_wait3A_902 = tpu.memref_squeeze %dma_wait3A_901 : memref<1x1x128x2x128xf32, #tpu.memory_space<hbm>> -> memref<128x2x128xf32, #tpu.memory_space<hbm>>
    %dma_wait3A_903 = arith.constant 0 : i32
    %dma_wait3A_904 = arith.constant 2 : i32
    %dma_wait3A_905 = arith.constant 0 : i32
    %dma_wait3A_906 = tpu.memref_slice %arg2[%add3A, %dma_wait3A_897, %dma_wait3A_903, %dma_wait3A_904, %dma_wait3A_905] : memref<32x8x128x8x128xf32, #tpu.memory_space<hbm>> -> memref<1x1x128x2x128xf32, #tpu.memory_space<hbm>>
    %dma_wait3A_907 = tpu.memref_squeeze %dma_wait3A_906 : memref<1x1x128x2x128xf32, #tpu.memory_space<hbm>> -> memref<128x2x128xf32, #tpu.memory_space<hbm>>
    tpu.wait_dma2 semaphore(%arg10 : memref<!tpu.dma_semaphore, #tpu.memory_space<semaphore_mem>>) src(%dma_wait3A_907 : memref<128x2x128xf32, #tpu.memory_space<hbm>>) dst(%arg7 : memref<128x2x128xf32, #tpu.memory_space<vmem>>)
    %scan3A_908 = arith.constant 0 : i32
    %scan3A_909 = arith.constant 0 : i32
    %scan3A_910 = arith.constant 64 : i32
    %scan3A_911 = arith.addi %scan3A_909, %scan3A_910 : i32
    %scan3A_912 = arith.constant 1 : i32
    %scan3A_913 = scf.for %scan3A_965 = %scan3A_909 to %scan3A_911 step %scan3A_912 iter_args(%scan3A_966 = %scan3A_908) -> (i32)  : i32 {
      %mul3A_967 = arith.constant 16 : i32
      %mul3A_968 = arith.muli %scan3A_965, %mul3A_967 : i32
      %get3A = arith.index_cast %mul3A_968 : i32 to index
      %get3A_969 = tpu.vector_load %arg5[%get3A] {strides = array<i32>} : memref<1024xi32, #tpu.memory_space<vmem>>, vector<16xi32>,
      %shift_right_arithmetic3A = arith.constant 7 : i32
      %shift_right_arithmetic3A_970 = vector.broadcast %shift_right_arithmetic3A : i32 to vector<16xi32>
      %shift_right_arithmetic3A_971 = arith.shrsi %get3A_969, %shift_right_arithmetic3A_970 : vector<16xi32>
      %and3A = arith.constant 127 : i32
      %and3A_972 = vector.broadcast %and3A : i32 to vector<16xi32>
      %and3A_973 = arith.andi %get3A_969, %and3A_972 : vector<16xi32>
      %jit3A = arith.constant 8 : i32
      %div3A = arith.divsi %scan3A_965, %jit3A : i32
      %sign3A = arith.constant 0 : i32
      %sign3A_974 = arith.cmpi sgt, %scan3A_965, %sign3A : i32
      %sign3A_975 = arith.extui %sign3A_974 : i1 to i32
      %sign3A_976 = arith.constant 0 : i32
      %sign3A_977 = arith.cmpi slt, %scan3A_965, %sign3A_976 : i32
      %sign3A_978 = arith.extui %sign3A_977 : i1 to i32
      %sign3A_979 = arith.subi %sign3A_975, %sign3A_978 : i32
      %sign3A_980 = arith.constant 0 : i32
      %sign3A_981 = arith.cmpi sgt, %jit3A, %sign3A_980 : i32
      %sign3A_982 = arith.extui %sign3A_981 : i1 to i32
      %sign3A_983 = arith.constant 0 : i32
      %sign3A_984 = arith.cmpi slt, %jit3A, %sign3A_983 : i32
      %sign3A_985 = arith.extui %sign3A_984 : i1 to i32
      %sign3A_986 = arith.subi %sign3A_982, %sign3A_985 : i32
      %ne3A = arith.cmpi ne, %sign3A_979, %sign3A_986 : i32
      %rem3A = arith.remsi %scan3A_965, %jit3A : i32
      %ne3A_987 = arith.constant 0 : i32
      %ne3A_988 = arith.cmpi ne, %rem3A, %ne3A_987 : i32
      %and3A_989 = arith.andi %ne3A, %ne3A_988 : i1
      %sub3A = arith.constant 1 : i32
      %sub3A_990 = arith.subi %div3A, %sub3A : i32
      %select_n3A = arith.select %and3A_989, %sub3A_990, %div3A : i32
      %jit3A_991 = arith.constant 8 : i32
      %eq3A = arith.constant 0 : i32
      %eq3A_992 = arith.cmpi eq, %jit3A_991, %eq3A : i32
      %jit3A_993 = arith.constant 1 : i32
      %select_n3A_994 = arith.select %eq3A_992, %jit3A_993, %jit3A_991 : i32
      %rem3A_995 = arith.remsi %scan3A_965, %select_n3A_994 : i32
      %ne3A_996 = arith.constant 0 : i32
      %ne3A_997 = arith.cmpi ne, %rem3A_995, %ne3A_996 : i32
      %lt3A = arith.constant 0 : i32
      %lt3A_998 = arith.cmpi slt, %rem3A_995, %lt3A : i32
      %lt3A_999 = arith.constant 0 : i32
      %lt3A_1000 = arith.cmpi slt, %select_n3A_994, %lt3A_999 : i32
      %ne3A_1001 = arith.xori %lt3A_998, %lt3A_1000 : i1
      %and3A_1002 = arith.andi %ne3A_1001, %ne3A_997 : i1
      %add3A_1003 = arith.addi %rem3A_995, %select_n3A_994 : i32
      %select_n3A_1004 = arith.select %and3A_1002, %add3A_1003, %rem3A_995 : i32
      %mul3A_1005 = arith.constant 16 : i32
      %mul3A_1006 = arith.muli %select_n3A_1004, %mul3A_1005 : i32
      %broadcast_in_dim3A = arith.constant 0 : i32
      %broadcast_in_dim3A_1007 = vector.broadcast %broadcast_in_dim3A : i32 to vector<16xi32>
      %gather3A = tpu.vector_load_idx %arg7[%shift_right_arithmetic3A_971, %broadcast_in_dim3A_1007, %and3A_973] : memref<128x2x128xf32, #tpu.memory_space<vmem>>[vector<16xi32>, vector<16xi32>, vector<16xi32>], vector<16xf32>,
      %swap3A = arith.constant 0 : i32
      %swap3A_1008 = arith.index_cast %select_n3A : i32 to index
      %swap3A_1009 = arith.index_cast %swap3A : i32 to index
      %swap3A_1010 = arith.index_cast %mul3A_1006 : i32 to index
      %swap3A_1011 = tpu.vector_load %arg8[%swap3A_1008, %swap3A_1009, %swap3A_1010] {strides = array<i32>} : memref<8x2x128xf32, #tpu.memory_space<vmem>>, vector<16xf32>,
      tpu.vector_store %arg8[%swap3A_1008, %swap3A_1009, %swap3A_1010], %gather3A {strides = array<i32>} : memref<8x2x128xf32, #tpu.memory_space<vmem>>, vector<16xf32>,
      %broadcast_in_dim3A_1012 = arith.constant 1 : i32
      %broadcast_in_dim3A_1013 = vector.broadcast %broadcast_in_dim3A_1012 : i32 to vector<16xi32>
      %gather3A_1014 = tpu.vector_load_idx %arg7[%shift_right_arithmetic3A_971, %broadcast_in_dim3A_1013, %and3A_973] : memref<128x2x128xf32, #tpu.memory_space<vmem>>[vector<16xi32>, vector<16xi32>, vector<16xi32>], vector<16xf32>,
      %swap3A_1015 = arith.constant 1 : i32
      %swap3A_1016 = arith.index_cast %select_n3A : i32 to index
      %swap3A_1017 = arith.index_cast %swap3A_1015 : i32 to index
      %swap3A_1018 = arith.index_cast %mul3A_1006 : i32 to index
      %swap3A_1019 = tpu.vector_load %arg8[%swap3A_1016, %swap3A_1017, %swap3A_1018] {strides = array<i32>} : memref<8x2x128xf32, #tpu.memory_space<vmem>>, vector<16xf32>,
      tpu.vector_store %arg8[%swap3A_1016, %swap3A_1017, %swap3A_1018], %gather3A_1014 {strides = array<i32>} : memref<8x2x128xf32, #tpu.memory_space<vmem>>, vector<16xf32>,
      %scan3A_1020 = arith.constant 0 : i32
      scf.yield %scan3A_1020 : i32
    }
    %scan3A_914 = arith.constant 64 : i32
    %run_scoped3A_915 = arith.constant 7 : i32
    "tpu.region"() ({
      %run_scoped3A_965 = tpu.sem_alloc : memref<!tpu.dma_semaphore, #tpu.memory_space<semaphore_mem>>
      %dma_start3A_966 = arith.constant 0 : i32
      %dma_start3A_967 = arith.constant 2 : i32
      %dma_start3A_968 = arith.constant 0 : i32
      %dma_start3A_969 = tpu.memref_slice %arg4[%add3A, %run_scoped3A_915, %dma_start3A_966, %dma_start3A_967, %dma_start3A_968] : memref<32x8x8x8x128xf32, #tpu.memory_space<hbm>> -> memref<1x1x8x2x128xf32, #tpu.memory_space<hbm>>
      %dma_start3A_970 = tpu.memref_squeeze %dma_start3A_969 : memref<1x1x8x2x128xf32, #tpu.memory_space<hbm>> -> memref<8x2x128xf32, #tpu.memory_space<hbm>>
      %dma_start3A_971 = arith.constant 0 : i32
      %dma_start3A_972 = arith.constant 2 : i32
      %dma_start3A_973 = arith.constant 0 : i32
      %dma_start3A_974 = tpu.memref_slice %arg4[%add3A, %run_scoped3A_915, %dma_start3A_971, %dma_start3A_972, %dma_start3A_973] : memref<32x8x8x8x128xf32, #tpu.memory_space<hbm>> -> memref<1x1x8x2x128xf32, #tpu.memory_space<hbm>>
      %dma_start3A_975 = tpu.memref_squeeze %dma_start3A_974 : memref<1x1x8x2x128xf32, #tpu.memory_space<hbm>> -> memref<8x2x128xf32, #tpu.memory_space<hbm>>
      tpu.enqueue_dma source(%arg8 : memref<8x2x128xf32, #tpu.memory_space<vmem>>) target(%dma_start3A_975 : memref<8x2x128xf32, #tpu.memory_space<hbm>>) target_semaphore(%run_scoped3A_965 : memref<!tpu.dma_semaphore, #tpu.memory_space<semaphore_mem>>)
      %dma_wait3A_976 = arith.constant 0 : i32
      %dma_wait3A_977 = arith.constant 2 : i32
      %dma_wait3A_978 = arith.constant 0 : i32
      %dma_wait3A_979 = tpu.memref_slice %arg4[%add3A, %run_scoped3A_915, %dma_wait3A_976, %dma_wait3A_977, %dma_wait3A_978] : memref<32x8x8x8x128xf32, #tpu.memory_space<hbm>> -> memref<1x1x8x2x128xf32, #tpu.memory_space<hbm>>
      %dma_wait3A_980 = tpu.memref_squeeze %dma_wait3A_979 : memref<1x1x8x2x128xf32, #tpu.memory_space<hbm>> -> memref<8x2x128xf32, #tpu.memory_space<hbm>>
      %dma_wait3A_981 = arith.constant 0 : i32
      %dma_wait3A_982 = arith.constant 2 : i32
      %dma_wait3A_983 = arith.constant 0 : i32
      %dma_wait3A_984 = tpu.memref_slice %arg4[%add3A, %run_scoped3A_915, %dma_wait3A_981, %dma_wait3A_982, %dma_wait3A_983] : memref<32x8x8x8x128xf32, #tpu.memory_space<hbm>> -> memref<1x1x8x2x128xf32, #tpu.memory_space<hbm>>
      %dma_wait3A_985 = tpu.memref_squeeze %dma_wait3A_984 : memref<1x1x8x2x128xf32, #tpu.memory_space<hbm>> -> memref<8x2x128xf32, #tpu.memory_space<hbm>>
      tpu.wait_dma2 semaphore(%run_scoped3A_965 : memref<!tpu.dma_semaphore, #tpu.memory_space<semaphore_mem>>) src(%arg8 : memref<8x2x128xf32, #tpu.memory_space<vmem>>) dst(%dma_wait3A_985 : memref<8x2x128xf32, #tpu.memory_space<hbm>>)
      tpu.yield
    }) : () -> ()
    %dma_start3A_916 = arith.constant 7 : i32
    %dma_start3A_917 = arith.constant 0 : i32
    %dma_start3A_918 = arith.constant 6 : i32
    %dma_start3A_919 = arith.constant 0 : i32
    %dma_start3A_920 = tpu.memref_slice %arg2[%add3A, %dma_start3A_916, %dma_start3A_917, %dma_start3A_918, %dma_start3A_919] : memref<32x8x128x8x128xf32, #tpu.memory_space<hbm>> -> memref<1x1x128x2x128xf32, #tpu.memory_space<hbm>>
    %dma_start3A_921 = tpu.memref_squeeze %dma_start3A_920 : memref<1x1x128x2x128xf32, #tpu.memory_space<hbm>> -> memref<128x2x128xf32, #tpu.memory_space<hbm>>
    %dma_start3A_922 = arith.constant 0 : i32
    %dma_start3A_923 = arith.constant 6 : i32
    %dma_start3A_924 = arith.constant 0 : i32
    %dma_start3A_925 = tpu.memref_slice %arg2[%add3A, %dma_start3A_916, %dma_start3A_922, %dma_start3A_923, %dma_start3A_924] : memref<32x8x128x8x128xf32, #tpu.memory_space<hbm>> -> memref<1x1x128x2x128xf32, #tpu.memory_space<hbm>>
    %dma_start3A_926 = tpu.memref_squeeze %dma_start3A_925 : memref<1x1x128x2x128xf32, #tpu.memory_space<hbm>> -> memref<128x2x128xf32, #tpu.memory_space<hbm>>
    tpu.enqueue_dma source(%dma_start3A_926 : memref<128x2x128xf32, #tpu.memory_space<hbm>>) target(%arg7 : memref<128x2x128xf32, #tpu.memory_space<vmem>>) target_semaphore(%arg10 : memref<!tpu.dma_semaphore, #tpu.memory_space<semaphore_mem>>)
    %dma_wait3A_927 = arith.constant 7 : i32
    %dma_wait3A_928 = arith.constant 0 : i32
    %dma_wait3A_929 = arith.constant 4 : i32
    %dma_wait3A_930 = arith.constant 0 : i32
    %dma_wait3A_931 = tpu.memref_slice %arg2[%add3A, %dma_wait3A_927, %dma_wait3A_928, %dma_wait3A_929, %dma_wait3A_930] : memref<32x8x128x8x128xf32, #tpu.memory_space<hbm>> -> memref<1x1x128x2x128xf32, #tpu.memory_space<hbm>>
    %dma_wait3A_932 = tpu.memref_squeeze %dma_wait3A_931 : memref<1x1x128x2x128xf32, #tpu.memory_space<hbm>> -> memref<128x2x128xf32, #tpu.memory_space<hbm>>
    %dma_wait3A_933 = arith.constant 0 : i32
    %dma_wait3A_934 = arith.constant 4 : i32
    %dma_wait3A_935 = arith.constant 0 : i32
    %dma_wait3A_936 = tpu.memref_slice %arg2[%add3A, %dma_wait3A_927, %dma_wait3A_933, %dma_wait3A_934, %dma_wait3A_935] : memref<32x8x128x8x128xf32, #tpu.memory_space<hbm>> -> memref<1x1x128x2x128xf32, #tpu.memory_space<hbm>>
    %dma_wait3A_937 = tpu.memref_squeeze %dma_wait3A_936 : memref<1x1x128x2x128xf32, #tpu.memory_space<hbm>> -> memref<128x2x128xf32, #tpu.memory_space<hbm>>
    tpu.wait_dma2 semaphore(%arg9 : memref<!tpu.dma_semaphore, #tpu.memory_space<semaphore_mem>>) src(%dma_wait3A_937 : memref<128x2x128xf32, #tpu.memory_space<hbm>>) dst(%arg6 : memref<128x2x128xf32, #tpu.memory_space<vmem>>)
    %scan3A_938 = arith.constant 0 : i32
    %scan3A_939 = arith.constant 0 : i32
    %scan3A_940 = arith.constant 64 : i32
    %scan3A_941 = arith.addi %scan3A_939, %scan3A_940 : i32
    %scan3A_942 = arith.constant 1 : i32
    %scan3A_943 = scf.for %scan3A_965 = %scan3A_939 to %scan3A_941 step %scan3A_942 iter_args(%scan3A_966 = %scan3A_938) -> (i32)  : i32 {
      %mul3A_967 = arith.constant 16 : i32
      %mul3A_968 = arith.muli %scan3A_965, %mul3A_967 : i32
      %get3A = arith.index_cast %mul3A_968 : i32 to index
      %get3A_969 = tpu.vector_load %arg5[%get3A] {strides = array<i32>} : memref<1024xi32, #tpu.memory_space<vmem>>, vector<16xi32>,
      %shift_right_arithmetic3A = arith.constant 7 : i32
      %shift_right_arithmetic3A_970 = vector.broadcast %shift_right_arithmetic3A : i32 to vector<16xi32>
      %shift_right_arithmetic3A_971 = arith.shrsi %get3A_969, %shift_right_arithmetic3A_970 : vector<16xi32>
      %and3A = arith.constant 127 : i32
      %and3A_972 = vector.broadcast %and3A : i32 to vector<16xi32>
      %and3A_973 = arith.andi %get3A_969, %and3A_972 : vector<16xi32>
      %jit3A = arith.constant 8 : i32
      %div3A = arith.divsi %scan3A_965, %jit3A : i32
      %sign3A = arith.constant 0 : i32
      %sign3A_974 = arith.cmpi sgt, %scan3A_965, %sign3A : i32
      %sign3A_975 = arith.extui %sign3A_974 : i1 to i32
      %sign3A_976 = arith.constant 0 : i32
      %sign3A_977 = arith.cmpi slt, %scan3A_965, %sign3A_976 : i32
      %sign3A_978 = arith.extui %sign3A_977 : i1 to i32
      %sign3A_979 = arith.subi %sign3A_975, %sign3A_978 : i32
      %sign3A_980 = arith.constant 0 : i32
      %sign3A_981 = arith.cmpi sgt, %jit3A, %sign3A_980 : i32
      %sign3A_982 = arith.extui %sign3A_981 : i1 to i32
      %sign3A_983 = arith.constant 0 : i32
      %sign3A_984 = arith.cmpi slt, %jit3A, %sign3A_983 : i32
      %sign3A_985 = arith.extui %sign3A_984 : i1 to i32
      %sign3A_986 = arith.subi %sign3A_982, %sign3A_985 : i32
      %ne3A = arith.cmpi ne, %sign3A_979, %sign3A_986 : i32
      %rem3A = arith.remsi %scan3A_965, %jit3A : i32
      %ne3A_987 = arith.constant 0 : i32
      %ne3A_988 = arith.cmpi ne, %rem3A, %ne3A_987 : i32
      %and3A_989 = arith.andi %ne3A, %ne3A_988 : i1
      %sub3A = arith.constant 1 : i32
      %sub3A_990 = arith.subi %div3A, %sub3A : i32
      %select_n3A = arith.select %and3A_989, %sub3A_990, %div3A : i32
      %jit3A_991 = arith.constant 8 : i32
      %eq3A = arith.constant 0 : i32
      %eq3A_992 = arith.cmpi eq, %jit3A_991, %eq3A : i32
      %jit3A_993 = arith.constant 1 : i32
      %select_n3A_994 = arith.select %eq3A_992, %jit3A_993, %jit3A_991 : i32
      %rem3A_995 = arith.remsi %scan3A_965, %select_n3A_994 : i32
      %ne3A_996 = arith.constant 0 : i32
      %ne3A_997 = arith.cmpi ne, %rem3A_995, %ne3A_996 : i32
      %lt3A = arith.constant 0 : i32
      %lt3A_998 = arith.cmpi slt, %rem3A_995, %lt3A : i32
      %lt3A_999 = arith.constant 0 : i32
      %lt3A_1000 = arith.cmpi slt, %select_n3A_994, %lt3A_999 : i32
      %ne3A_1001 = arith.xori %lt3A_998, %lt3A_1000 : i1
      %and3A_1002 = arith.andi %ne3A_1001, %ne3A_997 : i1
      %add3A_1003 = arith.addi %rem3A_995, %select_n3A_994 : i32
      %select_n3A_1004 = arith.select %and3A_1002, %add3A_1003, %rem3A_995 : i32
      %mul3A_1005 = arith.constant 16 : i32
      %mul3A_1006 = arith.muli %select_n3A_1004, %mul3A_1005 : i32
      %broadcast_in_dim3A = arith.constant 0 : i32
      %broadcast_in_dim3A_1007 = vector.broadcast %broadcast_in_dim3A : i32 to vector<16xi32>
      %gather3A = tpu.vector_load_idx %arg6[%shift_right_arithmetic3A_971, %broadcast_in_dim3A_1007, %and3A_973] : memref<128x2x128xf32, #tpu.memory_space<vmem>>[vector<16xi32>, vector<16xi32>, vector<16xi32>], vector<16xf32>,
      %swap3A = arith.constant 0 : i32
      %swap3A_1008 = arith.index_cast %select_n3A : i32 to index
      %swap3A_1009 = arith.index_cast %swap3A : i32 to index
      %swap3A_1010 = arith.index_cast %mul3A_1006 : i32 to index
      %swap3A_1011 = tpu.vector_load %arg8[%swap3A_1008, %swap3A_1009, %swap3A_1010] {strides = array<i32>} : memref<8x2x128xf32, #tpu.memory_space<vmem>>, vector<16xf32>,
      tpu.vector_store %arg8[%swap3A_1008, %swap3A_1009, %swap3A_1010], %gather3A {strides = array<i32>} : memref<8x2x128xf32, #tpu.memory_space<vmem>>, vector<16xf32>,
      %broadcast_in_dim3A_1012 = arith.constant 1 : i32
      %broadcast_in_dim3A_1013 = vector.broadcast %broadcast_in_dim3A_1012 : i32 to vector<16xi32>
      %gather3A_1014 = tpu.vector_load_idx %arg6[%shift_right_arithmetic3A_971, %broadcast_in_dim3A_1013, %and3A_973] : memref<128x2x128xf32, #tpu.memory_space<vmem>>[vector<16xi32>, vector<16xi32>, vector<16xi32>], vector<16xf32>,
      %swap3A_1015 = arith.constant 1 : i32
      %swap3A_1016 = arith.index_cast %select_n3A : i32 to index
      %swap3A_1017 = arith.index_cast %swap3A_1015 : i32 to index
      %swap3A_1018 = arith.index_cast %mul3A_1006 : i32 to index
      %swap3A_1019 = tpu.vector_load %arg8[%swap3A_1016, %swap3A_1017, %swap3A_1018] {strides = array<i32>} : memref<8x2x128xf32, #tpu.memory_space<vmem>>, vector<16xf32>,
      tpu.vector_store %arg8[%swap3A_1016, %swap3A_1017, %swap3A_1018], %gather3A_1014 {strides = array<i32>} : memref<8x2x128xf32, #tpu.memory_space<vmem>>, vector<16xf32>,
      %scan3A_1020 = arith.constant 0 : i32
      scf.yield %scan3A_1020 : i32
    }
    %scan3A_944 = arith.constant 64 : i32
    %run_scoped3A_945 = arith.constant 7 : i32
    "tpu.region"() ({
      %run_scoped3A_965 = tpu.sem_alloc : memref<!tpu.dma_semaphore, #tpu.memory_space<semaphore_mem>>
      %dma_start3A_966 = arith.constant 0 : i32
      %dma_start3A_967 = arith.constant 4 : i32
      %dma_start3A_968 = arith.constant 0 : i32
      %dma_start3A_969 = tpu.memref_slice %arg4[%add3A, %run_scoped3A_945, %dma_start3A_966, %dma_start3A_967, %dma_start3A_968] : memref<32x8x8x8x128xf32, #tpu.memory_space<hbm>> -> memref<1x1x8x2x128xf32, #tpu.memory_space<hbm>>
      %dma_start3A_970 = tpu.memref_squeeze %dma_start3A_969 : memref<1x1x8x2x128xf32, #tpu.memory_space<hbm>> -> memref<8x2x128xf32, #tpu.memory_space<hbm>>
      %dma_start3A_971 = arith.constant 0 : i32
      %dma_start3A_972 = arith.constant 4 : i32
      %dma_start3A_973 = arith.constant 0 : i32
      %dma_start3A_974 = tpu.memref_slice %arg4[%add3A, %run_scoped3A_945, %dma_start3A_971, %dma_start3A_972, %dma_start3A_973] : memref<32x8x8x8x128xf32, #tpu.memory_space<hbm>> -> memref<1x1x8x2x128xf32, #tpu.memory_space<hbm>>
      %dma_start3A_975 = tpu.memref_squeeze %dma_start3A_974 : memref<1x1x8x2x128xf32, #tpu.memory_space<hbm>> -> memref<8x2x128xf32, #tpu.memory_space<hbm>>
      tpu.enqueue_dma source(%arg8 : memref<8x2x128xf32, #tpu.memory_space<vmem>>) target(%dma_start3A_975 : memref<8x2x128xf32, #tpu.memory_space<hbm>>) target_semaphore(%run_scoped3A_965 : memref<!tpu.dma_semaphore, #tpu.memory_space<semaphore_mem>>)
      %dma_wait3A_976 = arith.constant 0 : i32
      %dma_wait3A_977 = arith.constant 4 : i32
      %dma_wait3A_978 = arith.constant 0 : i32
      %dma_wait3A_979 = tpu.memref_slice %arg4[%add3A, %run_scoped3A_945, %dma_wait3A_976, %dma_wait3A_977, %dma_wait3A_978] : memref<32x8x8x8x128xf32, #tpu.memory_space<hbm>> -> memref<1x1x8x2x128xf32, #tpu.memory_space<hbm>>
      %dma_wait3A_980 = tpu.memref_squeeze %dma_wait3A_979 : memref<1x1x8x2x128xf32, #tpu.memory_space<hbm>> -> memref<8x2x128xf32, #tpu.memory_space<hbm>>
      %dma_wait3A_981 = arith.constant 0 : i32
      %dma_wait3A_982 = arith.constant 4 : i32
      %dma_wait3A_983 = arith.constant 0 : i32
      %dma_wait3A_984 = tpu.memref_slice %arg4[%add3A, %run_scoped3A_945, %dma_wait3A_981, %dma_wait3A_982, %dma_wait3A_983] : memref<32x8x8x8x128xf32, #tpu.memory_space<hbm>> -> memref<1x1x8x2x128xf32, #tpu.memory_space<hbm>>
      %dma_wait3A_985 = tpu.memref_squeeze %dma_wait3A_984 : memref<1x1x8x2x128xf32, #tpu.memory_space<hbm>> -> memref<8x2x128xf32, #tpu.memory_space<hbm>>
      tpu.wait_dma2 semaphore(%run_scoped3A_965 : memref<!tpu.dma_semaphore, #tpu.memory_space<semaphore_mem>>) src(%arg8 : memref<8x2x128xf32, #tpu.memory_space<vmem>>) dst(%dma_wait3A_985 : memref<8x2x128xf32, #tpu.memory_space<hbm>>)
      tpu.yield
    }) : () -> ()
    %dma_wait3A_946 = arith.constant 7 : i32
    %dma_wait3A_947 = arith.constant 0 : i32
    %dma_wait3A_948 = arith.constant 6 : i32
    %dma_wait3A_949 = arith.constant 0 : i32
    %dma_wait3A_950 = tpu.memref_slice %arg2[%add3A, %dma_wait3A_946, %dma_wait3A_947, %dma_wait3A_948, %dma_wait3A_949] : memref<32x8x128x8x128xf32, #tpu.memory_space<hbm>> -> memref<1x1x128x2x128xf32, #tpu.memory_space<hbm>>
    %dma_wait3A_951 = tpu.memref_squeeze %dma_wait3A_950 : memref<1x1x128x2x128xf32, #tpu.memory_space<hbm>> -> memref<128x2x128xf32, #tpu.memory_space<hbm>>
    %dma_wait3A_952 = arith.constant 0 : i32
    %dma_wait3A_953 = arith.constant 6 : i32
    %dma_wait3A_954 = arith.constant 0 : i32
    %dma_wait3A_955 = tpu.memref_slice %arg2[%add3A, %dma_wait3A_946, %dma_wait3A_952, %dma_wait3A_953, %dma_wait3A_954] : memref<32x8x128x8x128xf32, #tpu.memory_space<hbm>> -> memref<1x1x128x2x128xf32, #tpu.memory_space<hbm>>
    %dma_wait3A_956 = tpu.memref_squeeze %dma_wait3A_955 : memref<1x1x128x2x128xf32, #tpu.memory_space<hbm>> -> memref<128x2x128xf32, #tpu.memory_space<hbm>>
    tpu.wait_dma2 semaphore(%arg10 : memref<!tpu.dma_semaphore, #tpu.memory_space<semaphore_mem>>) src(%dma_wait3A_956 : memref<128x2x128xf32, #tpu.memory_space<hbm>>) dst(%arg7 : memref<128x2x128xf32, #tpu.memory_space<vmem>>)
    %scan3A_957 = arith.constant 0 : i32
    %scan3A_958 = arith.constant 0 : i32
    %scan3A_959 = arith.constant 64 : i32
    %scan3A_960 = arith.addi %scan3A_958, %scan3A_959 : i32
    %scan3A_961 = arith.constant 1 : i32
    %scan3A_962 = scf.for %scan3A_965 = %scan3A_958 to %scan3A_960 step %scan3A_961 iter_args(%scan3A_966 = %scan3A_957) -> (i32)  : i32 {
      %mul3A_967 = arith.constant 16 : i32
      %mul3A_968 = arith.muli %scan3A_965, %mul3A_967 : i32
      %get3A = arith.index_cast %mul3A_968 : i32 to index
      %get3A_969 = tpu.vector_load %arg5[%get3A] {strides = array<i32>} : memref<1024xi32, #tpu.memory_space<vmem>>, vector<16xi32>,
      %shift_right_arithmetic3A = arith.constant 7 : i32
      %shift_right_arithmetic3A_970 = vector.broadcast %shift_right_arithmetic3A : i32 to vector<16xi32>
      %shift_right_arithmetic3A_971 = arith.shrsi %get3A_969, %shift_right_arithmetic3A_970 : vector<16xi32>
      %and3A = arith.constant 127 : i32
      %and3A_972 = vector.broadcast %and3A : i32 to vector<16xi32>
      %and3A_973 = arith.andi %get3A_969, %and3A_972 : vector<16xi32>
      %jit3A = arith.constant 8 : i32
      %div3A = arith.divsi %scan3A_965, %jit3A : i32
      %sign3A = arith.constant 0 : i32
      %sign3A_974 = arith.cmpi sgt, %scan3A_965, %sign3A : i32
      %sign3A_975 = arith.extui %sign3A_974 : i1 to i32
      %sign3A_976 = arith.constant 0 : i32
      %sign3A_977 = arith.cmpi slt, %scan3A_965, %sign3A_976 : i32
      %sign3A_978 = arith.extui %sign3A_977 : i1 to i32
      %sign3A_979 = arith.subi %sign3A_975, %sign3A_978 : i32
      %sign3A_980 = arith.constant 0 : i32
      %sign3A_981 = arith.cmpi sgt, %jit3A, %sign3A_980 : i32
      %sign3A_982 = arith.extui %sign3A_981 : i1 to i32
      %sign3A_983 = arith.constant 0 : i32
      %sign3A_984 = arith.cmpi slt, %jit3A, %sign3A_983 : i32
      %sign3A_985 = arith.extui %sign3A_984 : i1 to i32
      %sign3A_986 = arith.subi %sign3A_982, %sign3A_985 : i32
      %ne3A = arith.cmpi ne, %sign3A_979, %sign3A_986 : i32
      %rem3A = arith.remsi %scan3A_965, %jit3A : i32
      %ne3A_987 = arith.constant 0 : i32
      %ne3A_988 = arith.cmpi ne, %rem3A, %ne3A_987 : i32
      %and3A_989 = arith.andi %ne3A, %ne3A_988 : i1
      %sub3A = arith.constant 1 : i32
      %sub3A_990 = arith.subi %div3A, %sub3A : i32
      %select_n3A = arith.select %and3A_989, %sub3A_990, %div3A : i32
      %jit3A_991 = arith.constant 8 : i32
      %eq3A = arith.constant 0 : i32
      %eq3A_992 = arith.cmpi eq, %jit3A_991, %eq3A : i32
      %jit3A_993 = arith.constant 1 : i32
      %select_n3A_994 = arith.select %eq3A_992, %jit3A_993, %jit3A_991 : i32
      %rem3A_995 = arith.remsi %scan3A_965, %select_n3A_994 : i32
      %ne3A_996 = arith.constant 0 : i32
      %ne3A_997 = arith.cmpi ne, %rem3A_995, %ne3A_996 : i32
      %lt3A = arith.constant 0 : i32
      %lt3A_998 = arith.cmpi slt, %rem3A_995, %lt3A : i32
      %lt3A_999 = arith.constant 0 : i32
      %lt3A_1000 = arith.cmpi slt, %select_n3A_994, %lt3A_999 : i32
      %ne3A_1001 = arith.xori %lt3A_998, %lt3A_1000 : i1
      %and3A_1002 = arith.andi %ne3A_1001, %ne3A_997 : i1
      %add3A_1003 = arith.addi %rem3A_995, %select_n3A_994 : i32
      %select_n3A_1004 = arith.select %and3A_1002, %add3A_1003, %rem3A_995 : i32
      %mul3A_1005 = arith.constant 16 : i32
      %mul3A_1006 = arith.muli %select_n3A_1004, %mul3A_1005 : i32
      %broadcast_in_dim3A = arith.constant 0 : i32
      %broadcast_in_dim3A_1007 = vector.broadcast %broadcast_in_dim3A : i32 to vector<16xi32>
      %gather3A = tpu.vector_load_idx %arg7[%shift_right_arithmetic3A_971, %broadcast_in_dim3A_1007, %and3A_973] : memref<128x2x128xf32, #tpu.memory_space<vmem>>[vector<16xi32>, vector<16xi32>, vector<16xi32>], vector<16xf32>,
      %swap3A = arith.constant 0 : i32
      %swap3A_1008 = arith.index_cast %select_n3A : i32 to index
      %swap3A_1009 = arith.index_cast %swap3A : i32 to index
      %swap3A_1010 = arith.index_cast %mul3A_1006 : i32 to index
      %swap3A_1011 = tpu.vector_load %arg8[%swap3A_1008, %swap3A_1009, %swap3A_1010] {strides = array<i32>} : memref<8x2x128xf32, #tpu.memory_space<vmem>>, vector<16xf32>,
      tpu.vector_store %arg8[%swap3A_1008, %swap3A_1009, %swap3A_1010], %gather3A {strides = array<i32>} : memref<8x2x128xf32, #tpu.memory_space<vmem>>, vector<16xf32>,
      %broadcast_in_dim3A_1012 = arith.constant 1 : i32
      %broadcast_in_dim3A_1013 = vector.broadcast %broadcast_in_dim3A_1012 : i32 to vector<16xi32>
      %gather3A_1014 = tpu.vector_load_idx %arg7[%shift_right_arithmetic3A_971, %broadcast_in_dim3A_1013, %and3A_973] : memref<128x2x128xf32, #tpu.memory_space<vmem>>[vector<16xi32>, vector<16xi32>, vector<16xi32>], vector<16xf32>,
      %swap3A_1015 = arith.constant 1 : i32
      %swap3A_1016 = arith.index_cast %select_n3A : i32 to index
      %swap3A_1017 = arith.index_cast %swap3A_1015 : i32 to index
      %swap3A_1018 = arith.index_cast %mul3A_1006 : i32 to index
      %swap3A_1019 = tpu.vector_load %arg8[%swap3A_1016, %swap3A_1017, %swap3A_1018] {strides = array<i32>} : memref<8x2x128xf32, #tpu.memory_space<vmem>>, vector<16xf32>,
      tpu.vector_store %arg8[%swap3A_1016, %swap3A_1017, %swap3A_1018], %gather3A_1014 {strides = array<i32>} : memref<8x2x128xf32, #tpu.memory_space<vmem>>, vector<16xf32>,
      %scan3A_1020 = arith.constant 0 : i32
      scf.yield %scan3A_1020 : i32
    }
    %scan3A_963 = arith.constant 64 : i32
    %run_scoped3A_964 = arith.constant 7 : i32
    "tpu.region"() ({
      %run_scoped3A_965 = tpu.sem_alloc : memref<!tpu.dma_semaphore, #tpu.memory_space<semaphore_mem>>
      %dma_start3A_966 = arith.constant 0 : i32
      %dma_start3A_967 = arith.constant 6 : i32
      %dma_start3A_968 = arith.constant 0 : i32
      %dma_start3A_969 = tpu.memref_slice %arg4[%add3A, %run_scoped3A_964, %dma_start3A_966, %dma_start3A_967, %dma_start3A_968] : memref<32x8x8x8x128xf32, #tpu.memory_space<hbm>> -> memref<1x1x8x2x128xf32, #tpu.memory_space<hbm>>
      %dma_start3A_970 = tpu.memref_squeeze %dma_start3A_969 : memref<1x1x8x2x128xf32, #tpu.memory_space<hbm>> -> memref<8x2x128xf32, #tpu.memory_space<hbm>>
      %dma_start3A_971 = arith.constant 0 : i32
      %dma_start3A_972 = arith.constant 6 : i32
      %dma_start3A_973 = arith.constant 0 : i32
      %dma_start3A_974 = tpu.memref_slice %arg4[%add3A, %run_scoped3A_964, %dma_start3A_971, %dma_start3A_972, %dma_start3A_973] : memref<32x8x8x8x128xf32, #tpu.memory_space<hbm>> -> memref<1x1x8x2x128xf32, #tpu.memory_space<hbm>>
      %dma_start3A_975 = tpu.memref_squeeze %dma_start3A_974 : memref<1x1x8x2x128xf32, #tpu.memory_space<hbm>> -> memref<8x2x128xf32, #tpu.memory_space<hbm>>
      tpu.enqueue_dma source(%arg8 : memref<8x2x128xf32, #tpu.memory_space<vmem>>) target(%dma_start3A_975 : memref<8x2x128xf32, #tpu.memory_space<hbm>>) target_semaphore(%run_scoped3A_965 : memref<!tpu.dma_semaphore, #tpu.memory_space<semaphore_mem>>)
      %dma_wait3A_976 = arith.constant 0 : i32
      %dma_wait3A_977 = arith.constant 6 : i32
      %dma_wait3A_978 = arith.constant 0 : i32
      %dma_wait3A_979 = tpu.memref_slice %arg4[%add3A, %run_scoped3A_964, %dma_wait3A_976, %dma_wait3A_977, %dma_wait3A_978] : memref<32x8x8x8x128xf32, #tpu.memory_space<hbm>> -> memref<1x1x8x2x128xf32, #tpu.memory_space<hbm>>
      %dma_wait3A_980 = tpu.memref_squeeze %dma_wait3A_979 : memref<1x1x8x2x128xf32, #tpu.memory_space<hbm>> -> memref<8x2x128xf32, #tpu.memory_space<hbm>>
      %dma_wait3A_981 = arith.constant 0 : i32
      %dma_wait3A_982 = arith.constant 6 : i32
      %dma_wait3A_983 = arith.constant 0 : i32
      %dma_wait3A_984 = tpu.memref_slice %arg4[%add3A, %run_scoped3A_964, %dma_wait3A_981, %dma_wait3A_982, %dma_wait3A_983] : memref<32x8x8x8x128xf32, #tpu.memory_space<hbm>> -> memref<1x1x8x2x128xf32, #tpu.memory_space<hbm>>
      %dma_wait3A_985 = tpu.memref_squeeze %dma_wait3A_984 : memref<1x1x8x2x128xf32, #tpu.memory_space<hbm>> -> memref<8x2x128xf32, #tpu.memory_space<hbm>>
      tpu.wait_dma2 semaphore(%run_scoped3A_965 : memref<!tpu.dma_semaphore, #tpu.memory_space<semaphore_mem>>) src(%arg8 : memref<8x2x128xf32, #tpu.memory_space<vmem>>) dst(%dma_wait3A_985 : memref<8x2x128xf32, #tpu.memory_space<hbm>>)
      tpu.yield
    }) : () -> ()
    return
  }
}

module attributes {stable_mosaic.version = 14 : i64} {
  func.func @_loss_body(%arg0: i32, %arg1: memref<16x64x1024xf32, #tpu.memory_space<vmem>>, %arg2: memref<16x64x1000xf32, #tpu.memory_space<vmem>>, %arg3: memref<16x1x1000xf32, #tpu.memory_space<vmem>>, %arg4: memref<2x128xf32, #tpu.memory_space<vmem>>) attributes {dimension_semantics = [#tpu.dimension_semantics<arbitrary>], iteration_bounds = array<i64: 2>, scalar_prefetch = 0 : i64, scratch_operands = 0 : i64, tpu.core_type = #tpu.core_type<tc>, window_params = [{transform_indices = @transform_0, window_bounds = array<i64: 16, 64, 1024>}, {transform_indices = @transform_1, window_bounds = array<i64: 16, 64, 1000>}, {transform_indices = @transform_2, window_bounds = array<i64: 16, 1, 1000>}, {pipeline_mode = #tpu.pipeline_mode<synchronous>, transform_indices = @transform_3, window_bounds = array<i64: 2, 128>}]} {
    %eq3A = arith.constant 0 : i32
    %eq3A_0 = arith.cmpi eq, %arg0, %eq3A : i32
    %convert_element_type3A = arith.extui %eq3A_0 : i1 to i32
    %cond3A = arith.constant 0 : i32
    %cond3A_1 = arith.cmpi ne, %convert_element_type3A, %cond3A : i32
    scf.if %cond3A_1 {
      %broadcast_in_dim3A_56 = arith.constant 0.000000e+00 : f32
      %broadcast_in_dim3A_57 = vector.broadcast %broadcast_in_dim3A_56 : f32 to vector<2x128xf32>
      %swap3A_58 = arith.constant 0 : index
      %swap3A_59 = arith.constant 0 : index
      %swap3A_60 = vector.load %arg4[%swap3A_58, %swap3A_59] : memref<2x128xf32, #tpu.memory_space<vmem>>, vector<2x128xf32>
      tpu.vector_store %arg4[%swap3A_58, %swap3A_59], %broadcast_in_dim3A_57 {strides = array<i32>} : memref<2x128xf32, #tpu.memory_space<vmem>>, vector<2x128xf32>,
    } else {
    }
    %get3A = arith.constant 0 : index
    %get3A_2 = arith.constant 0 : index
    %get3A_3 = arith.constant 0 : index
    %get3A_4 = vector.load %arg1[%get3A, %get3A_2, %get3A_3] : memref<16x64x1024xf32, #tpu.memory_space<vmem>>, vector<16x64x1000xf32>
    %get3A_5 = arith.constant 0 : index
    %get3A_6 = arith.constant 0 : index
    %get3A_7 = arith.constant 0 : index
    %get3A_8 = vector.load %arg2[%get3A_5, %get3A_6, %get3A_7] : memref<16x64x1000xf32, #tpu.memory_space<vmem>>, vector<16x64x1000xf32>
    %get3A_9 = arith.constant 0 : index
    %get3A_10 = arith.constant 0 : index
    %get3A_11 = arith.constant 0 : index
    %get3A_12 = vector.load %arg3[%get3A_9, %get3A_10, %get3A_11] : memref<16x1x1000xf32, #tpu.memory_space<vmem>>, vector<16x1x1000xf32>
    %broadcast_in_dim3A = vector.shape_cast %get3A_12 : vector<16x1x1000xf32> to vector<16x1x1000xf32>
    %broadcast_in_dim3A_13 = vector.broadcast %broadcast_in_dim3A : vector<16x1x1000xf32> to vector<16x64x1000xf32>
    %eq3A_14 = arith.constant 1.000000e+00 : f32
    %eq3A_15 = vector.broadcast %eq3A_14 : f32 to vector<16x64x1000xf32>
    %eq3A_16 = arith.cmpf oeq, %get3A_8, %eq3A_15 : vector<16x64x1000xf32>
    %sub3A = arith.constant 1.000000e+00 : f32
    %sub3A_17 = vector.broadcast %sub3A : f32 to vector<16x64x1000xf32>
    %sub3A_18 = arith.subf %sub3A_17, %get3A_4 : vector<16x64x1000xf32>
    %select_n3A = arith.select %eq3A_16, %get3A_4, %sub3A_18 : vector<16x64x1000xi1>, vector<16x64x1000xf32>
    %jit3A = arith.constant 1.500000e+00 : f32
    %jit3A_19 = arith.constant 1.000000e+00 : f32
    %broadcast_in_dim3A_20 = vector.broadcast %jit3A : f32 to vector<16x64x1000xf32>
    %broadcast_in_dim3A_21 = vector.broadcast %jit3A_19 : f32 to vector<16x64x1000xf32>
    %select_n3A_22 = arith.select %eq3A_16, %broadcast_in_dim3A_20, %broadcast_in_dim3A_21 : vector<16x64x1000xi1>, vector<16x64x1000xf32>
    %log3A = math.log %select_n3A : vector<16x64x1000xf32>
    %mul3A = arith.mulf %select_n3A_22, %log3A : vector<16x64x1000xf32>
    %mul3A_23 = arith.mulf %mul3A, %broadcast_in_dim3A_13 : vector<16x64x1000xf32>
    %iota3A = tpu.iota {dimensions = array<i32: 1>} : vector<1x128xi32>
    %eq3A_24 = arith.constant 0 : i32
    %eq3A_25 = vector.broadcast %eq3A_24 : i32 to vector<1x128xi32>
    %eq3A_26 = arith.cmpi eq, %iota3A, %eq3A_25 : vector<1x128xi32>
    %get3A_27 = arith.constant 0 : index
    %get3A_28 = arith.constant 0 : index
    %get3A_29 = vector.load %arg4[%get3A_27, %get3A_28] : memref<2x128xf32, #tpu.memory_space<vmem>>, vector<1x128xf32>
    %reduce_sum3A = vector.shape_cast %mul3A_23 : vector<16x64x1000xf32> to vector<1x16x64x1000xf32>
    %reduce_sum3A_30 = arith.constant dense<0.000000e+00> : vector<1xf32>
    %reduce_sum3A_31 = vector.multi_reduction <add>, %reduce_sum3A, %reduce_sum3A_30 [1, 2, 3] : vector<1x16x64x1000xf32> to vector<1xf32>
    %reduce_sum3A_32 = vector.shape_cast %reduce_sum3A_31 : vector<1xf32> to vector<1x1x1x1xf32>
    %reduce_sum3A_33 = vector.extract %reduce_sum3A_32[0, 0, 0, 0] : f32 from vector<1x1x1x1xf32>
    %jit3A_34 = arith.constant 0.000000e+00 : f32
    %broadcast_in_dim3A_35 = vector.broadcast %reduce_sum3A_33 : f32 to vector<1x128xf32>
    %broadcast_in_dim3A_36 = vector.broadcast %jit3A_34 : f32 to vector<1x128xf32>
    %select_n3A_37 = arith.select %eq3A_26, %broadcast_in_dim3A_35, %broadcast_in_dim3A_36 : vector<1x128xi1>, vector<1x128xf32>
    %add3A = arith.addf %get3A_29, %select_n3A_37 : vector<1x128xf32>
    %swap3A = arith.constant 0 : index
    %swap3A_38 = arith.constant 0 : index
    %swap3A_39 = vector.load %arg4[%swap3A, %swap3A_38] : memref<2x128xf32, #tpu.memory_space<vmem>>, vector<1x128xf32>
    tpu.vector_store %arg4[%swap3A, %swap3A_38], %add3A {strides = array<i32>} : memref<2x128xf32, #tpu.memory_space<vmem>>, vector<1x128xf32>,
    %get3A_40 = arith.constant 1 : index
    %get3A_41 = arith.constant 0 : index
    %get3A_42 = vector.load %arg4[%get3A_40, %get3A_41] : memref<2x128xf32, #tpu.memory_space<vmem>>, vector<1x128xf32>
    %reduce_sum3A_43 = vector.shape_cast %broadcast_in_dim3A_13 : vector<16x64x1000xf32> to vector<1x16x64x1000xf32>
    %reduce_sum3A_44 = arith.constant dense<0.000000e+00> : vector<1xf32>
    %reduce_sum3A_45 = vector.multi_reduction <add>, %reduce_sum3A_43, %reduce_sum3A_44 [1, 2, 3] : vector<1x16x64x1000xf32> to vector<1xf32>
    %reduce_sum3A_46 = vector.shape_cast %reduce_sum3A_45 : vector<1xf32> to vector<1x1x1x1xf32>
    %reduce_sum3A_47 = vector.extract %reduce_sum3A_46[0, 0, 0, 0] : f32 from vector<1x1x1x1xf32>
    %jit3A_48 = arith.constant 0.000000e+00 : f32
    %broadcast_in_dim3A_49 = vector.broadcast %reduce_sum3A_47 : f32 to vector<1x128xf32>
    %broadcast_in_dim3A_50 = vector.broadcast %jit3A_48 : f32 to vector<1x128xf32>
    %select_n3A_51 = arith.select %eq3A_26, %broadcast_in_dim3A_49, %broadcast_in_dim3A_50 : vector<1x128xi1>, vector<1x128xf32>
    %add3A_52 = arith.addf %get3A_42, %select_n3A_51 : vector<1x128xf32>
    %swap3A_53 = arith.constant 1 : index
    %swap3A_54 = arith.constant 0 : index
    %swap3A_55 = vector.load %arg4[%swap3A_53, %swap3A_54] : memref<2x128xf32, #tpu.memory_space<vmem>>, vector<1x128xf32>
    tpu.vector_store %arg4[%swap3A_53, %swap3A_54], %add3A_52 {strides = array<i32>} : memref<2x128xf32, #tpu.memory_space<vmem>>, vector<1x128xf32>,
    return
  }
  func.func @transform_0(%arg0: i32) -> (i32, i32, i32) {
    %c0_i32 = arith.constant 0 : i32
    %c0_i32_0 = arith.constant 0 : i32
    %c0_i32_1 = arith.constant 0 : i32
    return %arg0, %c0_i32, %c0_i32_0 : i32, i32, i32
  }
  func.func @transform_1(%arg0: i32) -> (i32, i32, i32) {
    %c0_i32 = arith.constant 0 : i32
    %c0_i32_0 = arith.constant 0 : i32
    %c0_i32_1 = arith.constant 0 : i32
    return %arg0, %c0_i32, %c0_i32_0 : i32, i32, i32
  }
  func.func @transform_2(%arg0: i32) -> (i32, i32, i32) {
    %c0_i32 = arith.constant 0 : i32
    %c0_i32_0 = arith.constant 0 : i32
    %c0_i32_1 = arith.constant 0 : i32
    return %arg0, %c0_i32, %c0_i32_0 : i32, i32, i32
  }
  func.func @transform_3(%arg0: i32) -> (i32, i32) {
    %c0_i32 = arith.constant 0 : i32
    %c0_i32_0 = arith.constant 0 : i32
    %c0_i32_1 = arith.constant 0 : i32
    return %c0_i32, %c0_i32_0 : i32, i32
  }
}

</mosaic_0001>

<sc_bundles>
// kernel: _mask_loss.4.cloned.1.call-start
scs
__scs_entry_jumppad:
0x0: {  	(pc) =	sbr.rel $0x88, $3  }
0x1: {  	(tag) =	ssettag $0x0;
	lr =	simm.s32 $0x1  }
0x2: {  	[smem:$0x3F9D] =	sst lr;
	_ =	strace $0xD0000000  }
0x3: {  	_ = 	snop  }
0x4: {  	_ = 	snop  }
0x5: {  	_ = 	snop  }
0x6: {  	_ = 	snop  }
0x7: {  	_ = 	snop  }
__scs_overlays_trampoline_lowered:
0x8: {  	[smem:$0x3FAC] =	sst s0  }
0x9: {  	[smem:$0x3FAD] =	sst s1  }
0xa: {  	[smem:$0x3FAE] =	sst s2  }
0xb: {  	[smem:$0x3FAF] =	sst s3  }
0xc: {  	[smem:$0x3FB0] =	sst s4  }
0xd: {  	[smem:$0x3FB1] =	sst s5  }
0xe: {  	[smem:$0x3FB2] =	sst s6  }
0xf: {  	[smem:$0x3FB3] =	sst s7  }
0x10: {  	[smem:$0x3FB4] =	sst s8  }
0x11: {  	[smem:$0x3FB5] =	sst s9;
	s0 =	simm.s32 @!p0 $0x0  }
0x12: {  	s1 =	sld [smem:$0x3F9B];
	s0 =	simm.s32 @p0 $0x1  }
0x13: {  	[smem:$0x3FB6] =	sst s0;
	s0 =	simm.s32 @!p1 $0x0  }
0x14: {  	s2 =	sld [smem:$0x3F9A];
	s0 =	simm.s32 @p1 $0x1  }
0x15: {  	[smem:$0x3FB7] =	sst s0;
	s0 =	simm.s32 @!p2 $0x0  }
0x16: {  	s3 =	sld [smem:$0x3FDB];
	s0 =	simm.s32 @p2 $0x1  }
0x17: {  	s4 =	simm.s32 $0x1BF5;
	[smem:$0x3FB9] =	sst s0  }
0x18: {  	s0 =	sld [smem:$0x3F9C];
	_ =	swait.ge [sflag:s4], $0x0  }
0x19: {  	s7 =	sld [smem:$0x3F9D]  }
0x1a: {  	s8 =	sadd.s32 $0xFFFFE003, lr  }
0x1b: {  	s9 =	sadd.s32 $0xFFFFFEF7, lr;
	s5 =	simm.s32 $0xFFFFFFFF;
	p2 =	slt.u32 s8, $0xFFFFF086  }
0x1c: {  	p1 =	slt.u32 s9, $0xF7A;
	s5 =	simm.s32 @!p2 $0x0  }
0x1d: {  	s5 =	simm.s32 @p1 $0x1;
	p0 =	seq.s32 s7, s2  }
0x1e: {  	s7 =	smul.u32 @!p0 $0xF7A, s2;
	p2 =	seq.s32 @!p0 s5, $0x0  }
0x1f: {  	s9 =	smul.u32 $0xF7A, s1;
	s8 =	simm.s32 @!p0 $0x1BF5;
	p2 =	por !p2, p0  }
0x20: {  	[sflag:s8] =	ssyncset.s32 @!p0 $0xFFFFF086;
	s6 =	sadd.s32 @!p0 s3, s7;
	s7 =	simm.s32 @!p0 $0x108  }
0x21: {  	s3 =	sadd.s32 s3, s9;
	s6 =	sadd.s32 @!p0 $0x88, s6;
	s7 =	simm.s32 @p2 $0x1082  }
0x22: {  	[simem:s7], [sflag:s8] =	dma.local @!p0 [hbm:s6], $0xF7A  }
0x23: {  	s9 =	sor.u32 $0xD0000000, s2;
	s6 =	simm.s32 $0x108;
	_ =	swait.ge @!p0 [sflag:s8], $0x0  }
0x24: {  	s3 =	sadd.s32 $0x88, s3;
	s6 =	simm.s32 @!p1 $0x1082;
	[sflag:s4] =	ssyncset.s32 $0xFFFFF086  }
0x25: {  	[simem:s6], [sflag:s4] =	dma.local [hbm:s3], $0xF7A  }
0x26: {  	[smem:$0x3F9D] =	sst s1;
	(tag) =	ssettag s2;
	_ =	strace s9  }
0x27: {  	s1 =	sld [smem:$0x3FAD]  }
0x28: {  	s2 =	sld [smem:$0x3FAE]  }
0x29: {  	s4 =	sld [smem:$0x3FB0]  }
0x2a: {  	p0 =	seq.s32 s5, $0x0;
	s5 =	sld [smem:$0x3FB1]  }
0x2b: {  	s6 =	sld [smem:$0x3FB2]  }
0x2c: {  	s7 =	sld [smem:$0x3FB3]  }
0x2d: {  	s3 =	simm.s32 $0x108;
	s8 =	sld [smem:$0x3FB4]  }
0x2e: {  	s3 =	simm.s32 @!p0 $0x1082;
	s9 =	sld [smem:$0x3FB5]  }
0x2f: {  	lr =	sadd.s32 s0, s3;
	s0 =	sld [smem:$0x3FAC]  }
0x30: {  	s3 =	sld [smem:$0x3FAF]  }
0x31: {  	[smem:$0x3FB8] =	sst s10  }
0x32: {  	s10 =	sld [smem:$0x3FB6];
	_ =	sdelay $0x3  }
0x33: {  	p0 =	seq.s32 s10, $0x1;
	s10 =	sld [smem:$0x3FB8];
	_ =	sdelay $0x3  }
0x34: {  	[smem:$0x3FB8] =	sst s10  }
0x35: {  	s10 =	sld [smem:$0x3FB7];
	_ =	sdelay $0x3  }
0x36: {  	p1 =	seq.s32 s10, $0x1;
	s10 =	sld [smem:$0x3FB8];
	_ =	sdelay $0x3  }
0x37: {  	[smem:$0x3FB8] =	sst s10  }
0x38: {  	s10 =	sld [smem:$0x3FB9]  }
0x39: {  	_ = 	snop;
	(pc) =	sbr.ind lr, $3  }
0x3a: {  	_ = 	snop  }
0x3b: {  	_ = 	snop  }
0x3c: {  	p2 =	seq.s32 s10, $0x1;
	s10 =	sld [smem:$0x3FB8]  }
0x3d: {  	_ =	shalt  }
0x3e: {  	_ =	shalt  }
0x3f: {  	_ =	shalt  }
0x40: {  	_ =	shalt  }
0x41: {  	_ =	shalt  }
0x42: {  	_ =	shalt  }
0x43: {  	_ =	shalt  }
0x44: {  	_ =	shalt  }
0x45: {  	_ =	shalt  }
0x46: {  	_ =	shalt  }
0x47: {  	_ =	shalt  }
0x48: {  	_ =	shalt  }
0x49: {  	_ =	shalt  }
0x4a: {  	_ =	shalt  }
0x4b: {  	_ =	shalt  }
0x4c: {  	_ =	shalt  }
0x4d: {  	_ =	shalt  }
0x4e: {  	_ =	shalt  }
0x4f: {  	_ =	shalt  }
0x50: {  	_ =	shalt  }
0x51: {  	_ =	shalt  }
0x52: {  	_ =	shalt  }
0x53: {  	_ =	shalt  }
0x54: {  	_ =	shalt  }
0x55: {  	_ =	shalt  }
0x56: {  	_ =	shalt  }
0x57: {  	_ =	shalt  }
0x58: {  	_ =	shalt  }
0x59: {  	_ =	shalt  }
0x5a: {  	_ =	shalt  }
0x5b: {  	_ =	shalt  }
0x5c: {  	_ =	shalt  }
0x5d: {  	_ =	shalt  }
0x5e: {  	_ =	shalt  }
0x5f: {  	_ =	shalt  }
0x60: {  	_ =	shalt  }
0x61: {  	_ =	shalt  }
0x62: {  	_ =	shalt  }
0x63: {  	_ =	shalt  }
0x64: {  	_ =	shalt  }
0x65: {  	_ =	shalt  }
0x66: {  	_ =	shalt  }
0x67: {  	_ =	shalt  }
0x68: {  	_ =	shalt  }
0x69: {  	_ =	shalt  }
0x6a: {  	_ =	shalt  }
0x6b: {  	_ =	shalt  }
0x6c: {  	_ =	shalt  }
0x6d: {  	_ =	shalt  }
0x6e: {  	_ =	shalt  }
0x6f: {  	_ =	shalt  }
0x70: {  	_ =	shalt  }
0x71: {  	_ =	shalt  }
0x72: {  	_ =	shalt  }
0x73: {  	_ =	shalt  }
0x74: {  	_ =	shalt  }
0x75: {  	_ =	shalt  }
0x76: {  	_ =	shalt  }
0x77: {  	_ =	shalt  }
0x78: {  	_ =	shalt  }
0x79: {  	_ =	shalt  }
0x7a: {  	_ =	shalt  }
0x7b: {  	_ =	shalt  }
0x7c: {  	_ =	shalt  }
0x7d: {  	_ =	shalt  }
0x7e: {  	_ =	shalt  }
0x7f: {  	_ =	shalt  }
0x80: {  	_ =	shalt  }
0x81: {  	_ =	shalt  }
0x82: {  	_ =	shalt  }
0x83: {  	_ =	shalt  }
0x84: {  	_ =	shalt  }
0x85: {  	_ =	shalt  }
0x86: {  	_ =	shalt  }
0x87: {  	_ =	shalt  }
.Lfunc_end0:
.L_simem_size_0:
called_computation_lowered:
.L_overlay_start_0:
0x88: {  	s2 =	sld [smem:$0x3FD9]  }
0x89: {  	s3 =	sld [smem:$0x3FFE];
	_ =	sdelay $0x1  }
0x8a: {  	s1 =	srdreg.scid  }
0x8b: {  	s0 =	sand.u32 $0x1, s1  }
0x8c: {  	s17 =	sshll.u32 s0, $0xA;
	s2 =	sadd.s32 s3, s2  }
0x8d: {  	s2 =	sadd.s32 s2, s17  }
0x8e: {  	[smem:$0x3FC4] =	sst s2  }
0x8f: {  	_ = 	snop  }
0x90: {  	s2 =	sld [smem:$0x3FC9]  }
0x91: {  	s18 =	sld [smem:$0x3FC8];
	(tm) =	ssettm $0x1  }
0x92: {  	s4 =	sld [smem:$0x3FFB];
	_ =	sdelay $0x3  }
0x93: {  	_ =	strace s4  }
0x94: {  	s4 =	sld [smem:$0x3FFC];
	_ =	sdelay $0x3  }
0x95: {  	_ =	strace s4  }
0x96: {  	s4 =	sld [smem:$0x3FFD];
	_ =	sdelay $0x3  }
0x97: {  	_ =	strace s4  }
0x98: {  	_ =	strace $0x8FFFFFFF  }
0x99: {  	s19 =	sld [smem:$0x3FDB];
	_ =	sdelay $0x1  }
0x9a: {  	s5 =	simm.s32 $_scs_section_size  }
0x9b: {  	s6 =	simm.s32 $_size__tile_overlayer_lowered;
	s7 =	simm.s32 $_tile_overlayer_lowered  }
0x9c: {  	s22 =	simm.s32 $0x1BFF;
	s21 =	sshll.u32 s7, $0x1;
	s4 =	sadd.s32 s5, s19  }
0x9d: {  	s8 =	simm.s32 $0x0;
	s20 =	sshll.u32 s6, $0x1;
	s6 =	sadd.s32 s21, s4  }
0x9e: {  	[timem:s8], [sflag:s22] =	dma.local [hbm:s6], s20  }
0x9f: {  	_ =	swait.ge [sflag:s22], s20  }
0xa0: {  	s5 =	ssub.s32 $0x0, s20;
	[sflag:s22] =	ssyncset.done $0x0  }
0xa1: {  	[sflag:s22] =	ssyncadd.s32 s5;
	_ =	sdelay $0x1  }
0xa2: {  	s23 =	simm.s32 $0x1B8B  }
0xa3: {  	_ =	swait.ge [sflag:s23], $0x1  }
0xa4: {  	[sflag:s23] =	ssyncset.done $0x0  }
0xa5: {  	s25 =	simm.s32 $0x1B8E;
	s24 =	sld [smem:$0x3FFE];
	[sflag:s23] =	ssyncadd.s32 $0xFFFFFFFF  }
0xa6: {  	s26 =	simm.s32 $execute0_lowered;
	[smem:$0x3FD2] =	sst s25  }
0xa7: {  	s6 =	sshll.u32 s26, $0x1;
	_ =	strace $0x80000046;
	[dreg:$0x1] =	wrdreg $0xFFFFFFFF  }
0xa8: {  	s28 =	simm.s32 $_size_execute0_lowered;
	s4 =	sadd.s32 s4, s6;
	[dreg:$0x0] =	wrdreg $0x0  }
0xa9: {  	s6 =	sshll.u32 s28, $0x1;
	[dreg:$0x2] =	wrdreg s4  }
0xaa: {  	[dreg:$0x3] =	wrdreg s6  }
0xab: {  	[dreg:$0x4] =	wrdreg $0xC0  }
0xac: {  	_ =	task [dreg:s8], $0x5FFFF  }
0xad: {  	[dreg:$0x1] =	wrdreg $0xFFFFFFFF  }
0xae: {  	[dreg:$0x0] =	wrdreg $0x60  }
0xaf: {  	[dreg:$0x2] =	wrdreg s2  }
0xb0: {  	[dreg:$0x3] =	wrdreg s18  }
0xb1: {  	[dreg:$0x4] =	wrdreg s24  }
0xb2: {  	[dreg:$0x5] =	wrdreg $0x9  }
0xb3: {  	_ =	task.clear_ibuf [dreg:s8], $0x6FFFF;
	_ =	strace $0x90000046  }
0xb4: {  	s29 =	simm.s32 $0x9;
	_ =	strace $0x80000048  }
0xb5: {  	_ =	swait.ge [sflag:s29], $0x1  }
0xb6: {  	[sflag:s29] =	ssyncadd.s32 $0xFFFFFFFF  }
0xb7: {  	_ =	strace $0x90000048  }
0xb8: {  	_ =	sfence  }
0xb9: {  	s30 =	sld [smem:$0x0];
	_ =	sdelay $0x2  }
0xba: {  	s31 =	sshll.u32 s1, $0xD;
	s1 =	sshrl.u32 s1, $0x2  }
0xbb: {  	s3 =	sand.u32 $0x4000, s31;
	s1 =	sadd.s32 s1, s30  }
0xbc: {  	s0 =	sor.u32 s3, s0;
	s1 =	sshll.u32 s1, $0x11  }
0xbd: {  	s0 =	sor.u32 s1, s0  }
0xbe: {  	s0 =	sadd.s32 $0x8F2B, s0  }
0xbf: {  	[sflag:s0] =	ssyncadd.remote.s32 $0x1  }
0xc0: {  	_ =	sfence.sel $0xFFFF  }
0xc1: {  	[dreg:$0x0] =	wrdreg $0xFFFFFFFF;
	(pc) =	sbr.abs _section_cstart, $3  }
0xc2: {  	[dreg:$0x1] =	wrdreg $0xFFFFFFFF  }
0xc3: {  	_ =	task.clear_ibuf [dreg:s8], $0x2FFFF;
	_ =	strace $0x9FFFFFFF  }
0xc4: {  	(tm) =	ssettm $0x7FFFFFFF  }
0xc5: {  	_ =	shalt  }
tec
execute0_lowered:
.L_overlay_start_1:
0x0: {  	(tag) =	ssettag $0x1  }
0x1: {  	s2 =	srdreg.scid;
	s5 =	stileid.u32  }
0x2: {  	s4 =	sand.u32 $0x1, s2;
	s5 =	sshll.u32 s5, $0x1  }
0x3: {  	s0 =	rddreg [dreg:$0x0];
	s5 =	sor.u32 s4, s5  }
0x4: {  	s3 =	rddreg [dreg:$0x2];
	s6 =	sshll.u32 s5, $0xD  }
0x5: {  	s1 =	rddreg [dreg:$0x1];
	s2 =	simm.s32 $0x0;
	s6 =	sadd.s32 s6, s3  }
0x6: {  	[smem:$0x7FF] =	sst s2;
	s23 =	sadd.s32 $0x200, s6  }
0x7: {  	_ =	strace $0x80000047;
	s24 =	sadd.s32 $0x220, s6;
	[dreg:$0x4] =	wrdreg s23  }
0x8: {  	s25 =	sadd.s32 $0x240, s6;
	[dreg:$0x5] =	wrdreg s24  }
0x9: {  	s26 =	sadd.s32 $0x260, s6;
	[dreg:$0x6] =	wrdreg s25  }
0xa: {  	s29 =	sadd.s32 $0x600, s6;
	[dreg:$0x7] =	wrdreg s26  }
0xb: {  	s30 =	sadd.s32 $0x620, s6;
	[dreg:$0x8] =	wrdreg s29  }
0xc: {  	s21 =	sshll.u32 s5, $0x7;
	s31 =	sadd.s32 $0x640, s6;
	[dreg:$0x9] =	wrdreg s30  }
0xd: {  	s3 =	sadd.s32 s1, s21;
	s1 =	sadd.s32 $0x660, s6;
	[dreg:$0xa] =	wrdreg s31  }
0xe: {  	s22 =	sshll.u32 s5, $0x11;
	s5 =	sadd.s32 $0xA00, s6;
	[dreg:$0xb] =	wrdreg s1  }
0xf: {  	s8 =	sadd.s32 $0xA20, s6;
	[dreg:$0xc] =	wrdreg s5  }
0x10: {  	s9 =	sadd.s32 $0xA40, s6;
	[dreg:$0xd] =	wrdreg s8  }
0x11: {  	s10 =	sadd.s32 $0xA60, s6;
	[dreg:$0xe] =	wrdreg s9  }
0x12: {  	s11 =	sadd.s32 $0xE00, s6;
	[dreg:$0xf] =	wrdreg s10  }
0x13: {  	s12 =	sadd.s32 $0xE20, s6;
	[dreg:$0x10] =	wrdreg s11  }
0x14: {  	s13 =	sadd.s32 $0xE40, s6;
	[dreg:$0x11] =	wrdreg s12  }
0x15: {  	s14 =	sadd.s32 $0xE60, s6;
	[dreg:$0x12] =	wrdreg s13  }
0x16: {  	s15 =	sadd.s32 $0x1200, s6;
	[dreg:$0x13] =	wrdreg s14  }
0x17: {  	s16 =	sadd.s32 $0x1220, s6;
	[dreg:$0x14] =	wrdreg s15  }
0x18: {  	s17 =	sadd.s32 $0x1240, s6;
	[dreg:$0x15] =	wrdreg s16  }
0x19: {  	s4 =	ssub.s32 $0x2, s4;
	s18 =	sadd.s32 $0x1260, s6;
	[dreg:$0x16] =	wrdreg s17  }
0x1a: {  	s20 =	sshrl.u32 s4, $0x1;
	s19 =	sadd.s32 $0x1600, s6;
	[dreg:$0x17] =	wrdreg s18  }
0x1b: {  	s7 =	ssub.s32 s4, s20;
	s20 =	sadd.s32 $0x1620, s6;
	[dreg:$0x18] =	wrdreg s19  }
0x1c: {  	s21 =	sadd.s32 $0x1640, s6;
	[dreg:$0x19] =	wrdreg s20  }
0x1d: {  	s4 =	sadd.s32 s0, s22;
	s22 =	sadd.s32 $0x1660, s6;
	[dreg:$0x1a] =	wrdreg s21  }
0x1e: {  	[dreg:$0x1b] =	wrdreg s22;
	s23 =	sadd.s32 $0x1A00, s6  }
0x1f: {  	s24 =	sadd.s32 $0x1A20, s6;
	[dreg:$0x1c] =	wrdreg s23  }
0x20: {  	s25 =	sadd.s32 $0x1A40, s6;
	[dreg:$0x1d] =	wrdreg s24  }
0x21: {  	s26 =	sadd.s32 $0x1A60, s6;
	[dreg:$0x1e] =	wrdreg s25  }
0x22: {  	s29 =	sadd.s32 $0x1E00, s6;
	[dreg:$0x1f] =	wrdreg s26  }
0x23: {  	s30 =	sadd.s32 $0x1E20, s6;
	[smem:$0x7E1] =	sst s29  }
0x24: {  	s31 =	sadd.s32 $0x1E40, s6;
	[smem:$0x7E2] =	sst s30  }
0x25: {  	s1 =	sadd.s32 $0x1E60, s6;
	[smem:$0x7E3] =	sst s31  }
0x26: {  	s5 =	smax.u32 s7, $0x1;
	[smem:$0x7E4] =	sst s1  }
0x27: {  	s6 =	sadd.s32 $0x10, s3;
	[smem:$0x7E5] =	sst s5  }
0x28: {  	s7 =	sadd.s32 $0x20, s3;
	[smem:$0x7E6] =	sst s6  }
0x29: {  	s8 =	sadd.s32 $0x30, s3;
	[smem:$0x7E7] =	sst s7  }
0x2a: {  	s9 =	sadd.s32 $0x40, s3;
	[smem:$0x7E8] =	sst s8  }
0x2b: {  	s10 =	sadd.s32 $0x50, s3;
	[smem:$0x7E9] =	sst s9  }
0x2c: {  	s11 =	sadd.s32 $0x60, s3;
	[smem:$0x7EA] =	sst s10  }
0x2d: {  	s12 =	sadd.s32 $0x70, s3;
	[smem:$0x7EB] =	sst s11  }
0x2e: {  	s13 =	sadd.s32 $0x20, s4;
	[smem:$0x7EC] =	sst s12  }
0x2f: {  	s14 =	sadd.s32 $0x40, s4;
	[smem:$0x7ED] =	sst s13  }
0x30: {  	s15 =	sadd.s32 $0x60, s4;
	[smem:$0x7EE] =	sst s14  }
0x31: {  	s16 =	sadd.s32 $0x4000, s4;
	[smem:$0x7EF] =	sst s15  }
0x32: {  	s17 =	sadd.s32 $0x4020, s4;
	[smem:$0x7F0] =	sst s16  }
0x33: {  	s18 =	sadd.s32 $0x4040, s4;
	[smem:$0x7F1] =	sst s17  }
0x34: {  	s19 =	sadd.s32 $0x4060, s4;
	[smem:$0x7F2] =	sst s18  }
0x35: {  	s20 =	sadd.s32 $0x8000, s4;
	[smem:$0x7F3] =	sst s19  }
0x36: {  	s21 =	sadd.s32 $0x8020, s4;
	[smem:$0x7F4] =	sst s20  }
0x37: {  	s28 =	simm.s32 $0x0;
	s22 =	sadd.s32 $0x8040, s4;
	[smem:$0x7F5] =	sst s21  }
0x38: {  	[smem:$0x7F6] =	sst s22;
	s23 =	sadd.s32 $0x8060, s4;
	s24 =	sadd.s32 $0xC000, s4  }
0x39: {  	s25 =	sadd.s32 $0xC020, s4;
	s26 =	sadd.s32 $0xC040, s4;
	s29 =	sadd.s32 $0xC060, s4  }
0x3a: {  	s30 =	sadd.s32 $0x10000, s4;
	s31 =	sadd.s32 $0x10020, s4;
	s6 =	sadd.s32 $0x10040, s4  }
0x3b: {  	s7 =	sadd.s32 $0x10060, s4;
	s8 =	sadd.s32 $0x14000, s4;
	s9 =	sadd.s32 $0x14020, s4  }
0x3c: {  	s10 =	sadd.s32 $0x14040, s4;
	s11 =	sadd.s32 $0x14060, s4;
	[smem:$0x7F7] =	sst s23  }
0x3d: {  	s12 =	sadd.s32 $0x18000, s4;
	s13 =	sadd.s32 $0x18020, s4;
	[smem:$0x7F8] =	sst s24  }
0x3e: {  	s14 =	sadd.s32 $0x18040, s4;
	s15 =	sadd.s32 $0x18060, s4;
	[smem:$0x7F9] =	sst s25  }
0x3f: {  	s16 =	sadd.s32 $0x1C000, s4;
	s17 =	sadd.s32 $0x1C020, s4;
	[smem:$0x7FA] =	sst s26  }
0x40: {  	s18 =	sadd.s32 $0x1C040, s4;
	s19 =	sadd.s32 $0x1C060, s4;
	[smem:$0x7FB] =	sst s29  }
0x41: {  	s20 =	simm.s32 $0x3;
	s21 =	simm.s32 $0x100;
	[smem:$0x7FC] =	sst s30  }
0x42: {  	s22 =	simm.s32 $0x400;
	[smem:$0x7FD] =	sst s31;
	s23 =	simm.s32 $0x8400  }
0x43: {  	s24 =	simm.s32 $0x1;
	s25 =	simm.s32 $0x10400;
	s26 =	simm.s32 $0x2  }
.LBB2_1:
0x44: {  	[tilespmem:s2], [sflag:$0x3] =	stream.linear.gather [hbm4b:s3+s2], $0x80, $0x38;
	[tilespmem:$0x10C00] =	vst v63  }
0x45: {  	_ =	swait.ge [sflag:s20], $0x80  }
0x46: {  	s0 =	sld [smem:$0x7E6]  }
0x47: {  	[sflag:s20] =	ssyncset.done $0x0  }
0x48: {  	s1 =	simm.s32 $0x80;
	[sflag:s20] =	ssyncadd.s32 $0xFFFFFF80  }
0x49: {  	[tilespmem:s1], [sflag:$0x3] =	stream.linear.gather [hbm4b:s0+s2], $0x80, $0x38;
	[tilespmem:$0x10C00] =	vst v63  }
0x4a: {  	_ =	swait.ge [sflag:s20], $0x80  }
0x4b: {  	s5 =	sld [smem:$0x7E7]  }
0x4c: {  	[sflag:s20] =	ssyncset.done $0x0  }
0x4d: {  	[sflag:s20] =	ssyncadd.s32 $0xFFFFFF80  }
0x4e: {  	[tilespmem:s21], [sflag:$0x3] =	stream.linear.gather [hbm4b:s5+s2], $0x80, $0x38;
	[tilespmem:$0x10C00] =	vst v63  }
0x4f: {  	_ =	swait.ge [sflag:s20], $0x80  }
0x50: {  	s1 =	sld [smem:$0x7E8]  }
0x51: {  	[sflag:s20] =	ssyncset.done $0x0  }
0x52: {  	s5 =	simm.s32 $0x180;
	[sflag:s20] =	ssyncadd.s32 $0xFFFFFF80  }
0x53: {  	[tilespmem:s5], [sflag:$0x3] =	stream.linear.gather [hbm4b:s1+s2], $0x80, $0x38;
	[tilespmem:$0x10C00] =	vst v63  }
0x54: {  	_ =	swait.ge [sflag:s20], $0x80  }
0x55: {  	s1 =	sld [smem:$0x7E9]  }
0x56: {  	[sflag:s20] =	ssyncset.done $0x0  }
0x57: {  	s5 =	simm.s32 $0x200;
	[sflag:s20] =	ssyncadd.s32 $0xFFFFFF80  }
0x58: {  	[tilespmem:s5], [sflag:$0x3] =	stream.linear.gather [hbm4b:s1+s2], $0x80, $0x38;
	[tilespmem:$0x10C00] =	vst v63  }
0x59: {  	_ =	swait.ge [sflag:s20], $0x80  }
0x5a: {  	s1 =	sld [smem:$0x7EA]  }
0x5b: {  	[sflag:s20] =	ssyncset.done $0x0  }
0x5c: {  	s5 =	simm.s32 $0x280;
	[sflag:s20] =	ssyncadd.s32 $0xFFFFFF80  }
0x5d: {  	[tilespmem:s5], [sflag:$0x3] =	stream.linear.gather [hbm4b:s1+s2], $0x80, $0x38;
	[tilespmem:$0x10C00] =	vst v63  }
0x5e: {  	_ =	swait.ge [sflag:s20], $0x80  }
0x5f: {  	s1 =	sld [smem:$0x7EB]  }
0x60: {  	[sflag:s20] =	ssyncset.done $0x0  }
0x61: {  	s5 =	simm.s32 $0x300;
	[sflag:s20] =	ssyncadd.s32 $0xFFFFFF80  }
0x62: {  	[tilespmem:s5], [sflag:$0x3] =	stream.linear.gather [hbm4b:s1+s2], $0x80, $0x38;
	[tilespmem:$0x10C00] =	vst v63  }
0x63: {  	_ =	swait.ge [sflag:s20], $0x80  }
0x64: {  	s1 =	sld [smem:$0x7EC]  }
0x65: {  	[sflag:s20] =	ssyncset.done $0x0  }
0x66: {  	s5 =	simm.s32 $0x380;
	[sflag:s20] =	ssyncadd.s32 $0xFFFFFF80  }
0x67: {  	[tilespmem:s5], [sflag:$0x3] =	stream.linear.gather [hbm4b:s1+s2], $0x80, $0x38;
	[tilespmem:$0x10C00] =	vst v63  }
0x68: {  	_ =	swait.ge [sflag:s20], $0x80  }
0x69: {  	[sflag:s20] =	ssyncset.done $0x0  }
0x6a: {  	s1 =	sld [smem:$0x7ED];
	[sflag:s20] =	ssyncadd.s32 $0xFFFFFF80  }
0x6b: {  	[tilespmem:s22], [sflag:$0x1] =	stream.strided.gather [hbm4b:s4+s21], $0x8000, s22, s21, $0x38;
	[tilespmem:$0x10C00] =	vst v63  }
0x6c: {  	_ = 	snop  }
0x6d: {  	[tilespmem:s23], [sflag:$0x2] =	stream.strided.gather [hbm4b:s1+s21], $0x8000, s22, s21, $0x38;
	[tilespmem:$0x10C00] =	vst v63  }
0x6e: {  	_ =	swait.ge [sflag:s24], $0x8000  }
0x6f: {  	[sflag:s24] =	ssyncset.done $0x0  }
0x70: {  	[sflag:s24] =	ssyncadd.s32 $0xFFFF8000  }
0x71: {  	v0 =	vld [tilespmem:s2+$0x0];
	_ =	sdelay $0x4  }
0x72: {  	v1 =	vshll.u32 v0, $0x1  }
0x73: {  	v0 =	vand.u32 $0x7F, v0;
	v1 =	vand.u32 $0xFFFFFF00, v1  }
0x74: {  	v0 =	vor.u32 v0, v1;
	_ =	sdelay $0x4  }
0x75: {  	v1 =	vld.idx.msk [tilespmem:v0+s22+$0x0], $0xffff  }
0x76: {  	v0 =	vor.u32 $0x80, v0;
	_ =	sdelay $0x1  }
0x77: {  	s29 =	sand.u32 $0x700, s2;
	s5 =	sand.u32 $0x70, s2  }
0x78: {  	s1 =	sor.u32 s5, s29  }
0x79: {  	[tilespmem:s1+$0x10400] =	vst v1  }
0x7a: {  	v0 =	vld.idx.msk [tilespmem:v0+s22+$0x0], $0xffff;
	_ =	sdelay $0x3  }
0x7b: {  	s1 =	sadd.s32 $0x10400, s1  }
0x7c: {  	s31 =	simm.s32 $0x10;
	[tilespmem:s1+$0x80] =	vst v0  }
0x7d: {  	s30 =	simm.s32 $0x0;
	s29 =	simm.s32 $0x20;
	s1 =	simm.s32 $0x40;
	v0 =	vld [tilespmem:s31+$0x0]  }
.LBB2_2:
0x7e: {  	p0 =	sne.s32 s1, $0x7E0;
	_ =	sdelay $0x3  }
0x7f: {  	v1 =	vshll.u32 v0, $0x1  }
0x80: {  	v0 =	vand.u32 $0x7F, v0;
	v1 =	vand.u32 $0xFFFFFF00, v1  }
0x81: {  	v0 =	vor.u32 v0, v1  }
0x82: {  	v1 =	vor.u32 $0x80, v0;
	_ =	sdelay $0x3  }
0x83: {  	v0 =	vld.idx.msk [tilespmem:v0+s22+$0x0], $0xffff;
	_ =	sdelay $0x2  }
0x84: {  	s30 =	sadd.s32 $0x10, s30  }
0x85: {  	s5 =	sand.u32 $0x700, s29;
	s29 =	smov.u32 s1;
	s0 =	sand.u32 $0x70, s30  }
0x86: {  	s0 =	sor.u32 s0, s5  }
0x87: {  	[tilespmem:s0+$0x10400] =	vst v0  }
0x88: {  	v0 =	vld.idx.msk [tilespmem:v1+s22+$0x0], $0xffff;
	_ =	sdelay $0x2  }
.Ltmp0:
0x89: {  	(pc) =	sbr.rel @p0 .LBB2_2-.Ltmp0, $4  }
0x8a: {  	_ = 	snop  }
0x8b: {  	s0 =	sadd.s32 $0x10400, s0  }
0x8c: {  	s31 =	sadd.s32 $0x10, s31;
	[tilespmem:s0+$0x80] =	vst v0  }
0x8d: {  	s1 =	sadd.s32 $0x20, s1;
	v0 =	vld [tilespmem:s31+$0x0]  }
0x8e: {  	_ =	sdelay $0x3  }
0x8f: {  	v1 =	vshll.u32 v0, $0x1  }
0x90: {  	v0 =	vand.u32 $0x7F, v0;
	v1 =	vand.u32 $0xFFFFFF00, v1  }
0x91: {  	v0 =	vor.u32 v0, v1;
	_ =	sdelay $0x4  }
0x92: {  	v1 =	vld.idx.msk [tilespmem:v0+s22+$0x0], $0xffff  }
0x93: {  	v0 =	vor.u32 $0x80, v0  }
0x94: {  	s0 =	sadd.s32 $0x10, s30  }
0x95: {  	s1 =	sand.u32 $0x700, s29;
	s0 =	sand.u32 $0x70, s0  }
0x96: {  	s0 =	sor.u32 s0, s1  }
0x97: {  	[tilespmem:s0+$0x10400] =	vst v1  }
0x98: {  	v0 =	vld.idx.msk [tilespmem:v0+s22+$0x0], $0xffff;
	_ =	sdelay $0x3  }
0x99: {  	s0 =	sadd.s32 $0x10400, s0  }
0x9a: {  	s1 =	rddreg [dreg:$0x4];
	[tilespmem:s0+$0x80] =	vst v0  }
0x9b: {  	[hbm4b:s1+s21] =	stream.strided.scatter [tilespmem:s25], [sflag:$0x3], $0x800, s22, s21, $0x38;
	[tilespmem:$0x10C00] =	vst v63  }
0x9c: {  	_ =	swait.ge [sflag:s20], $0x800  }
0x9d: {  	s5 =	sld [smem:$0x7EE]  }
0x9e: {  	[sflag:s20] =	ssyncset.done $0x0  }
0x9f: {  	[sflag:s20] =	ssyncadd.s32 $0xFFFFF800  }
0xa0: {  	[tilespmem:s22], [sflag:$0x1] =	stream.strided.gather [hbm4b:s5+s21], $0x8000, s22, s21, $0x38;
	[tilespmem:$0x10C00] =	vst v63  }
0xa1: {  	_ =	swait.ge [sflag:s26], $0x8000  }
0xa2: {  	[sflag:s26] =	ssyncset.done $0x0  }
0xa3: {  	s29 =	simm.s32 $0x0;
	[sflag:s26] =	ssyncadd.s32 $0xFFFF8000  }
0xa4: {  	v0 =	vld [tilespmem:s29+$0x0];
	_ =	sdelay $0x4  }
0xa5: {  	v1 =	vshll.u32 v0, $0x1  }
0xa6: {  	v0 =	vand.u32 $0x7F, v0;
	v1 =	vand.u32 $0xFFFFFF00, v1  }
0xa7: {  	v0 =	vor.u32 v0, v1;
	_ =	sdelay $0x4  }
0xa8: {  	v1 =	vld.idx.msk [tilespmem:v0+s23+$0x0], $0xffff  }
0xa9: {  	v0 =	vor.u32 $0x80, v0;
	_ =	sdelay $0x1  }
0xaa: {  	s1 =	sand.u32 $0x70, s29;
	s5 =	sand.u32 $0x700, s29  }
0xab: {  	s0 =	sor.u32 s1, s5  }
0xac: {  	[tilespmem:s0+$0x10400] =	vst v1  }
0xad: {  	v0 =	vld.idx.msk [tilespmem:v0+s23+$0x0], $0xffff;
	_ =	sdelay $0x3  }
0xae: {  	s0 =	sadd.s32 $0x10400, s0  }
0xaf: {  	s31 =	simm.s32 $0x10;
	[tilespmem:s0+$0x80] =	vst v0  }
0xb0: {  	s30 =	simm.s32 $0x20;
	s1 =	simm.s32 $0x40;
	v0 =	vld [tilespmem:s31+$0x0]  }
.LBB2_4:
0xb1: {  	p0 =	sne.s32 s1, $0x7E0;
	_ =	sdelay $0x3  }
0xb2: {  	v1 =	vshll.u32 v0, $0x1  }
0xb3: {  	v0 =	vand.u32 $0x7F, v0;
	v1 =	vand.u32 $0xFFFFFF00, v1  }
0xb4: {  	v0 =	vor.u32 v0, v1  }
0xb5: {  	v1 =	vor.u32 $0x80, v0;
	_ =	sdelay $0x3  }
0xb6: {  	v0 =	vld.idx.msk [tilespmem:v0+s23+$0x0], $0xffff;
	_ =	sdelay $0x2  }
0xb7: {  	s29 =	sadd.s32 $0x10, s29  }
0xb8: {  	s5 =	sand.u32 $0x700, s30;
	s30 =	smov.u32 s1;
	s0 =	sand.u32 $0x70, s29  }
0xb9: {  	s0 =	sor.u32 s0, s5  }
0xba: {  	[tilespmem:s0+$0x10400] =	vst v0  }
0xbb: {  	v0 =	vld.idx.msk [tilespmem:v1+s23+$0x0], $0xffff;
	_ =	sdelay $0x2  }
.Ltmp1:
0xbc: {  	(pc) =	sbr.rel @p0 .LBB2_4-.Ltmp1, $4  }
0xbd: {  	_ = 	snop  }
0xbe: {  	s0 =	sadd.s32 $0x10400, s0  }
0xbf: {  	s31 =	sadd.s32 $0x10, s31;
	[tilespmem:s0+$0x80] =	vst v0  }
0xc0: {  	s1 =	sadd.s32 $0x20, s1;
	v0 =	vld [tilespmem:s31+$0x0]  }
0xc1: {  	_ =	sdelay $0x3  }
0xc2: {  	v1 =	vshll.u32 v0, $0x1  }
0xc3: {  	v0 =	vand.u32 $0x7F, v0;
	v1 =	vand.u32 $0xFFFFFF00, v1  }
0xc4: {  	v0 =	vor.u32 v0, v1;
	_ =	sdelay $0x4  }
0xc5: {  	v1 =	vld.idx.msk [tilespmem:v0+s23+$0x0], $0xffff  }
0xc6: {  	v0 =	vor.u32 $0x80, v0  }
0xc7: {  	s0 =	sadd.s32 $0x10, s29  }
0xc8: {  	s1 =	sand.u32 $0x700, s30;
	s0 =	sand.u32 $0x70, s0  }
0xc9: {  	s0 =	sor.u32 s0, s1  }
0xca: {  	[tilespmem:s0+$0x10400] =	vst v1  }
0xcb: {  	v0 =	vld.idx.msk [tilespmem:v0+s23+$0x0], $0xffff;
	_ =	sdelay $0x3  }
0xcc: {  	s0 =	sadd.s32 $0x10400, s0  }
0xcd: {  	s1 =	rddreg [dreg:$0x5];
	[tilespmem:s0+$0x80] =	vst v0  }
0xce: {  	[hbm4b:s1+s21] =	stream.strided.scatter [tilespmem:s25], [sflag:$0x3], $0x800, s22, s21, $0x38;
	[tilespmem:$0x10C00] =	vst v63  }
0xcf: {  	_ =	swait.ge [sflag:s20], $0x800  }
0xd0: {  	s5 =	sld [smem:$0x7EF]  }
0xd1: {  	[sflag:s20] =	ssyncset.done $0x0  }
0xd2: {  	[sflag:s20] =	ssyncadd.s32 $0xFFFFF800  }
0xd3: {  	[tilespmem:s23], [sflag:$0x2] =	stream.strided.gather [hbm4b:s5+s21], $0x8000, s22, s21, $0x38;
	[tilespmem:$0x10C00] =	vst v63  }
0xd4: {  	_ =	swait.ge [sflag:s24], $0x8000  }
0xd5: {  	[sflag:s24] =	ssyncset.done $0x0  }
0xd6: {  	s29 =	simm.s32 $0x0;
	[sflag:s24] =	ssyncadd.s32 $0xFFFF8000  }
0xd7: {  	v0 =	vld [tilespmem:s29+$0x0];
	_ =	sdelay $0x4  }
0xd8: {  	v1 =	vshll.u32 v0, $0x1  }
0xd9: {  	v0 =	vand.u32 $0x7F, v0;
	v1 =	vand.u32 $0xFFFFFF00, v1  }
0xda: {  	v0 =	vor.u32 v0, v1;
	_ =	sdelay $0x4  }
0xdb: {  	v1 =	vld.idx.msk [tilespmem:v0+s22+$0x0], $0xffff  }
0xdc: {  	v0 =	vor.u32 $0x80, v0;
	_ =	sdelay $0x1  }
0xdd: {  	s1 =	sand.u32 $0x70, s29;
	s5 =	sand.u32 $0x700, s29  }
0xde: {  	s0 =	sor.u32 s1, s5  }
0xdf: {  	[tilespmem:s0+$0x10400] =	vst v1  }
0xe0: {  	v0 =	vld.idx.msk [tilespmem:v0+s22+$0x0], $0xffff;
	_ =	sdelay $0x3  }
0xe1: {  	s0 =	sadd.s32 $0x10400, s0  }
0xe2: {  	s31 =	simm.s32 $0x10;
	[tilespmem:s0+$0x80] =	vst v0  }
0xe3: {  	s30 =	simm.s32 $0x20;
	s1 =	simm.s32 $0x40;
	v0 =	vld [tilespmem:s31+$0x0]  }
.LBB2_6:
0xe4: {  	p0 =	sne.s32 s1, $0x7E0;
	_ =	sdelay $0x3  }
0xe5: {  	v1 =	vshll.u32 v0, $0x1  }
0xe6: {  	v0 =	vand.u32 $0x7F, v0;
	v1 =	vand.u32 $0xFFFFFF00, v1  }
0xe7: {  	v0 =	vor.u32 v0, v1  }
0xe8: {  	v1 =	vor.u32 $0x80, v0;
	_ =	sdelay $0x3  }
0xe9: {  	v0 =	vld.idx.msk [tilespmem:v0+s22+$0x0], $0xffff;
	_ =	sdelay $0x2  }
0xea: {  	s29 =	sadd.s32 $0x10, s29  }
0xeb: {  	s5 =	sand.u32 $0x700, s30;
	s30 =	smov.u32 s1;
	s0 =	sand.u32 $0x70, s29  }
0xec: {  	s0 =	sor.u32 s0, s5  }
0xed: {  	[tilespmem:s0+$0x10400] =	vst v0  }
0xee: {  	v0 =	vld.idx.msk [tilespmem:v1+s22+$0x0], $0xffff;
	_ =	sdelay $0x2  }
.Ltmp2:
0xef: {  	(pc) =	sbr.rel @p0 .LBB2_6-.Ltmp2, $4  }
0xf0: {  	_ = 	snop  }
0xf1: {  	s0 =	sadd.s32 $0x10400, s0  }
0xf2: {  	s31 =	sadd.s32 $0x10, s31;
	[tilespmem:s0+$0x80] =	vst v0  }
0xf3: {  	s1 =	sadd.s32 $0x20, s1;
	v0 =	vld [tilespmem:s31+$0x0]  }
0xf4: {  	_ =	sdelay $0x3  }
0xf5: {  	v1 =	vshll.u32 v0, $0x1  }
0xf6: {  	v0 =	vand.u32 $0x7F, v0;
	v1 =	vand.u32 $0xFFFFFF00, v1  }
0xf7: {  	v0 =	vor.u32 v0, v1;
	_ =	sdelay $0x4  }
0xf8: {  	v1 =	vld.idx.msk [tilespmem:v0+s22+$0x0], $0xffff  }
0xf9: {  	v0 =	vor.u32 $0x80, v0  }
0xfa: {  	s0 =	sadd.s32 $0x10, s29  }
0xfb: {  	s1 =	sand.u32 $0x700, s30;
	s0 =	sand.u32 $0x70, s0  }
0xfc: {  	s0 =	sor.u32 s0, s1  }
0xfd: {  	[tilespmem:s0+$0x10400] =	vst v1  }
0xfe: {  	v0 =	vld.idx.msk [tilespmem:v0+s22+$0x0], $0xffff;
	_ =	sdelay $0x3  }
0xff: {  	s0 =	sadd.s32 $0x10400, s0  }
0x100: {  	s1 =	rddreg [dreg:$0x6];
	[tilespmem:s0+$0x80] =	vst v0  }
0x101: {  	[hbm4b:s1+s21] =	stream.strided.scatter [tilespmem:s25], [sflag:$0x3], $0x800, s22, s21, $0x38;
	[tilespmem:$0x10C00] =	vst v63  }
0x102: {  	_ =	swait.ge [sflag:s20], $0x800  }
0x103: {  	s5 =	sld [smem:$0x7F0]  }
0x104: {  	[sflag:s20] =	ssyncset.done $0x0  }
0x105: {  	[sflag:s20] =	ssyncadd.s32 $0xFFFFF800  }
0x106: {  	[tilespmem:s22], [sflag:$0x1] =	stream.strided.gather [hbm4b:s5+s21], $0x8000, s22, s21, $0x38;
	[tilespmem:$0x10C00] =	vst v63  }
0x107: {  	_ =	swait.ge [sflag:s26], $0x8000  }
0x108: {  	[sflag:s26] =	ssyncset.done $0x0  }
0x109: {  	s29 =	simm.s32 $0x0;
	[sflag:s26] =	ssyncadd.s32 $0xFFFF8000  }
0x10a: {  	v0 =	vld [tilespmem:s29+$0x0];
	_ =	sdelay $0x4  }
0x10b: {  	v1 =	vshll.u32 v0, $0x1  }
0x10c: {  	v0 =	vand.u32 $0x7F, v0;
	v1 =	vand.u32 $0xFFFFFF00, v1  }
0x10d: {  	v0 =	vor.u32 v0, v1;
	_ =	sdelay $0x4  }
0x10e: {  	v1 =	vld.idx.msk [tilespmem:v0+s23+$0x0], $0xffff  }
0x10f: {  	v0 =	vor.u32 $0x80, v0;
	_ =	sdelay $0x1  }
0x110: {  	s1 =	sand.u32 $0x70, s29;
	s5 =	sand.u32 $0x700, s29  }
0x111: {  	s0 =	sor.u32 s1, s5  }
0x112: {  	[tilespmem:s0+$0x10400] =	vst v1  }
0x113: {  	v0 =	vld.idx.msk [tilespmem:v0+s23+$0x0], $0xffff;
	_ =	sdelay $0x3  }
0x114: {  	s0 =	sadd.s32 $0x10400, s0  }
0x115: {  	s31 =	simm.s32 $0x10;
	[tilespmem:s0+$0x80] =	vst v0  }
0x116: {  	s30 =	simm.s32 $0x20;
	s1 =	simm.s32 $0x40;
	v0 =	vld [tilespmem:s31+$0x0]  }
.LBB2_8:
0x117: {  	p0 =	sne.s32 s1, $0x7E0;
	_ =	sdelay $0x3  }
0x118: {  	v1 =	vshll.u32 v0, $0x1  }
0x119: {  	v0 =	vand.u32 $0x7F, v0;
	v1 =	vand.u32 $0xFFFFFF00, v1  }
0x11a: {  	v0 =	vor.u32 v0, v1  }
0x11b: {  	v1 =	vor.u32 $0x80, v0;
	_ =	sdelay $0x3  }
0x11c: {  	v0 =	vld.idx.msk [tilespmem:v0+s23+$0x0], $0xffff;
	_ =	sdelay $0x2  }
0x11d: {  	s29 =	sadd.s32 $0x10, s29  }
0x11e: {  	s5 =	sand.u32 $0x700, s30;
	s30 =	smov.u32 s1;
	s0 =	sand.u32 $0x70, s29  }
0x11f: {  	s0 =	sor.u32 s0, s5  }
0x120: {  	[tilespmem:s0+$0x10400] =	vst v0  }
0x121: {  	v0 =	vld.idx.msk [tilespmem:v1+s23+$0x0], $0xffff;
	_ =	sdelay $0x2  }
.Ltmp3:
0x122: {  	(pc) =	sbr.rel @p0 .LBB2_8-.Ltmp3, $4  }
0x123: {  	_ = 	snop  }
0x124: {  	s0 =	sadd.s32 $0x10400, s0  }
0x125: {  	s31 =	sadd.s32 $0x10, s31;
	[tilespmem:s0+$0x80] =	vst v0  }
0x126: {  	s1 =	sadd.s32 $0x20, s1;
	v0 =	vld [tilespmem:s31+$0x0]  }
0x127: {  	_ =	sdelay $0x3  }
0x128: {  	v1 =	vshll.u32 v0, $0x1  }
0x129: {  	v0 =	vand.u32 $0x7F, v0;
	v1 =	vand.u32 $0xFFFFFF00, v1  }
0x12a: {  	v0 =	vor.u32 v0, v1;
	_ =	sdelay $0x4  }
0x12b: {  	v1 =	vld.idx.msk [tilespmem:v0+s23+$0x0], $0xffff  }
0x12c: {  	v0 =	vor.u32 $0x80, v0  }
0x12d: {  	s0 =	sadd.s32 $0x10, s29  }
0x12e: {  	s1 =	sand.u32 $0x700, s30;
	s0 =	sand.u32 $0x70, s0  }
0x12f: {  	s0 =	sor.u32 s0, s1  }
0x130: {  	[tilespmem:s0+$0x10400] =	vst v1  }
0x131: {  	v0 =	vld.idx.msk [tilespmem:v0+s23+$0x0], $0xffff;
	_ =	sdelay $0x3  }
0x132: {  	s0 =	sadd.s32 $0x10400, s0  }
0x133: {  	s1 =	rddreg [dreg:$0x7];
	[tilespmem:s0+$0x80] =	vst v0  }
0x134: {  	[hbm4b:s1+s21] =	stream.strided.scatter [tilespmem:s25], [sflag:$0x3], $0x800, s22, s21, $0x38;
	[tilespmem:$0x10C00] =	vst v63  }
0x135: {  	_ =	swait.ge [sflag:s20], $0x800  }
0x136: {  	s5 =	sld [smem:$0x7F1]  }
0x137: {  	[sflag:s20] =	ssyncset.done $0x0  }
0x138: {  	[sflag:s20] =	ssyncadd.s32 $0xFFFFF800  }
0x139: {  	[tilespmem:s23], [sflag:$0x2] =	stream.strided.gather [hbm4b:s5+s21], $0x8000, s22, s21, $0x38;
	[tilespmem:$0x10C00] =	vst v63  }
0x13a: {  	_ =	swait.ge [sflag:s24], $0x8000  }
0x13b: {  	[sflag:s24] =	ssyncset.done $0x0  }
0x13c: {  	s29 =	simm.s32 $0x0;
	[sflag:s24] =	ssyncadd.s32 $0xFFFF8000  }
0x13d: {  	v0 =	vld [tilespmem:s29+$0x0];
	_ =	sdelay $0x4  }
0x13e: {  	v1 =	vshll.u32 v0, $0x1  }
0x13f: {  	v0 =	vand.u32 $0x7F, v0;
	v1 =	vand.u32 $0xFFFFFF00, v1  }
0x140: {  	v0 =	vor.u32 v0, v1;
	_ =	sdelay $0x4  }
0x141: {  	v1 =	vld.idx.msk [tilespmem:v0+s22+$0x0], $0xffff  }
0x142: {  	v0 =	vor.u32 $0x80, v0;
	_ =	sdelay $0x1  }
0x143: {  	s1 =	sand.u32 $0x70, s29;
	s5 =	sand.u32 $0x700, s29  }
0x144: {  	s0 =	sor.u32 s1, s5  }
0x145: {  	[tilespmem:s0+$0x10400] =	vst v1  }
0x146: {  	v0 =	vld.idx.msk [tilespmem:v0+s22+$0x0], $0xffff;
	_ =	sdelay $0x3  }
0x147: {  	s0 =	sadd.s32 $0x10400, s0  }
0x148: {  	s31 =	simm.s32 $0x10;
	[tilespmem:s0+$0x80] =	vst v0  }
0x149: {  	s30 =	simm.s32 $0x20;
	s1 =	simm.s32 $0x40;
	v0 =	vld [tilespmem:s31+$0x0]  }
.LBB2_10:
0x14a: {  	p0 =	sne.s32 s1, $0x7E0;
	_ =	sdelay $0x3  }
0x14b: {  	v1 =	vshll.u32 v0, $0x1  }
0x14c: {  	v0 =	vand.u32 $0x7F, v0;
	v1 =	vand.u32 $0xFFFFFF00, v1  }
0x14d: {  	v0 =	vor.u32 v0, v1  }
0x14e: {  	v1 =	vor.u32 $0x80, v0;
	_ =	sdelay $0x3  }
0x14f: {  	v0 =	vld.idx.msk [tilespmem:v0+s22+$0x0], $0xffff;
	_ =	sdelay $0x2  }
0x150: {  	s29 =	sadd.s32 $0x10, s29  }
0x151: {  	s5 =	sand.u32 $0x700, s30;
	s30 =	smov.u32 s1;
	s0 =	sand.u32 $0x70, s29  }
0x152: {  	s0 =	sor.u32 s0, s5  }
0x153: {  	[tilespmem:s0+$0x10400] =	vst v0  }
0x154: {  	v0 =	vld.idx.msk [tilespmem:v1+s22+$0x0], $0xffff;
	_ =	sdelay $0x2  }
.Ltmp4:
0x155: {  	(pc) =	sbr.rel @p0 .LBB2_10-.Ltmp4, $4  }
0x156: {  	_ = 	snop  }
0x157: {  	s0 =	sadd.s32 $0x10400, s0  }
0x158: {  	s31 =	sadd.s32 $0x10, s31;
	[tilespmem:s0+$0x80] =	vst v0  }
0x159: {  	s1 =	sadd.s32 $0x20, s1;
	v0 =	vld [tilespmem:s31+$0x0]  }
0x15a: {  	_ =	sdelay $0x3  }
0x15b: {  	v1 =	vshll.u32 v0, $0x1  }
0x15c: {  	v0 =	vand.u32 $0x7F, v0;
	v1 =	vand.u32 $0xFFFFFF00, v1  }
0x15d: {  	v0 =	vor.u32 v0, v1;
	_ =	sdelay $0x4  }
0x15e: {  	v1 =	vld.idx.msk [tilespmem:v0+s22+$0x0], $0xffff  }
0x15f: {  	v0 =	vor.u32 $0x80, v0  }
0x160: {  	s0 =	sadd.s32 $0x10, s29  }
0x161: {  	s1 =	sand.u32 $0x700, s30;
	s0 =	sand.u32 $0x70, s0  }
0x162: {  	s0 =	sor.u32 s0, s1  }
0x163: {  	[tilespmem:s0+$0x10400] =	vst v1  }
0x164: {  	v0 =	vld.idx.msk [tilespmem:v0+s22+$0x0], $0xffff;
	_ =	sdelay $0x3  }
0x165: {  	s0 =	sadd.s32 $0x10400, s0  }
0x166: {  	s1 =	rddreg [dreg:$0x8];
	[tilespmem:s0+$0x80] =	vst v0  }
0x167: {  	[hbm4b:s1+s21] =	stream.strided.scatter [tilespmem:s25], [sflag:$0x3], $0x800, s22, s21, $0x38;
	[tilespmem:$0x10C00] =	vst v63  }
0x168: {  	_ =	swait.ge [sflag:s20], $0x800  }
0x169: {  	s5 =	sld [smem:$0x7F2]  }
0x16a: {  	[sflag:s20] =	ssyncset.done $0x0  }
0x16b: {  	[sflag:s20] =	ssyncadd.s32 $0xFFFFF800  }
0x16c: {  	[tilespmem:s22], [sflag:$0x1] =	stream.strided.gather [hbm4b:s5+s21], $0x8000, s22, s21, $0x38;
	[tilespmem:$0x10C00] =	vst v63  }
0x16d: {  	_ =	swait.ge [sflag:s26], $0x8000  }
0x16e: {  	[sflag:s26] =	ssyncset.done $0x0  }
0x16f: {  	s29 =	simm.s32 $0x0;
	[sflag:s26] =	ssyncadd.s32 $0xFFFF8000  }
0x170: {  	v0 =	vld [tilespmem:s29+$0x0];
	_ =	sdelay $0x4  }
0x171: {  	v1 =	vshll.u32 v0, $0x1  }
0x172: {  	v0 =	vand.u32 $0x7F, v0;
	v1 =	vand.u32 $0xFFFFFF00, v1  }
0x173: {  	v0 =	vor.u32 v0, v1;
	_ =	sdelay $0x4  }
0x174: {  	v1 =	vld.idx.msk [tilespmem:v0+s23+$0x0], $0xffff  }
0x175: {  	v0 =	vor.u32 $0x80, v0;
	_ =	sdelay $0x1  }
0x176: {  	s1 =	sand.u32 $0x70, s29;
	s5 =	sand.u32 $0x700, s29  }
0x177: {  	s0 =	sor.u32 s1, s5  }
0x178: {  	[tilespmem:s0+$0x10400] =	vst v1  }
0x179: {  	v0 =	vld.idx.msk [tilespmem:v0+s23+$0x0], $0xffff;
	_ =	sdelay $0x3  }
0x17a: {  	s0 =	sadd.s32 $0x10400, s0  }
0x17b: {  	s31 =	simm.s32 $0x10;
	[tilespmem:s0+$0x80] =	vst v0  }
0x17c: {  	s30 =	simm.s32 $0x20;
	s1 =	simm.s32 $0x40;
	v0 =	vld [tilespmem:s31+$0x0]  }
.LBB2_12:
0x17d: {  	p0 =	sne.s32 s1, $0x7E0;
	_ =	sdelay $0x3  }
0x17e: {  	v1 =	vshll.u32 v0, $0x1  }
0x17f: {  	v0 =	vand.u32 $0x7F, v0;
	v1 =	vand.u32 $0xFFFFFF00, v1  }
0x180: {  	v0 =	vor.u32 v0, v1  }
0x181: {  	v1 =	vor.u32 $0x80, v0;
	_ =	sdelay $0x3  }
0x182: {  	v0 =	vld.idx.msk [tilespmem:v0+s23+$0x0], $0xffff;
	_ =	sdelay $0x2  }
0x183: {  	s29 =	sadd.s32 $0x10, s29  }
0x184: {  	s5 =	sand.u32 $0x700, s30;
	s30 =	smov.u32 s1;
	s0 =	sand.u32 $0x70, s29  }
0x185: {  	s0 =	sor.u32 s0, s5  }
0x186: {  	[tilespmem:s0+$0x10400] =	vst v0  }
0x187: {  	v0 =	vld.idx.msk [tilespmem:v1+s23+$0x0], $0xffff;
	_ =	sdelay $0x2  }
.Ltmp5:
0x188: {  	(pc) =	sbr.rel @p0 .LBB2_12-.Ltmp5, $4  }
0x189: {  	_ = 	snop  }
0x18a: {  	s0 =	sadd.s32 $0x10400, s0  }
0x18b: {  	s31 =	sadd.s32 $0x10, s31;
	[tilespmem:s0+$0x80] =	vst v0  }
0x18c: {  	s1 =	sadd.s32 $0x20, s1;
	v0 =	vld [tilespmem:s31+$0x0]  }
0x18d: {  	_ =	sdelay $0x3  }
0x18e: {  	v1 =	vshll.u32 v0, $0x1  }
0x18f: {  	v0 =	vand.u32 $0x7F, v0;
	v1 =	vand.u32 $0xFFFFFF00, v1  }
0x190: {  	v0 =	vor.u32 v0, v1;
	_ =	sdelay $0x4  }
0x191: {  	v1 =	vld.idx.msk [tilespmem:v0+s23+$0x0], $0xffff  }
0x192: {  	v0 =	vor.u32 $0x80, v0  }
0x193: {  	s0 =	sadd.s32 $0x10, s29  }
0x194: {  	s1 =	sand.u32 $0x700, s30;
	s0 =	sand.u32 $0x70, s0  }
0x195: {  	s0 =	sor.u32 s0, s1  }
0x196: {  	[tilespmem:s0+$0x10400] =	vst v1  }
0x197: {  	v0 =	vld.idx.msk [tilespmem:v0+s23+$0x0], $0xffff;
	_ =	sdelay $0x3  }
0x198: {  	s0 =	sadd.s32 $0x10400, s0  }
0x199: {  	s1 =	rddreg [dreg:$0x9];
	[tilespmem:s0+$0x80] =	vst v0  }
0x19a: {  	[hbm4b:s1+s21] =	stream.strided.scatter [tilespmem:s25], [sflag:$0x3], $0x800, s22, s21, $0x38;
	[tilespmem:$0x10C00] =	vst v63  }
0x19b: {  	_ =	swait.ge [sflag:s20], $0x800  }
0x19c: {  	s5 =	sld [smem:$0x7F3]  }
0x19d: {  	[sflag:s20] =	ssyncset.done $0x0  }
0x19e: {  	[sflag:s20] =	ssyncadd.s32 $0xFFFFF800  }
0x19f: {  	[tilespmem:s23], [sflag:$0x2] =	stream.strided.gather [hbm4b:s5+s21], $0x8000, s22, s21, $0x38;
	[tilespmem:$0x10C00] =	vst v63  }
0x1a0: {  	_ =	swait.ge [sflag:s24], $0x8000  }
0x1a1: {  	[sflag:s24] =	ssyncset.done $0x0  }
0x1a2: {  	s29 =	simm.s32 $0x0;
	[sflag:s24] =	ssyncadd.s32 $0xFFFF8000  }
0x1a3: {  	v0 =	vld [tilespmem:s29+$0x0];
	_ =	sdelay $0x4  }
0x1a4: {  	v1 =	vshll.u32 v0, $0x1  }
0x1a5: {  	v0 =	vand.u32 $0x7F, v0;
	v1 =	vand.u32 $0xFFFFFF00, v1  }
0x1a6: {  	v0 =	vor.u32 v0, v1;
	_ =	sdelay $0x4  }
0x1a7: {  	v1 =	vld.idx.msk [tilespmem:v0+s22+$0x0], $0xffff  }
0x1a8: {  	v0 =	vor.u32 $0x80, v0;
	_ =	sdelay $0x1  }
0x1a9: {  	s1 =	sand.u32 $0x70, s29;
	s5 =	sand.u32 $0x700, s29  }
0x1aa: {  	s0 =	sor.u32 s1, s5  }
0x1ab: {  	[tilespmem:s0+$0x10400] =	vst v1  }
0x1ac: {  	v0 =	vld.idx.msk [tilespmem:v0+s22+$0x0], $0xffff;
	_ =	sdelay $0x3  }
0x1ad: {  	s0 =	sadd.s32 $0x10400, s0  }
0x1ae: {  	s31 =	simm.s32 $0x10;
	[tilespmem:s0+$0x80] =	vst v0  }
0x1af: {  	s30 =	simm.s32 $0x20;
	s1 =	simm.s32 $0x40;
	v0 =	vld [tilespmem:s31+$0x0]  }
.LBB2_14:
0x1b0: {  	p0 =	sne.s32 s1, $0x7E0;
	_ =	sdelay $0x3  }
0x1b1: {  	v1 =	vshll.u32 v0, $0x1  }
0x1b2: {  	v0 =	vand.u32 $0x7F, v0;
	v1 =	vand.u32 $0xFFFFFF00, v1  }
0x1b3: {  	v0 =	vor.u32 v0, v1  }
0x1b4: {  	v1 =	vor.u32 $0x80, v0;
	_ =	sdelay $0x3  }
0x1b5: {  	v0 =	vld.idx.msk [tilespmem:v0+s22+$0x0], $0xffff;
	_ =	sdelay $0x2  }
0x1b6: {  	s29 =	sadd.s32 $0x10, s29  }
0x1b7: {  	s5 =	sand.u32 $0x700, s30;
	s30 =	smov.u32 s1;
	s0 =	sand.u32 $0x70, s29  }
0x1b8: {  	s0 =	sor.u32 s0, s5  }
0x1b9: {  	[tilespmem:s0+$0x10400] =	vst v0  }
0x1ba: {  	v0 =	vld.idx.msk [tilespmem:v1+s22+$0x0], $0xffff;
	_ =	sdelay $0x2  }
.Ltmp6:
0x1bb: {  	(pc) =	sbr.rel @p0 .LBB2_14-.Ltmp6, $4  }
0x1bc: {  	_ = 	snop  }
0x1bd: {  	s0 =	sadd.s32 $0x10400, s0  }
0x1be: {  	s31 =	sadd.s32 $0x10, s31;
	[tilespmem:s0+$0x80] =	vst v0  }
0x1bf: {  	s1 =	sadd.s32 $0x20, s1;
	v0 =	vld [tilespmem:s31+$0x0]  }
0x1c0: {  	_ =	sdelay $0x3  }
0x1c1: {  	v1 =	vshll.u32 v0, $0x1  }
0x1c2: {  	v0 =	vand.u32 $0x7F, v0;
	v1 =	vand.u32 $0xFFFFFF00, v1  }
0x1c3: {  	v0 =	vor.u32 v0, v1;
	_ =	sdelay $0x4  }
0x1c4: {  	v1 =	vld.idx.msk [tilespmem:v0+s22+$0x0], $0xffff  }
0x1c5: {  	v0 =	vor.u32 $0x80, v0  }
0x1c6: {  	s0 =	sadd.s32 $0x10, s29  }
0x1c7: {  	s1 =	sand.u32 $0x700, s30;
	s0 =	sand.u32 $0x70, s0  }
0x1c8: {  	s0 =	sor.u32 s0, s1  }
0x1c9: {  	[tilespmem:s0+$0x10400] =	vst v1  }
0x1ca: {  	v0 =	vld.idx.msk [tilespmem:v0+s22+$0x0], $0xffff;
	_ =	sdelay $0x3  }
0x1cb: {  	s0 =	sadd.s32 $0x10400, s0  }
0x1cc: {  	s1 =	rddreg [dreg:$0xa];
	[tilespmem:s0+$0x80] =	vst v0  }
0x1cd: {  	[hbm4b:s1+s21] =	stream.strided.scatter [tilespmem:s25], [sflag:$0x3], $0x800, s22, s21, $0x38;
	[tilespmem:$0x10C00] =	vst v63  }
0x1ce: {  	_ =	swait.ge [sflag:s20], $0x800  }
0x1cf: {  	s5 =	sld [smem:$0x7F4]  }
0x1d0: {  	[sflag:s20] =	ssyncset.done $0x0  }
0x1d1: {  	[sflag:s20] =	ssyncadd.s32 $0xFFFFF800  }
0x1d2: {  	[tilespmem:s22], [sflag:$0x1] =	stream.strided.gather [hbm4b:s5+s21], $0x8000, s22, s21, $0x38;
	[tilespmem:$0x10C00] =	vst v63  }
0x1d3: {  	_ =	swait.ge [sflag:s26], $0x8000  }
0x1d4: {  	[sflag:s26] =	ssyncset.done $0x0  }
0x1d5: {  	s29 =	simm.s32 $0x0;
	[sflag:s26] =	ssyncadd.s32 $0xFFFF8000  }
0x1d6: {  	v0 =	vld [tilespmem:s29+$0x0];
	_ =	sdelay $0x4  }
0x1d7: {  	v1 =	vshll.u32 v0, $0x1  }
0x1d8: {  	v0 =	vand.u32 $0x7F, v0;
	v1 =	vand.u32 $0xFFFFFF00, v1  }
0x1d9: {  	v0 =	vor.u32 v0, v1;
	_ =	sdelay $0x4  }
0x1da: {  	v1 =	vld.idx.msk [tilespmem:v0+s23+$0x0], $0xffff  }
0x1db: {  	v0 =	vor.u32 $0x80, v0;
	_ =	sdelay $0x1  }
0x1dc: {  	s1 =	sand.u32 $0x70, s29;
	s5 =	sand.u32 $0x700, s29  }
0x1dd: {  	s0 =	sor.u32 s1, s5  }
0x1de: {  	[tilespmem:s0+$0x10400] =	vst v1  }
0x1df: {  	v0 =	vld.idx.msk [tilespmem:v0+s23+$0x0], $0xffff;
	_ =	sdelay $0x3  }
0x1e0: {  	s0 =	sadd.s32 $0x10400, s0  }
0x1e1: {  	s31 =	simm.s32 $0x10;
	[tilespmem:s0+$0x80] =	vst v0  }
0x1e2: {  	s30 =	simm.s32 $0x20;
	s1 =	simm.s32 $0x40;
	v0 =	vld [tilespmem:s31+$0x0]  }
.LBB2_16:
0x1e3: {  	p0 =	sne.s32 s1, $0x7E0;
	_ =	sdelay $0x3  }
0x1e4: {  	v1 =	vshll.u32 v0, $0x1  }
0x1e5: {  	v0 =	vand.u32 $0x7F, v0;
	v1 =	vand.u32 $0xFFFFFF00, v1  }
0x1e6: {  	v0 =	vor.u32 v0, v1  }
0x1e7: {  	v1 =	vor.u32 $0x80, v0;
	_ =	sdelay $0x3  }
0x1e8: {  	v0 =	vld.idx.msk [tilespmem:v0+s23+$0x0], $0xffff;
	_ =	sdelay $0x2  }
0x1e9: {  	s29 =	sadd.s32 $0x10, s29  }
0x1ea: {  	s5 =	sand.u32 $0x700, s30;
	s30 =	smov.u32 s1;
	s0 =	sand.u32 $0x70, s29  }
0x1eb: {  	s0 =	sor.u32 s0, s5  }
0x1ec: {  	[tilespmem:s0+$0x10400] =	vst v0  }
0x1ed: {  	v0 =	vld.idx.msk [tilespmem:v1+s23+$0x0], $0xffff;
	_ =	sdelay $0x2  }
.Ltmp7:
0x1ee: {  	(pc) =	sbr.rel @p0 .LBB2_16-.Ltmp7, $4  }
0x1ef: {  	_ = 	snop  }
0x1f0: {  	s0 =	sadd.s32 $0x10400, s0  }
0x1f1: {  	s31 =	sadd.s32 $0x10, s31;
	[tilespmem:s0+$0x80] =	vst v0  }
0x1f2: {  	s1 =	sadd.s32 $0x20, s1;
	v0 =	vld [tilespmem:s31+$0x0]  }
0x1f3: {  	_ =	sdelay $0x3  }
0x1f4: {  	v1 =	vshll.u32 v0, $0x1  }
0x1f5: {  	v0 =	vand.u32 $0x7F, v0;
	v1 =	vand.u32 $0xFFFFFF00, v1  }
0x1f6: {  	v0 =	vor.u32 v0, v1;
	_ =	sdelay $0x4  }
0x1f7: {  	v1 =	vld.idx.msk [tilespmem:v0+s23+$0x0], $0xffff  }
0x1f8: {  	v0 =	vor.u32 $0x80, v0  }
0x1f9: {  	s0 =	sadd.s32 $0x10, s29  }
0x1fa: {  	s1 =	sand.u32 $0x700, s30;
	s0 =	sand.u32 $0x70, s0  }
0x1fb: {  	s0 =	sor.u32 s0, s1  }
0x1fc: {  	[tilespmem:s0+$0x10400] =	vst v1  }
0x1fd: {  	v0 =	vld.idx.msk [tilespmem:v0+s23+$0x0], $0xffff;
	_ =	sdelay $0x3  }
0x1fe: {  	s0 =	sadd.s32 $0x10400, s0  }
0x1ff: {  	s1 =	rddreg [dreg:$0xb];
	[tilespmem:s0+$0x80] =	vst v0  }
0x200: {  	[hbm4b:s1+s21] =	stream.strided.scatter [tilespmem:s25], [sflag:$0x3], $0x800, s22, s21, $0x38;
	[tilespmem:$0x10C00] =	vst v63  }
0x201: {  	_ =	swait.ge [sflag:s20], $0x800  }
0x202: {  	s5 =	sld [smem:$0x7F5]  }
0x203: {  	[sflag:s20] =	ssyncset.done $0x0  }
0x204: {  	[sflag:s20] =	ssyncadd.s32 $0xFFFFF800  }
0x205: {  	[tilespmem:s23], [sflag:$0x2] =	stream.strided.gather [hbm4b:s5+s21], $0x8000, s22, s21, $0x38;
	[tilespmem:$0x10C00] =	vst v63  }
0x206: {  	_ =	swait.ge [sflag:s24], $0x8000  }
0x207: {  	[sflag:s24] =	ssyncset.done $0x0  }
0x208: {  	s29 =	simm.s32 $0x0;
	[sflag:s24] =	ssyncadd.s32 $0xFFFF8000  }
0x209: {  	v0 =	vld [tilespmem:s29+$0x0];
	_ =	sdelay $0x4  }
0x20a: {  	v1 =	vshll.u32 v0, $0x1  }
0x20b: {  	v0 =	vand.u32 $0x7F, v0;
	v1 =	vand.u32 $0xFFFFFF00, v1  }
0x20c: {  	v0 =	vor.u32 v0, v1;
	_ =	sdelay $0x4  }
0x20d: {  	v1 =	vld.idx.msk [tilespmem:v0+s22+$0x0], $0xffff  }
0x20e: {  	v0 =	vor.u32 $0x80, v0;
	_ =	sdelay $0x1  }
0x20f: {  	s1 =	sand.u32 $0x70, s29;
	s5 =	sand.u32 $0x700, s29  }
0x210: {  	s0 =	sor.u32 s1, s5  }
0x211: {  	[tilespmem:s0+$0x10400] =	vst v1  }
0x212: {  	v0 =	vld.idx.msk [tilespmem:v0+s22+$0x0], $0xffff;
	_ =	sdelay $0x3  }
0x213: {  	s0 =	sadd.s32 $0x10400, s0  }
0x214: {  	s31 =	simm.s32 $0x10;
	[tilespmem:s0+$0x80] =	vst v0  }
0x215: {  	s30 =	simm.s32 $0x20;
	s1 =	simm.s32 $0x40;
	v0 =	vld [tilespmem:s31+$0x0]  }
.LBB2_18:
0x216: {  	p0 =	sne.s32 s1, $0x7E0;
	_ =	sdelay $0x3  }
0x217: {  	v1 =	vshll.u32 v0, $0x1  }
0x218: {  	v0 =	vand.u32 $0x7F, v0;
	v1 =	vand.u32 $0xFFFFFF00, v1  }
0x219: {  	v0 =	vor.u32 v0, v1  }
0x21a: {  	v1 =	vor.u32 $0x80, v0;
	_ =	sdelay $0x3  }
0x21b: {  	v0 =	vld.idx.msk [tilespmem:v0+s22+$0x0], $0xffff;
	_ =	sdelay $0x2  }
0x21c: {  	s29 =	sadd.s32 $0x10, s29  }
0x21d: {  	s5 =	sand.u32 $0x700, s30;
	s30 =	smov.u32 s1;
	s0 =	sand.u32 $0x70, s29  }
0x21e: {  	s0 =	sor.u32 s0, s5  }
0x21f: {  	[tilespmem:s0+$0x10400] =	vst v0  }
0x220: {  	v0 =	vld.idx.msk [tilespmem:v1+s22+$0x0], $0xffff;
	_ =	sdelay $0x2  }
.Ltmp8:
0x221: {  	(pc) =	sbr.rel @p0 .LBB2_18-.Ltmp8, $4  }
0x222: {  	_ = 	snop  }
0x223: {  	s0 =	sadd.s32 $0x10400, s0  }
0x224: {  	s31 =	sadd.s32 $0x10, s31;
	[tilespmem:s0+$0x80] =	vst v0  }
0x225: {  	s1 =	sadd.s32 $0x20, s1;
	v0 =	vld [tilespmem:s31+$0x0]  }
0x226: {  	_ =	sdelay $0x3  }
0x227: {  	v1 =	vshll.u32 v0, $0x1  }
0x228: {  	v0 =	vand.u32 $0x7F, v0;
	v1 =	vand.u32 $0xFFFFFF00, v1  }
0x229: {  	v0 =	vor.u32 v0, v1;
	_ =	sdelay $0x4  }
0x22a: {  	v1 =	vld.idx.msk [tilespmem:v0+s22+$0x0], $0xffff  }
0x22b: {  	v0 =	vor.u32 $0x80, v0  }
0x22c: {  	s0 =	sadd.s32 $0x10, s29  }
0x22d: {  	s1 =	sand.u32 $0x700, s30;
	s0 =	sand.u32 $0x70, s0  }
0x22e: {  	s0 =	sor.u32 s0, s1  }
0x22f: {  	[tilespmem:s0+$0x10400] =	vst v1  }
0x230: {  	v0 =	vld.idx.msk [tilespmem:v0+s22+$0x0], $0xffff;
	_ =	sdelay $0x3  }
0x231: {  	s0 =	sadd.s32 $0x10400, s0  }
0x232: {  	s1 =	rddreg [dreg:$0xc];
	[tilespmem:s0+$0x80] =	vst v0  }
0x233: {  	[hbm4b:s1+s21] =	stream.strided.scatter [tilespmem:s25], [sflag:$0x3], $0x800, s22, s21, $0x38;
	[tilespmem:$0x10C00] =	vst v63  }
0x234: {  	_ =	swait.ge [sflag:s20], $0x800  }
0x235: {  	s5 =	sld [smem:$0x7F6]  }
0x236: {  	[sflag:s20] =	ssyncset.done $0x0  }
0x237: {  	[sflag:s20] =	ssyncadd.s32 $0xFFFFF800  }
0x238: {  	[tilespmem:s22], [sflag:$0x1] =	stream.strided.gather [hbm4b:s5+s21], $0x8000, s22, s21, $0x38;
	[tilespmem:$0x10C00] =	vst v63  }
0x239: {  	_ =	swait.ge [sflag:s26], $0x8000  }
0x23a: {  	[sflag:s26] =	ssyncset.done $0x0  }
0x23b: {  	s29 =	simm.s32 $0x0;
	[sflag:s26] =	ssyncadd.s32 $0xFFFF8000  }
0x23c: {  	v0 =	vld [tilespmem:s29+$0x0];
	_ =	sdelay $0x4  }
0x23d: {  	v1 =	vshll.u32 v0, $0x1  }
0x23e: {  	v0 =	vand.u32 $0x7F, v0;
	v1 =	vand.u32 $0xFFFFFF00, v1  }
0x23f: {  	v0 =	vor.u32 v0, v1;
	_ =	sdelay $0x4  }
0x240: {  	v1 =	vld.idx.msk [tilespmem:v0+s23+$0x0], $0xffff  }
0x241: {  	v0 =	vor.u32 $0x80, v0;
	_ =	sdelay $0x1  }
0x242: {  	s1 =	sand.u32 $0x70, s29;
	s5 =	sand.u32 $0x700, s29  }
0x243: {  	s0 =	sor.u32 s1, s5  }
0x244: {  	[tilespmem:s0+$0x10400] =	vst v1  }
0x245: {  	v0 =	vld.idx.msk [tilespmem:v0+s23+$0x0], $0xffff;
	_ =	sdelay $0x3  }
0x246: {  	s0 =	sadd.s32 $0x10400, s0  }
0x247: {  	s31 =	simm.s32 $0x10;
	[tilespmem:s0+$0x80] =	vst v0  }
0x248: {  	s30 =	simm.s32 $0x20;
	s1 =	simm.s32 $0x40;
	v0 =	vld [tilespmem:s31+$0x0]  }
.LBB2_20:
0x249: {  	p0 =	sne.s32 s1, $0x7E0;
	_ =	sdelay $0x3  }
0x24a: {  	v1 =	vshll.u32 v0, $0x1  }
0x24b: {  	v0 =	vand.u32 $0x7F, v0;
	v1 =	vand.u32 $0xFFFFFF00, v1  }
0x24c: {  	v0 =	vor.u32 v0, v1  }
0x24d: {  	v1 =	vor.u32 $0x80, v0;
	_ =	sdelay $0x3  }
0x24e: {  	v0 =	vld.idx.msk [tilespmem:v0+s23+$0x0], $0xffff;
	_ =	sdelay $0x2  }
0x24f: {  	s29 =	sadd.s32 $0x10, s29  }
0x250: {  	s5 =	sand.u32 $0x700, s30;
	s30 =	smov.u32 s1;
	s0 =	sand.u32 $0x70, s29  }
0x251: {  	s0 =	sor.u32 s0, s5  }
0x252: {  	[tilespmem:s0+$0x10400] =	vst v0  }
0x253: {  	v0 =	vld.idx.msk [tilespmem:v1+s23+$0x0], $0xffff;
	_ =	sdelay $0x2  }
.Ltmp9:
0x254: {  	(pc) =	sbr.rel @p0 .LBB2_20-.Ltmp9, $4  }
0x255: {  	_ = 	snop  }
0x256: {  	s0 =	sadd.s32 $0x10400, s0  }
0x257: {  	s31 =	sadd.s32 $0x10, s31;
	[tilespmem:s0+$0x80] =	vst v0  }
0x258: {  	s1 =	sadd.s32 $0x20, s1;
	v0 =	vld [tilespmem:s31+$0x0]  }
0x259: {  	_ =	sdelay $0x3  }
0x25a: {  	v1 =	vshll.u32 v0, $0x1  }
0x25b: {  	v0 =	vand.u32 $0x7F, v0;
	v1 =	vand.u32 $0xFFFFFF00, v1  }
0x25c: {  	v0 =	vor.u32 v0, v1;
	_ =	sdelay $0x4  }
0x25d: {  	v1 =	vld.idx.msk [tilespmem:v0+s23+$0x0], $0xffff  }
0x25e: {  	v0 =	vor.u32 $0x80, v0  }
0x25f: {  	s0 =	sadd.s32 $0x10, s29  }
0x260: {  	s1 =	sand.u32 $0x700, s30;
	s0 =	sand.u32 $0x70, s0  }
0x261: {  	s0 =	sor.u32 s0, s1  }
0x262: {  	[tilespmem:s0+$0x10400] =	vst v1  }
0x263: {  	v0 =	vld.idx.msk [tilespmem:v0+s23+$0x0], $0xffff;
	_ =	sdelay $0x3  }
0x264: {  	s0 =	sadd.s32 $0x10400, s0  }
0x265: {  	s1 =	rddreg [dreg:$0xd];
	[tilespmem:s0+$0x80] =	vst v0  }
0x266: {  	[hbm4b:s1+s21] =	stream.strided.scatter [tilespmem:s25], [sflag:$0x3], $0x800, s22, s21, $0x38;
	[tilespmem:$0x10C00] =	vst v63  }
0x267: {  	_ =	swait.ge [sflag:s20], $0x800  }
0x268: {  	s5 =	sld [smem:$0x7F7]  }
0x269: {  	[sflag:s20] =	ssyncset.done $0x0  }
0x26a: {  	[sflag:s20] =	ssyncadd.s32 $0xFFFFF800  }
0x26b: {  	[tilespmem:s23], [sflag:$0x2] =	stream.strided.gather [hbm4b:s5+s21], $0x8000, s22, s21, $0x38;
	[tilespmem:$0x10C00] =	vst v63  }
0x26c: {  	_ =	swait.ge [sflag:s24], $0x8000  }
0x26d: {  	[sflag:s24] =	ssyncset.done $0x0  }
0x26e: {  	s29 =	simm.s32 $0x0;
	[sflag:s24] =	ssyncadd.s32 $0xFFFF8000  }
0x26f: {  	v0 =	vld [tilespmem:s29+$0x0];
	_ =	sdelay $0x4  }
0x270: {  	v1 =	vshll.u32 v0, $0x1  }
0x271: {  	v0 =	vand.u32 $0x7F, v0;
	v1 =	vand.u32 $0xFFFFFF00, v1  }
0x272: {  	v0 =	vor.u32 v0, v1;
	_ =	sdelay $0x4  }
0x273: {  	v1 =	vld.idx.msk [tilespmem:v0+s22+$0x0], $0xffff  }
0x274: {  	v0 =	vor.u32 $0x80, v0;
	_ =	sdelay $0x1  }
0x275: {  	s1 =	sand.u32 $0x70, s29;
	s5 =	sand.u32 $0x700, s29  }
0x276: {  	s0 =	sor.u32 s1, s5  }
0x277: {  	[tilespmem:s0+$0x10400] =	vst v1  }
0x278: {  	v0 =	vld.idx.msk [tilespmem:v0+s22+$0x0], $0xffff;
	_ =	sdelay $0x3  }
0x279: {  	s0 =	sadd.s32 $0x10400, s0  }
0x27a: {  	s31 =	simm.s32 $0x10;
	[tilespmem:s0+$0x80] =	vst v0  }
0x27b: {  	s30 =	simm.s32 $0x20;
	s1 =	simm.s32 $0x40;
	v0 =	vld [tilespmem:s31+$0x0]  }
.LBB2_22:
0x27c: {  	p0 =	sne.s32 s1, $0x7E0;
	_ =	sdelay $0x3  }
0x27d: {  	v1 =	vshll.u32 v0, $0x1  }
0x27e: {  	v0 =	vand.u32 $0x7F, v0;
	v1 =	vand.u32 $0xFFFFFF00, v1  }
0x27f: {  	v0 =	vor.u32 v0, v1  }
0x280: {  	v1 =	vor.u32 $0x80, v0;
	_ =	sdelay $0x3  }
0x281: {  	v0 =	vld.idx.msk [tilespmem:v0+s22+$0x0], $0xffff;
	_ =	sdelay $0x2  }
0x282: {  	s29 =	sadd.s32 $0x10, s29  }
0x283: {  	s5 =	sand.u32 $0x700, s30;
	s30 =	smov.u32 s1;
	s0 =	sand.u32 $0x70, s29  }
0x284: {  	s0 =	sor.u32 s0, s5  }
0x285: {  	[tilespmem:s0+$0x10400] =	vst v0  }
0x286: {  	v0 =	vld.idx.msk [tilespmem:v1+s22+$0x0], $0xffff;
	_ =	sdelay $0x2  }
.Ltmp10:
0x287: {  	(pc) =	sbr.rel @p0 .LBB2_22-.Ltmp10, $4  }
0x288: {  	_ = 	snop  }
0x289: {  	s0 =	sadd.s32 $0x10400, s0  }
0x28a: {  	s31 =	sadd.s32 $0x10, s31;
	[tilespmem:s0+$0x80] =	vst v0  }
0x28b: {  	s1 =	sadd.s32 $0x20, s1;
	v0 =	vld [tilespmem:s31+$0x0]  }
0x28c: {  	_ =	sdelay $0x3  }
0x28d: {  	v1 =	vshll.u32 v0, $0x1  }
0x28e: {  	v0 =	vand.u32 $0x7F, v0;
	v1 =	vand.u32 $0xFFFFFF00, v1  }
0x28f: {  	v0 =	vor.u32 v0, v1;
	_ =	sdelay $0x4  }
0x290: {  	v1 =	vld.idx.msk [tilespmem:v0+s22+$0x0], $0xffff  }
0x291: {  	v0 =	vor.u32 $0x80, v0  }
0x292: {  	s0 =	sadd.s32 $0x10, s29  }
0x293: {  	s1 =	sand.u32 $0x700, s30;
	s0 =	sand.u32 $0x70, s0  }
0x294: {  	s0 =	sor.u32 s0, s1  }
0x295: {  	[tilespmem:s0+$0x10400] =	vst v1  }
0x296: {  	v0 =	vld.idx.msk [tilespmem:v0+s22+$0x0], $0xffff;
	_ =	sdelay $0x3  }
0x297: {  	s0 =	sadd.s32 $0x10400, s0  }
0x298: {  	s1 =	rddreg [dreg:$0xe];
	[tilespmem:s0+$0x80] =	vst v0  }
0x299: {  	[hbm4b:s1+s21] =	stream.strided.scatter [tilespmem:s25], [sflag:$0x3], $0x800, s22, s21, $0x38;
	[tilespmem:$0x10C00] =	vst v63  }
0x29a: {  	_ =	swait.ge [sflag:s20], $0x800  }
0x29b: {  	s5 =	sld [smem:$0x7F8]  }
0x29c: {  	[sflag:s20] =	ssyncset.done $0x0  }
0x29d: {  	[sflag:s20] =	ssyncadd.s32 $0xFFFFF800  }
0x29e: {  	[tilespmem:s22], [sflag:$0x1] =	stream.strided.gather [hbm4b:s5+s21], $0x8000, s22, s21, $0x38;
	[tilespmem:$0x10C00] =	vst v63  }
0x29f: {  	_ =	swait.ge [sflag:s26], $0x8000  }
0x2a0: {  	[sflag:s26] =	ssyncset.done $0x0  }
0x2a1: {  	s29 =	simm.s32 $0x0;
	[sflag:s26] =	ssyncadd.s32 $0xFFFF8000  }
0x2a2: {  	v0 =	vld [tilespmem:s29+$0x0];
	_ =	sdelay $0x4  }
0x2a3: {  	v1 =	vshll.u32 v0, $0x1  }
0x2a4: {  	v0 =	vand.u32 $0x7F, v0;
	v1 =	vand.u32 $0xFFFFFF00, v1  }
0x2a5: {  	v0 =	vor.u32 v0, v1;
	_ =	sdelay $0x4  }
0x2a6: {  	v1 =	vld.idx.msk [tilespmem:v0+s23+$0x0], $0xffff  }
0x2a7: {  	v0 =	vor.u32 $0x80, v0;
	_ =	sdelay $0x1  }
0x2a8: {  	s1 =	sand.u32 $0x70, s29;
	s5 =	sand.u32 $0x700, s29  }
0x2a9: {  	s0 =	sor.u32 s1, s5  }
0x2aa: {  	[tilespmem:s0+$0x10400] =	vst v1  }
0x2ab: {  	v0 =	vld.idx.msk [tilespmem:v0+s23+$0x0], $0xffff;
	_ =	sdelay $0x3  }
0x2ac: {  	s0 =	sadd.s32 $0x10400, s0  }
0x2ad: {  	s31 =	simm.s32 $0x10;
	[tilespmem:s0+$0x80] =	vst v0  }
0x2ae: {  	s30 =	simm.s32 $0x20;
	s1 =	simm.s32 $0x40;
	v0 =	vld [tilespmem:s31+$0x0]  }
.LBB2_24:
0x2af: {  	p0 =	sne.s32 s1, $0x7E0;
	_ =	sdelay $0x3  }
0x2b0: {  	v1 =	vshll.u32 v0, $0x1  }
0x2b1: {  	v0 =	vand.u32 $0x7F, v0;
	v1 =	vand.u32 $0xFFFFFF00, v1  }
0x2b2: {  	v0 =	vor.u32 v0, v1  }
0x2b3: {  	v1 =	vor.u32 $0x80, v0;
	_ =	sdelay $0x3  }
0x2b4: {  	v0 =	vld.idx.msk [tilespmem:v0+s23+$0x0], $0xffff;
	_ =	sdelay $0x2  }
0x2b5: {  	s29 =	sadd.s32 $0x10, s29  }
0x2b6: {  	s5 =	sand.u32 $0x700, s30;
	s30 =	smov.u32 s1;
	s0 =	sand.u32 $0x70, s29  }
0x2b7: {  	s0 =	sor.u32 s0, s5  }
0x2b8: {  	[tilespmem:s0+$0x10400] =	vst v0  }
0x2b9: {  	v0 =	vld.idx.msk [tilespmem:v1+s23+$0x0], $0xffff;
	_ =	sdelay $0x2  }
.Ltmp11:
0x2ba: {  	(pc) =	sbr.rel @p0 .LBB2_24-.Ltmp11, $4  }
0x2bb: {  	_ = 	snop  }
0x2bc: {  	s0 =	sadd.s32 $0x10400, s0  }
0x2bd: {  	s31 =	sadd.s32 $0x10, s31;
	[tilespmem:s0+$0x80] =	vst v0  }
0x2be: {  	s1 =	sadd.s32 $0x20, s1;
	v0 =	vld [tilespmem:s31+$0x0]  }
0x2bf: {  	_ =	sdelay $0x3  }
0x2c0: {  	v1 =	vshll.u32 v0, $0x1  }
0x2c1: {  	v0 =	vand.u32 $0x7F, v0;
	v1 =	vand.u32 $0xFFFFFF00, v1  }
0x2c2: {  	v0 =	vor.u32 v0, v1;
	_ =	sdelay $0x4  }
0x2c3: {  	v1 =	vld.idx.msk [tilespmem:v0+s23+$0x0], $0xffff  }
0x2c4: {  	v0 =	vor.u32 $0x80, v0  }
0x2c5: {  	s0 =	sadd.s32 $0x10, s29  }
0x2c6: {  	s1 =	sand.u32 $0x700, s30;
	s0 =	sand.u32 $0x70, s0  }
0x2c7: {  	s0 =	sor.u32 s0, s1  }
0x2c8: {  	[tilespmem:s0+$0x10400] =	vst v1  }
0x2c9: {  	v0 =	vld.idx.msk [tilespmem:v0+s23+$0x0], $0xffff;
	_ =	sdelay $0x3  }
0x2ca: {  	s0 =	sadd.s32 $0x10400, s0  }
0x2cb: {  	s1 =	rddreg [dreg:$0xf];
	[tilespmem:s0+$0x80] =	vst v0  }
0x2cc: {  	[hbm4b:s1+s21] =	stream.strided.scatter [tilespmem:s25], [sflag:$0x3], $0x800, s22, s21, $0x38;
	[tilespmem:$0x10C00] =	vst v63  }
0x2cd: {  	_ =	swait.ge [sflag:s20], $0x800  }
0x2ce: {  	s5 =	sld [smem:$0x7F9]  }
0x2cf: {  	[sflag:s20] =	ssyncset.done $0x0  }
0x2d0: {  	[sflag:s20] =	ssyncadd.s32 $0xFFFFF800  }
0x2d1: {  	[tilespmem:s23], [sflag:$0x2] =	stream.strided.gather [hbm4b:s5+s21], $0x8000, s22, s21, $0x38;
	[tilespmem:$0x10C00] =	vst v63  }
0x2d2: {  	_ =	swait.ge [sflag:s24], $0x8000  }
0x2d3: {  	[sflag:s24] =	ssyncset.done $0x0  }
0x2d4: {  	s29 =	simm.s32 $0x0;
	[sflag:s24] =	ssyncadd.s32 $0xFFFF8000  }
0x2d5: {  	v0 =	vld [tilespmem:s29+$0x0];
	_ =	sdelay $0x4  }
0x2d6: {  	v1 =	vshll.u32 v0, $0x1  }
0x2d7: {  	v0 =	vand.u32 $0x7F, v0;
	v1 =	vand.u32 $0xFFFFFF00, v1  }
0x2d8: {  	v0 =	vor.u32 v0, v1;
	_ =	sdelay $0x4  }
0x2d9: {  	v1 =	vld.idx.msk [tilespmem:v0+s22+$0x0], $0xffff  }
0x2da: {  	v0 =	vor.u32 $0x80, v0;
	_ =	sdelay $0x1  }
0x2db: {  	s1 =	sand.u32 $0x70, s29;
	s5 =	sand.u32 $0x700, s29  }
0x2dc: {  	s0 =	sor.u32 s1, s5  }
0x2dd: {  	[tilespmem:s0+$0x10400] =	vst v1  }
0x2de: {  	v0 =	vld.idx.msk [tilespmem:v0+s22+$0x0], $0xffff;
	_ =	sdelay $0x3  }
0x2df: {  	s0 =	sadd.s32 $0x10400, s0  }
0x2e0: {  	s31 =	simm.s32 $0x10;
	[tilespmem:s0+$0x80] =	vst v0  }
0x2e1: {  	s30 =	simm.s32 $0x20;
	s1 =	simm.s32 $0x40;
	v0 =	vld [tilespmem:s31+$0x0]  }
.LBB2_26:
0x2e2: {  	p0 =	sne.s32 s1, $0x7E0;
	_ =	sdelay $0x3  }
0x2e3: {  	v1 =	vshll.u32 v0, $0x1  }
0x2e4: {  	v0 =	vand.u32 $0x7F, v0;
	v1 =	vand.u32 $0xFFFFFF00, v1  }
0x2e5: {  	v0 =	vor.u32 v0, v1  }
0x2e6: {  	v1 =	vor.u32 $0x80, v0;
	_ =	sdelay $0x3  }
0x2e7: {  	v0 =	vld.idx.msk [tilespmem:v0+s22+$0x0], $0xffff;
	_ =	sdelay $0x2  }
0x2e8: {  	s29 =	sadd.s32 $0x10, s29  }
0x2e9: {  	s5 =	sand.u32 $0x700, s30;
	s30 =	smov.u32 s1;
	s0 =	sand.u32 $0x70, s29  }
0x2ea: {  	s0 =	sor.u32 s0, s5  }
0x2eb: {  	[tilespmem:s0+$0x10400] =	vst v0  }
0x2ec: {  	v0 =	vld.idx.msk [tilespmem:v1+s22+$0x0], $0xffff;
	_ =	sdelay $0x2  }
.Ltmp12:
0x2ed: {  	(pc) =	sbr.rel @p0 .LBB2_26-.Ltmp12, $4  }
0x2ee: {  	_ = 	snop  }
0x2ef: {  	s0 =	sadd.s32 $0x10400, s0  }
0x2f0: {  	s31 =	sadd.s32 $0x10, s31;
	[tilespmem:s0+$0x80] =	vst v0  }
0x2f1: {  	s1 =	sadd.s32 $0x20, s1;
	v0 =	vld [tilespmem:s31+$0x0]  }
0x2f2: {  	_ =	sdelay $0x3  }
0x2f3: {  	v1 =	vshll.u32 v0, $0x1  }
0x2f4: {  	v0 =	vand.u32 $0x7F, v0;
	v1 =	vand.u32 $0xFFFFFF00, v1  }
0x2f5: {  	v0 =	vor.u32 v0, v1;
	_ =	sdelay $0x4  }
0x2f6: {  	v1 =	vld.idx.msk [tilespmem:v0+s22+$0x0], $0xffff  }
0x2f7: {  	v0 =	vor.u32 $0x80, v0  }
0x2f8: {  	s0 =	sadd.s32 $0x10, s29  }
0x2f9: {  	s1 =	sand.u32 $0x700, s30;
	s0 =	sand.u32 $0x70, s0  }
0x2fa: {  	s0 =	sor.u32 s0, s1  }
0x2fb: {  	[tilespmem:s0+$0x10400] =	vst v1  }
0x2fc: {  	v0 =	vld.idx.msk [tilespmem:v0+s22+$0x0], $0xffff;
	_ =	sdelay $0x3  }
0x2fd: {  	s0 =	sadd.s32 $0x10400, s0  }
0x2fe: {  	s1 =	rddreg [dreg:$0x10];
	[tilespmem:s0+$0x80] =	vst v0  }
0x2ff: {  	[hbm4b:s1+s21] =	stream.strided.scatter [tilespmem:s25], [sflag:$0x3], $0x800, s22, s21, $0x38;
	[tilespmem:$0x10C00] =	vst v63  }
0x300: {  	_ =	swait.ge [sflag:s20], $0x800  }
0x301: {  	s5 =	sld [smem:$0x7FA]  }
0x302: {  	[sflag:s20] =	ssyncset.done $0x0  }
0x303: {  	[sflag:s20] =	ssyncadd.s32 $0xFFFFF800  }
0x304: {  	[tilespmem:s22], [sflag:$0x1] =	stream.strided.gather [hbm4b:s5+s21], $0x8000, s22, s21, $0x38;
	[tilespmem:$0x10C00] =	vst v63  }
0x305: {  	_ =	swait.ge [sflag:s26], $0x8000  }
0x306: {  	[sflag:s26] =	ssyncset.done $0x0  }
0x307: {  	s29 =	simm.s32 $0x0;
	[sflag:s26] =	ssyncadd.s32 $0xFFFF8000  }
0x308: {  	v0 =	vld [tilespmem:s29+$0x0];
	_ =	sdelay $0x4  }
0x309: {  	v1 =	vshll.u32 v0, $0x1  }
0x30a: {  	v0 =	vand.u32 $0x7F, v0;
	v1 =	vand.u32 $0xFFFFFF00, v1  }
0x30b: {  	v0 =	vor.u32 v0, v1;
	_ =	sdelay $0x4  }
0x30c: {  	v1 =	vld.idx.msk [tilespmem:v0+s23+$0x0], $0xffff  }
0x30d: {  	v0 =	vor.u32 $0x80, v0;
	_ =	sdelay $0x1  }
0x30e: {  	s1 =	sand.u32 $0x70, s29;
	s5 =	sand.u32 $0x700, s29  }
0x30f: {  	s0 =	sor.u32 s1, s5  }
0x310: {  	[tilespmem:s0+$0x10400] =	vst v1  }
0x311: {  	v0 =	vld.idx.msk [tilespmem:v0+s23+$0x0], $0xffff;
	_ =	sdelay $0x3  }
0x312: {  	s0 =	sadd.s32 $0x10400, s0  }
0x313: {  	s31 =	simm.s32 $0x10;
	[tilespmem:s0+$0x80] =	vst v0  }
0x314: {  	s30 =	simm.s32 $0x20;
	s1 =	simm.s32 $0x40;
	v0 =	vld [tilespmem:s31+$0x0]  }
.LBB2_28:
0x315: {  	p0 =	sne.s32 s1, $0x7E0;
	_ =	sdelay $0x3  }
0x316: {  	v1 =	vshll.u32 v0, $0x1  }
0x317: {  	v0 =	vand.u32 $0x7F, v0;
	v1 =	vand.u32 $0xFFFFFF00, v1  }
0x318: {  	v0 =	vor.u32 v0, v1  }
0x319: {  	v1 =	vor.u32 $0x80, v0;
	_ =	sdelay $0x3  }
0x31a: {  	v0 =	vld.idx.msk [tilespmem:v0+s23+$0x0], $0xffff;
	_ =	sdelay $0x2  }
0x31b: {  	s29 =	sadd.s32 $0x10, s29  }
0x31c: {  	s5 =	sand.u32 $0x700, s30;
	s30 =	smov.u32 s1;
	s0 =	sand.u32 $0x70, s29  }
0x31d: {  	s0 =	sor.u32 s0, s5  }
0x31e: {  	[tilespmem:s0+$0x10400] =	vst v0  }
0x31f: {  	v0 =	vld.idx.msk [tilespmem:v1+s23+$0x0], $0xffff;
	_ =	sdelay $0x2  }
.Ltmp13:
0x320: {  	(pc) =	sbr.rel @p0 .LBB2_28-.Ltmp13, $4  }
0x321: {  	_ = 	snop  }
0x322: {  	s0 =	sadd.s32 $0x10400, s0  }
0x323: {  	s31 =	sadd.s32 $0x10, s31;
	[tilespmem:s0+$0x80] =	vst v0  }
0x324: {  	s1 =	sadd.s32 $0x20, s1;
	v0 =	vld [tilespmem:s31+$0x0]  }
0x325: {  	_ =	sdelay $0x3  }
0x326: {  	v1 =	vshll.u32 v0, $0x1  }
0x327: {  	v0 =	vand.u32 $0x7F, v0;
	v1 =	vand.u32 $0xFFFFFF00, v1  }
0x328: {  	v0 =	vor.u32 v0, v1;
	_ =	sdelay $0x4  }
0x329: {  	v1 =	vld.idx.msk [tilespmem:v0+s23+$0x0], $0xffff  }
0x32a: {  	v0 =	vor.u32 $0x80, v0  }
0x32b: {  	s0 =	sadd.s32 $0x10, s29  }
0x32c: {  	s1 =	sand.u32 $0x700, s30;
	s0 =	sand.u32 $0x70, s0  }
0x32d: {  	s0 =	sor.u32 s0, s1  }
0x32e: {  	[tilespmem:s0+$0x10400] =	vst v1  }
0x32f: {  	v0 =	vld.idx.msk [tilespmem:v0+s23+$0x0], $0xffff;
	_ =	sdelay $0x3  }
0x330: {  	s0 =	sadd.s32 $0x10400, s0  }
0x331: {  	s1 =	rddreg [dreg:$0x11];
	[tilespmem:s0+$0x80] =	vst v0  }
0x332: {  	[hbm4b:s1+s21] =	stream.strided.scatter [tilespmem:s25], [sflag:$0x3], $0x800, s22, s21, $0x38;
	[tilespmem:$0x10C00] =	vst v63  }
0x333: {  	_ =	swait.ge [sflag:s20], $0x800  }
0x334: {  	s5 =	sld [smem:$0x7FB]  }
0x335: {  	[sflag:s20] =	ssyncset.done $0x0  }
0x336: {  	[sflag:s20] =	ssyncadd.s32 $0xFFFFF800  }
0x337: {  	[tilespmem:s23], [sflag:$0x2] =	stream.strided.gather [hbm4b:s5+s21], $0x8000, s22, s21, $0x38;
	[tilespmem:$0x10C00] =	vst v63  }
0x338: {  	_ =	swait.ge [sflag:s24], $0x8000  }
0x339: {  	[sflag:s24] =	ssyncset.done $0x0  }
0x33a: {  	s29 =	simm.s32 $0x0;
	[sflag:s24] =	ssyncadd.s32 $0xFFFF8000  }
0x33b: {  	v0 =	vld [tilespmem:s29+$0x0];
	_ =	sdelay $0x4  }
0x33c: {  	v1 =	vshll.u32 v0, $0x1  }
0x33d: {  	v0 =	vand.u32 $0x7F, v0;
	v1 =	vand.u32 $0xFFFFFF00, v1  }
0x33e: {  	v0 =	vor.u32 v0, v1;
	_ =	sdelay $0x4  }
0x33f: {  	v1 =	vld.idx.msk [tilespmem:v0+s22+$0x0], $0xffff  }
0x340: {  	v0 =	vor.u32 $0x80, v0;
	_ =	sdelay $0x1  }
0x341: {  	s1 =	sand.u32 $0x70, s29;
	s5 =	sand.u32 $0x700, s29  }
0x342: {  	s0 =	sor.u32 s1, s5  }
0x343: {  	[tilespmem:s0+$0x10400] =	vst v1  }
0x344: {  	v0 =	vld.idx.msk [tilespmem:v0+s22+$0x0], $0xffff;
	_ =	sdelay $0x3  }
0x345: {  	s0 =	sadd.s32 $0x10400, s0  }
0x346: {  	s31 =	simm.s32 $0x10;
	[tilespmem:s0+$0x80] =	vst v0  }
0x347: {  	s30 =	simm.s32 $0x20;
	s1 =	simm.s32 $0x40;
	v0 =	vld [tilespmem:s31+$0x0]  }
.LBB2_30:
0x348: {  	p0 =	sne.s32 s1, $0x7E0;
	_ =	sdelay $0x3  }
0x349: {  	v1 =	vshll.u32 v0, $0x1  }
0x34a: {  	v0 =	vand.u32 $0x7F, v0;
	v1 =	vand.u32 $0xFFFFFF00, v1  }
0x34b: {  	v0 =	vor.u32 v0, v1  }
0x34c: {  	v1 =	vor.u32 $0x80, v0;
	_ =	sdelay $0x3  }
0x34d: {  	v0 =	vld.idx.msk [tilespmem:v0+s22+$0x0], $0xffff;
	_ =	sdelay $0x2  }
0x34e: {  	s29 =	sadd.s32 $0x10, s29  }
0x34f: {  	s5 =	sand.u32 $0x700, s30;
	s30 =	smov.u32 s1;
	s0 =	sand.u32 $0x70, s29  }
0x350: {  	s0 =	sor.u32 s0, s5  }
0x351: {  	[tilespmem:s0+$0x10400] =	vst v0  }
0x352: {  	v0 =	vld.idx.msk [tilespmem:v1+s22+$0x0], $0xffff;
	_ =	sdelay $0x2  }
.Ltmp14:
0x353: {  	(pc) =	sbr.rel @p0 .LBB2_30-.Ltmp14, $4  }
0x354: {  	_ = 	snop  }
0x355: {  	s0 =	sadd.s32 $0x10400, s0  }
0x356: {  	s31 =	sadd.s32 $0x10, s31;
	[tilespmem:s0+$0x80] =	vst v0  }
0x357: {  	s1 =	sadd.s32 $0x20, s1;
	v0 =	vld [tilespmem:s31+$0x0]  }
0x358: {  	_ =	sdelay $0x3  }
0x359: {  	v1 =	vshll.u32 v0, $0x1  }
0x35a: {  	v0 =	vand.u32 $0x7F, v0;
	v1 =	vand.u32 $0xFFFFFF00, v1  }
0x35b: {  	v0 =	vor.u32 v0, v1;
	_ =	sdelay $0x4  }
0x35c: {  	v1 =	vld.idx.msk [tilespmem:v0+s22+$0x0], $0xffff  }
0x35d: {  	v0 =	vor.u32 $0x80, v0  }
0x35e: {  	s0 =	sadd.s32 $0x10, s29  }
0x35f: {  	s1 =	sand.u32 $0x700, s30;
	s0 =	sand.u32 $0x70, s0  }
0x360: {  	s0 =	sor.u32 s0, s1  }
0x361: {  	[tilespmem:s0+$0x10400] =	vst v1  }
0x362: {  	v0 =	vld.idx.msk [tilespmem:v0+s22+$0x0], $0xffff;
	_ =	sdelay $0x3  }
0x363: {  	s0 =	sadd.s32 $0x10400, s0  }
0x364: {  	s1 =	rddreg [dreg:$0x12];
	[tilespmem:s0+$0x80] =	vst v0  }
0x365: {  	[hbm4b:s1+s21] =	stream.strided.scatter [tilespmem:s25], [sflag:$0x3], $0x800, s22, s21, $0x38;
	[tilespmem:$0x10C00] =	vst v63  }
0x366: {  	_ =	swait.ge [sflag:s20], $0x800  }
0x367: {  	s5 =	sld [smem:$0x7FC]  }
0x368: {  	[sflag:s20] =	ssyncset.done $0x0  }
0x369: {  	[sflag:s20] =	ssyncadd.s32 $0xFFFFF800  }
0x36a: {  	[tilespmem:s22], [sflag:$0x1] =	stream.strided.gather [hbm4b:s5+s21], $0x8000, s22, s21, $0x38;
	[tilespmem:$0x10C00] =	vst v63  }
0x36b: {  	_ =	swait.ge [sflag:s26], $0x8000  }
0x36c: {  	[sflag:s26] =	ssyncset.done $0x0  }
0x36d: {  	s29 =	simm.s32 $0x0;
	[sflag:s26] =	ssyncadd.s32 $0xFFFF8000  }
0x36e: {  	v0 =	vld [tilespmem:s29+$0x0];
	_ =	sdelay $0x4  }
0x36f: {  	v1 =	vshll.u32 v0, $0x1  }
0x370: {  	v0 =	vand.u32 $0x7F, v0;
	v1 =	vand.u32 $0xFFFFFF00, v1  }
0x371: {  	v0 =	vor.u32 v0, v1;
	_ =	sdelay $0x4  }
0x372: {  	v1 =	vld.idx.msk [tilespmem:v0+s23+$0x0], $0xffff  }
0x373: {  	v0 =	vor.u32 $0x80, v0;
	_ =	sdelay $0x1  }
0x374: {  	s1 =	sand.u32 $0x70, s29;
	s5 =	sand.u32 $0x700, s29  }
0x375: {  	s0 =	sor.u32 s1, s5  }
0x376: {  	[tilespmem:s0+$0x10400] =	vst v1  }
0x377: {  	v0 =	vld.idx.msk [tilespmem:v0+s23+$0x0], $0xffff;
	_ =	sdelay $0x3  }
0x378: {  	s0 =	sadd.s32 $0x10400, s0  }
0x379: {  	s31 =	simm.s32 $0x10;
	[tilespmem:s0+$0x80] =	vst v0  }
0x37a: {  	s30 =	simm.s32 $0x20;
	s1 =	simm.s32 $0x40;
	v0 =	vld [tilespmem:s31+$0x0]  }
.LBB2_32:
0x37b: {  	p0 =	sne.s32 s1, $0x7E0;
	_ =	sdelay $0x3  }
0x37c: {  	v1 =	vshll.u32 v0, $0x1  }
0x37d: {  	v0 =	vand.u32 $0x7F, v0;
	v1 =	vand.u32 $0xFFFFFF00, v1  }
0x37e: {  	v0 =	vor.u32 v0, v1  }
0x37f: {  	v1 =	vor.u32 $0x80, v0;
	_ =	sdelay $0x3  }
0x380: {  	v0 =	vld.idx.msk [tilespmem:v0+s23+$0x0], $0xffff;
	_ =	sdelay $0x2  }
0x381: {  	s29 =	sadd.s32 $0x10, s29  }
0x382: {  	s5 =	sand.u32 $0x700, s30;
	s30 =	smov.u32 s1;
	s0 =	sand.u32 $0x70, s29  }
0x383: {  	s0 =	sor.u32 s0, s5  }
0x384: {  	[tilespmem:s0+$0x10400] =	vst v0  }
0x385: {  	v0 =	vld.idx.msk [tilespmem:v1+s23+$0x0], $0xffff;
	_ =	sdelay $0x2  }
.Ltmp15:
0x386: {  	(pc) =	sbr.rel @p0 .LBB2_32-.Ltmp15, $4  }
0x387: {  	_ = 	snop  }
0x388: {  	s0 =	sadd.s32 $0x10400, s0  }
0x389: {  	s31 =	sadd.s32 $0x10, s31;
	[tilespmem:s0+$0x80] =	vst v0  }
0x38a: {  	s1 =	sadd.s32 $0x20, s1;
	v0 =	vld [tilespmem:s31+$0x0]  }
0x38b: {  	_ =	sdelay $0x3  }
0x38c: {  	v1 =	vshll.u32 v0, $0x1  }
0x38d: {  	v0 =	vand.u32 $0x7F, v0;
	v1 =	vand.u32 $0xFFFFFF00, v1  }
0x38e: {  	v0 =	vor.u32 v0, v1;
	_ =	sdelay $0x4  }
0x38f: {  	v1 =	vld.idx.msk [tilespmem:v0+s23+$0x0], $0xffff  }
0x390: {  	v0 =	vor.u32 $0x80, v0  }
0x391: {  	s0 =	sadd.s32 $0x10, s29  }
0x392: {  	s1 =	sand.u32 $0x700, s30;
	s0 =	sand.u32 $0x70, s0  }
0x393: {  	s0 =	sor.u32 s0, s1  }
0x394: {  	[tilespmem:s0+$0x10400] =	vst v1  }
0x395: {  	v0 =	vld.idx.msk [tilespmem:v0+s23+$0x0], $0xffff;
	_ =	sdelay $0x3  }
0x396: {  	s0 =	sadd.s32 $0x10400, s0  }
0x397: {  	s1 =	rddreg [dreg:$0x13];
	[tilespmem:s0+$0x80] =	vst v0  }
0x398: {  	[hbm4b:s1+s21] =	stream.strided.scatter [tilespmem:s25], [sflag:$0x3], $0x800, s22, s21, $0x38;
	[tilespmem:$0x10C00] =	vst v63  }
0x399: {  	_ =	swait.ge [sflag:s20], $0x800  }
0x39a: {  	s5 =	sld [smem:$0x7FD]  }
0x39b: {  	[sflag:s20] =	ssyncset.done $0x0  }
0x39c: {  	[sflag:s20] =	ssyncadd.s32 $0xFFFFF800  }
0x39d: {  	[tilespmem:s23], [sflag:$0x2] =	stream.strided.gather [hbm4b:s5+s21], $0x8000, s22, s21, $0x38;
	[tilespmem:$0x10C00] =	vst v63  }
0x39e: {  	_ =	swait.ge [sflag:s24], $0x8000  }
0x39f: {  	[sflag:s24] =	ssyncset.done $0x0  }
0x3a0: {  	s29 =	simm.s32 $0x0;
	[sflag:s24] =	ssyncadd.s32 $0xFFFF8000  }
0x3a1: {  	v0 =	vld [tilespmem:s29+$0x0];
	_ =	sdelay $0x4  }
0x3a2: {  	v1 =	vshll.u32 v0, $0x1  }
0x3a3: {  	v0 =	vand.u32 $0x7F, v0;
	v1 =	vand.u32 $0xFFFFFF00, v1  }
0x3a4: {  	v0 =	vor.u32 v0, v1;
	_ =	sdelay $0x4  }
0x3a5: {  	v1 =	vld.idx.msk [tilespmem:v0+s22+$0x0], $0xffff  }
0x3a6: {  	v0 =	vor.u32 $0x80, v0;
	_ =	sdelay $0x1  }
0x3a7: {  	s1 =	sand.u32 $0x70, s29;
	s5 =	sand.u32 $0x700, s29  }
0x3a8: {  	s0 =	sor.u32 s1, s5  }
0x3a9: {  	[tilespmem:s0+$0x10400] =	vst v1  }
0x3aa: {  	v0 =	vld.idx.msk [tilespmem:v0+s22+$0x0], $0xffff;
	_ =	sdelay $0x3  }
0x3ab: {  	s0 =	sadd.s32 $0x10400, s0  }
0x3ac: {  	s31 =	simm.s32 $0x10;
	[tilespmem:s0+$0x80] =	vst v0  }
0x3ad: {  	s30 =	simm.s32 $0x20;
	s1 =	simm.s32 $0x40;
	v0 =	vld [tilespmem:s31+$0x0]  }
.LBB2_34:
0x3ae: {  	p0 =	sne.s32 s1, $0x7E0;
	_ =	sdelay $0x3  }
0x3af: {  	v1 =	vshll.u32 v0, $0x1  }
0x3b0: {  	v0 =	vand.u32 $0x7F, v0;
	v1 =	vand.u32 $0xFFFFFF00, v1  }
0x3b1: {  	v0 =	vor.u32 v0, v1  }
0x3b2: {  	v1 =	vor.u32 $0x80, v0;
	_ =	sdelay $0x3  }
0x3b3: {  	v0 =	vld.idx.msk [tilespmem:v0+s22+$0x0], $0xffff;
	_ =	sdelay $0x2  }
0x3b4: {  	s29 =	sadd.s32 $0x10, s29  }
0x3b5: {  	s5 =	sand.u32 $0x700, s30;
	s30 =	smov.u32 s1;
	s0 =	sand.u32 $0x70, s29  }
0x3b6: {  	s0 =	sor.u32 s0, s5  }
0x3b7: {  	[tilespmem:s0+$0x10400] =	vst v0  }
0x3b8: {  	v0 =	vld.idx.msk [tilespmem:v1+s22+$0x0], $0xffff;
	_ =	sdelay $0x2  }
.Ltmp16:
0x3b9: {  	(pc) =	sbr.rel @p0 .LBB2_34-.Ltmp16, $4  }
0x3ba: {  	_ = 	snop  }
0x3bb: {  	s0 =	sadd.s32 $0x10400, s0  }
0x3bc: {  	s31 =	sadd.s32 $0x10, s31;
	[tilespmem:s0+$0x80] =	vst v0  }
0x3bd: {  	s1 =	sadd.s32 $0x20, s1;
	v0 =	vld [tilespmem:s31+$0x0]  }
0x3be: {  	_ =	sdelay $0x3  }
0x3bf: {  	v1 =	vshll.u32 v0, $0x1  }
0x3c0: {  	v0 =	vand.u32 $0x7F, v0;
	v1 =	vand.u32 $0xFFFFFF00, v1  }
0x3c1: {  	v0 =	vor.u32 v0, v1;
	_ =	sdelay $0x4  }
0x3c2: {  	v1 =	vld.idx.msk [tilespmem:v0+s22+$0x0], $0xffff  }
0x3c3: {  	v0 =	vor.u32 $0x80, v0  }
0x3c4: {  	s0 =	sadd.s32 $0x10, s29  }
0x3c5: {  	s1 =	sand.u32 $0x700, s30;
	s0 =	sand.u32 $0x70, s0  }
0x3c6: {  	s0 =	sor.u32 s0, s1  }
0x3c7: {  	[tilespmem:s0+$0x10400] =	vst v1  }
0x3c8: {  	v0 =	vld.idx.msk [tilespmem:v0+s22+$0x0], $0xffff;
	_ =	sdelay $0x3  }
0x3c9: {  	s0 =	sadd.s32 $0x10400, s0  }
0x3ca: {  	s5 =	rddreg [dreg:$0x14];
	[tilespmem:s0+$0x80] =	vst v0  }
0x3cb: {  	[hbm4b:s5+s21] =	stream.strided.scatter [tilespmem:s25], [sflag:$0x3], $0x800, s22, s21, $0x38;
	[tilespmem:$0x10C00] =	vst v63  }
0x3cc: {  	_ =	swait.ge [sflag:s20], $0x800  }
0x3cd: {  	[sflag:s20] =	ssyncset.done $0x0  }
0x3ce: {  	[sflag:s20] =	ssyncadd.s32 $0xFFFFF800  }
0x3cf: {  	[tilespmem:s22], [sflag:$0x1] =	stream.strided.gather [hbm4b:s6+s21], $0x8000, s22, s21, $0x38;
	[tilespmem:$0x10C00] =	vst v63  }
0x3d0: {  	_ =	swait.ge [sflag:s26], $0x8000  }
0x3d1: {  	[sflag:s26] =	ssyncset.done $0x0  }
0x3d2: {  	s29 =	simm.s32 $0x0;
	[sflag:s26] =	ssyncadd.s32 $0xFFFF8000  }
0x3d3: {  	v0 =	vld [tilespmem:s29+$0x0];
	_ =	sdelay $0x4  }
0x3d4: {  	v1 =	vshll.u32 v0, $0x1  }
0x3d5: {  	v0 =	vand.u32 $0x7F, v0;
	v1 =	vand.u32 $0xFFFFFF00, v1  }
0x3d6: {  	v0 =	vor.u32 v0, v1;
	_ =	sdelay $0x4  }
0x3d7: {  	v1 =	vld.idx.msk [tilespmem:v0+s23+$0x0], $0xffff  }
0x3d8: {  	v0 =	vor.u32 $0x80, v0;
	_ =	sdelay $0x1  }
0x3d9: {  	s1 =	sand.u32 $0x70, s29;
	s5 =	sand.u32 $0x700, s29  }
0x3da: {  	s0 =	sor.u32 s1, s5  }
0x3db: {  	[tilespmem:s0+$0x10400] =	vst v1  }
0x3dc: {  	v0 =	vld.idx.msk [tilespmem:v0+s23+$0x0], $0xffff;
	_ =	sdelay $0x3  }
0x3dd: {  	s0 =	sadd.s32 $0x10400, s0  }
0x3de: {  	s31 =	simm.s32 $0x10;
	[tilespmem:s0+$0x80] =	vst v0  }
0x3df: {  	s30 =	simm.s32 $0x20;
	s1 =	simm.s32 $0x40;
	v0 =	vld [tilespmem:s31+$0x0]  }
.LBB2_36:
0x3e0: {  	p0 =	sne.s32 s1, $0x7E0;
	_ =	sdelay $0x3  }
0x3e1: {  	v1 =	vshll.u32 v0, $0x1  }
0x3e2: {  	v0 =	vand.u32 $0x7F, v0;
	v1 =	vand.u32 $0xFFFFFF00, v1  }
0x3e3: {  	v0 =	vor.u32 v0, v1  }
0x3e4: {  	v1 =	vor.u32 $0x80, v0;
	_ =	sdelay $0x3  }
0x3e5: {  	v0 =	vld.idx.msk [tilespmem:v0+s23+$0x0], $0xffff;
	_ =	sdelay $0x2  }
0x3e6: {  	s29 =	sadd.s32 $0x10, s29  }
0x3e7: {  	s5 =	sand.u32 $0x700, s30;
	s30 =	smov.u32 s1;
	s0 =	sand.u32 $0x70, s29  }
0x3e8: {  	s0 =	sor.u32 s0, s5  }
0x3e9: {  	[tilespmem:s0+$0x10400] =	vst v0  }
0x3ea: {  	v0 =	vld.idx.msk [tilespmem:v1+s23+$0x0], $0xffff;
	_ =	sdelay $0x2  }
.Ltmp17:
0x3eb: {  	(pc) =	sbr.rel @p0 .LBB2_36-.Ltmp17, $4  }
0x3ec: {  	_ = 	snop  }
0x3ed: {  	s0 =	sadd.s32 $0x10400, s0  }
0x3ee: {  	s31 =	sadd.s32 $0x10, s31;
	[tilespmem:s0+$0x80] =	vst v0  }
0x3ef: {  	s1 =	sadd.s32 $0x20, s1;
	v0 =	vld [tilespmem:s31+$0x0]  }
0x3f0: {  	_ =	sdelay $0x3  }
0x3f1: {  	v1 =	vshll.u32 v0, $0x1  }
0x3f2: {  	v0 =	vand.u32 $0x7F, v0;
	v1 =	vand.u32 $0xFFFFFF00, v1  }
0x3f3: {  	v0 =	vor.u32 v0, v1;
	_ =	sdelay $0x4  }
0x3f4: {  	v1 =	vld.idx.msk [tilespmem:v0+s23+$0x0], $0xffff  }
0x3f5: {  	v0 =	vor.u32 $0x80, v0  }
0x3f6: {  	s0 =	sadd.s32 $0x10, s29  }
0x3f7: {  	s1 =	sand.u32 $0x700, s30;
	s0 =	sand.u32 $0x70, s0  }
0x3f8: {  	s0 =	sor.u32 s0, s1  }
0x3f9: {  	[tilespmem:s0+$0x10400] =	vst v1  }
0x3fa: {  	v0 =	vld.idx.msk [tilespmem:v0+s23+$0x0], $0xffff;
	_ =	sdelay $0x3  }
0x3fb: {  	s0 =	sadd.s32 $0x10400, s0  }
0x3fc: {  	s5 =	rddreg [dreg:$0x15];
	[tilespmem:s0+$0x80] =	vst v0  }
0x3fd: {  	[hbm4b:s5+s21] =	stream.strided.scatter [tilespmem:s25], [sflag:$0x3], $0x800, s22, s21, $0x38;
	[tilespmem:$0x10C00] =	vst v63  }
0x3fe: {  	_ =	swait.ge [sflag:s20], $0x800  }
0x3ff: {  	[sflag:s20] =	ssyncset.done $0x0  }
0x400: {  	[sflag:s20] =	ssyncadd.s32 $0xFFFFF800  }
0x401: {  	[tilespmem:s23], [sflag:$0x2] =	stream.strided.gather [hbm4b:s7+s21], $0x8000, s22, s21, $0x38;
	[tilespmem:$0x10C00] =	vst v63  }
0x402: {  	_ =	swait.ge [sflag:s24], $0x8000  }
0x403: {  	[sflag:s24] =	ssyncset.done $0x0  }
0x404: {  	s29 =	simm.s32 $0x0;
	[sflag:s24] =	ssyncadd.s32 $0xFFFF8000  }
0x405: {  	v0 =	vld [tilespmem:s29+$0x0];
	_ =	sdelay $0x4  }
0x406: {  	v1 =	vshll.u32 v0, $0x1  }
0x407: {  	v0 =	vand.u32 $0x7F, v0;
	v1 =	vand.u32 $0xFFFFFF00, v1  }
0x408: {  	v0 =	vor.u32 v0, v1;
	_ =	sdelay $0x4  }
0x409: {  	v1 =	vld.idx.msk [tilespmem:v0+s22+$0x0], $0xffff  }
0x40a: {  	v0 =	vor.u32 $0x80, v0;
	_ =	sdelay $0x1  }
0x40b: {  	s1 =	sand.u32 $0x70, s29;
	s5 =	sand.u32 $0x700, s29  }
0x40c: {  	s0 =	sor.u32 s1, s5  }
0x40d: {  	[tilespmem:s0+$0x10400] =	vst v1  }
0x40e: {  	v0 =	vld.idx.msk [tilespmem:v0+s22+$0x0], $0xffff;
	_ =	sdelay $0x3  }
0x40f: {  	s0 =	sadd.s32 $0x10400, s0  }
0x410: {  	s31 =	simm.s32 $0x10;
	[tilespmem:s0+$0x80] =	vst v0  }
0x411: {  	s30 =	simm.s32 $0x20;
	s1 =	simm.s32 $0x40;
	v0 =	vld [tilespmem:s31+$0x0]  }
.LBB2_38:
0x412: {  	p0 =	sne.s32 s1, $0x7E0;
	_ =	sdelay $0x3  }
0x413: {  	v1 =	vshll.u32 v0, $0x1  }
0x414: {  	v0 =	vand.u32 $0x7F, v0;
	v1 =	vand.u32 $0xFFFFFF00, v1  }
0x415: {  	v0 =	vor.u32 v0, v1  }
0x416: {  	v1 =	vor.u32 $0x80, v0;
	_ =	sdelay $0x3  }
0x417: {  	v0 =	vld.idx.msk [tilespmem:v0+s22+$0x0], $0xffff;
	_ =	sdelay $0x2  }
0x418: {  	s29 =	sadd.s32 $0x10, s29  }
0x419: {  	s5 =	sand.u32 $0x700, s30;
	s30 =	smov.u32 s1;
	s0 =	sand.u32 $0x70, s29  }
0x41a: {  	s0 =	sor.u32 s0, s5  }
0x41b: {  	[tilespmem:s0+$0x10400] =	vst v0  }
0x41c: {  	v0 =	vld.idx.msk [tilespmem:v1+s22+$0x0], $0xffff;
	_ =	sdelay $0x2  }
.Ltmp18:
0x41d: {  	(pc) =	sbr.rel @p0 .LBB2_38-.Ltmp18, $4  }
0x41e: {  	_ = 	snop  }
0x41f: {  	s0 =	sadd.s32 $0x10400, s0  }
0x420: {  	s31 =	sadd.s32 $0x10, s31;
	[tilespmem:s0+$0x80] =	vst v0  }
0x421: {  	s1 =	sadd.s32 $0x20, s1;
	v0 =	vld [tilespmem:s31+$0x0]  }
0x422: {  	_ =	sdelay $0x3  }
0x423: {  	v1 =	vshll.u32 v0, $0x1  }
0x424: {  	v0 =	vand.u32 $0x7F, v0;
	v1 =	vand.u32 $0xFFFFFF00, v1  }
0x425: {  	v0 =	vor.u32 v0, v1;
	_ =	sdelay $0x4  }
0x426: {  	v1 =	vld.idx.msk [tilespmem:v0+s22+$0x0], $0xffff  }
0x427: {  	v0 =	vor.u32 $0x80, v0  }
0x428: {  	s0 =	sadd.s32 $0x10, s29  }
0x429: {  	s1 =	sand.u32 $0x700, s30;
	s0 =	sand.u32 $0x70, s0  }
0x42a: {  	s0 =	sor.u32 s0, s1  }
0x42b: {  	[tilespmem:s0+$0x10400] =	vst v1  }
0x42c: {  	v0 =	vld.idx.msk [tilespmem:v0+s22+$0x0], $0xffff;
	_ =	sdelay $0x3  }
0x42d: {  	s0 =	sadd.s32 $0x10400, s0  }
0x42e: {  	s5 =	rddreg [dreg:$0x16];
	[tilespmem:s0+$0x80] =	vst v0  }
0x42f: {  	[hbm4b:s5+s21] =	stream.strided.scatter [tilespmem:s25], [sflag:$0x3], $0x800, s22, s21, $0x38;
	[tilespmem:$0x10C00] =	vst v63  }
0x430: {  	_ =	swait.ge [sflag:s20], $0x800  }
0x431: {  	[sflag:s20] =	ssyncset.done $0x0  }
0x432: {  	[sflag:s20] =	ssyncadd.s32 $0xFFFFF800  }
0x433: {  	[tilespmem:s22], [sflag:$0x1] =	stream.strided.gather [hbm4b:s8+s21], $0x8000, s22, s21, $0x38;
	[tilespmem:$0x10C00] =	vst v63  }
0x434: {  	_ =	swait.ge [sflag:s26], $0x8000  }
0x435: {  	[sflag:s26] =	ssyncset.done $0x0  }
0x436: {  	s29 =	simm.s32 $0x0;
	[sflag:s26] =	ssyncadd.s32 $0xFFFF8000  }
0x437: {  	v0 =	vld [tilespmem:s29+$0x0];
	_ =	sdelay $0x4  }
0x438: {  	v1 =	vshll.u32 v0, $0x1  }
0x439: {  	v0 =	vand.u32 $0x7F, v0;
	v1 =	vand.u32 $0xFFFFFF00, v1  }
0x43a: {  	v0 =	vor.u32 v0, v1;
	_ =	sdelay $0x4  }
0x43b: {  	v1 =	vld.idx.msk [tilespmem:v0+s23+$0x0], $0xffff  }
0x43c: {  	v0 =	vor.u32 $0x80, v0;
	_ =	sdelay $0x1  }
0x43d: {  	s1 =	sand.u32 $0x70, s29;
	s5 =	sand.u32 $0x700, s29  }
0x43e: {  	s0 =	sor.u32 s1, s5  }
0x43f: {  	[tilespmem:s0+$0x10400] =	vst v1  }
0x440: {  	v0 =	vld.idx.msk [tilespmem:v0+s23+$0x0], $0xffff;
	_ =	sdelay $0x3  }
0x441: {  	s0 =	sadd.s32 $0x10400, s0  }
0x442: {  	s31 =	simm.s32 $0x10;
	[tilespmem:s0+$0x80] =	vst v0  }
0x443: {  	s30 =	simm.s32 $0x20;
	s1 =	simm.s32 $0x40;
	v0 =	vld [tilespmem:s31+$0x0]  }
.LBB2_40:
0x444: {  	p0 =	sne.s32 s1, $0x7E0;
	_ =	sdelay $0x3  }
0x445: {  	v1 =	vshll.u32 v0, $0x1  }
0x446: {  	v0 =	vand.u32 $0x7F, v0;
	v1 =	vand.u32 $0xFFFFFF00, v1  }
0x447: {  	v0 =	vor.u32 v0, v1  }
0x448: {  	v1 =	vor.u32 $0x80, v0;
	_ =	sdelay $0x3  }
0x449: {  	v0 =	vld.idx.msk [tilespmem:v0+s23+$0x0], $0xffff;
	_ =	sdelay $0x2  }
0x44a: {  	s29 =	sadd.s32 $0x10, s29  }
0x44b: {  	s5 =	sand.u32 $0x700, s30;
	s30 =	smov.u32 s1;
	s0 =	sand.u32 $0x70, s29  }
0x44c: {  	s0 =	sor.u32 s0, s5  }
0x44d: {  	[tilespmem:s0+$0x10400] =	vst v0  }
0x44e: {  	v0 =	vld.idx.msk [tilespmem:v1+s23+$0x0], $0xffff;
	_ =	sdelay $0x2  }
.Ltmp19:
0x44f: {  	(pc) =	sbr.rel @p0 .LBB2_40-.Ltmp19, $4  }
0x450: {  	_ = 	snop  }
0x451: {  	s0 =	sadd.s32 $0x10400, s0  }
0x452: {  	s31 =	sadd.s32 $0x10, s31;
	[tilespmem:s0+$0x80] =	vst v0  }
0x453: {  	s1 =	sadd.s32 $0x20, s1;
	v0 =	vld [tilespmem:s31+$0x0]  }
0x454: {  	_ =	sdelay $0x3  }
0x455: {  	v1 =	vshll.u32 v0, $0x1  }
0x456: {  	v0 =	vand.u32 $0x7F, v0;
	v1 =	vand.u32 $0xFFFFFF00, v1  }
0x457: {  	v0 =	vor.u32 v0, v1;
	_ =	sdelay $0x4  }
0x458: {  	v1 =	vld.idx.msk [tilespmem:v0+s23+$0x0], $0xffff  }
0x459: {  	v0 =	vor.u32 $0x80, v0  }
0x45a: {  	s0 =	sadd.s32 $0x10, s29  }
0x45b: {  	s1 =	sand.u32 $0x700, s30;
	s0 =	sand.u32 $0x70, s0  }
0x45c: {  	s0 =	sor.u32 s0, s1  }
0x45d: {  	[tilespmem:s0+$0x10400] =	vst v1  }
0x45e: {  	v0 =	vld.idx.msk [tilespmem:v0+s23+$0x0], $0xffff;
	_ =	sdelay $0x3  }
0x45f: {  	s0 =	sadd.s32 $0x10400, s0  }
0x460: {  	s5 =	rddreg [dreg:$0x17];
	[tilespmem:s0+$0x80] =	vst v0  }
0x461: {  	[hbm4b:s5+s21] =	stream.strided.scatter [tilespmem:s25], [sflag:$0x3], $0x800, s22, s21, $0x38;
	[tilespmem:$0x10C00] =	vst v63  }
0x462: {  	_ =	swait.ge [sflag:s20], $0x800  }
0x463: {  	[sflag:s20] =	ssyncset.done $0x0  }
0x464: {  	[sflag:s20] =	ssyncadd.s32 $0xFFFFF800  }
0x465: {  	[tilespmem:s23], [sflag:$0x2] =	stream.strided.gather [hbm4b:s9+s21], $0x8000, s22, s21, $0x38;
	[tilespmem:$0x10C00] =	vst v63  }
0x466: {  	_ =	swait.ge [sflag:s24], $0x8000  }
0x467: {  	[sflag:s24] =	ssyncset.done $0x0  }
0x468: {  	s29 =	simm.s32 $0x0;
	[sflag:s24] =	ssyncadd.s32 $0xFFFF8000  }
0x469: {  	v0 =	vld [tilespmem:s29+$0x0];
	_ =	sdelay $0x4  }
0x46a: {  	v1 =	vshll.u32 v0, $0x1  }
0x46b: {  	v0 =	vand.u32 $0x7F, v0;
	v1 =	vand.u32 $0xFFFFFF00, v1  }
0x46c: {  	v0 =	vor.u32 v0, v1;
	_ =	sdelay $0x4  }
0x46d: {  	v1 =	vld.idx.msk [tilespmem:v0+s22+$0x0], $0xffff  }
0x46e: {  	v0 =	vor.u32 $0x80, v0;
	_ =	sdelay $0x1  }
0x46f: {  	s1 =	sand.u32 $0x70, s29;
	s5 =	sand.u32 $0x700, s29  }
0x470: {  	s0 =	sor.u32 s1, s5  }
0x471: {  	[tilespmem:s0+$0x10400] =	vst v1  }
0x472: {  	v0 =	vld.idx.msk [tilespmem:v0+s22+$0x0], $0xffff;
	_ =	sdelay $0x3  }
0x473: {  	s0 =	sadd.s32 $0x10400, s0  }
0x474: {  	s31 =	simm.s32 $0x10;
	[tilespmem:s0+$0x80] =	vst v0  }
0x475: {  	s30 =	simm.s32 $0x20;
	s1 =	simm.s32 $0x40;
	v0 =	vld [tilespmem:s31+$0x0]  }
.LBB2_42:
0x476: {  	p0 =	sne.s32 s1, $0x7E0;
	_ =	sdelay $0x3  }
0x477: {  	v1 =	vshll.u32 v0, $0x1  }
0x478: {  	v0 =	vand.u32 $0x7F, v0;
	v1 =	vand.u32 $0xFFFFFF00, v1  }
0x479: {  	v0 =	vor.u32 v0, v1  }
0x47a: {  	v1 =	vor.u32 $0x80, v0;
	_ =	sdelay $0x3  }
0x47b: {  	v0 =	vld.idx.msk [tilespmem:v0+s22+$0x0], $0xffff;
	_ =	sdelay $0x2  }
0x47c: {  	s29 =	sadd.s32 $0x10, s29  }
0x47d: {  	s5 =	sand.u32 $0x700, s30;
	s30 =	smov.u32 s1;
	s0 =	sand.u32 $0x70, s29  }
0x47e: {  	s0 =	sor.u32 s0, s5  }
0x47f: {  	[tilespmem:s0+$0x10400] =	vst v0  }
0x480: {  	v0 =	vld.idx.msk [tilespmem:v1+s22+$0x0], $0xffff;
	_ =	sdelay $0x2  }
.Ltmp20:
0x481: {  	(pc) =	sbr.rel @p0 .LBB2_42-.Ltmp20, $4  }
0x482: {  	_ = 	snop  }
0x483: {  	s0 =	sadd.s32 $0x10400, s0  }
0x484: {  	s31 =	sadd.s32 $0x10, s31;
	[tilespmem:s0+$0x80] =	vst v0  }
0x485: {  	s1 =	sadd.s32 $0x20, s1;
	v0 =	vld [tilespmem:s31+$0x0]  }
0x486: {  	_ =	sdelay $0x3  }
0x487: {  	v1 =	vshll.u32 v0, $0x1  }
0x488: {  	v0 =	vand.u32 $0x7F, v0;
	v1 =	vand.u32 $0xFFFFFF00, v1  }
0x489: {  	v0 =	vor.u32 v0, v1;
	_ =	sdelay $0x4  }
0x48a: {  	v1 =	vld.idx.msk [tilespmem:v0+s22+$0x0], $0xffff  }
0x48b: {  	v0 =	vor.u32 $0x80, v0  }
0x48c: {  	s0 =	sadd.s32 $0x10, s29  }
0x48d: {  	s1 =	sand.u32 $0x700, s30;
	s0 =	sand.u32 $0x70, s0  }
0x48e: {  	s0 =	sor.u32 s0, s1  }
0x48f: {  	[tilespmem:s0+$0x10400] =	vst v1  }
0x490: {  	v0 =	vld.idx.msk [tilespmem:v0+s22+$0x0], $0xffff;
	_ =	sdelay $0x3  }
0x491: {  	s0 =	sadd.s32 $0x10400, s0  }
0x492: {  	s5 =	rddreg [dreg:$0x18];
	[tilespmem:s0+$0x80] =	vst v0  }
0x493: {  	[hbm4b:s5+s21] =	stream.strided.scatter [tilespmem:s25], [sflag:$0x3], $0x800, s22, s21, $0x38;
	[tilespmem:$0x10C00] =	vst v63  }
0x494: {  	_ =	swait.ge [sflag:s20], $0x800  }
0x495: {  	[sflag:s20] =	ssyncset.done $0x0  }
0x496: {  	[sflag:s20] =	ssyncadd.s32 $0xFFFFF800  }
0x497: {  	[tilespmem:s22], [sflag:$0x1] =	stream.strided.gather [hbm4b:s10+s21], $0x8000, s22, s21, $0x38;
	[tilespmem:$0x10C00] =	vst v63  }
0x498: {  	_ =	swait.ge [sflag:s26], $0x8000  }
0x499: {  	[sflag:s26] =	ssyncset.done $0x0  }
0x49a: {  	s29 =	simm.s32 $0x0;
	[sflag:s26] =	ssyncadd.s32 $0xFFFF8000  }
0x49b: {  	v0 =	vld [tilespmem:s29+$0x0];
	_ =	sdelay $0x4  }
0x49c: {  	v1 =	vshll.u32 v0, $0x1  }
0x49d: {  	v0 =	vand.u32 $0x7F, v0;
	v1 =	vand.u32 $0xFFFFFF00, v1  }
0x49e: {  	v0 =	vor.u32 v0, v1;
	_ =	sdelay $0x4  }
0x49f: {  	v1 =	vld.idx.msk [tilespmem:v0+s23+$0x0], $0xffff  }
0x4a0: {  	v0 =	vor.u32 $0x80, v0;
	_ =	sdelay $0x1  }
0x4a1: {  	s1 =	sand.u32 $0x70, s29;
	s5 =	sand.u32 $0x700, s29  }
0x4a2: {  	s0 =	sor.u32 s1, s5  }
0x4a3: {  	[tilespmem:s0+$0x10400] =	vst v1  }
0x4a4: {  	v0 =	vld.idx.msk [tilespmem:v0+s23+$0x0], $0xffff;
	_ =	sdelay $0x3  }
0x4a5: {  	s0 =	sadd.s32 $0x10400, s0  }
0x4a6: {  	s31 =	simm.s32 $0x10;
	[tilespmem:s0+$0x80] =	vst v0  }
0x4a7: {  	s30 =	simm.s32 $0x20;
	s1 =	simm.s32 $0x40;
	v0 =	vld [tilespmem:s31+$0x0]  }
.LBB2_44:
0x4a8: {  	p0 =	sne.s32 s1, $0x7E0;
	_ =	sdelay $0x3  }
0x4a9: {  	v1 =	vshll.u32 v0, $0x1  }
0x4aa: {  	v0 =	vand.u32 $0x7F, v0;
	v1 =	vand.u32 $0xFFFFFF00, v1  }
0x4ab: {  	v0 =	vor.u32 v0, v1  }
0x4ac: {  	v1 =	vor.u32 $0x80, v0;
	_ =	sdelay $0x3  }
0x4ad: {  	v0 =	vld.idx.msk [tilespmem:v0+s23+$0x0], $0xffff;
	_ =	sdelay $0x2  }
0x4ae: {  	s29 =	sadd.s32 $0x10, s29  }
0x4af: {  	s5 =	sand.u32 $0x700, s30;
	s30 =	smov.u32 s1;
	s0 =	sand.u32 $0x70, s29  }
0x4b0: {  	s0 =	sor.u32 s0, s5  }
0x4b1: {  	[tilespmem:s0+$0x10400] =	vst v0  }
0x4b2: {  	v0 =	vld.idx.msk [tilespmem:v1+s23+$0x0], $0xffff;
	_ =	sdelay $0x2  }
.Ltmp21:
0x4b3: {  	(pc) =	sbr.rel @p0 .LBB2_44-.Ltmp21, $4  }
0x4b4: {  	_ = 	snop  }
0x4b5: {  	s0 =	sadd.s32 $0x10400, s0  }
0x4b6: {  	s31 =	sadd.s32 $0x10, s31;
	[tilespmem:s0+$0x80] =	vst v0  }
0x4b7: {  	s1 =	sadd.s32 $0x20, s1;
	v0 =	vld [tilespmem:s31+$0x0]  }
0x4b8: {  	_ =	sdelay $0x3  }
0x4b9: {  	v1 =	vshll.u32 v0, $0x1  }
0x4ba: {  	v0 =	vand.u32 $0x7F, v0;
	v1 =	vand.u32 $0xFFFFFF00, v1  }
0x4bb: {  	v0 =	vor.u32 v0, v1;
	_ =	sdelay $0x4  }
0x4bc: {  	v1 =	vld.idx.msk [tilespmem:v0+s23+$0x0], $0xffff  }
0x4bd: {  	v0 =	vor.u32 $0x80, v0  }
0x4be: {  	s0 =	sadd.s32 $0x10, s29  }
0x4bf: {  	s1 =	sand.u32 $0x700, s30;
	s0 =	sand.u32 $0x70, s0  }
0x4c0: {  	s0 =	sor.u32 s0, s1  }
0x4c1: {  	[tilespmem:s0+$0x10400] =	vst v1  }
0x4c2: {  	v0 =	vld.idx.msk [tilespmem:v0+s23+$0x0], $0xffff;
	_ =	sdelay $0x3  }
0x4c3: {  	s0 =	sadd.s32 $0x10400, s0  }
0x4c4: {  	s5 =	rddreg [dreg:$0x19];
	[tilespmem:s0+$0x80] =	vst v0  }
0x4c5: {  	[hbm4b:s5+s21] =	stream.strided.scatter [tilespmem:s25], [sflag:$0x3], $0x800, s22, s21, $0x38;
	[tilespmem:$0x10C00] =	vst v63  }
0x4c6: {  	_ =	swait.ge [sflag:s20], $0x800  }
0x4c7: {  	[sflag:s20] =	ssyncset.done $0x0  }
0x4c8: {  	[sflag:s20] =	ssyncadd.s32 $0xFFFFF800  }
0x4c9: {  	[tilespmem:s23], [sflag:$0x2] =	stream.strided.gather [hbm4b:s11+s21], $0x8000, s22, s21, $0x38;
	[tilespmem:$0x10C00] =	vst v63  }
0x4ca: {  	_ =	swait.ge [sflag:s24], $0x8000  }
0x4cb: {  	[sflag:s24] =	ssyncset.done $0x0  }
0x4cc: {  	s29 =	simm.s32 $0x0;
	[sflag:s24] =	ssyncadd.s32 $0xFFFF8000  }
0x4cd: {  	v0 =	vld [tilespmem:s29+$0x0];
	_ =	sdelay $0x4  }
0x4ce: {  	v1 =	vshll.u32 v0, $0x1  }
0x4cf: {  	v0 =	vand.u32 $0x7F, v0;
	v1 =	vand.u32 $0xFFFFFF00, v1  }
0x4d0: {  	v0 =	vor.u32 v0, v1;
	_ =	sdelay $0x4  }
0x4d1: {  	v1 =	vld.idx.msk [tilespmem:v0+s22+$0x0], $0xffff  }
0x4d2: {  	v0 =	vor.u32 $0x80, v0;
	_ =	sdelay $0x1  }
0x4d3: {  	s1 =	sand.u32 $0x70, s29;
	s5 =	sand.u32 $0x700, s29  }
0x4d4: {  	s0 =	sor.u32 s1, s5  }
0x4d5: {  	[tilespmem:s0+$0x10400] =	vst v1  }
0x4d6: {  	v0 =	vld.idx.msk [tilespmem:v0+s22+$0x0], $0xffff;
	_ =	sdelay $0x3  }
0x4d7: {  	s0 =	sadd.s32 $0x10400, s0  }
0x4d8: {  	s31 =	simm.s32 $0x10;
	[tilespmem:s0+$0x80] =	vst v0  }
0x4d9: {  	s30 =	simm.s32 $0x20;
	s1 =	simm.s32 $0x40;
	v0 =	vld [tilespmem:s31+$0x0]  }
.LBB2_46:
0x4da: {  	p0 =	sne.s32 s1, $0x7E0;
	_ =	sdelay $0x3  }
0x4db: {  	v1 =	vshll.u32 v0, $0x1  }
0x4dc: {  	v0 =	vand.u32 $0x7F, v0;
	v1 =	vand.u32 $0xFFFFFF00, v1  }
0x4dd: {  	v0 =	vor.u32 v0, v1  }
0x4de: {  	v1 =	vor.u32 $0x80, v0;
	_ =	sdelay $0x3  }
0x4df: {  	v0 =	vld.idx.msk [tilespmem:v0+s22+$0x0], $0xffff;
	_ =	sdelay $0x2  }
0x4e0: {  	s29 =	sadd.s32 $0x10, s29  }
0x4e1: {  	s5 =	sand.u32 $0x700, s30;
	s30 =	smov.u32 s1;
	s0 =	sand.u32 $0x70, s29  }
0x4e2: {  	s0 =	sor.u32 s0, s5  }
0x4e3: {  	[tilespmem:s0+$0x10400] =	vst v0  }
0x4e4: {  	v0 =	vld.idx.msk [tilespmem:v1+s22+$0x0], $0xffff;
	_ =	sdelay $0x2  }
.Ltmp22:
0x4e5: {  	(pc) =	sbr.rel @p0 .LBB2_46-.Ltmp22, $4  }
0x4e6: {  	_ = 	snop  }
0x4e7: {  	s0 =	sadd.s32 $0x10400, s0  }
0x4e8: {  	s31 =	sadd.s32 $0x10, s31;
	[tilespmem:s0+$0x80] =	vst v0  }
0x4e9: {  	s1 =	sadd.s32 $0x20, s1;
	v0 =	vld [tilespmem:s31+$0x0]  }
0x4ea: {  	_ =	sdelay $0x3  }
0x4eb: {  	v1 =	vshll.u32 v0, $0x1  }
0x4ec: {  	v0 =	vand.u32 $0x7F, v0;
	v1 =	vand.u32 $0xFFFFFF00, v1  }
0x4ed: {  	v0 =	vor.u32 v0, v1;
	_ =	sdelay $0x4  }
0x4ee: {  	v1 =	vld.idx.msk [tilespmem:v0+s22+$0x0], $0xffff  }
0x4ef: {  	v0 =	vor.u32 $0x80, v0  }
0x4f0: {  	s0 =	sadd.s32 $0x10, s29  }
0x4f1: {  	s1 =	sand.u32 $0x700, s30;
	s0 =	sand.u32 $0x70, s0  }
0x4f2: {  	s0 =	sor.u32 s0, s1  }
0x4f3: {  	[tilespmem:s0+$0x10400] =	vst v1  }
0x4f4: {  	v0 =	vld.idx.msk [tilespmem:v0+s22+$0x0], $0xffff;
	_ =	sdelay $0x3  }
0x4f5: {  	s0 =	sadd.s32 $0x10400, s0  }
0x4f6: {  	s5 =	rddreg [dreg:$0x1a];
	[tilespmem:s0+$0x80] =	vst v0  }
0x4f7: {  	[hbm4b:s5+s21] =	stream.strided.scatter [tilespmem:s25], [sflag:$0x3], $0x800, s22, s21, $0x38;
	[tilespmem:$0x10C00] =	vst v63  }
0x4f8: {  	_ =	swait.ge [sflag:s20], $0x800  }
0x4f9: {  	[sflag:s20] =	ssyncset.done $0x0  }
0x4fa: {  	[sflag:s20] =	ssyncadd.s32 $0xFFFFF800  }
0x4fb: {  	[tilespmem:s22], [sflag:$0x1] =	stream.strided.gather [hbm4b:s12+s21], $0x8000, s22, s21, $0x38;
	[tilespmem:$0x10C00] =	vst v63  }
0x4fc: {  	_ =	swait.ge [sflag:s26], $0x8000  }
0x4fd: {  	[sflag:s26] =	ssyncset.done $0x0  }
0x4fe: {  	s29 =	simm.s32 $0x0;
	[sflag:s26] =	ssyncadd.s32 $0xFFFF8000  }
0x4ff: {  	v0 =	vld [tilespmem:s29+$0x0];
	_ =	sdelay $0x4  }
0x500: {  	v1 =	vshll.u32 v0, $0x1  }
0x501: {  	v0 =	vand.u32 $0x7F, v0;
	v1 =	vand.u32 $0xFFFFFF00, v1  }
0x502: {  	v0 =	vor.u32 v0, v1;
	_ =	sdelay $0x4  }
0x503: {  	v1 =	vld.idx.msk [tilespmem:v0+s23+$0x0], $0xffff  }
0x504: {  	v0 =	vor.u32 $0x80, v0;
	_ =	sdelay $0x1  }
0x505: {  	s1 =	sand.u32 $0x70, s29;
	s5 =	sand.u32 $0x700, s29  }
0x506: {  	s0 =	sor.u32 s1, s5  }
0x507: {  	[tilespmem:s0+$0x10400] =	vst v1  }
0x508: {  	v0 =	vld.idx.msk [tilespmem:v0+s23+$0x0], $0xffff;
	_ =	sdelay $0x3  }
0x509: {  	s0 =	sadd.s32 $0x10400, s0  }
0x50a: {  	s31 =	simm.s32 $0x10;
	[tilespmem:s0+$0x80] =	vst v0  }
0x50b: {  	s30 =	simm.s32 $0x20;
	s1 =	simm.s32 $0x40;
	v0 =	vld [tilespmem:s31+$0x0]  }
.LBB2_48:
0x50c: {  	p0 =	sne.s32 s1, $0x7E0;
	_ =	sdelay $0x3  }
0x50d: {  	v1 =	vshll.u32 v0, $0x1  }
0x50e: {  	v0 =	vand.u32 $0x7F, v0;
	v1 =	vand.u32 $0xFFFFFF00, v1  }
0x50f: {  	v0 =	vor.u32 v0, v1  }
0x510: {  	v1 =	vor.u32 $0x80, v0;
	_ =	sdelay $0x3  }
0x511: {  	v0 =	vld.idx.msk [tilespmem:v0+s23+$0x0], $0xffff;
	_ =	sdelay $0x2  }
0x512: {  	s29 =	sadd.s32 $0x10, s29  }
0x513: {  	s5 =	sand.u32 $0x700, s30;
	s30 =	smov.u32 s1;
	s0 =	sand.u32 $0x70, s29  }
0x514: {  	s0 =	sor.u32 s0, s5  }
0x515: {  	[tilespmem:s0+$0x10400] =	vst v0  }
0x516: {  	v0 =	vld.idx.msk [tilespmem:v1+s23+$0x0], $0xffff;
	_ =	sdelay $0x2  }
.Ltmp23:
0x517: {  	(pc) =	sbr.rel @p0 .LBB2_48-.Ltmp23, $4  }
0x518: {  	_ = 	snop  }
0x519: {  	s0 =	sadd.s32 $0x10400, s0  }
0x51a: {  	s31 =	sadd.s32 $0x10, s31;
	[tilespmem:s0+$0x80] =	vst v0  }
0x51b: {  	s1 =	sadd.s32 $0x20, s1;
	v0 =	vld [tilespmem:s31+$0x0]  }
0x51c: {  	_ =	sdelay $0x3  }
0x51d: {  	v1 =	vshll.u32 v0, $0x1  }
0x51e: {  	v0 =	vand.u32 $0x7F, v0;
	v1 =	vand.u32 $0xFFFFFF00, v1  }
0x51f: {  	v0 =	vor.u32 v0, v1;
	_ =	sdelay $0x4  }
0x520: {  	v1 =	vld.idx.msk [tilespmem:v0+s23+$0x0], $0xffff  }
0x521: {  	v0 =	vor.u32 $0x80, v0  }
0x522: {  	s0 =	sadd.s32 $0x10, s29  }
0x523: {  	s1 =	sand.u32 $0x700, s30;
	s0 =	sand.u32 $0x70, s0  }
0x524: {  	s0 =	sor.u32 s0, s1  }
0x525: {  	[tilespmem:s0+$0x10400] =	vst v1  }
0x526: {  	v0 =	vld.idx.msk [tilespmem:v0+s23+$0x0], $0xffff;
	_ =	sdelay $0x3  }
0x527: {  	s0 =	sadd.s32 $0x10400, s0  }
0x528: {  	s5 =	rddreg [dreg:$0x1b];
	[tilespmem:s0+$0x80] =	vst v0  }
0x529: {  	[hbm4b:s5+s21] =	stream.strided.scatter [tilespmem:s25], [sflag:$0x3], $0x800, s22, s21, $0x38;
	[tilespmem:$0x10C00] =	vst v63  }
0x52a: {  	_ =	swait.ge [sflag:s20], $0x800  }
0x52b: {  	[sflag:s20] =	ssyncset.done $0x0  }
0x52c: {  	[sflag:s20] =	ssyncadd.s32 $0xFFFFF800  }
0x52d: {  	[tilespmem:s23], [sflag:$0x2] =	stream.strided.gather [hbm4b:s13+s21], $0x8000, s22, s21, $0x38;
	[tilespmem:$0x10C00] =	vst v63  }
0x52e: {  	_ =	swait.ge [sflag:s24], $0x8000  }
0x52f: {  	[sflag:s24] =	ssyncset.done $0x0  }
0x530: {  	s29 =	simm.s32 $0x0;
	[sflag:s24] =	ssyncadd.s32 $0xFFFF8000  }
0x531: {  	v0 =	vld [tilespmem:s29+$0x0];
	_ =	sdelay $0x4  }
0x532: {  	v1 =	vshll.u32 v0, $0x1  }
0x533: {  	v0 =	vand.u32 $0x7F, v0;
	v1 =	vand.u32 $0xFFFFFF00, v1  }
0x534: {  	v0 =	vor.u32 v0, v1;
	_ =	sdelay $0x4  }
0x535: {  	v1 =	vld.idx.msk [tilespmem:v0+s22+$0x0], $0xffff  }
0x536: {  	v0 =	vor.u32 $0x80, v0;
	_ =	sdelay $0x1  }
0x537: {  	s1 =	sand.u32 $0x70, s29;
	s5 =	sand.u32 $0x700, s29  }
0x538: {  	s0 =	sor.u32 s1, s5  }
0x539: {  	[tilespmem:s0+$0x10400] =	vst v1  }
0x53a: {  	v0 =	vld.idx.msk [tilespmem:v0+s22+$0x0], $0xffff;
	_ =	sdelay $0x3  }
0x53b: {  	s0 =	sadd.s32 $0x10400, s0  }
0x53c: {  	s31 =	simm.s32 $0x10;
	[tilespmem:s0+$0x80] =	vst v0  }
0x53d: {  	s30 =	simm.s32 $0x20;
	s1 =	simm.s32 $0x40;
	v0 =	vld [tilespmem:s31+$0x0]  }
.LBB2_50:
0x53e: {  	p0 =	sne.s32 s1, $0x7E0;
	_ =	sdelay $0x3  }
0x53f: {  	v1 =	vshll.u32 v0, $0x1  }
0x540: {  	v0 =	vand.u32 $0x7F, v0;
	v1 =	vand.u32 $0xFFFFFF00, v1  }
0x541: {  	v0 =	vor.u32 v0, v1  }
0x542: {  	v1 =	vor.u32 $0x80, v0;
	_ =	sdelay $0x3  }
0x543: {  	v0 =	vld.idx.msk [tilespmem:v0+s22+$0x0], $0xffff;
	_ =	sdelay $0x2  }
0x544: {  	s29 =	sadd.s32 $0x10, s29  }
0x545: {  	s5 =	sand.u32 $0x700, s30;
	s30 =	smov.u32 s1;
	s0 =	sand.u32 $0x70, s29  }
0x546: {  	s0 =	sor.u32 s0, s5  }
0x547: {  	[tilespmem:s0+$0x10400] =	vst v0  }
0x548: {  	v0 =	vld.idx.msk [tilespmem:v1+s22+$0x0], $0xffff;
	_ =	sdelay $0x2  }
.Ltmp24:
0x549: {  	(pc) =	sbr.rel @p0 .LBB2_50-.Ltmp24, $4  }
0x54a: {  	_ = 	snop  }
0x54b: {  	s0 =	sadd.s32 $0x10400, s0  }
0x54c: {  	s31 =	sadd.s32 $0x10, s31;
	[tilespmem:s0+$0x80] =	vst v0  }
0x54d: {  	s1 =	sadd.s32 $0x20, s1;
	v0 =	vld [tilespmem:s31+$0x0]  }
0x54e: {  	_ =	sdelay $0x3  }
0x54f: {  	v1 =	vshll.u32 v0, $0x1  }
0x550: {  	v0 =	vand.u32 $0x7F, v0;
	v1 =	vand.u32 $0xFFFFFF00, v1  }
0x551: {  	v0 =	vor.u32 v0, v1;
	_ =	sdelay $0x4  }
0x552: {  	v1 =	vld.idx.msk [tilespmem:v0+s22+$0x0], $0xffff  }
0x553: {  	v0 =	vor.u32 $0x80, v0  }
0x554: {  	s0 =	sadd.s32 $0x10, s29  }
0x555: {  	s1 =	sand.u32 $0x700, s30;
	s0 =	sand.u32 $0x70, s0  }
0x556: {  	s0 =	sor.u32 s0, s1  }
0x557: {  	[tilespmem:s0+$0x10400] =	vst v1  }
0x558: {  	v0 =	vld.idx.msk [tilespmem:v0+s22+$0x0], $0xffff;
	_ =	sdelay $0x3  }
0x559: {  	s0 =	sadd.s32 $0x10400, s0  }
0x55a: {  	s5 =	rddreg [dreg:$0x1c];
	[tilespmem:s0+$0x80] =	vst v0  }
0x55b: {  	[hbm4b:s5+s21] =	stream.strided.scatter [tilespmem:s25], [sflag:$0x3], $0x800, s22, s21, $0x38;
	[tilespmem:$0x10C00] =	vst v63  }
0x55c: {  	_ =	swait.ge [sflag:s20], $0x800  }
0x55d: {  	[sflag:s20] =	ssyncset.done $0x0  }
0x55e: {  	[sflag:s20] =	ssyncadd.s32 $0xFFFFF800  }
0x55f: {  	[tilespmem:s22], [sflag:$0x1] =	stream.strided.gather [hbm4b:s14+s21], $0x8000, s22, s21, $0x38;
	[tilespmem:$0x10C00] =	vst v63  }
0x560: {  	_ =	swait.ge [sflag:s26], $0x8000  }
0x561: {  	[sflag:s26] =	ssyncset.done $0x0  }
0x562: {  	s29 =	simm.s32 $0x0;
	[sflag:s26] =	ssyncadd.s32 $0xFFFF8000  }
0x563: {  	v0 =	vld [tilespmem:s29+$0x0];
	_ =	sdelay $0x4  }
0x564: {  	v1 =	vshll.u32 v0, $0x1  }
0x565: {  	v0 =	vand.u32 $0x7F, v0;
	v1 =	vand.u32 $0xFFFFFF00, v1  }
0x566: {  	v0 =	vor.u32 v0, v1;
	_ =	sdelay $0x4  }
0x567: {  	v1 =	vld.idx.msk [tilespmem:v0+s23+$0x0], $0xffff  }
0x568: {  	v0 =	vor.u32 $0x80, v0;
	_ =	sdelay $0x1  }
0x569: {  	s1 =	sand.u32 $0x70, s29;
	s5 =	sand.u32 $0x700, s29  }
0x56a: {  	s0 =	sor.u32 s1, s5  }
0x56b: {  	[tilespmem:s0+$0x10400] =	vst v1  }
0x56c: {  	v0 =	vld.idx.msk [tilespmem:v0+s23+$0x0], $0xffff;
	_ =	sdelay $0x3  }
0x56d: {  	s0 =	sadd.s32 $0x10400, s0  }
0x56e: {  	s31 =	simm.s32 $0x10;
	[tilespmem:s0+$0x80] =	vst v0  }
0x56f: {  	s30 =	simm.s32 $0x20;
	s1 =	simm.s32 $0x40;
	v0 =	vld [tilespmem:s31+$0x0]  }
.LBB2_52:
0x570: {  	p0 =	sne.s32 s1, $0x7E0;
	_ =	sdelay $0x3  }
0x571: {  	v1 =	vshll.u32 v0, $0x1  }
0x572: {  	v0 =	vand.u32 $0x7F, v0;
	v1 =	vand.u32 $0xFFFFFF00, v1  }
0x573: {  	v0 =	vor.u32 v0, v1  }
0x574: {  	v1 =	vor.u32 $0x80, v0;
	_ =	sdelay $0x3  }
0x575: {  	v0 =	vld.idx.msk [tilespmem:v0+s23+$0x0], $0xffff;
	_ =	sdelay $0x2  }
0x576: {  	s29 =	sadd.s32 $0x10, s29  }
0x577: {  	s5 =	sand.u32 $0x700, s30;
	s30 =	smov.u32 s1;
	s0 =	sand.u32 $0x70, s29  }
0x578: {  	s0 =	sor.u32 s0, s5  }
0x579: {  	[tilespmem:s0+$0x10400] =	vst v0  }
0x57a: {  	v0 =	vld.idx.msk [tilespmem:v1+s23+$0x0], $0xffff;
	_ =	sdelay $0x2  }
.Ltmp25:
0x57b: {  	(pc) =	sbr.rel @p0 .LBB2_52-.Ltmp25, $4  }
0x57c: {  	_ = 	snop  }
0x57d: {  	s0 =	sadd.s32 $0x10400, s0  }
0x57e: {  	s31 =	sadd.s32 $0x10, s31;
	[tilespmem:s0+$0x80] =	vst v0  }
0x57f: {  	s1 =	sadd.s32 $0x20, s1;
	v0 =	vld [tilespmem:s31+$0x0]  }
0x580: {  	_ =	sdelay $0x3  }
0x581: {  	v1 =	vshll.u32 v0, $0x1  }
0x582: {  	v0 =	vand.u32 $0x7F, v0;
	v1 =	vand.u32 $0xFFFFFF00, v1  }
0x583: {  	v0 =	vor.u32 v0, v1;
	_ =	sdelay $0x4  }
0x584: {  	v1 =	vld.idx.msk [tilespmem:v0+s23+$0x0], $0xffff  }
0x585: {  	v0 =	vor.u32 $0x80, v0  }
0x586: {  	s0 =	sadd.s32 $0x10, s29  }
0x587: {  	s1 =	sand.u32 $0x700, s30;
	s0 =	sand.u32 $0x70, s0  }
0x588: {  	s0 =	sor.u32 s0, s1  }
0x589: {  	[tilespmem:s0+$0x10400] =	vst v1  }
0x58a: {  	v0 =	vld.idx.msk [tilespmem:v0+s23+$0x0], $0xffff;
	_ =	sdelay $0x3  }
0x58b: {  	s0 =	sadd.s32 $0x10400, s0  }
0x58c: {  	s5 =	rddreg [dreg:$0x1d];
	[tilespmem:s0+$0x80] =	vst v0  }
0x58d: {  	[hbm4b:s5+s21] =	stream.strided.scatter [tilespmem:s25], [sflag:$0x3], $0x800, s22, s21, $0x38;
	[tilespmem:$0x10C00] =	vst v63  }
0x58e: {  	_ =	swait.ge [sflag:s20], $0x800  }
0x58f: {  	[sflag:s20] =	ssyncset.done $0x0  }
0x590: {  	[sflag:s20] =	ssyncadd.s32 $0xFFFFF800  }
0x591: {  	[tilespmem:s23], [sflag:$0x2] =	stream.strided.gather [hbm4b:s15+s21], $0x8000, s22, s21, $0x38;
	[tilespmem:$0x10C00] =	vst v63  }
0x592: {  	_ =	swait.ge [sflag:s24], $0x8000  }
0x593: {  	[sflag:s24] =	ssyncset.done $0x0  }
0x594: {  	s29 =	simm.s32 $0x0;
	[sflag:s24] =	ssyncadd.s32 $0xFFFF8000  }
0x595: {  	v0 =	vld [tilespmem:s29+$0x0];
	_ =	sdelay $0x4  }
0x596: {  	v1 =	vshll.u32 v0, $0x1  }
0x597: {  	v0 =	vand.u32 $0x7F, v0;
	v1 =	vand.u32 $0xFFFFFF00, v1  }
0x598: {  	v0 =	vor.u32 v0, v1;
	_ =	sdelay $0x4  }
0x599: {  	v1 =	vld.idx.msk [tilespmem:v0+s22+$0x0], $0xffff  }
0x59a: {  	v0 =	vor.u32 $0x80, v0;
	_ =	sdelay $0x1  }
0x59b: {  	s1 =	sand.u32 $0x70, s29;
	s5 =	sand.u32 $0x700, s29  }
0x59c: {  	s0 =	sor.u32 s1, s5  }
0x59d: {  	[tilespmem:s0+$0x10400] =	vst v1  }
0x59e: {  	v0 =	vld.idx.msk [tilespmem:v0+s22+$0x0], $0xffff;
	_ =	sdelay $0x3  }
0x59f: {  	s0 =	sadd.s32 $0x10400, s0  }
0x5a0: {  	s31 =	simm.s32 $0x10;
	[tilespmem:s0+$0x80] =	vst v0  }
0x5a1: {  	s30 =	simm.s32 $0x20;
	s1 =	simm.s32 $0x40;
	v0 =	vld [tilespmem:s31+$0x0]  }
.LBB2_54:
0x5a2: {  	p0 =	sne.s32 s1, $0x7E0;
	_ =	sdelay $0x3  }
0x5a3: {  	v1 =	vshll.u32 v0, $0x1  }
0x5a4: {  	v0 =	vand.u32 $0x7F, v0;
	v1 =	vand.u32 $0xFFFFFF00, v1  }
0x5a5: {  	v0 =	vor.u32 v0, v1  }
0x5a6: {  	v1 =	vor.u32 $0x80, v0;
	_ =	sdelay $0x3  }
0x5a7: {  	v0 =	vld.idx.msk [tilespmem:v0+s22+$0x0], $0xffff;
	_ =	sdelay $0x2  }
0x5a8: {  	s29 =	sadd.s32 $0x10, s29  }
0x5a9: {  	s5 =	sand.u32 $0x700, s30;
	s30 =	smov.u32 s1;
	s0 =	sand.u32 $0x70, s29  }
0x5aa: {  	s0 =	sor.u32 s0, s5  }
0x5ab: {  	[tilespmem:s0+$0x10400] =	vst v0  }
0x5ac: {  	v0 =	vld.idx.msk [tilespmem:v1+s22+$0x0], $0xffff;
	_ =	sdelay $0x2  }
.Ltmp26:
0x5ad: {  	(pc) =	sbr.rel @p0 .LBB2_54-.Ltmp26, $4  }
0x5ae: {  	_ = 	snop  }
0x5af: {  	s0 =	sadd.s32 $0x10400, s0  }
0x5b0: {  	s31 =	sadd.s32 $0x10, s31;
	[tilespmem:s0+$0x80] =	vst v0  }
0x5b1: {  	s1 =	sadd.s32 $0x20, s1;
	v0 =	vld [tilespmem:s31+$0x0]  }
0x5b2: {  	_ =	sdelay $0x3  }
0x5b3: {  	v1 =	vshll.u32 v0, $0x1  }
0x5b4: {  	v0 =	vand.u32 $0x7F, v0;
	v1 =	vand.u32 $0xFFFFFF00, v1  }
0x5b5: {  	v0 =	vor.u32 v0, v1;
	_ =	sdelay $0x4  }
0x5b6: {  	v1 =	vld.idx.msk [tilespmem:v0+s22+$0x0], $0xffff  }
0x5b7: {  	v0 =	vor.u32 $0x80, v0  }
0x5b8: {  	s0 =	sadd.s32 $0x10, s29  }
0x5b9: {  	s1 =	sand.u32 $0x700, s30;
	s0 =	sand.u32 $0x70, s0  }
0x5ba: {  	s0 =	sor.u32 s0, s1  }
0x5bb: {  	[tilespmem:s0+$0x10400] =	vst v1  }
0x5bc: {  	v0 =	vld.idx.msk [tilespmem:v0+s22+$0x0], $0xffff;
	_ =	sdelay $0x3  }
0x5bd: {  	s0 =	sadd.s32 $0x10400, s0  }
0x5be: {  	s5 =	rddreg [dreg:$0x1e];
	[tilespmem:s0+$0x80] =	vst v0  }
0x5bf: {  	[hbm4b:s5+s21] =	stream.strided.scatter [tilespmem:s25], [sflag:$0x3], $0x800, s22, s21, $0x38;
	[tilespmem:$0x10C00] =	vst v63  }
0x5c0: {  	_ =	swait.ge [sflag:s20], $0x800  }
0x5c1: {  	[sflag:s20] =	ssyncset.done $0x0  }
0x5c2: {  	[sflag:s20] =	ssyncadd.s32 $0xFFFFF800  }
0x5c3: {  	[tilespmem:s22], [sflag:$0x1] =	stream.strided.gather [hbm4b:s16+s21], $0x8000, s22, s21, $0x38;
	[tilespmem:$0x10C00] =	vst v63  }
0x5c4: {  	_ =	swait.ge [sflag:s26], $0x8000  }
0x5c5: {  	[sflag:s26] =	ssyncset.done $0x0  }
0x5c6: {  	s29 =	simm.s32 $0x0;
	[sflag:s26] =	ssyncadd.s32 $0xFFFF8000  }
0x5c7: {  	v0 =	vld [tilespmem:s29+$0x0];
	_ =	sdelay $0x4  }
0x5c8: {  	v1 =	vshll.u32 v0, $0x1  }
0x5c9: {  	v0 =	vand.u32 $0x7F, v0;
	v1 =	vand.u32 $0xFFFFFF00, v1  }
0x5ca: {  	v0 =	vor.u32 v0, v1;
	_ =	sdelay $0x4  }
0x5cb: {  	v1 =	vld.idx.msk [tilespmem:v0+s23+$0x0], $0xffff  }
0x5cc: {  	v0 =	vor.u32 $0x80, v0;
	_ =	sdelay $0x1  }
0x5cd: {  	s1 =	sand.u32 $0x70, s29;
	s5 =	sand.u32 $0x700, s29  }
0x5ce: {  	s0 =	sor.u32 s1, s5  }
0x5cf: {  	[tilespmem:s0+$0x10400] =	vst v1  }
0x5d0: {  	v0 =	vld.idx.msk [tilespmem:v0+s23+$0x0], $0xffff;
	_ =	sdelay $0x3  }
0x5d1: {  	s0 =	sadd.s32 $0x10400, s0  }
0x5d2: {  	s31 =	simm.s32 $0x10;
	[tilespmem:s0+$0x80] =	vst v0  }
0x5d3: {  	s30 =	simm.s32 $0x20;
	s1 =	simm.s32 $0x40;
	v0 =	vld [tilespmem:s31+$0x0]  }
.LBB2_56:
0x5d4: {  	p0 =	sne.s32 s1, $0x7E0;
	_ =	sdelay $0x3  }
0x5d5: {  	v1 =	vshll.u32 v0, $0x1  }
0x5d6: {  	v0 =	vand.u32 $0x7F, v0;
	v1 =	vand.u32 $0xFFFFFF00, v1  }
0x5d7: {  	v0 =	vor.u32 v0, v1  }
0x5d8: {  	v1 =	vor.u32 $0x80, v0;
	_ =	sdelay $0x3  }
0x5d9: {  	v0 =	vld.idx.msk [tilespmem:v0+s23+$0x0], $0xffff;
	_ =	sdelay $0x2  }
0x5da: {  	s29 =	sadd.s32 $0x10, s29  }
0x5db: {  	s5 =	sand.u32 $0x700, s30;
	s30 =	smov.u32 s1;
	s0 =	sand.u32 $0x70, s29  }
0x5dc: {  	s0 =	sor.u32 s0, s5  }
0x5dd: {  	[tilespmem:s0+$0x10400] =	vst v0  }
0x5de: {  	v0 =	vld.idx.msk [tilespmem:v1+s23+$0x0], $0xffff;
	_ =	sdelay $0x2  }
.Ltmp27:
0x5df: {  	(pc) =	sbr.rel @p0 .LBB2_56-.Ltmp27, $4  }
0x5e0: {  	_ = 	snop  }
0x5e1: {  	s0 =	sadd.s32 $0x10400, s0  }
0x5e2: {  	s31 =	sadd.s32 $0x10, s31;
	[tilespmem:s0+$0x80] =	vst v0  }
0x5e3: {  	s1 =	sadd.s32 $0x20, s1;
	v0 =	vld [tilespmem:s31+$0x0]  }
0x5e4: {  	_ =	sdelay $0x3  }
0x5e5: {  	v1 =	vshll.u32 v0, $0x1  }
0x5e6: {  	v0 =	vand.u32 $0x7F, v0;
	v1 =	vand.u32 $0xFFFFFF00, v1  }
0x5e7: {  	v0 =	vor.u32 v0, v1;
	_ =	sdelay $0x4  }
0x5e8: {  	v1 =	vld.idx.msk [tilespmem:v0+s23+$0x0], $0xffff  }
0x5e9: {  	v0 =	vor.u32 $0x80, v0  }
0x5ea: {  	s0 =	sadd.s32 $0x10, s29  }
0x5eb: {  	s1 =	sand.u32 $0x700, s30;
	s0 =	sand.u32 $0x70, s0  }
0x5ec: {  	s0 =	sor.u32 s0, s1  }
0x5ed: {  	[tilespmem:s0+$0x10400] =	vst v1  }
0x5ee: {  	v0 =	vld.idx.msk [tilespmem:v0+s23+$0x0], $0xffff;
	_ =	sdelay $0x3  }
0x5ef: {  	s0 =	sadd.s32 $0x10400, s0  }
0x5f0: {  	s5 =	rddreg [dreg:$0x1f];
	[tilespmem:s0+$0x80] =	vst v0  }
0x5f1: {  	[hbm4b:s5+s21] =	stream.strided.scatter [tilespmem:s25], [sflag:$0x3], $0x800, s22, s21, $0x38;
	[tilespmem:$0x10C00] =	vst v63  }
0x5f2: {  	_ =	swait.ge [sflag:s20], $0x800  }
0x5f3: {  	[sflag:s20] =	ssyncset.done $0x0  }
0x5f4: {  	[sflag:s20] =	ssyncadd.s32 $0xFFFFF800  }
0x5f5: {  	[tilespmem:s23], [sflag:$0x2] =	stream.strided.gather [hbm4b:s17+s21], $0x8000, s22, s21, $0x38;
	[tilespmem:$0x10C00] =	vst v63  }
0x5f6: {  	_ =	swait.ge [sflag:s24], $0x8000  }
0x5f7: {  	[sflag:s24] =	ssyncset.done $0x0  }
0x5f8: {  	s29 =	simm.s32 $0x0;
	[sflag:s24] =	ssyncadd.s32 $0xFFFF8000  }
0x5f9: {  	v0 =	vld [tilespmem:s29+$0x0];
	_ =	sdelay $0x4  }
0x5fa: {  	v1 =	vshll.u32 v0, $0x1  }
0x5fb: {  	v0 =	vand.u32 $0x7F, v0;
	v1 =	vand.u32 $0xFFFFFF00, v1  }
0x5fc: {  	v0 =	vor.u32 v0, v1;
	_ =	sdelay $0x4  }
0x5fd: {  	v1 =	vld.idx.msk [tilespmem:v0+s22+$0x0], $0xffff  }
0x5fe: {  	v0 =	vor.u32 $0x80, v0;
	_ =	sdelay $0x1  }
0x5ff: {  	s1 =	sand.u32 $0x70, s29;
	s5 =	sand.u32 $0x700, s29  }
0x600: {  	s0 =	sor.u32 s1, s5  }
0x601: {  	[tilespmem:s0+$0x10400] =	vst v1  }
0x602: {  	v0 =	vld.idx.msk [tilespmem:v0+s22+$0x0], $0xffff;
	_ =	sdelay $0x3  }
0x603: {  	s0 =	sadd.s32 $0x10400, s0  }
0x604: {  	s31 =	simm.s32 $0x10;
	[tilespmem:s0+$0x80] =	vst v0  }
0x605: {  	s30 =	simm.s32 $0x20;
	s1 =	simm.s32 $0x40;
	v0 =	vld [tilespmem:s31+$0x0]  }
.LBB2_58:
0x606: {  	p0 =	sne.s32 s1, $0x7E0;
	_ =	sdelay $0x3  }
0x607: {  	v1 =	vshll.u32 v0, $0x1  }
0x608: {  	v0 =	vand.u32 $0x7F, v0;
	v1 =	vand.u32 $0xFFFFFF00, v1  }
0x609: {  	v0 =	vor.u32 v0, v1  }
0x60a: {  	v1 =	vor.u32 $0x80, v0;
	_ =	sdelay $0x3  }
0x60b: {  	v0 =	vld.idx.msk [tilespmem:v0+s22+$0x0], $0xffff;
	_ =	sdelay $0x2  }
0x60c: {  	s29 =	sadd.s32 $0x10, s29  }
0x60d: {  	s5 =	sand.u32 $0x700, s30;
	s30 =	smov.u32 s1;
	s0 =	sand.u32 $0x70, s29  }
0x60e: {  	s0 =	sor.u32 s0, s5  }
0x60f: {  	[tilespmem:s0+$0x10400] =	vst v0  }
0x610: {  	v0 =	vld.idx.msk [tilespmem:v1+s22+$0x0], $0xffff;
	_ =	sdelay $0x2  }
.Ltmp28:
0x611: {  	(pc) =	sbr.rel @p0 .LBB2_58-.Ltmp28, $4  }
0x612: {  	_ = 	snop  }
0x613: {  	s0 =	sadd.s32 $0x10400, s0  }
0x614: {  	s31 =	sadd.s32 $0x10, s31;
	[tilespmem:s0+$0x80] =	vst v0  }
0x615: {  	s1 =	sadd.s32 $0x20, s1;
	v0 =	vld [tilespmem:s31+$0x0]  }
0x616: {  	_ =	sdelay $0x3  }
0x617: {  	v1 =	vshll.u32 v0, $0x1  }
0x618: {  	v0 =	vand.u32 $0x7F, v0;
	v1 =	vand.u32 $0xFFFFFF00, v1  }
0x619: {  	v0 =	vor.u32 v0, v1;
	_ =	sdelay $0x4  }
0x61a: {  	v1 =	vld.idx.msk [tilespmem:v0+s22+$0x0], $0xffff  }
0x61b: {  	v0 =	vor.u32 $0x80, v0  }
0x61c: {  	s0 =	sadd.s32 $0x10, s29  }
0x61d: {  	s1 =	sand.u32 $0x700, s30;
	s0 =	sand.u32 $0x70, s0  }
0x61e: {  	s0 =	sor.u32 s0, s1  }
0x61f: {  	[tilespmem:s0+$0x10400] =	vst v1  }
0x620: {  	v0 =	vld.idx.msk [tilespmem:v0+s22+$0x0], $0xffff;
	_ =	sdelay $0x2  }
0x621: {  	s5 =	sld [smem:$0x7E1]  }
0x622: {  	s0 =	sadd.s32 $0x10400, s0  }
0x623: {  	[tilespmem:s0+$0x80] =	vst v0  }
0x624: {  	[hbm4b:s5+s21] =	stream.strided.scatter [tilespmem:s25], [sflag:$0x3], $0x800, s22, s21, $0x38;
	[tilespmem:$0x10C00] =	vst v63  }
0x625: {  	_ =	swait.ge [sflag:s20], $0x800  }
0x626: {  	[sflag:s20] =	ssyncset.done $0x0  }
0x627: {  	[sflag:s20] =	ssyncadd.s32 $0xFFFFF800  }
0x628: {  	[tilespmem:s22], [sflag:$0x1] =	stream.strided.gather [hbm4b:s18+s21], $0x8000, s22, s21, $0x38;
	[tilespmem:$0x10C00] =	vst v63  }
0x629: {  	_ =	swait.ge [sflag:s26], $0x8000  }
0x62a: {  	[sflag:s26] =	ssyncset.done $0x0  }
0x62b: {  	s29 =	simm.s32 $0x0;
	[sflag:s26] =	ssyncadd.s32 $0xFFFF8000  }
0x62c: {  	v0 =	vld [tilespmem:s29+$0x0];
	_ =	sdelay $0x4  }
0x62d: {  	v1 =	vshll.u32 v0, $0x1  }
0x62e: {  	v0 =	vand.u32 $0x7F, v0;
	v1 =	vand.u32 $0xFFFFFF00, v1  }
0x62f: {  	v0 =	vor.u32 v0, v1;
	_ =	sdelay $0x4  }
0x630: {  	v1 =	vld.idx.msk [tilespmem:v0+s23+$0x0], $0xffff  }
0x631: {  	v0 =	vor.u32 $0x80, v0;
	_ =	sdelay $0x1  }
0x632: {  	s1 =	sand.u32 $0x70, s29;
	s5 =	sand.u32 $0x700, s29  }
0x633: {  	s0 =	sor.u32 s1, s5  }
0x634: {  	[tilespmem:s0+$0x10400] =	vst v1  }
0x635: {  	v0 =	vld.idx.msk [tilespmem:v0+s23+$0x0], $0xffff;
	_ =	sdelay $0x3  }
0x636: {  	s0 =	sadd.s32 $0x10400, s0  }
0x637: {  	s31 =	simm.s32 $0x10;
	[tilespmem:s0+$0x80] =	vst v0  }
0x638: {  	s30 =	simm.s32 $0x20;
	s1 =	simm.s32 $0x40;
	v0 =	vld [tilespmem:s31+$0x0]  }
.LBB2_60:
0x639: {  	p0 =	sne.s32 s1, $0x7E0;
	_ =	sdelay $0x3  }
0x63a: {  	v1 =	vshll.u32 v0, $0x1  }
0x63b: {  	v0 =	vand.u32 $0x7F, v0;
	v1 =	vand.u32 $0xFFFFFF00, v1  }
0x63c: {  	v0 =	vor.u32 v0, v1  }
0x63d: {  	v1 =	vor.u32 $0x80, v0;
	_ =	sdelay $0x3  }
0x63e: {  	v0 =	vld.idx.msk [tilespmem:v0+s23+$0x0], $0xffff;
	_ =	sdelay $0x2  }
0x63f: {  	s29 =	sadd.s32 $0x10, s29  }
0x640: {  	s5 =	sand.u32 $0x700, s30;
	s30 =	smov.u32 s1;
	s0 =	sand.u32 $0x70, s29  }
0x641: {  	s0 =	sor.u32 s0, s5  }
0x642: {  	[tilespmem:s0+$0x10400] =	vst v0  }
0x643: {  	v0 =	vld.idx.msk [tilespmem:v1+s23+$0x0], $0xffff;
	_ =	sdelay $0x2  }
.Ltmp29:
0x644: {  	(pc) =	sbr.rel @p0 .LBB2_60-.Ltmp29, $4  }
0x645: {  	_ = 	snop  }
0x646: {  	s0 =	sadd.s32 $0x10400, s0  }
0x647: {  	s31 =	sadd.s32 $0x10, s31;
	[tilespmem:s0+$0x80] =	vst v0  }
0x648: {  	s1 =	sadd.s32 $0x20, s1;
	v0 =	vld [tilespmem:s31+$0x0]  }
0x649: {  	_ =	sdelay $0x3  }
0x64a: {  	v1 =	vshll.u32 v0, $0x1  }
0x64b: {  	v0 =	vand.u32 $0x7F, v0;
	v1 =	vand.u32 $0xFFFFFF00, v1  }
0x64c: {  	v0 =	vor.u32 v0, v1;
	_ =	sdelay $0x4  }
0x64d: {  	v1 =	vld.idx.msk [tilespmem:v0+s23+$0x0], $0xffff  }
0x64e: {  	v0 =	vor.u32 $0x80, v0  }
0x64f: {  	s0 =	sadd.s32 $0x10, s29  }
0x650: {  	s1 =	sand.u32 $0x700, s30;
	s0 =	sand.u32 $0x70, s0  }
0x651: {  	s0 =	sor.u32 s0, s1  }
0x652: {  	[tilespmem:s0+$0x10400] =	vst v1  }
0x653: {  	v0 =	vld.idx.msk [tilespmem:v0+s23+$0x0], $0xffff;
	_ =	sdelay $0x2  }
0x654: {  	s5 =	sld [smem:$0x7E2]  }
0x655: {  	s0 =	sadd.s32 $0x10400, s0  }
0x656: {  	[tilespmem:s0+$0x80] =	vst v0  }
0x657: {  	[hbm4b:s5+s21] =	stream.strided.scatter [tilespmem:s25], [sflag:$0x3], $0x800, s22, s21, $0x38;
	[tilespmem:$0x10C00] =	vst v63  }
0x658: {  	_ =	swait.ge [sflag:s20], $0x800  }
0x659: {  	[sflag:s20] =	ssyncset.done $0x0  }
0x65a: {  	[sflag:s20] =	ssyncadd.s32 $0xFFFFF800  }
0x65b: {  	[tilespmem:s23], [sflag:$0x2] =	stream.strided.gather [hbm4b:s19+s21], $0x8000, s22, s21, $0x38;
	[tilespmem:$0x10C00] =	vst v63  }
0x65c: {  	_ =	swait.ge [sflag:s24], $0x8000  }
0x65d: {  	[sflag:s24] =	ssyncset.done $0x0  }
0x65e: {  	s29 =	simm.s32 $0x0;
	[sflag:s24] =	ssyncadd.s32 $0xFFFF8000  }
0x65f: {  	v0 =	vld [tilespmem:s29+$0x0];
	_ =	sdelay $0x4  }
0x660: {  	v1 =	vshll.u32 v0, $0x1  }
0x661: {  	v0 =	vand.u32 $0x7F, v0;
	v1 =	vand.u32 $0xFFFFFF00, v1  }
0x662: {  	v0 =	vor.u32 v0, v1;
	_ =	sdelay $0x4  }
0x663: {  	v1 =	vld.idx.msk [tilespmem:v0+s22+$0x0], $0xffff  }
0x664: {  	v0 =	vor.u32 $0x80, v0;
	_ =	sdelay $0x1  }
0x665: {  	s1 =	sand.u32 $0x70, s29;
	s5 =	sand.u32 $0x700, s29  }
0x666: {  	s0 =	sor.u32 s1, s5  }
0x667: {  	[tilespmem:s0+$0x10400] =	vst v1  }
0x668: {  	v0 =	vld.idx.msk [tilespmem:v0+s22+$0x0], $0xffff;
	_ =	sdelay $0x3  }
0x669: {  	s0 =	sadd.s32 $0x10400, s0  }
0x66a: {  	s31 =	simm.s32 $0x10;
	[tilespmem:s0+$0x80] =	vst v0  }
0x66b: {  	s30 =	simm.s32 $0x20;
	s1 =	simm.s32 $0x40;
	v0 =	vld [tilespmem:s31+$0x0]  }
.LBB2_62:
0x66c: {  	p0 =	sne.s32 s1, $0x7E0;
	_ =	sdelay $0x3  }
0x66d: {  	v1 =	vshll.u32 v0, $0x1  }
0x66e: {  	v0 =	vand.u32 $0x7F, v0;
	v1 =	vand.u32 $0xFFFFFF00, v1  }
0x66f: {  	v0 =	vor.u32 v0, v1  }
0x670: {  	v1 =	vor.u32 $0x80, v0;
	_ =	sdelay $0x3  }
0x671: {  	v0 =	vld.idx.msk [tilespmem:v0+s22+$0x0], $0xffff;
	_ =	sdelay $0x2  }
0x672: {  	s29 =	sadd.s32 $0x10, s29  }
0x673: {  	s5 =	sand.u32 $0x700, s30;
	s30 =	smov.u32 s1;
	s0 =	sand.u32 $0x70, s29  }
0x674: {  	s0 =	sor.u32 s0, s5  }
0x675: {  	[tilespmem:s0+$0x10400] =	vst v0  }
0x676: {  	v0 =	vld.idx.msk [tilespmem:v1+s22+$0x0], $0xffff;
	_ =	sdelay $0x2  }
.Ltmp30:
0x677: {  	(pc) =	sbr.rel @p0 .LBB2_62-.Ltmp30, $4  }
0x678: {  	_ = 	snop  }
0x679: {  	s0 =	sadd.s32 $0x10400, s0  }
0x67a: {  	s31 =	sadd.s32 $0x10, s31;
	[tilespmem:s0+$0x80] =	vst v0  }
0x67b: {  	s1 =	sadd.s32 $0x20, s1;
	v0 =	vld [tilespmem:s31+$0x0]  }
0x67c: {  	_ =	sdelay $0x3  }
0x67d: {  	v1 =	vshll.u32 v0, $0x1  }
0x67e: {  	v0 =	vand.u32 $0x7F, v0;
	v1 =	vand.u32 $0xFFFFFF00, v1  }
0x67f: {  	v0 =	vor.u32 v0, v1;
	_ =	sdelay $0x4  }
0x680: {  	v1 =	vld.idx.msk [tilespmem:v0+s22+$0x0], $0xffff  }
0x681: {  	v0 =	vor.u32 $0x80, v0  }
0x682: {  	s0 =	sadd.s32 $0x10, s29  }
0x683: {  	s1 =	sand.u32 $0x700, s30;
	s0 =	sand.u32 $0x70, s0  }
0x684: {  	s0 =	sor.u32 s0, s1  }
0x685: {  	[tilespmem:s0+$0x10400] =	vst v1  }
0x686: {  	v0 =	vld.idx.msk [tilespmem:v0+s22+$0x0], $0xffff;
	_ =	sdelay $0x2  }
0x687: {  	s5 =	sld [smem:$0x7E3]  }
0x688: {  	s0 =	sadd.s32 $0x10400, s0  }
0x689: {  	[tilespmem:s0+$0x80] =	vst v0  }
0x68a: {  	[hbm4b:s5+s21] =	stream.strided.scatter [tilespmem:s25], [sflag:$0x3], $0x800, s22, s21, $0x38;
	[tilespmem:$0x10C00] =	vst v63  }
0x68b: {  	_ =	swait.ge [sflag:s20], $0x800  }
0x68c: {  	[sflag:s20] =	ssyncset.done $0x0  }
0x68d: {  	[sflag:s20] =	ssyncadd.s32 $0xFFFFF800  }
0x68e: {  	_ =	swait.ge [sflag:s26], $0x8000  }
0x68f: {  	[sflag:s26] =	ssyncset.done $0x0  }
0x690: {  	s29 =	simm.s32 $0x0;
	[sflag:s26] =	ssyncadd.s32 $0xFFFF8000  }
0x691: {  	v0 =	vld [tilespmem:s29+$0x0];
	_ =	sdelay $0x4  }
0x692: {  	v1 =	vshll.u32 v0, $0x1  }
0x693: {  	v0 =	vand.u32 $0x7F, v0;
	v1 =	vand.u32 $0xFFFFFF00, v1  }
0x694: {  	v0 =	vor.u32 v0, v1;
	_ =	sdelay $0x4  }
0x695: {  	v1 =	vld.idx.msk [tilespmem:v0+s23+$0x0], $0xffff  }
0x696: {  	v0 =	vor.u32 $0x80, v0;
	_ =	sdelay $0x1  }
0x697: {  	s1 =	sand.u32 $0x70, s29;
	s5 =	sand.u32 $0x700, s29  }
0x698: {  	s0 =	sor.u32 s1, s5  }
0x699: {  	[tilespmem:s0+$0x10400] =	vst v1  }
0x69a: {  	v0 =	vld.idx.msk [tilespmem:v0+s23+$0x0], $0xffff;
	_ =	sdelay $0x3  }
0x69b: {  	s0 =	sadd.s32 $0x10400, s0  }
0x69c: {  	s31 =	simm.s32 $0x10;
	[tilespmem:s0+$0x80] =	vst v0  }
0x69d: {  	s30 =	simm.s32 $0x20;
	s1 =	simm.s32 $0x40;
	v0 =	vld [tilespmem:s31+$0x0]  }
.LBB2_64:
0x69e: {  	p0 =	sne.s32 s1, $0x7E0;
	_ =	sdelay $0x3  }
0x69f: {  	v1 =	vshll.u32 v0, $0x1  }
0x6a0: {  	v0 =	vand.u32 $0x7F, v0;
	v1 =	vand.u32 $0xFFFFFF00, v1  }
0x6a1: {  	v0 =	vor.u32 v0, v1  }
0x6a2: {  	v1 =	vor.u32 $0x80, v0;
	_ =	sdelay $0x3  }
0x6a3: {  	v0 =	vld.idx.msk [tilespmem:v0+s23+$0x0], $0xffff;
	_ =	sdelay $0x2  }
0x6a4: {  	s29 =	sadd.s32 $0x10, s29  }
0x6a5: {  	s5 =	sand.u32 $0x700, s30;
	s30 =	smov.u32 s1;
	s0 =	sand.u32 $0x70, s29  }
0x6a6: {  	s0 =	sor.u32 s0, s5  }
0x6a7: {  	[tilespmem:s0+$0x10400] =	vst v0  }
0x6a8: {  	v0 =	vld.idx.msk [tilespmem:v1+s23+$0x0], $0xffff;
	_ =	sdelay $0x2  }
.Ltmp31:
0x6a9: {  	(pc) =	sbr.rel @p0 .LBB2_64-.Ltmp31, $4  }
0x6aa: {  	_ = 	snop  }
0x6ab: {  	s0 =	sadd.s32 $0x10400, s0  }
0x6ac: {  	s31 =	sadd.s32 $0x10, s31;
	[tilespmem:s0+$0x80] =	vst v0  }
0x6ad: {  	s1 =	sadd.s32 $0x20, s1;
	v0 =	vld [tilespmem:s31+$0x0]  }
0x6ae: {  	_ =	sdelay $0x3  }
0x6af: {  	v1 =	vshll.u32 v0, $0x1  }
0x6b0: {  	v63 =	vand.u32 $0x7F, v0;
	v1 =	vand.u32 $0xFFFFFF00, v1  }
0x6b1: {  	v0 =	vor.u32 v63, v1;
	_ =	sdelay $0x4  }
0x6b2: {  	v1 =	vld.idx.msk [tilespmem:v0+s23+$0x0], $0xffff  }
0x6b3: {  	v0 =	vor.u32 $0x80, v0  }
0x6b4: {  	s0 =	sadd.s32 $0x10, s29  }
0x6b5: {  	s1 =	sand.u32 $0x700, s30;
	s0 =	sand.u32 $0x70, s0  }
0x6b6: {  	s0 =	sor.u32 s0, s1  }
0x6b7: {  	[tilespmem:s0+$0x10400] =	vst v1  }
0x6b8: {  	v0 =	vld.idx.msk [tilespmem:v0+s23+$0x0], $0xffff;
	_ =	sdelay $0x2  }
0x6b9: {  	s30 =	sld [smem:$0x7E4]  }
0x6ba: {  	s0 =	sadd.s32 $0x10400, s0  }
0x6bb: {  	[tilespmem:s0+$0x80] =	vst v0  }
0x6bc: {  	[hbm4b:s30+s21] =	stream.strided.scatter [tilespmem:s25], [sflag:$0x3], $0x800, s22, s21, $0x38;
	[tilespmem:$0x10C00] =	vst v63  }
0x6bd: {  	_ =	swait.ge [sflag:s20], $0x800  }
0x6be: {  	s31 =	sld [smem:$0x7E5];
	_ =	sdelay $0x1  }
0x6bf: {  	s28 =	sadd.s32 $0x1, s28  }
0x6c0: {  	p0 =	sne.s32 s28, s31  }
.Ltmp32:
0x6c1: {  	_ = 	snop;
	(pc) =	sbr.rel @p0 .LBB2_1-.Ltmp32, $3  }
0x6c2: {  	_ =	sdelay $0x1  }
0x6c3: {  	[sflag:s20] =	ssyncset.done $0x0  }
0x6c4: {  	[sflag:s20] =	ssyncadd.s32 $0xFFFFF800  }
0x6c5: {  	_ =	sfence.sel $0x180000  }
0x6c6: {  	[bflag:$0x0] =	sbarrier.arrive $0xFFFF  }
0x6c7: {  	_ =	strace $0x90000047  }
0x6c8: {  	s0 =	stileid.u32;
	[bflag:$0x2] =	sbarrier.arrive $0xFFFF  }
0x6c9: {  	p0 =	sne.s32 s0, $0x0;
	s0 =	rddreg [dreg:$0x3]  }
0x6ca: {  	s0 =	sadd.s32 @!p0 $0x100000, s0  }
0x6cb: {  	[sflag:s0] =	ssyncadd.tile.s32 @!p0 $0x1;
	_ =	shalt  }
.Lfunc_end2:
_tile_overlayer_lowered:
.L_overlay_start_2:
0x6cc: {  	(tag) =	ssettag $0x2  }
0x6cd: {  	s0 =	rddreg [dreg:$0x0];
	s2 =	stileid.u32  }
0x6ce: {  	s1 =	rddreg [dreg:$0x1];
	p0 =	sne.s32 s2, $0x0  }
0x6cf: {  	s3 =	rddreg [dreg:$0x2];
	[bflag:$0x3] =	sbarrier.arrive $0xFFFF;
	s2 =	simm.s32 @!p0 $0x1C03  }
0x6d0: {  	[timem:s3], [sflag:s2] =	dma.local @!p0 [hbm:s0], s1  }
0x6d1: {  	s0 =	simm.s32 @!p0 $0x3  }
0x6d2: {  	_ =	swait.ge @!p0 [sflag:s0], s1  }
0x6d3: {  	s1 =	ssub.s32 @!p0 $0x0, s1;
	[sflag:s0] =	ssyncset.done @!p0 $0x0  }
0x6d4: {  	[sflag:s0] =	ssyncadd.s32 @!p0 s1  }
0x6d5: {  	[bflag:$0x3] =	sbarrier.arrive $0xFFFF  }
0x6d6: {  	_ =	shalt  }

</sc_bundles>
